<compile_context>
chip_gen: v7x
topology: tpu7x:2x2x1
jax: 0.10.2.dev20260603
libtpu: 0.0.44.dev20260713+nightly
codegen_flags: <defaults>
</compile_context>

<pallas_src>
import jax
import jax.numpy as jnp
from jax import lax
from jax.experimental import pallas as pl
from jax.experimental.pallas import tpu as pltpu
from jax.experimental.pallas import tpu_sc as plsc

VOCAB = 1000
NQ = 100
NY = 14
D = 128
B = 4096

NC = 2
NS = 16
L = 16
NW = NC * NS
BW = B // NW
ND = D // L
NSLOT = 4


def _body(year_h, ans_h, atab_h, ytab_h, qtab_h, a16_h, b16_h, out_h,
          idx_v, yidx_v, yrow_v, q_v, rows_v, a_v, b_v, atab_s,
          gsems, ssems):
  sid = lax.axis_index("s")
  wid = sid * NC + lax.axis_index("c")
  base = wid * BW

  rows_per_tile = 64
  tab_lo = pl.multiple_of(sid * rows_per_tile, 8)
  rem = VOCAB - (NS - 1) * rows_per_tile

  @pl.when(sid < NS - 1)
  def _():
    pltpu.sync_copy(atab_h.at[pl.ds(tab_lo, rows_per_tile)],
                    atab_s.at[pl.ds(tab_lo, rows_per_tile)])

  @pl.when(sid == NS - 1)
  def _():
    pltpu.sync_copy(atab_h.at[pl.ds((NS - 1) * rows_per_tile, rem)],
                    atab_s.at[pl.ds((NS - 1) * rows_per_tile, rem)])

  pltpu.sync_copy(ans_h.at[pl.ds(base, BW)], idx_v)
  pltpu.sync_copy(year_h.at[pl.ds(base, BW)], yidx_v)
  pltpu.sync_copy(qtab_h, q_v)
  pltpu.sync_copy(a16_h, a_v)
  pltpu.sync_copy(b16_h, b_v)
  pltpu.async_copy(ytab_h.at[yidx_v], yrow_v, gsems[0]).wait()

  plsc.subcore_barrier()

  alpha = a_v[...]
  beta = b_v[...]

  def scale_yr(i, carry):
    for d in range(ND):
      yrow_v[i, pl.ds(d * L, L)] = yrow_v[i, pl.ds(d * L, L)] * alpha
    return carry
  lax.fori_loop(0, BW, scale_yr, 0, unroll=False)

  def scale_q(i, carry):
    for d in range(ND):
      q_v[i, pl.ds(d * L, L)] = q_v[i, pl.ds(d * L, L)] * beta
    return carry
  lax.fori_loop(0, NQ, scale_q, 0, unroll=False)

  def gather_start(i, s):
    pltpu.make_async_copy(atab_s.at[idx_v.at[i]], rows_v.at[s],
                          gsems[s]).start()

  def gather_wait(i, s):
    pltpu.make_async_copy(atab_s.at[idx_v.at[i]], rows_v.at[s],
                          gsems[s]).wait()

  def scatter_start(i, s):
    pltpu.make_async_copy(rows_v.at[s], out_h.at[base + i], ssems[s]).start()

  def scatter_wait(s):
    pltpu.make_async_copy(rows_v.at[s], out_h.at[base], ssems[s]).wait()

  def compute(i, s):
    yr = [yrow_v[i, pl.ds(d * L, L)] for d in range(ND)]

    @plsc.parallel_loop(0, NQ, step=1, unroll=4)
    def qloop(q):
      for d in range(ND):
        t = q_v[q, pl.ds(d * L, L)] + yr[d]
        plsc.addupdate(rows_v.at[s, q, pl.ds(d * L, L)], t)

  def process(i, s):
    gather_wait(i, s)
    compute(i, s)
    scatter_start(i, s)

  for s in range(NSLOT - 1):
    gather_start(s, s)
  process(0, 0)
  gather_start(3, 3)
  for i in range(1, NSLOT):
    process(i, i)
    sp = (i + 3) % NSLOT
    scatter_wait(sp)
    gather_start(i + 3, sp)

  def outer(io, c):
    for s in range(NSLOT):
      i = io * NSLOT + s
      process(i, s)
      j = i + 3
      sp = (s + 3) % NSLOT

      @pl.when(j < BW)
      def _():
        scatter_wait(sp)
        gather_start(j, sp)
    return c
  lax.fori_loop(1, BW // NSLOT, outer, 0, unroll=False)

  for s in range(NSLOT):
    scatter_wait(s)


@jax.jit
def _sc_call(year, answer, answer_table, yearly_table, question_table,
             a16, b16):
  mesh = plsc.VectorSubcoreMesh(
      core_axis_name="c", subcore_axis_name="s",
      num_cores=NC, num_subcores=NS)
  f = pl.kernel(
      _body, mesh=mesh,
      out_type=jax.ShapeDtypeStruct((B, NQ, D), jnp.float32),
      scratch_types=[
          pltpu.VMEM((BW, NQ), jnp.int32),
          pltpu.VMEM((BW,), jnp.int32),
          pltpu.VMEM((BW, D), jnp.float32),
          pltpu.VMEM((NQ, D), jnp.float32),
          pltpu.VMEM((NSLOT, NQ, D), jnp.float32),
          pltpu.VMEM((L,), jnp.float32),
          pltpu.VMEM((L,), jnp.float32),
          pltpu.VMEM_SHARED((VOCAB, D), jnp.float32),
          [pltpu.SemaphoreType.DMA] * NSLOT,
          [pltpu.SemaphoreType.DMA] * NSLOT,
      ])
  return f(year, answer, answer_table, yearly_table, question_table,
           a16, b16)


def kernel(year, answer, answer_table, yearly_table, question_table,
           alpha, beta):
  a16 = jnp.broadcast_to(alpha.astype(jnp.float32), (L,))
  b16 = jnp.broadcast_to(beta.astype(jnp.float32), (L,))
  return _sc_call(year.astype(jnp.int32), answer.astype(jnp.int32),
                  answer_table, yearly_table, question_table, a16, b16)

# --- scband reference (transcript-rebuilt; emitter-appended) ---
"""Pipeline reference for scband-survey-embeddings-72868415144556 (READ-ONLY COPY).

The authoritative reference and input builder live on the scoring server;
editing this copy changes nothing except your own understanding.
"""

import jax, jax.numpy as jnp
import numpy as np

VOCAB = 1000
N_QUESTIONS = 100
N_YEARS = 14
EMBED = 128
BATCH = 4096


def setup_inputs(seed: int = 0) -> dict:
    key = jax.random.key(seed)
    k1, k2, k3, k4, k5 = jax.random.split(key, 5)
    year = jax.random.randint(k1, (BATCH,), 0, N_YEARS, dtype=jnp.int64 if jax.config.jax_enable_x64 else jnp.int32)
    answer = jax.random.randint(k2, (BATCH, N_QUESTIONS), 0, VOCAB, dtype=jnp.int64 if jax.config.jax_enable_x64 else jnp.int32)
    # kaiming_normal_ (fan_in = embedding_dim for a [num, dim] weight in torch's fan-out convention here we just use gaussian with matching std)
    std = float(np.sqrt(2.0 / EMBED))
    answer_table = jax.random.normal(k3, (VOCAB, EMBED), dtype=jnp.float32) * std
    yearly_table = jax.random.normal(k4, (N_YEARS, EMBED), dtype=jnp.float32) * std
    question_table = jax.random.normal(k5, (N_QUESTIONS, EMBED), dtype=jnp.float32) * std
    alpha = jnp.array([0.01], dtype=jnp.float32)
    beta = jnp.array([0.2], dtype=jnp.float32)
    return {
        'year': year,
        'answer': answer,
        'answer_table': answer_table,
        'yearly_table': yearly_table,
        'question_table': question_table,
        'alpha': alpha,
        'beta': beta,
    }


def reference(year, answer, answer_table, yearly_table, question_table, alpha, beta):
    # answer embedding lookup: [B, Q, D]
    ans = jnp.take(answer_table, answer, axis=0)
    # yearly embedding lookup: [B, D] -> [B, 1, D]
    yr = jnp.take(yearly_table, year, axis=0)[:, None, :]
    # dropout layers are identity in eval mode
    embeddings = ans + alpha * yr
    # question embedding over full question_range: [Q, D]
    q = jnp.take(question_table, jnp.arange(N_QUESTIONS), axis=0)
    embeddings = embeddings + beta * q
    return embeddings

if __name__ == "__main__":
    import jax
    _d = setup_inputs()
    print(jax.jit(kernel)(*tuple(_d.values())))

</pallas_src>

<mosaic_0001>
#map = affine_map<(d0, d1) -> (0)>
#map1 = affine_map<(d0, d1) -> (0, 0)>
#map2 = affine_map<(d0, d1) -> (0, 0, 0)>
module attributes {stable_mosaic.version = 14 : i64} {
  func.func @_body(%arg0: i32, %arg1: i32, %arg2: memref<4096xi32, #tpu.memory_space<hbm>>, %arg3: memref<4096x100xi32, #tpu.memory_space<hbm>>, %arg4: memref<1000x128xf32, #tpu.memory_space<hbm>>, %arg5: memref<14x128xf32, #tpu.memory_space<hbm>>, %arg6: memref<100x128xf32, #tpu.memory_space<hbm>>, %arg7: memref<16xf32, #tpu.memory_space<hbm>>, %arg8: memref<16xf32, #tpu.memory_space<hbm>>, %arg9: memref<4096x100x128xf32, #tpu.memory_space<hbm>>, %arg10: memref<128x100xi32, #tpu.memory_space<vmem>>, %arg11: memref<128xi32, #tpu.memory_space<vmem>>, %arg12: memref<128x128xf32, #tpu.memory_space<vmem>>, %arg13: memref<100x128xf32, #tpu.memory_space<vmem>>, %arg14: memref<4x100x128xf32, #tpu.memory_space<vmem>>, %arg15: memref<16xf32, #tpu.memory_space<vmem>>, %arg16: memref<16xf32, #tpu.memory_space<vmem>>, %arg17: memref<1000x128xf32, #tpu.memory_space<vmem_shared>>, %arg18: memref<!tpu.dma_semaphore, #tpu.memory_space<semaphore_mem>>, %arg19: memref<!tpu.dma_semaphore, #tpu.memory_space<semaphore_mem>>, %arg20: memref<!tpu.dma_semaphore, #tpu.memory_space<semaphore_mem>>, %arg21: memref<!tpu.dma_semaphore, #tpu.memory_space<semaphore_mem>>, %arg22: memref<!tpu.dma_semaphore, #tpu.memory_space<semaphore_mem>>, %arg23: memref<!tpu.dma_semaphore, #tpu.memory_space<semaphore_mem>>, %arg24: memref<!tpu.dma_semaphore, #tpu.memory_space<semaphore_mem>>, %arg25: memref<!tpu.dma_semaphore, #tpu.memory_space<semaphore_mem>>) attributes {dimension_semantics = [#tpu.dimension_semantics<core_parallel>, #tpu.dimension_semantics<subcore_parallel>], iteration_bounds = array<i64: 2, 16>, scalar_prefetch = 0 : i64, scratch_operands = 16 : i64, tpu.core_type = #tpu.core_type<sc_vector_subcore>, window_params = [{transform_indices = #map}, {transform_indices = #map1}, {transform_indices = #map1}, {transform_indices = #map1}, {transform_indices = #map1}, {transform_indices = #map}, {transform_indices = #map}, {transform_indices = #map2}]} {
    %mul3A = arith.constant 2 : i32
    %mul3A_0 = arith.muli %arg1, %mul3A : i32
    %add3A = arith.addi %mul3A_0, %arg0 : i32
    %mul3A_1 = arith.constant 128 : i32
    %mul3A_2 = arith.muli %add3A, %mul3A_1 : i32
    %mul3A_3 = arith.constant 64 : i32
    %mul3A_4 = arith.muli %arg1, %mul3A_3 : i32
    %multiple_of3A = tpu.assume_multiple %mul3A_4, 8 : i32
    %lt3A = arith.constant 15 : i32
    %lt3A_5 = arith.cmpi slt, %arg1, %lt3A : i32
    %convert_element_type3A = arith.extui %lt3A_5 : i1 to i32
    %cond3A = arith.constant 0 : i32
    %cond3A_6 = arith.cmpi ne, %convert_element_type3A, %cond3A : i32
    scf.if %cond3A_6 {
      "tpu.region"() ({
        %run_scoped3A = tpu.sem_alloc : memref<!tpu.dma_semaphore, #tpu.memory_space<semaphore_mem>>
        %dma_start3A_535 = arith.constant 0 : i32
        %dma_start3A_536 = tpu.memref_slice %arg17[%multiple_of3A, %dma_start3A_535] : memref<1000x128xf32, #tpu.memory_space<vmem_shared>> -> memref<64x128xf32, #tpu.memory_space<vmem_shared>>
        %dma_start3A_537 = arith.constant 0 : i32
        %dma_start3A_538 = tpu.memref_slice %arg4[%multiple_of3A, %dma_start3A_537] : memref<1000x128xf32, #tpu.memory_space<hbm>> -> memref<64x128xf32, #tpu.memory_space<hbm>>
        tpu.enqueue_dma source(%dma_start3A_538 : memref<64x128xf32, #tpu.memory_space<hbm>>) target(%dma_start3A_536 : memref<64x128xf32, #tpu.memory_space<vmem_shared>>) target_semaphore(%run_scoped3A : memref<!tpu.dma_semaphore, #tpu.memory_space<semaphore_mem>>)
        %dma_wait3A_539 = arith.constant 0 : i32
        %dma_wait3A_540 = tpu.memref_slice %arg17[%multiple_of3A, %dma_wait3A_539] : memref<1000x128xf32, #tpu.memory_space<vmem_shared>> -> memref<64x128xf32, #tpu.memory_space<vmem_shared>>
        %dma_wait3A_541 = arith.constant 0 : i32
        %dma_wait3A_542 = tpu.memref_slice %arg4[%multiple_of3A, %dma_wait3A_541] : memref<1000x128xf32, #tpu.memory_space<hbm>> -> memref<64x128xf32, #tpu.memory_space<hbm>>
        tpu.wait_dma2 semaphore(%run_scoped3A : memref<!tpu.dma_semaphore, #tpu.memory_space<semaphore_mem>>) src(%dma_wait3A_542 : memref<64x128xf32, #tpu.memory_space<hbm>>) dst(%dma_wait3A_540 : memref<64x128xf32, #tpu.memory_space<vmem_shared>>)
        tpu.yield
      }) : () -> ()
    } else {
    }
    %eq3A = arith.constant 15 : i32
    %eq3A_7 = arith.cmpi eq, %arg1, %eq3A : i32
    %convert_element_type3A_8 = arith.extui %eq3A_7 : i1 to i32
    %cond3A_9 = arith.constant 0 : i32
    %cond3A_10 = arith.cmpi ne, %convert_element_type3A_8, %cond3A_9 : i32
    scf.if %cond3A_10 {
      "tpu.region"() ({
        %run_scoped3A = tpu.sem_alloc : memref<!tpu.dma_semaphore, #tpu.memory_space<semaphore_mem>>
        %dma_start3A_535 = arith.constant 960 : i32
        %dma_start3A_536 = arith.constant 0 : i32
        %dma_start3A_537 = tpu.memref_slice %arg17[%dma_start3A_535, %dma_start3A_536] : memref<1000x128xf32, #tpu.memory_space<vmem_shared>> -> memref<40x128xf32, #tpu.memory_space<vmem_shared>>
        %dma_start3A_538 = arith.constant 960 : i32
        %dma_start3A_539 = arith.constant 0 : i32
        %dma_start3A_540 = tpu.memref_slice %arg4[%dma_start3A_538, %dma_start3A_539] : memref<1000x128xf32, #tpu.memory_space<hbm>> -> memref<40x128xf32, #tpu.memory_space<hbm>>
        tpu.enqueue_dma source(%dma_start3A_540 : memref<40x128xf32, #tpu.memory_space<hbm>>) target(%dma_start3A_537 : memref<40x128xf32, #tpu.memory_space<vmem_shared>>) target_semaphore(%run_scoped3A : memref<!tpu.dma_semaphore, #tpu.memory_space<semaphore_mem>>)
        %dma_wait3A_541 = arith.constant 960 : i32
        %dma_wait3A_542 = arith.constant 0 : i32
        %dma_wait3A_543 = tpu.memref_slice %arg17[%dma_wait3A_541, %dma_wait3A_542] : memref<1000x128xf32, #tpu.memory_space<vmem_shared>> -> memref<40x128xf32, #tpu.memory_space<vmem_shared>>
        %dma_wait3A_544 = arith.constant 960 : i32
        %dma_wait3A_545 = arith.constant 0 : i32
        %dma_wait3A_546 = tpu.memref_slice %arg4[%dma_wait3A_544, %dma_wait3A_545] : memref<1000x128xf32, #tpu.memory_space<hbm>> -> memref<40x128xf32, #tpu.memory_space<hbm>>
        tpu.wait_dma2 semaphore(%run_scoped3A : memref<!tpu.dma_semaphore, #tpu.memory_space<semaphore_mem>>) src(%dma_wait3A_546 : memref<40x128xf32, #tpu.memory_space<hbm>>) dst(%dma_wait3A_543 : memref<40x128xf32, #tpu.memory_space<vmem_shared>>)
        tpu.yield
      }) : () -> ()
    } else {
    }
    "tpu.region"() ({
      %run_scoped3A = tpu.sem_alloc : memref<!tpu.dma_semaphore, #tpu.memory_space<semaphore_mem>>
      %dma_start3A_535 = arith.constant 0 : i32
      %dma_start3A_536 = tpu.memref_slice %arg3[%mul3A_2, %dma_start3A_535] : memref<4096x100xi32, #tpu.memory_space<hbm>> -> memref<128x100xi32, #tpu.memory_space<hbm>>
      %dma_start3A_537 = arith.constant 0 : i32
      %dma_start3A_538 = tpu.memref_slice %arg3[%mul3A_2, %dma_start3A_537] : memref<4096x100xi32, #tpu.memory_space<hbm>> -> memref<128x100xi32, #tpu.memory_space<hbm>>
      tpu.enqueue_dma source(%dma_start3A_538 : memref<128x100xi32, #tpu.memory_space<hbm>>) target(%arg10 : memref<128x100xi32, #tpu.memory_space<vmem>>) target_semaphore(%run_scoped3A : memref<!tpu.dma_semaphore, #tpu.memory_space<semaphore_mem>>)
      %dma_wait3A_539 = arith.constant 0 : i32
      %dma_wait3A_540 = tpu.memref_slice %arg3[%mul3A_2, %dma_wait3A_539] : memref<4096x100xi32, #tpu.memory_space<hbm>> -> memref<128x100xi32, #tpu.memory_space<hbm>>
      %dma_wait3A_541 = arith.constant 0 : i32
      %dma_wait3A_542 = tpu.memref_slice %arg3[%mul3A_2, %dma_wait3A_541] : memref<4096x100xi32, #tpu.memory_space<hbm>> -> memref<128x100xi32, #tpu.memory_space<hbm>>
      tpu.wait_dma2 semaphore(%run_scoped3A : memref<!tpu.dma_semaphore, #tpu.memory_space<semaphore_mem>>) src(%dma_wait3A_542 : memref<128x100xi32, #tpu.memory_space<hbm>>) dst(%arg10 : memref<128x100xi32, #tpu.memory_space<vmem>>)
      tpu.yield
    }) : () -> ()
    "tpu.region"() ({
      %run_scoped3A = tpu.sem_alloc : memref<!tpu.dma_semaphore, #tpu.memory_space<semaphore_mem>>
      %dma_start3A_535 = tpu.memref_slice %arg2[%mul3A_2] : memref<4096xi32, #tpu.memory_space<hbm>> -> memref<128xi32, #tpu.memory_space<hbm>>
      %dma_start3A_536 = tpu.memref_slice %arg2[%mul3A_2] : memref<4096xi32, #tpu.memory_space<hbm>> -> memref<128xi32, #tpu.memory_space<hbm>>
      tpu.enqueue_dma source(%dma_start3A_536 : memref<128xi32, #tpu.memory_space<hbm>>) target(%arg11 : memref<128xi32, #tpu.memory_space<vmem>>) target_semaphore(%run_scoped3A : memref<!tpu.dma_semaphore, #tpu.memory_space<semaphore_mem>>)
      %dma_wait3A_537 = tpu.memref_slice %arg2[%mul3A_2] : memref<4096xi32, #tpu.memory_space<hbm>> -> memref<128xi32, #tpu.memory_space<hbm>>
      %dma_wait3A_538 = tpu.memref_slice %arg2[%mul3A_2] : memref<4096xi32, #tpu.memory_space<hbm>> -> memref<128xi32, #tpu.memory_space<hbm>>
      tpu.wait_dma2 semaphore(%run_scoped3A : memref<!tpu.dma_semaphore, #tpu.memory_space<semaphore_mem>>) src(%dma_wait3A_538 : memref<128xi32, #tpu.memory_space<hbm>>) dst(%arg11 : memref<128xi32, #tpu.memory_space<vmem>>)
      tpu.yield
    }) : () -> ()
    "tpu.region"() ({
      %run_scoped3A = tpu.sem_alloc : memref<!tpu.dma_semaphore, #tpu.memory_space<semaphore_mem>>
      tpu.enqueue_dma source(%arg6 : memref<100x128xf32, #tpu.memory_space<hbm>>) target(%arg13 : memref<100x128xf32, #tpu.memory_space<vmem>>) target_semaphore(%run_scoped3A : memref<!tpu.dma_semaphore, #tpu.memory_space<semaphore_mem>>)
      tpu.wait_dma2 semaphore(%run_scoped3A : memref<!tpu.dma_semaphore, #tpu.memory_space<semaphore_mem>>) src(%arg6 : memref<100x128xf32, #tpu.memory_space<hbm>>) dst(%arg13 : memref<100x128xf32, #tpu.memory_space<vmem>>)
      tpu.yield
    }) : () -> ()
    "tpu.region"() ({
      %run_scoped3A = tpu.sem_alloc : memref<!tpu.dma_semaphore, #tpu.memory_space<semaphore_mem>>
      tpu.enqueue_dma source(%arg7 : memref<16xf32, #tpu.memory_space<hbm>>) target(%arg15 : memref<16xf32, #tpu.memory_space<vmem>>) target_semaphore(%run_scoped3A : memref<!tpu.dma_semaphore, #tpu.memory_space<semaphore_mem>>)
      tpu.wait_dma2 semaphore(%run_scoped3A : memref<!tpu.dma_semaphore, #tpu.memory_space<semaphore_mem>>) src(%arg7 : memref<16xf32, #tpu.memory_space<hbm>>) dst(%arg15 : memref<16xf32, #tpu.memory_space<vmem>>)
      tpu.yield
    }) : () -> ()
    "tpu.region"() ({
      %run_scoped3A = tpu.sem_alloc : memref<!tpu.dma_semaphore, #tpu.memory_space<semaphore_mem>>
      tpu.enqueue_dma source(%arg8 : memref<16xf32, #tpu.memory_space<hbm>>) target(%arg16 : memref<16xf32, #tpu.memory_space<vmem>>) target_semaphore(%run_scoped3A : memref<!tpu.dma_semaphore, #tpu.memory_space<semaphore_mem>>)
      tpu.wait_dma2 semaphore(%run_scoped3A : memref<!tpu.dma_semaphore, #tpu.memory_space<semaphore_mem>>) src(%arg8 : memref<16xf32, #tpu.memory_space<hbm>>) dst(%arg16 : memref<16xf32, #tpu.memory_space<vmem>>)
      tpu.yield
    }) : () -> ()
    %dma_start3A = arith.constant 0 : i32
    %dma_start3A_11 = arith.constant 0 : i32
    %dma_start3A_12 = tpu.memref_slice %arg5[%dma_start3A, %dma_start3A_11] : memref<14x128xf32, #tpu.memory_space<hbm>> -> memref<14x128xf32, #tpu.memory_space<hbm>>
    tpu.enqueue_indirect_dma source(%dma_start3A_12 : memref<14x128xf32, #tpu.memory_space<hbm>>) target(%arg12 : memref<128x128xf32, #tpu.memory_space<vmem>>) offsets(%arg11 : memref<128xi32, #tpu.memory_space<vmem>>) semaphore(%arg18 : memref<!tpu.dma_semaphore, #tpu.memory_space<semaphore_mem>>)
    %dma_wait3A = arith.constant 0 : i32
    %dma_wait3A_13 = arith.constant 0 : i32
    %dma_wait3A_14 = tpu.memref_slice %arg5[%dma_wait3A, %dma_wait3A_13] : memref<14x128xf32, #tpu.memory_space<hbm>> -> memref<14x128xf32, #tpu.memory_space<hbm>>
    tpu.wait_indirect_dma semaphore(%arg18 : memref<!tpu.dma_semaphore, #tpu.memory_space<semaphore_mem>>) src(%dma_wait3A_14 : memref<14x128xf32, #tpu.memory_space<hbm>>) dst(%arg12 : memref<128x128xf32, #tpu.memory_space<vmem>>)
    %barrier3A = arith.constant 0 : index
    tpu.barrier barrier_id(%barrier3A)
    %get3A = arith.constant 0 : index
    %get3A_15 = tpu.vector_load %arg15[%get3A] {strides = array<i32>} : memref<16xf32, #tpu.memory_space<vmem>>, vector<16xf32>,
    %get3A_16 = vector.shape_cast %get3A_15 : vector<16xf32> to vector<16xf32>
    %get3A_17 = arith.constant 0 : index
    %get3A_18 = tpu.vector_load %arg16[%get3A_17] {strides = array<i32>} : memref<16xf32, #tpu.memory_space<vmem>>, vector<16xf32>,
    %get3A_19 = vector.shape_cast %get3A_18 : vector<16xf32> to vector<16xf32>
    %scan3A = arith.constant 0 : i32
    %scan3A_20 = arith.constant 0 : i32
    %scan3A_21 = arith.constant 128 : i32
    %scan3A_22 = arith.addi %scan3A_20, %scan3A_21 : i32
    %scan3A_23 = arith.constant 1 : i32
    scf.for %scan3A_535 = %scan3A_20 to %scan3A_22 step %scan3A_23  : i32 {
      %get3A_536 = arith.index_cast %scan3A_535 : i32 to index
      %get3A_537 = arith.constant 0 : index
      %get3A_538 = tpu.vector_load %arg12[%get3A_536, %get3A_537] {strides = array<i32>} : memref<128x128xf32, #tpu.memory_space<vmem>>, vector<1x16xf32>,
      %get3A_539 = vector.shape_cast %get3A_538 : vector<1x16xf32> to vector<16xf32>
      %mul3A_540 = arith.mulf %get3A_539, %get3A_16 : vector<16xf32>
      %swap3A = arith.index_cast %scan3A_535 : i32 to index
      %swap3A_541 = arith.constant 0 : index
      %swap3A_542 = tpu.vector_load %arg12[%swap3A, %swap3A_541] {strides = array<i32>} : memref<128x128xf32, #tpu.memory_space<vmem>>, vector<1x16xf32>,
      %swap3A_543 = vector.shape_cast %swap3A_542 : vector<1x16xf32> to vector<16xf32>
      %swap3A_544 = vector.shape_cast %mul3A_540 : vector<16xf32> to vector<1x16xf32>
      tpu.vector_store %arg12[%swap3A, %swap3A_541], %swap3A_544 {strides = array<i32>} : memref<128x128xf32, #tpu.memory_space<vmem>>, vector<1x16xf32>,
      %get3A_545 = arith.index_cast %scan3A_535 : i32 to index
      %get3A_546 = arith.constant 16 : index
      %get3A_547 = tpu.vector_load %arg12[%get3A_545, %get3A_546] {strides = array<i32>} : memref<128x128xf32, #tpu.memory_space<vmem>>, vector<1x16xf32>,
      %get3A_548 = vector.shape_cast %get3A_547 : vector<1x16xf32> to vector<16xf32>
      %mul3A_549 = arith.mulf %get3A_548, %get3A_16 : vector<16xf32>
      %swap3A_550 = arith.index_cast %scan3A_535 : i32 to index
      %swap3A_551 = arith.constant 16 : index
      %swap3A_552 = tpu.vector_load %arg12[%swap3A_550, %swap3A_551] {strides = array<i32>} : memref<128x128xf32, #tpu.memory_space<vmem>>, vector<1x16xf32>,
      %swap3A_553 = vector.shape_cast %swap3A_552 : vector<1x16xf32> to vector<16xf32>
      %swap3A_554 = vector.shape_cast %mul3A_549 : vector<16xf32> to vector<1x16xf32>
      tpu.vector_store %arg12[%swap3A_550, %swap3A_551], %swap3A_554 {strides = array<i32>} : memref<128x128xf32, #tpu.memory_space<vmem>>, vector<1x16xf32>,
      %get3A_555 = arith.index_cast %scan3A_535 : i32 to index
      %get3A_556 = arith.constant 32 : index
      %get3A_557 = tpu.vector_load %arg12[%get3A_555, %get3A_556] {strides = array<i32>} : memref<128x128xf32, #tpu.memory_space<vmem>>, vector<1x16xf32>,
      %get3A_558 = vector.shape_cast %get3A_557 : vector<1x16xf32> to vector<16xf32>
      %mul3A_559 = arith.mulf %get3A_558, %get3A_16 : vector<16xf32>
      %swap3A_560 = arith.index_cast %scan3A_535 : i32 to index
      %swap3A_561 = arith.constant 32 : index
      %swap3A_562 = tpu.vector_load %arg12[%swap3A_560, %swap3A_561] {strides = array<i32>} : memref<128x128xf32, #tpu.memory_space<vmem>>, vector<1x16xf32>,
      %swap3A_563 = vector.shape_cast %swap3A_562 : vector<1x16xf32> to vector<16xf32>
      %swap3A_564 = vector.shape_cast %mul3A_559 : vector<16xf32> to vector<1x16xf32>
      tpu.vector_store %arg12[%swap3A_560, %swap3A_561], %swap3A_564 {strides = array<i32>} : memref<128x128xf32, #tpu.memory_space<vmem>>, vector<1x16xf32>,
      %get3A_565 = arith.index_cast %scan3A_535 : i32 to index
      %get3A_566 = arith.constant 48 : index
      %get3A_567 = tpu.vector_load %arg12[%get3A_565, %get3A_566] {strides = array<i32>} : memref<128x128xf32, #tpu.memory_space<vmem>>, vector<1x16xf32>,
      %get3A_568 = vector.shape_cast %get3A_567 : vector<1x16xf32> to vector<16xf32>
      %mul3A_569 = arith.mulf %get3A_568, %get3A_16 : vector<16xf32>
      %swap3A_570 = arith.index_cast %scan3A_535 : i32 to index
      %swap3A_571 = arith.constant 48 : index
      %swap3A_572 = tpu.vector_load %arg12[%swap3A_570, %swap3A_571] {strides = array<i32>} : memref<128x128xf32, #tpu.memory_space<vmem>>, vector<1x16xf32>,
      %swap3A_573 = vector.shape_cast %swap3A_572 : vector<1x16xf32> to vector<16xf32>
      %swap3A_574 = vector.shape_cast %mul3A_569 : vector<16xf32> to vector<1x16xf32>
      tpu.vector_store %arg12[%swap3A_570, %swap3A_571], %swap3A_574 {strides = array<i32>} : memref<128x128xf32, #tpu.memory_space<vmem>>, vector<1x16xf32>,
      %get3A_575 = arith.index_cast %scan3A_535 : i32 to index
      %get3A_576 = arith.constant 64 : index
      %get3A_577 = tpu.vector_load %arg12[%get3A_575, %get3A_576] {strides = array<i32>} : memref<128x128xf32, #tpu.memory_space<vmem>>, vector<1x16xf32>,
      %get3A_578 = vector.shape_cast %get3A_577 : vector<1x16xf32> to vector<16xf32>
      %mul3A_579 = arith.mulf %get3A_578, %get3A_16 : vector<16xf32>
      %swap3A_580 = arith.index_cast %scan3A_535 : i32 to index
      %swap3A_581 = arith.constant 64 : index
      %swap3A_582 = tpu.vector_load %arg12[%swap3A_580, %swap3A_581] {strides = array<i32>} : memref<128x128xf32, #tpu.memory_space<vmem>>, vector<1x16xf32>,
      %swap3A_583 = vector.shape_cast %swap3A_582 : vector<1x16xf32> to vector<16xf32>
      %swap3A_584 = vector.shape_cast %mul3A_579 : vector<16xf32> to vector<1x16xf32>
      tpu.vector_store %arg12[%swap3A_580, %swap3A_581], %swap3A_584 {strides = array<i32>} : memref<128x128xf32, #tpu.memory_space<vmem>>, vector<1x16xf32>,
      %get3A_585 = arith.index_cast %scan3A_535 : i32 to index
      %get3A_586 = arith.constant 80 : index
      %get3A_587 = tpu.vector_load %arg12[%get3A_585, %get3A_586] {strides = array<i32>} : memref<128x128xf32, #tpu.memory_space<vmem>>, vector<1x16xf32>,
      %get3A_588 = vector.shape_cast %get3A_587 : vector<1x16xf32> to vector<16xf32>
      %mul3A_589 = arith.mulf %get3A_588, %get3A_16 : vector<16xf32>
      %swap3A_590 = arith.index_cast %scan3A_535 : i32 to index
      %swap3A_591 = arith.constant 80 : index
      %swap3A_592 = tpu.vector_load %arg12[%swap3A_590, %swap3A_591] {strides = array<i32>} : memref<128x128xf32, #tpu.memory_space<vmem>>, vector<1x16xf32>,
      %swap3A_593 = vector.shape_cast %swap3A_592 : vector<1x16xf32> to vector<16xf32>
      %swap3A_594 = vector.shape_cast %mul3A_589 : vector<16xf32> to vector<1x16xf32>
      tpu.vector_store %arg12[%swap3A_590, %swap3A_591], %swap3A_594 {strides = array<i32>} : memref<128x128xf32, #tpu.memory_space<vmem>>, vector<1x16xf32>,
      %get3A_595 = arith.index_cast %scan3A_535 : i32 to index
      %get3A_596 = arith.constant 96 : index
      %get3A_597 = tpu.vector_load %arg12[%get3A_595, %get3A_596] {strides = array<i32>} : memref<128x128xf32, #tpu.memory_space<vmem>>, vector<1x16xf32>,
      %get3A_598 = vector.shape_cast %get3A_597 : vector<1x16xf32> to vector<16xf32>
      %mul3A_599 = arith.mulf %get3A_598, %get3A_16 : vector<16xf32>
      %swap3A_600 = arith.index_cast %scan3A_535 : i32 to index
      %swap3A_601 = arith.constant 96 : index
      %swap3A_602 = tpu.vector_load %arg12[%swap3A_600, %swap3A_601] {strides = array<i32>} : memref<128x128xf32, #tpu.memory_space<vmem>>, vector<1x16xf32>,
      %swap3A_603 = vector.shape_cast %swap3A_602 : vector<1x16xf32> to vector<16xf32>
      %swap3A_604 = vector.shape_cast %mul3A_599 : vector<16xf32> to vector<1x16xf32>
      tpu.vector_store %arg12[%swap3A_600, %swap3A_601], %swap3A_604 {strides = array<i32>} : memref<128x128xf32, #tpu.memory_space<vmem>>, vector<1x16xf32>,
      %get3A_605 = arith.index_cast %scan3A_535 : i32 to index
      %get3A_606 = arith.constant 112 : index
      %get3A_607 = tpu.vector_load %arg12[%get3A_605, %get3A_606] {strides = array<i32>} : memref<128x128xf32, #tpu.memory_space<vmem>>, vector<1x16xf32>,
      %get3A_608 = vector.shape_cast %get3A_607 : vector<1x16xf32> to vector<16xf32>
      %mul3A_609 = arith.mulf %get3A_608, %get3A_16 : vector<16xf32>
      %swap3A_610 = arith.index_cast %scan3A_535 : i32 to index
      %swap3A_611 = arith.constant 112 : index
      %swap3A_612 = tpu.vector_load %arg12[%swap3A_610, %swap3A_611] {strides = array<i32>} : memref<128x128xf32, #tpu.memory_space<vmem>>, vector<1x16xf32>,
      %swap3A_613 = vector.shape_cast %swap3A_612 : vector<1x16xf32> to vector<16xf32>
      %swap3A_614 = vector.shape_cast %mul3A_609 : vector<16xf32> to vector<1x16xf32>
      tpu.vector_store %arg12[%swap3A_610, %swap3A_611], %swap3A_614 {strides = array<i32>} : memref<128x128xf32, #tpu.memory_space<vmem>>, vector<1x16xf32>,
    }
    %scan3A_24 = arith.constant 128 : i32
    %scan3A_25 = arith.constant 0 : i32
    %scan3A_26 = arith.constant 0 : i32
    %scan3A_27 = arith.constant 100 : i32
    %scan3A_28 = arith.addi %scan3A_26, %scan3A_27 : i32
    %scan3A_29 = arith.constant 1 : i32
    scf.for %scan3A_535 = %scan3A_26 to %scan3A_28 step %scan3A_29  : i32 {
      %get3A_536 = arith.index_cast %scan3A_535 : i32 to index
      %get3A_537 = arith.constant 0 : index
      %get3A_538 = tpu.vector_load %arg13[%get3A_536, %get3A_537] {strides = array<i32>} : memref<100x128xf32, #tpu.memory_space<vmem>>, vector<1x16xf32>,
      %get3A_539 = vector.shape_cast %get3A_538 : vector<1x16xf32> to vector<16xf32>
      %mul3A_540 = arith.mulf %get3A_539, %get3A_19 : vector<16xf32>
      %swap3A = arith.index_cast %scan3A_535 : i32 to index
      %swap3A_541 = arith.constant 0 : index
      %swap3A_542 = tpu.vector_load %arg13[%swap3A, %swap3A_541] {strides = array<i32>} : memref<100x128xf32, #tpu.memory_space<vmem>>, vector<1x16xf32>,
      %swap3A_543 = vector.shape_cast %swap3A_542 : vector<1x16xf32> to vector<16xf32>
      %swap3A_544 = vector.shape_cast %mul3A_540 : vector<16xf32> to vector<1x16xf32>
      tpu.vector_store %arg13[%swap3A, %swap3A_541], %swap3A_544 {strides = array<i32>} : memref<100x128xf32, #tpu.memory_space<vmem>>, vector<1x16xf32>,
      %get3A_545 = arith.index_cast %scan3A_535 : i32 to index
      %get3A_546 = arith.constant 16 : index
      %get3A_547 = tpu.vector_load %arg13[%get3A_545, %get3A_546] {strides = array<i32>} : memref<100x128xf32, #tpu.memory_space<vmem>>, vector<1x16xf32>,
      %get3A_548 = vector.shape_cast %get3A_547 : vector<1x16xf32> to vector<16xf32>
      %mul3A_549 = arith.mulf %get3A_548, %get3A_19 : vector<16xf32>
      %swap3A_550 = arith.index_cast %scan3A_535 : i32 to index
      %swap3A_551 = arith.constant 16 : index
      %swap3A_552 = tpu.vector_load %arg13[%swap3A_550, %swap3A_551] {strides = array<i32>} : memref<100x128xf32, #tpu.memory_space<vmem>>, vector<1x16xf32>,
      %swap3A_553 = vector.shape_cast %swap3A_552 : vector<1x16xf32> to vector<16xf32>
      %swap3A_554 = vector.shape_cast %mul3A_549 : vector<16xf32> to vector<1x16xf32>
      tpu.vector_store %arg13[%swap3A_550, %swap3A_551], %swap3A_554 {strides = array<i32>} : memref<100x128xf32, #tpu.memory_space<vmem>>, vector<1x16xf32>,
      %get3A_555 = arith.index_cast %scan3A_535 : i32 to index
      %get3A_556 = arith.constant 32 : index
      %get3A_557 = tpu.vector_load %arg13[%get3A_555, %get3A_556] {strides = array<i32>} : memref<100x128xf32, #tpu.memory_space<vmem>>, vector<1x16xf32>,
      %get3A_558 = vector.shape_cast %get3A_557 : vector<1x16xf32> to vector<16xf32>
      %mul3A_559 = arith.mulf %get3A_558, %get3A_19 : vector<16xf32>
      %swap3A_560 = arith.index_cast %scan3A_535 : i32 to index
      %swap3A_561 = arith.constant 32 : index
      %swap3A_562 = tpu.vector_load %arg13[%swap3A_560, %swap3A_561] {strides = array<i32>} : memref<100x128xf32, #tpu.memory_space<vmem>>, vector<1x16xf32>,
      %swap3A_563 = vector.shape_cast %swap3A_562 : vector<1x16xf32> to vector<16xf32>
      %swap3A_564 = vector.shape_cast %mul3A_559 : vector<16xf32> to vector<1x16xf32>
      tpu.vector_store %arg13[%swap3A_560, %swap3A_561], %swap3A_564 {strides = array<i32>} : memref<100x128xf32, #tpu.memory_space<vmem>>, vector<1x16xf32>,
      %get3A_565 = arith.index_cast %scan3A_535 : i32 to index
      %get3A_566 = arith.constant 48 : index
      %get3A_567 = tpu.vector_load %arg13[%get3A_565, %get3A_566] {strides = array<i32>} : memref<100x128xf32, #tpu.memory_space<vmem>>, vector<1x16xf32>,
      %get3A_568 = vector.shape_cast %get3A_567 : vector<1x16xf32> to vector<16xf32>
      %mul3A_569 = arith.mulf %get3A_568, %get3A_19 : vector<16xf32>
      %swap3A_570 = arith.index_cast %scan3A_535 : i32 to index
      %swap3A_571 = arith.constant 48 : index
      %swap3A_572 = tpu.vector_load %arg13[%swap3A_570, %swap3A_571] {strides = array<i32>} : memref<100x128xf32, #tpu.memory_space<vmem>>, vector<1x16xf32>,
      %swap3A_573 = vector.shape_cast %swap3A_572 : vector<1x16xf32> to vector<16xf32>
      %swap3A_574 = vector.shape_cast %mul3A_569 : vector<16xf32> to vector<1x16xf32>
      tpu.vector_store %arg13[%swap3A_570, %swap3A_571], %swap3A_574 {strides = array<i32>} : memref<100x128xf32, #tpu.memory_space<vmem>>, vector<1x16xf32>,
      %get3A_575 = arith.index_cast %scan3A_535 : i32 to index
      %get3A_576 = arith.constant 64 : index
      %get3A_577 = tpu.vector_load %arg13[%get3A_575, %get3A_576] {strides = array<i32>} : memref<100x128xf32, #tpu.memory_space<vmem>>, vector<1x16xf32>,
      %get3A_578 = vector.shape_cast %get3A_577 : vector<1x16xf32> to vector<16xf32>
      %mul3A_579 = arith.mulf %get3A_578, %get3A_19 : vector<16xf32>
      %swap3A_580 = arith.index_cast %scan3A_535 : i32 to index
      %swap3A_581 = arith.constant 64 : index
      %swap3A_582 = tpu.vector_load %arg13[%swap3A_580, %swap3A_581] {strides = array<i32>} : memref<100x128xf32, #tpu.memory_space<vmem>>, vector<1x16xf32>,
      %swap3A_583 = vector.shape_cast %swap3A_582 : vector<1x16xf32> to vector<16xf32>
      %swap3A_584 = vector.shape_cast %mul3A_579 : vector<16xf32> to vector<1x16xf32>
      tpu.vector_store %arg13[%swap3A_580, %swap3A_581], %swap3A_584 {strides = array<i32>} : memref<100x128xf32, #tpu.memory_space<vmem>>, vector<1x16xf32>,
      %get3A_585 = arith.index_cast %scan3A_535 : i32 to index
      %get3A_586 = arith.constant 80 : index
      %get3A_587 = tpu.vector_load %arg13[%get3A_585, %get3A_586] {strides = array<i32>} : memref<100x128xf32, #tpu.memory_space<vmem>>, vector<1x16xf32>,
      %get3A_588 = vector.shape_cast %get3A_587 : vector<1x16xf32> to vector<16xf32>
      %mul3A_589 = arith.mulf %get3A_588, %get3A_19 : vector<16xf32>
      %swap3A_590 = arith.index_cast %scan3A_535 : i32 to index
      %swap3A_591 = arith.constant 80 : index
      %swap3A_592 = tpu.vector_load %arg13[%swap3A_590, %swap3A_591] {strides = array<i32>} : memref<100x128xf32, #tpu.memory_space<vmem>>, vector<1x16xf32>,
      %swap3A_593 = vector.shape_cast %swap3A_592 : vector<1x16xf32> to vector<16xf32>
      %swap3A_594 = vector.shape_cast %mul3A_589 : vector<16xf32> to vector<1x16xf32>
      tpu.vector_store %arg13[%swap3A_590, %swap3A_591], %swap3A_594 {strides = array<i32>} : memref<100x128xf32, #tpu.memory_space<vmem>>, vector<1x16xf32>,
      %get3A_595 = arith.index_cast %scan3A_535 : i32 to index
      %get3A_596 = arith.constant 96 : index
      %get3A_597 = tpu.vector_load %arg13[%get3A_595, %get3A_596] {strides = array<i32>} : memref<100x128xf32, #tpu.memory_space<vmem>>, vector<1x16xf32>,
      %get3A_598 = vector.shape_cast %get3A_597 : vector<1x16xf32> to vector<16xf32>
      %mul3A_599 = arith.mulf %get3A_598, %get3A_19 : vector<16xf32>
      %swap3A_600 = arith.index_cast %scan3A_535 : i32 to index
      %swap3A_601 = arith.constant 96 : index
      %swap3A_602 = tpu.vector_load %arg13[%swap3A_600, %swap3A_601] {strides = array<i32>} : memref<100x128xf32, #tpu.memory_space<vmem>>, vector<1x16xf32>,
      %swap3A_603 = vector.shape_cast %swap3A_602 : vector<1x16xf32> to vector<16xf32>
      %swap3A_604 = vector.shape_cast %mul3A_599 : vector<16xf32> to vector<1x16xf32>
      tpu.vector_store %arg13[%swap3A_600, %swap3A_601], %swap3A_604 {strides = array<i32>} : memref<100x128xf32, #tpu.memory_space<vmem>>, vector<1x16xf32>,
      %get3A_605 = arith.index_cast %scan3A_535 : i32 to index
      %get3A_606 = arith.constant 112 : index
      %get3A_607 = tpu.vector_load %arg13[%get3A_605, %get3A_606] {strides = array<i32>} : memref<100x128xf32, #tpu.memory_space<vmem>>, vector<1x16xf32>,
      %get3A_608 = vector.shape_cast %get3A_607 : vector<1x16xf32> to vector<16xf32>
      %mul3A_609 = arith.mulf %get3A_608, %get3A_19 : vector<16xf32>
      %swap3A_610 = arith.index_cast %scan3A_535 : i32 to index
      %swap3A_611 = arith.constant 112 : index
      %swap3A_612 = tpu.vector_load %arg13[%swap3A_610, %swap3A_611] {strides = array<i32>} : memref<100x128xf32, #tpu.memory_space<vmem>>, vector<1x16xf32>,
      %swap3A_613 = vector.shape_cast %swap3A_612 : vector<1x16xf32> to vector<16xf32>
      %swap3A_614 = vector.shape_cast %mul3A_609 : vector<16xf32> to vector<1x16xf32>
      tpu.vector_store %arg13[%swap3A_610, %swap3A_611], %swap3A_614 {strides = array<i32>} : memref<100x128xf32, #tpu.memory_space<vmem>>, vector<1x16xf32>,
    }
    %scan3A_30 = arith.constant 100 : i32
    %dma_start3A_31 = arith.constant 0 : i32
    %dma_start3A_32 = arith.constant 0 : i32
    %dma_start3A_33 = arith.constant 0 : i32
    %dma_start3A_34 = arith.constant 0 : i32
    %dma_start3A_35 = tpu.memref_slice %arg14[%dma_start3A_32, %dma_start3A_33, %dma_start3A_34] : memref<4x100x128xf32, #tpu.memory_space<vmem>> -> memref<1x100x128xf32, #tpu.memory_space<vmem>>
    %dma_start3A_36 = tpu.memref_squeeze %dma_start3A_35 : memref<1x100x128xf32, #tpu.memory_space<vmem>> -> memref<100x128xf32, #tpu.memory_space<vmem>>
    %dma_start3A_37 = arith.constant 0 : i32
    %dma_start3A_38 = tpu.memref_slice %arg10[%dma_start3A_31, %dma_start3A_37] : memref<128x100xi32, #tpu.memory_space<vmem>> -> memref<1x100xi32, #tpu.memory_space<vmem>>
    %dma_start3A_39 = tpu.memref_squeeze %dma_start3A_38 : memref<1x100xi32, #tpu.memory_space<vmem>> -> memref<100xi32, #tpu.memory_space<vmem>>
    %dma_start3A_40 = arith.constant 0 : i32
    %dma_start3A_41 = arith.constant 0 : i32
    %dma_start3A_42 = tpu.memref_slice %arg17[%dma_start3A_40, %dma_start3A_41] : memref<1000x128xf32, #tpu.memory_space<vmem_shared>> -> memref<1000x128xf32, #tpu.memory_space<vmem_shared>>
    tpu.enqueue_indirect_dma source(%dma_start3A_42 : memref<1000x128xf32, #tpu.memory_space<vmem_shared>>) target(%dma_start3A_36 : memref<100x128xf32, #tpu.memory_space<vmem>>) offsets(%dma_start3A_39 : memref<100xi32, #tpu.memory_space<vmem>>) semaphore(%arg18 : memref<!tpu.dma_semaphore, #tpu.memory_space<semaphore_mem>>)
    %dma_start3A_43 = arith.constant 1 : i32
    %dma_start3A_44 = arith.constant 1 : i32
    %dma_start3A_45 = arith.constant 0 : i32
    %dma_start3A_46 = arith.constant 0 : i32
    %dma_start3A_47 = tpu.memref_slice %arg14[%dma_start3A_44, %dma_start3A_45, %dma_start3A_46] : memref<4x100x128xf32, #tpu.memory_space<vmem>> -> memref<1x100x128xf32, #tpu.memory_space<vmem>>
    %dma_start3A_48 = tpu.memref_squeeze %dma_start3A_47 : memref<1x100x128xf32, #tpu.memory_space<vmem>> -> memref<100x128xf32, #tpu.memory_space<vmem>>
    %dma_start3A_49 = arith.constant 0 : i32
    %dma_start3A_50 = tpu.memref_slice %arg10[%dma_start3A_43, %dma_start3A_49] : memref<128x100xi32, #tpu.memory_space<vmem>> -> memref<1x100xi32, #tpu.memory_space<vmem>>
    %dma_start3A_51 = tpu.memref_squeeze %dma_start3A_50 : memref<1x100xi32, #tpu.memory_space<vmem>> -> memref<100xi32, #tpu.memory_space<vmem>>
    %dma_start3A_52 = arith.constant 0 : i32
    %dma_start3A_53 = arith.constant 0 : i32
    %dma_start3A_54 = tpu.memref_slice %arg17[%dma_start3A_52, %dma_start3A_53] : memref<1000x128xf32, #tpu.memory_space<vmem_shared>> -> memref<1000x128xf32, #tpu.memory_space<vmem_shared>>
    tpu.enqueue_indirect_dma source(%dma_start3A_54 : memref<1000x128xf32, #tpu.memory_space<vmem_shared>>) target(%dma_start3A_48 : memref<100x128xf32, #tpu.memory_space<vmem>>) offsets(%dma_start3A_51 : memref<100xi32, #tpu.memory_space<vmem>>) semaphore(%arg19 : memref<!tpu.dma_semaphore, #tpu.memory_space<semaphore_mem>>)
    %dma_start3A_55 = arith.constant 2 : i32
    %dma_start3A_56 = arith.constant 2 : i32
    %dma_start3A_57 = arith.constant 0 : i32
    %dma_start3A_58 = arith.constant 0 : i32
    %dma_start3A_59 = tpu.memref_slice %arg14[%dma_start3A_56, %dma_start3A_57, %dma_start3A_58] : memref<4x100x128xf32, #tpu.memory_space<vmem>> -> memref<1x100x128xf32, #tpu.memory_space<vmem>>
    %dma_start3A_60 = tpu.memref_squeeze %dma_start3A_59 : memref<1x100x128xf32, #tpu.memory_space<vmem>> -> memref<100x128xf32, #tpu.memory_space<vmem>>
    %dma_start3A_61 = arith.constant 0 : i32
    %dma_start3A_62 = tpu.memref_slice %arg10[%dma_start3A_55, %dma_start3A_61] : memref<128x100xi32, #tpu.memory_space<vmem>> -> memref<1x100xi32, #tpu.memory_space<vmem>>
    %dma_start3A_63 = tpu.memref_squeeze %dma_start3A_62 : memref<1x100xi32, #tpu.memory_space<vmem>> -> memref<100xi32, #tpu.memory_space<vmem>>
    %dma_start3A_64 = arith.constant 0 : i32
    %dma_start3A_65 = arith.constant 0 : i32
    %dma_start3A_66 = tpu.memref_slice %arg17[%dma_start3A_64, %dma_start3A_65] : memref<1000x128xf32, #tpu.memory_space<vmem_shared>> -> memref<1000x128xf32, #tpu.memory_space<vmem_shared>>
    tpu.enqueue_indirect_dma source(%dma_start3A_66 : memref<1000x128xf32, #tpu.memory_space<vmem_shared>>) target(%dma_start3A_60 : memref<100x128xf32, #tpu.memory_space<vmem>>) offsets(%dma_start3A_63 : memref<100xi32, #tpu.memory_space<vmem>>) semaphore(%arg20 : memref<!tpu.dma_semaphore, #tpu.memory_space<semaphore_mem>>)
    %dma_wait3A_67 = arith.constant 0 : i32
    %dma_wait3A_68 = arith.constant 0 : i32
    %dma_wait3A_69 = arith.constant 0 : i32
    %dma_wait3A_70 = arith.constant 0 : i32
    %dma_wait3A_71 = tpu.memref_slice %arg14[%dma_wait3A_68, %dma_wait3A_69, %dma_wait3A_70] : memref<4x100x128xf32, #tpu.memory_space<vmem>> -> memref<1x100x128xf32, #tpu.memory_space<vmem>>
    %dma_wait3A_72 = tpu.memref_squeeze %dma_wait3A_71 : memref<1x100x128xf32, #tpu.memory_space<vmem>> -> memref<100x128xf32, #tpu.memory_space<vmem>>
    %dma_wait3A_73 = arith.constant 0 : i32
    %dma_wait3A_74 = tpu.memref_slice %arg10[%dma_wait3A_67, %dma_wait3A_73] : memref<128x100xi32, #tpu.memory_space<vmem>> -> memref<1x100xi32, #tpu.memory_space<vmem>>
    %dma_wait3A_75 = tpu.memref_squeeze %dma_wait3A_74 : memref<1x100xi32, #tpu.memory_space<vmem>> -> memref<100xi32, #tpu.memory_space<vmem>>
    %dma_wait3A_76 = arith.constant 0 : i32
    %dma_wait3A_77 = arith.constant 0 : i32
    %dma_wait3A_78 = tpu.memref_slice %arg17[%dma_wait3A_76, %dma_wait3A_77] : memref<1000x128xf32, #tpu.memory_space<vmem_shared>> -> memref<1000x128xf32, #tpu.memory_space<vmem_shared>>
    tpu.wait_indirect_dma semaphore(%arg18 : memref<!tpu.dma_semaphore, #tpu.memory_space<semaphore_mem>>) src(%dma_wait3A_78 : memref<1000x128xf32, #tpu.memory_space<vmem_shared>>) dst(%dma_wait3A_72 : memref<100x128xf32, #tpu.memory_space<vmem>>)
    %get3A_79 = arith.constant 0 : i32
    %get3A_80 = arith.index_cast %get3A_79 : i32 to index
    %get3A_81 = arith.constant 0 : index
    %get3A_82 = tpu.vector_load %arg12[%get3A_80, %get3A_81] {strides = array<i32>} : memref<128x128xf32, #tpu.memory_space<vmem>>, vector<1x16xf32>,
    %get3A_83 = vector.shape_cast %get3A_82 : vector<1x16xf32> to vector<16xf32>
    %get3A_84 = arith.constant 0 : i32
    %get3A_85 = arith.index_cast %get3A_84 : i32 to index
    %get3A_86 = arith.constant 16 : index
    %get3A_87 = tpu.vector_load %arg12[%get3A_85, %get3A_86] {strides = array<i32>} : memref<128x128xf32, #tpu.memory_space<vmem>>, vector<1x16xf32>,
    %get3A_88 = vector.shape_cast %get3A_87 : vector<1x16xf32> to vector<16xf32>
    %get3A_89 = arith.constant 0 : i32
    %get3A_90 = arith.index_cast %get3A_89 : i32 to index
    %get3A_91 = arith.constant 32 : index
    %get3A_92 = tpu.vector_load %arg12[%get3A_90, %get3A_91] {strides = array<i32>} : memref<128x128xf32, #tpu.memory_space<vmem>>, vector<1x16xf32>,
    %get3A_93 = vector.shape_cast %get3A_92 : vector<1x16xf32> to vector<16xf32>
    %get3A_94 = arith.constant 0 : i32
    %get3A_95 = arith.index_cast %get3A_94 : i32 to index
    %get3A_96 = arith.constant 48 : index
    %get3A_97 = tpu.vector_load %arg12[%get3A_95, %get3A_96] {strides = array<i32>} : memref<128x128xf32, #tpu.memory_space<vmem>>, vector<1x16xf32>,
    %get3A_98 = vector.shape_cast %get3A_97 : vector<1x16xf32> to vector<16xf32>
    %get3A_99 = arith.constant 0 : i32
    %get3A_100 = arith.index_cast %get3A_99 : i32 to index
    %get3A_101 = arith.constant 64 : index
    %get3A_102 = tpu.vector_load %arg12[%get3A_100, %get3A_101] {strides = array<i32>} : memref<128x128xf32, #tpu.memory_space<vmem>>, vector<1x16xf32>,
    %get3A_103 = vector.shape_cast %get3A_102 : vector<1x16xf32> to vector<16xf32>
    %get3A_104 = arith.constant 0 : i32
    %get3A_105 = arith.index_cast %get3A_104 : i32 to index
    %get3A_106 = arith.constant 80 : index
    %get3A_107 = tpu.vector_load %arg12[%get3A_105, %get3A_106] {strides = array<i32>} : memref<128x128xf32, #tpu.memory_space<vmem>>, vector<1x16xf32>,
    %get3A_108 = vector.shape_cast %get3A_107 : vector<1x16xf32> to vector<16xf32>
    %get3A_109 = arith.constant 0 : i32
    %get3A_110 = arith.index_cast %get3A_109 : i32 to index
    %get3A_111 = arith.constant 96 : index
    %get3A_112 = tpu.vector_load %arg12[%get3A_110, %get3A_111] {strides = array<i32>} : memref<128x128xf32, #tpu.memory_space<vmem>>, vector<1x16xf32>,
    %get3A_113 = vector.shape_cast %get3A_112 : vector<1x16xf32> to vector<16xf32>
    %get3A_114 = arith.constant 0 : i32
    %get3A_115 = arith.index_cast %get3A_114 : i32 to index
    %get3A_116 = arith.constant 112 : index
    %get3A_117 = tpu.vector_load %arg12[%get3A_115, %get3A_116] {strides = array<i32>} : memref<128x128xf32, #tpu.memory_space<vmem>>, vector<1x16xf32>,
    %get3A_118 = vector.shape_cast %get3A_117 : vector<1x16xf32> to vector<16xf32>
    %parallel_loop3A = arith.constant 0 : i32
    %parallel_loop3A_119 = arith.constant 100 : i32
    %parallel_loop3A_120 = arith.constant 1 : i32
    scf.for %parallel_loop3A_535 = %parallel_loop3A to %parallel_loop3A_119 step %parallel_loop3A_120  : i32 {
      %parallel_loop3A_536 = arith.index_cast %parallel_loop3A_535 : i32 to index
      %parallel_loop3A_537 = arith.constant 0 : index
      %parallel_loop3A_538 = tpu.vector_load %arg13[%parallel_loop3A_536, %parallel_loop3A_537] {strides = array<i32>} : memref<100x128xf32, #tpu.memory_space<vmem>>, vector<1x16xf32>,
      %parallel_loop3A_539 = vector.shape_cast %parallel_loop3A_538 : vector<1x16xf32> to vector<16xf32>
      %parallel_loop3A_540 = arith.addf %parallel_loop3A_539, %get3A_83 : vector<16xf32>
      %parallel_loop3A_541 = arith.constant 0 : i32
      %parallel_loop3A_542 = arith.index_cast %parallel_loop3A_541 : i32 to index
      %parallel_loop3A_543 = arith.index_cast %parallel_loop3A_535 : i32 to index
      %parallel_loop3A_544 = arith.constant 0 : index
      %parallel_loop3A_545 = tpu.vector_load %arg14[%parallel_loop3A_542, %parallel_loop3A_543, %parallel_loop3A_544] {strides = array<i32>} : memref<4x100x128xf32, #tpu.memory_space<vmem>>, vector<1x1x16xf32>,
      %parallel_loop3A_546 = vector.shape_cast %parallel_loop3A_545 : vector<1x1x16xf32> to vector<16xf32>
      %parallel_loop3A_547 = vector.shape_cast %parallel_loop3A_540 : vector<16xf32> to vector<1x1x16xf32>
      tpu.vector_store %arg14[%parallel_loop3A_542, %parallel_loop3A_543, %parallel_loop3A_544], %parallel_loop3A_547 {add = true, strides = array<i32>} : memref<4x100x128xf32, #tpu.memory_space<vmem>>, vector<1x1x16xf32>,
      %parallel_loop3A_548 = arith.index_cast %parallel_loop3A_535 : i32 to index
      %parallel_loop3A_549 = arith.constant 16 : index
      %parallel_loop3A_550 = tpu.vector_load %arg13[%parallel_loop3A_548, %parallel_loop3A_549] {strides = array<i32>} : memref<100x128xf32, #tpu.memory_space<vmem>>, vector<1x16xf32>,
      %parallel_loop3A_551 = vector.shape_cast %parallel_loop3A_550 : vector<1x16xf32> to vector<16xf32>
      %parallel_loop3A_552 = arith.addf %parallel_loop3A_551, %get3A_88 : vector<16xf32>
      %parallel_loop3A_553 = arith.constant 0 : i32
      %parallel_loop3A_554 = arith.index_cast %parallel_loop3A_553 : i32 to index
      %parallel_loop3A_555 = arith.index_cast %parallel_loop3A_535 : i32 to index
      %parallel_loop3A_556 = arith.constant 16 : index
      %parallel_loop3A_557 = tpu.vector_load %arg14[%parallel_loop3A_554, %parallel_loop3A_555, %parallel_loop3A_556] {strides = array<i32>} : memref<4x100x128xf32, #tpu.memory_space<vmem>>, vector<1x1x16xf32>,
      %parallel_loop3A_558 = vector.shape_cast %parallel_loop3A_557 : vector<1x1x16xf32> to vector<16xf32>
      %parallel_loop3A_559 = vector.shape_cast %parallel_loop3A_552 : vector<16xf32> to vector<1x1x16xf32>
      tpu.vector_store %arg14[%parallel_loop3A_554, %parallel_loop3A_555, %parallel_loop3A_556], %parallel_loop3A_559 {add = true, strides = array<i32>} : memref<4x100x128xf32, #tpu.memory_space<vmem>>, vector<1x1x16xf32>,
      %parallel_loop3A_560 = arith.index_cast %parallel_loop3A_535 : i32 to index
      %parallel_loop3A_561 = arith.constant 32 : index
      %parallel_loop3A_562 = tpu.vector_load %arg13[%parallel_loop3A_560, %parallel_loop3A_561] {strides = array<i32>} : memref<100x128xf32, #tpu.memory_space<vmem>>, vector<1x16xf32>,
      %parallel_loop3A_563 = vector.shape_cast %parallel_loop3A_562 : vector<1x16xf32> to vector<16xf32>
      %parallel_loop3A_564 = arith.addf %parallel_loop3A_563, %get3A_93 : vector<16xf32>
      %parallel_loop3A_565 = arith.constant 0 : i32
      %parallel_loop3A_566 = arith.index_cast %parallel_loop3A_565 : i32 to index
      %parallel_loop3A_567 = arith.index_cast %parallel_loop3A_535 : i32 to index
      %parallel_loop3A_568 = arith.constant 32 : index
      %parallel_loop3A_569 = tpu.vector_load %arg14[%parallel_loop3A_566, %parallel_loop3A_567, %parallel_loop3A_568] {strides = array<i32>} : memref<4x100x128xf32, #tpu.memory_space<vmem>>, vector<1x1x16xf32>,
      %parallel_loop3A_570 = vector.shape_cast %parallel_loop3A_569 : vector<1x1x16xf32> to vector<16xf32>
      %parallel_loop3A_571 = vector.shape_cast %parallel_loop3A_564 : vector<16xf32> to vector<1x1x16xf32>
      tpu.vector_store %arg14[%parallel_loop3A_566, %parallel_loop3A_567, %parallel_loop3A_568], %parallel_loop3A_571 {add = true, strides = array<i32>} : memref<4x100x128xf32, #tpu.memory_space<vmem>>, vector<1x1x16xf32>,
      %parallel_loop3A_572 = arith.index_cast %parallel_loop3A_535 : i32 to index
      %parallel_loop3A_573 = arith.constant 48 : index
      %parallel_loop3A_574 = tpu.vector_load %arg13[%parallel_loop3A_572, %parallel_loop3A_573] {strides = array<i32>} : memref<100x128xf32, #tpu.memory_space<vmem>>, vector<1x16xf32>,
      %parallel_loop3A_575 = vector.shape_cast %parallel_loop3A_574 : vector<1x16xf32> to vector<16xf32>
      %parallel_loop3A_576 = arith.addf %parallel_loop3A_575, %get3A_98 : vector<16xf32>
      %parallel_loop3A_577 = arith.constant 0 : i32
      %parallel_loop3A_578 = arith.index_cast %parallel_loop3A_577 : i32 to index
      %parallel_loop3A_579 = arith.index_cast %parallel_loop3A_535 : i32 to index
      %parallel_loop3A_580 = arith.constant 48 : index
      %parallel_loop3A_581 = tpu.vector_load %arg14[%parallel_loop3A_578, %parallel_loop3A_579, %parallel_loop3A_580] {strides = array<i32>} : memref<4x100x128xf32, #tpu.memory_space<vmem>>, vector<1x1x16xf32>,
      %parallel_loop3A_582 = vector.shape_cast %parallel_loop3A_581 : vector<1x1x16xf32> to vector<16xf32>
      %parallel_loop3A_583 = vector.shape_cast %parallel_loop3A_576 : vector<16xf32> to vector<1x1x16xf32>
      tpu.vector_store %arg14[%parallel_loop3A_578, %parallel_loop3A_579, %parallel_loop3A_580], %parallel_loop3A_583 {add = true, strides = array<i32>} : memref<4x100x128xf32, #tpu.memory_space<vmem>>, vector<1x1x16xf32>,
      %parallel_loop3A_584 = arith.index_cast %parallel_loop3A_535 : i32 to index
      %parallel_loop3A_585 = arith.constant 64 : index
      %parallel_loop3A_586 = tpu.vector_load %arg13[%parallel_loop3A_584, %parallel_loop3A_585] {strides = array<i32>} : memref<100x128xf32, #tpu.memory_space<vmem>>, vector<1x16xf32>,
      %parallel_loop3A_587 = vector.shape_cast %parallel_loop3A_586 : vector<1x16xf32> to vector<16xf32>
      %parallel_loop3A_588 = arith.addf %parallel_loop3A_587, %get3A_103 : vector<16xf32>
      %parallel_loop3A_589 = arith.constant 0 : i32
      %parallel_loop3A_590 = arith.index_cast %parallel_loop3A_589 : i32 to index
      %parallel_loop3A_591 = arith.index_cast %parallel_loop3A_535 : i32 to index
      %parallel_loop3A_592 = arith.constant 64 : index
      %parallel_loop3A_593 = tpu.vector_load %arg14[%parallel_loop3A_590, %parallel_loop3A_591, %parallel_loop3A_592] {strides = array<i32>} : memref<4x100x128xf32, #tpu.memory_space<vmem>>, vector<1x1x16xf32>,
      %parallel_loop3A_594 = vector.shape_cast %parallel_loop3A_593 : vector<1x1x16xf32> to vector<16xf32>
      %parallel_loop3A_595 = vector.shape_cast %parallel_loop3A_588 : vector<16xf32> to vector<1x1x16xf32>
      tpu.vector_store %arg14[%parallel_loop3A_590, %parallel_loop3A_591, %parallel_loop3A_592], %parallel_loop3A_595 {add = true, strides = array<i32>} : memref<4x100x128xf32, #tpu.memory_space<vmem>>, vector<1x1x16xf32>,
      %parallel_loop3A_596 = arith.index_cast %parallel_loop3A_535 : i32 to index
      %parallel_loop3A_597 = arith.constant 80 : index
      %parallel_loop3A_598 = tpu.vector_load %arg13[%parallel_loop3A_596, %parallel_loop3A_597] {strides = array<i32>} : memref<100x128xf32, #tpu.memory_space<vmem>>, vector<1x16xf32>,
      %parallel_loop3A_599 = vector.shape_cast %parallel_loop3A_598 : vector<1x16xf32> to vector<16xf32>
      %parallel_loop3A_600 = arith.addf %parallel_loop3A_599, %get3A_108 : vector<16xf32>
      %parallel_loop3A_601 = arith.constant 0 : i32
      %parallel_loop3A_602 = arith.index_cast %parallel_loop3A_601 : i32 to index
      %parallel_loop3A_603 = arith.index_cast %parallel_loop3A_535 : i32 to index
      %parallel_loop3A_604 = arith.constant 80 : index
      %parallel_loop3A_605 = tpu.vector_load %arg14[%parallel_loop3A_602, %parallel_loop3A_603, %parallel_loop3A_604] {strides = array<i32>} : memref<4x100x128xf32, #tpu.memory_space<vmem>>, vector<1x1x16xf32>,
      %parallel_loop3A_606 = vector.shape_cast %parallel_loop3A_605 : vector<1x1x16xf32> to vector<16xf32>
      %parallel_loop3A_607 = vector.shape_cast %parallel_loop3A_600 : vector<16xf32> to vector<1x1x16xf32>
      tpu.vector_store %arg14[%parallel_loop3A_602, %parallel_loop3A_603, %parallel_loop3A_604], %parallel_loop3A_607 {add = true, strides = array<i32>} : memref<4x100x128xf32, #tpu.memory_space<vmem>>, vector<1x1x16xf32>,
      %parallel_loop3A_608 = arith.index_cast %parallel_loop3A_535 : i32 to index
      %parallel_loop3A_609 = arith.constant 96 : index
      %parallel_loop3A_610 = tpu.vector_load %arg13[%parallel_loop3A_608, %parallel_loop3A_609] {strides = array<i32>} : memref<100x128xf32, #tpu.memory_space<vmem>>, vector<1x16xf32>,
      %parallel_loop3A_611 = vector.shape_cast %parallel_loop3A_610 : vector<1x16xf32> to vector<16xf32>
      %parallel_loop3A_612 = arith.addf %parallel_loop3A_611, %get3A_113 : vector<16xf32>
      %parallel_loop3A_613 = arith.constant 0 : i32
      %parallel_loop3A_614 = arith.index_cast %parallel_loop3A_613 : i32 to index
      %parallel_loop3A_615 = arith.index_cast %parallel_loop3A_535 : i32 to index
      %parallel_loop3A_616 = arith.constant 96 : index
      %parallel_loop3A_617 = tpu.vector_load %arg14[%parallel_loop3A_614, %parallel_loop3A_615, %parallel_loop3A_616] {strides = array<i32>} : memref<4x100x128xf32, #tpu.memory_space<vmem>>, vector<1x1x16xf32>,
      %parallel_loop3A_618 = vector.shape_cast %parallel_loop3A_617 : vector<1x1x16xf32> to vector<16xf32>
      %parallel_loop3A_619 = vector.shape_cast %parallel_loop3A_612 : vector<16xf32> to vector<1x1x16xf32>
      tpu.vector_store %arg14[%parallel_loop3A_614, %parallel_loop3A_615, %parallel_loop3A_616], %parallel_loop3A_619 {add = true, strides = array<i32>} : memref<4x100x128xf32, #tpu.memory_space<vmem>>, vector<1x1x16xf32>,
      %parallel_loop3A_620 = arith.index_cast %parallel_loop3A_535 : i32 to index
      %parallel_loop3A_621 = arith.constant 112 : index
      %parallel_loop3A_622 = tpu.vector_load %arg13[%parallel_loop3A_620, %parallel_loop3A_621] {strides = array<i32>} : memref<100x128xf32, #tpu.memory_space<vmem>>, vector<1x16xf32>,
      %parallel_loop3A_623 = vector.shape_cast %parallel_loop3A_622 : vector<1x16xf32> to vector<16xf32>
      %parallel_loop3A_624 = arith.addf %parallel_loop3A_623, %get3A_118 : vector<16xf32>
      %parallel_loop3A_625 = arith.constant 0 : i32
      %parallel_loop3A_626 = arith.index_cast %parallel_loop3A_625 : i32 to index
      %parallel_loop3A_627 = arith.index_cast %parallel_loop3A_535 : i32 to index
      %parallel_loop3A_628 = arith.constant 112 : index
      %parallel_loop3A_629 = tpu.vector_load %arg14[%parallel_loop3A_626, %parallel_loop3A_627, %parallel_loop3A_628] {strides = array<i32>} : memref<4x100x128xf32, #tpu.memory_space<vmem>>, vector<1x1x16xf32>,
      %parallel_loop3A_630 = vector.shape_cast %parallel_loop3A_629 : vector<1x1x16xf32> to vector<16xf32>
      %parallel_loop3A_631 = vector.shape_cast %parallel_loop3A_624 : vector<16xf32> to vector<1x1x16xf32>
      tpu.vector_store %arg14[%parallel_loop3A_626, %parallel_loop3A_627, %parallel_loop3A_628], %parallel_loop3A_631 {add = true, strides = array<i32>} : memref<4x100x128xf32, #tpu.memory_space<vmem>>, vector<1x1x16xf32>,
    } {sc.loop_unroll_factor = 4 : i64, sc.parallel_access}
    %add3A_121 = arith.constant 0 : i32
    %add3A_122 = arith.addi %mul3A_2, %add3A_121 : i32
    %dma_start3A_123 = arith.constant 0 : i32
    %dma_start3A_124 = arith.constant 0 : i32
    %dma_start3A_125 = arith.constant 0 : i32
    %dma_start3A_126 = tpu.memref_slice %arg14[%dma_start3A_123, %dma_start3A_124, %dma_start3A_125] : memref<4x100x128xf32, #tpu.memory_space<vmem>> -> memref<1x100x128xf32, #tpu.memory_space<vmem>>
    %dma_start3A_127 = tpu.memref_squeeze %dma_start3A_126 : memref<1x100x128xf32, #tpu.memory_space<vmem>> -> memref<100x128xf32, #tpu.memory_space<vmem>>
    %dma_start3A_128 = arith.constant 0 : i32
    %dma_start3A_129 = arith.constant 0 : i32
    %dma_start3A_130 = tpu.memref_slice %arg9[%add3A_122, %dma_start3A_128, %dma_start3A_129] : memref<4096x100x128xf32, #tpu.memory_space<hbm>> -> memref<1x100x128xf32, #tpu.memory_space<hbm>>
    %dma_start3A_131 = tpu.memref_squeeze %dma_start3A_130 : memref<1x100x128xf32, #tpu.memory_space<hbm>> -> memref<100x128xf32, #tpu.memory_space<hbm>>
    %dma_start3A_132 = arith.constant 0 : i32
    %dma_start3A_133 = arith.constant 0 : i32
    %dma_start3A_134 = tpu.memref_slice %arg9[%add3A_122, %dma_start3A_132, %dma_start3A_133] : memref<4096x100x128xf32, #tpu.memory_space<hbm>> -> memref<1x100x128xf32, #tpu.memory_space<hbm>>
    %dma_start3A_135 = tpu.memref_squeeze %dma_start3A_134 : memref<1x100x128xf32, #tpu.memory_space<hbm>> -> memref<100x128xf32, #tpu.memory_space<hbm>>
    %dma_start3A_136 = arith.constant 0 : i32
    %dma_start3A_137 = arith.constant 0 : i32
    %dma_start3A_138 = tpu.memref_slice %arg14[%dma_start3A_123, %dma_start3A_136, %dma_start3A_137] : memref<4x100x128xf32, #tpu.memory_space<vmem>> -> memref<1x100x128xf32, #tpu.memory_space<vmem>>
    %dma_start3A_139 = tpu.memref_squeeze %dma_start3A_138 : memref<1x100x128xf32, #tpu.memory_space<vmem>> -> memref<100x128xf32, #tpu.memory_space<vmem>>
    tpu.enqueue_dma source(%dma_start3A_139 : memref<100x128xf32, #tpu.memory_space<vmem>>) target(%dma_start3A_135 : memref<100x128xf32, #tpu.memory_space<hbm>>) target_semaphore(%arg22 : memref<!tpu.dma_semaphore, #tpu.memory_space<semaphore_mem>>)
    %dma_start3A_140 = arith.constant 3 : i32
    %dma_start3A_141 = arith.constant 3 : i32
    %dma_start3A_142 = arith.constant 0 : i32
    %dma_start3A_143 = arith.constant 0 : i32
    %dma_start3A_144 = tpu.memref_slice %arg14[%dma_start3A_141, %dma_start3A_142, %dma_start3A_143] : memref<4x100x128xf32, #tpu.memory_space<vmem>> -> memref<1x100x128xf32, #tpu.memory_space<vmem>>
    %dma_start3A_145 = tpu.memref_squeeze %dma_start3A_144 : memref<1x100x128xf32, #tpu.memory_space<vmem>> -> memref<100x128xf32, #tpu.memory_space<vmem>>
    %dma_start3A_146 = arith.constant 0 : i32
    %dma_start3A_147 = tpu.memref_slice %arg10[%dma_start3A_140, %dma_start3A_146] : memref<128x100xi32, #tpu.memory_space<vmem>> -> memref<1x100xi32, #tpu.memory_space<vmem>>
    %dma_start3A_148 = tpu.memref_squeeze %dma_start3A_147 : memref<1x100xi32, #tpu.memory_space<vmem>> -> memref<100xi32, #tpu.memory_space<vmem>>
    %dma_start3A_149 = arith.constant 0 : i32
    %dma_start3A_150 = arith.constant 0 : i32
    %dma_start3A_151 = tpu.memref_slice %arg17[%dma_start3A_149, %dma_start3A_150] : memref<1000x128xf32, #tpu.memory_space<vmem_shared>> -> memref<1000x128xf32, #tpu.memory_space<vmem_shared>>
    tpu.enqueue_indirect_dma source(%dma_start3A_151 : memref<1000x128xf32, #tpu.memory_space<vmem_shared>>) target(%dma_start3A_145 : memref<100x128xf32, #tpu.memory_space<vmem>>) offsets(%dma_start3A_148 : memref<100xi32, #tpu.memory_space<vmem>>) semaphore(%arg21 : memref<!tpu.dma_semaphore, #tpu.memory_space<semaphore_mem>>)
    %dma_wait3A_152 = arith.constant 1 : i32
    %dma_wait3A_153 = arith.constant 1 : i32
    %dma_wait3A_154 = arith.constant 0 : i32
    %dma_wait3A_155 = arith.constant 0 : i32
    %dma_wait3A_156 = tpu.memref_slice %arg14[%dma_wait3A_153, %dma_wait3A_154, %dma_wait3A_155] : memref<4x100x128xf32, #tpu.memory_space<vmem>> -> memref<1x100x128xf32, #tpu.memory_space<vmem>>
    %dma_wait3A_157 = tpu.memref_squeeze %dma_wait3A_156 : memref<1x100x128xf32, #tpu.memory_space<vmem>> -> memref<100x128xf32, #tpu.memory_space<vmem>>
    %dma_wait3A_158 = arith.constant 0 : i32
    %dma_wait3A_159 = tpu.memref_slice %arg10[%dma_wait3A_152, %dma_wait3A_158] : memref<128x100xi32, #tpu.memory_space<vmem>> -> memref<1x100xi32, #tpu.memory_space<vmem>>
    %dma_wait3A_160 = tpu.memref_squeeze %dma_wait3A_159 : memref<1x100xi32, #tpu.memory_space<vmem>> -> memref<100xi32, #tpu.memory_space<vmem>>
    %dma_wait3A_161 = arith.constant 0 : i32
    %dma_wait3A_162 = arith.constant 0 : i32
    %dma_wait3A_163 = tpu.memref_slice %arg17[%dma_wait3A_161, %dma_wait3A_162] : memref<1000x128xf32, #tpu.memory_space<vmem_shared>> -> memref<1000x128xf32, #tpu.memory_space<vmem_shared>>
    tpu.wait_indirect_dma semaphore(%arg19 : memref<!tpu.dma_semaphore, #tpu.memory_space<semaphore_mem>>) src(%dma_wait3A_163 : memref<1000x128xf32, #tpu.memory_space<vmem_shared>>) dst(%dma_wait3A_157 : memref<100x128xf32, #tpu.memory_space<vmem>>)
    %get3A_164 = arith.constant 1 : i32
    %get3A_165 = arith.index_cast %get3A_164 : i32 to index
    %get3A_166 = arith.constant 0 : index
    %get3A_167 = tpu.vector_load %arg12[%get3A_165, %get3A_166] {strides = array<i32>} : memref<128x128xf32, #tpu.memory_space<vmem>>, vector<1x16xf32>,
    %get3A_168 = vector.shape_cast %get3A_167 : vector<1x16xf32> to vector<16xf32>
    %get3A_169 = arith.constant 1 : i32
    %get3A_170 = arith.index_cast %get3A_169 : i32 to index
    %get3A_171 = arith.constant 16 : index
    %get3A_172 = tpu.vector_load %arg12[%get3A_170, %get3A_171] {strides = array<i32>} : memref<128x128xf32, #tpu.memory_space<vmem>>, vector<1x16xf32>,
    %get3A_173 = vector.shape_cast %get3A_172 : vector<1x16xf32> to vector<16xf32>
    %get3A_174 = arith.constant 1 : i32
    %get3A_175 = arith.index_cast %get3A_174 : i32 to index
    %get3A_176 = arith.constant 32 : index
    %get3A_177 = tpu.vector_load %arg12[%get3A_175, %get3A_176] {strides = array<i32>} : memref<128x128xf32, #tpu.memory_space<vmem>>, vector<1x16xf32>,
    %get3A_178 = vector.shape_cast %get3A_177 : vector<1x16xf32> to vector<16xf32>
    %get3A_179 = arith.constant 1 : i32
    %get3A_180 = arith.index_cast %get3A_179 : i32 to index
    %get3A_181 = arith.constant 48 : index
    %get3A_182 = tpu.vector_load %arg12[%get3A_180, %get3A_181] {strides = array<i32>} : memref<128x128xf32, #tpu.memory_space<vmem>>, vector<1x16xf32>,
    %get3A_183 = vector.shape_cast %get3A_182 : vector<1x16xf32> to vector<16xf32>
    %get3A_184 = arith.constant 1 : i32
    %get3A_185 = arith.index_cast %get3A_184 : i32 to index
    %get3A_186 = arith.constant 64 : index
    %get3A_187 = tpu.vector_load %arg12[%get3A_185, %get3A_186] {strides = array<i32>} : memref<128x128xf32, #tpu.memory_space<vmem>>, vector<1x16xf32>,
    %get3A_188 = vector.shape_cast %get3A_187 : vector<1x16xf32> to vector<16xf32>
    %get3A_189 = arith.constant 1 : i32
    %get3A_190 = arith.index_cast %get3A_189 : i32 to index
    %get3A_191 = arith.constant 80 : index
    %get3A_192 = tpu.vector_load %arg12[%get3A_190, %get3A_191] {strides = array<i32>} : memref<128x128xf32, #tpu.memory_space<vmem>>, vector<1x16xf32>,
    %get3A_193 = vector.shape_cast %get3A_192 : vector<1x16xf32> to vector<16xf32>
    %get3A_194 = arith.constant 1 : i32
    %get3A_195 = arith.index_cast %get3A_194 : i32 to index
    %get3A_196 = arith.constant 96 : index
    %get3A_197 = tpu.vector_load %arg12[%get3A_195, %get3A_196] {strides = array<i32>} : memref<128x128xf32, #tpu.memory_space<vmem>>, vector<1x16xf32>,
    %get3A_198 = vector.shape_cast %get3A_197 : vector<1x16xf32> to vector<16xf32>
    %get3A_199 = arith.constant 1 : i32
    %get3A_200 = arith.index_cast %get3A_199 : i32 to index
    %get3A_201 = arith.constant 112 : index
    %get3A_202 = tpu.vector_load %arg12[%get3A_200, %get3A_201] {strides = array<i32>} : memref<128x128xf32, #tpu.memory_space<vmem>>, vector<1x16xf32>,
    %get3A_203 = vector.shape_cast %get3A_202 : vector<1x16xf32> to vector<16xf32>
    %parallel_loop3A_204 = arith.constant 0 : i32
    %parallel_loop3A_205 = arith.constant 100 : i32
    %parallel_loop3A_206 = arith.constant 1 : i32
    scf.for %parallel_loop3A_535 = %parallel_loop3A_204 to %parallel_loop3A_205 step %parallel_loop3A_206  : i32 {
      %parallel_loop3A_536 = arith.index_cast %parallel_loop3A_535 : i32 to index
      %parallel_loop3A_537 = arith.constant 0 : index
      %parallel_loop3A_538 = tpu.vector_load %arg13[%parallel_loop3A_536, %parallel_loop3A_537] {strides = array<i32>} : memref<100x128xf32, #tpu.memory_space<vmem>>, vector<1x16xf32>,
      %parallel_loop3A_539 = vector.shape_cast %parallel_loop3A_538 : vector<1x16xf32> to vector<16xf32>
      %parallel_loop3A_540 = arith.addf %parallel_loop3A_539, %get3A_168 : vector<16xf32>
      %parallel_loop3A_541 = arith.constant 1 : i32
      %parallel_loop3A_542 = arith.index_cast %parallel_loop3A_541 : i32 to index
      %parallel_loop3A_543 = arith.index_cast %parallel_loop3A_535 : i32 to index
      %parallel_loop3A_544 = arith.constant 0 : index
      %parallel_loop3A_545 = tpu.vector_load %arg14[%parallel_loop3A_542, %parallel_loop3A_543, %parallel_loop3A_544] {strides = array<i32>} : memref<4x100x128xf32, #tpu.memory_space<vmem>>, vector<1x1x16xf32>,
      %parallel_loop3A_546 = vector.shape_cast %parallel_loop3A_545 : vector<1x1x16xf32> to vector<16xf32>
      %parallel_loop3A_547 = vector.shape_cast %parallel_loop3A_540 : vector<16xf32> to vector<1x1x16xf32>
      tpu.vector_store %arg14[%parallel_loop3A_542, %parallel_loop3A_543, %parallel_loop3A_544], %parallel_loop3A_547 {add = true, strides = array<i32>} : memref<4x100x128xf32, #tpu.memory_space<vmem>>, vector<1x1x16xf32>,
      %parallel_loop3A_548 = arith.index_cast %parallel_loop3A_535 : i32 to index
      %parallel_loop3A_549 = arith.constant 16 : index
      %parallel_loop3A_550 = tpu.vector_load %arg13[%parallel_loop3A_548, %parallel_loop3A_549] {strides = array<i32>} : memref<100x128xf32, #tpu.memory_space<vmem>>, vector<1x16xf32>,
      %parallel_loop3A_551 = vector.shape_cast %parallel_loop3A_550 : vector<1x16xf32> to vector<16xf32>
      %parallel_loop3A_552 = arith.addf %parallel_loop3A_551, %get3A_173 : vector<16xf32>
      %parallel_loop3A_553 = arith.constant 1 : i32
      %parallel_loop3A_554 = arith.index_cast %parallel_loop3A_553 : i32 to index
      %parallel_loop3A_555 = arith.index_cast %parallel_loop3A_535 : i32 to index
      %parallel_loop3A_556 = arith.constant 16 : index
      %parallel_loop3A_557 = tpu.vector_load %arg14[%parallel_loop3A_554, %parallel_loop3A_555, %parallel_loop3A_556] {strides = array<i32>} : memref<4x100x128xf32, #tpu.memory_space<vmem>>, vector<1x1x16xf32>,
      %parallel_loop3A_558 = vector.shape_cast %parallel_loop3A_557 : vector<1x1x16xf32> to vector<16xf32>
      %parallel_loop3A_559 = vector.shape_cast %parallel_loop3A_552 : vector<16xf32> to vector<1x1x16xf32>
      tpu.vector_store %arg14[%parallel_loop3A_554, %parallel_loop3A_555, %parallel_loop3A_556], %parallel_loop3A_559 {add = true, strides = array<i32>} : memref<4x100x128xf32, #tpu.memory_space<vmem>>, vector<1x1x16xf32>,
      %parallel_loop3A_560 = arith.index_cast %parallel_loop3A_535 : i32 to index
      %parallel_loop3A_561 = arith.constant 32 : index
      %parallel_loop3A_562 = tpu.vector_load %arg13[%parallel_loop3A_560, %parallel_loop3A_561] {strides = array<i32>} : memref<100x128xf32, #tpu.memory_space<vmem>>, vector<1x16xf32>,
      %parallel_loop3A_563 = vector.shape_cast %parallel_loop3A_562 : vector<1x16xf32> to vector<16xf32>
      %parallel_loop3A_564 = arith.addf %parallel_loop3A_563, %get3A_178 : vector<16xf32>
      %parallel_loop3A_565 = arith.constant 1 : i32
      %parallel_loop3A_566 = arith.index_cast %parallel_loop3A_565 : i32 to index
      %parallel_loop3A_567 = arith.index_cast %parallel_loop3A_535 : i32 to index
      %parallel_loop3A_568 = arith.constant 32 : index
      %parallel_loop3A_569 = tpu.vector_load %arg14[%parallel_loop3A_566, %parallel_loop3A_567, %parallel_loop3A_568] {strides = array<i32>} : memref<4x100x128xf32, #tpu.memory_space<vmem>>, vector<1x1x16xf32>,
      %parallel_loop3A_570 = vector.shape_cast %parallel_loop3A_569 : vector<1x1x16xf32> to vector<16xf32>
      %parallel_loop3A_571 = vector.shape_cast %parallel_loop3A_564 : vector<16xf32> to vector<1x1x16xf32>
      tpu.vector_store %arg14[%parallel_loop3A_566, %parallel_loop3A_567, %parallel_loop3A_568], %parallel_loop3A_571 {add = true, strides = array<i32>} : memref<4x100x128xf32, #tpu.memory_space<vmem>>, vector<1x1x16xf32>,
      %parallel_loop3A_572 = arith.index_cast %parallel_loop3A_535 : i32 to index
      %parallel_loop3A_573 = arith.constant 48 : index
      %parallel_loop3A_574 = tpu.vector_load %arg13[%parallel_loop3A_572, %parallel_loop3A_573] {strides = array<i32>} : memref<100x128xf32, #tpu.memory_space<vmem>>, vector<1x16xf32>,
      %parallel_loop3A_575 = vector.shape_cast %parallel_loop3A_574 : vector<1x16xf32> to vector<16xf32>
      %parallel_loop3A_576 = arith.addf %parallel_loop3A_575, %get3A_183 : vector<16xf32>
      %parallel_loop3A_577 = arith.constant 1 : i32
      %parallel_loop3A_578 = arith.index_cast %parallel_loop3A_577 : i32 to index
      %parallel_loop3A_579 = arith.index_cast %parallel_loop3A_535 : i32 to index
      %parallel_loop3A_580 = arith.constant 48 : index
      %parallel_loop3A_581 = tpu.vector_load %arg14[%parallel_loop3A_578, %parallel_loop3A_579, %parallel_loop3A_580] {strides = array<i32>} : memref<4x100x128xf32, #tpu.memory_space<vmem>>, vector<1x1x16xf32>,
      %parallel_loop3A_582 = vector.shape_cast %parallel_loop3A_581 : vector<1x1x16xf32> to vector<16xf32>
      %parallel_loop3A_583 = vector.shape_cast %parallel_loop3A_576 : vector<16xf32> to vector<1x1x16xf32>
      tpu.vector_store %arg14[%parallel_loop3A_578, %parallel_loop3A_579, %parallel_loop3A_580], %parallel_loop3A_583 {add = true, strides = array<i32>} : memref<4x100x128xf32, #tpu.memory_space<vmem>>, vector<1x1x16xf32>,
      %parallel_loop3A_584 = arith.index_cast %parallel_loop3A_535 : i32 to index
      %parallel_loop3A_585 = arith.constant 64 : index
      %parallel_loop3A_586 = tpu.vector_load %arg13[%parallel_loop3A_584, %parallel_loop3A_585] {strides = array<i32>} : memref<100x128xf32, #tpu.memory_space<vmem>>, vector<1x16xf32>,
      %parallel_loop3A_587 = vector.shape_cast %parallel_loop3A_586 : vector<1x16xf32> to vector<16xf32>
      %parallel_loop3A_588 = arith.addf %parallel_loop3A_587, %get3A_188 : vector<16xf32>
      %parallel_loop3A_589 = arith.constant 1 : i32
      %parallel_loop3A_590 = arith.index_cast %parallel_loop3A_589 : i32 to index
      %parallel_loop3A_591 = arith.index_cast %parallel_loop3A_535 : i32 to index
      %parallel_loop3A_592 = arith.constant 64 : index
      %parallel_loop3A_593 = tpu.vector_load %arg14[%parallel_loop3A_590, %parallel_loop3A_591, %parallel_loop3A_592] {strides = array<i32>} : memref<4x100x128xf32, #tpu.memory_space<vmem>>, vector<1x1x16xf32>,
      %parallel_loop3A_594 = vector.shape_cast %parallel_loop3A_593 : vector<1x1x16xf32> to vector<16xf32>
      %parallel_loop3A_595 = vector.shape_cast %parallel_loop3A_588 : vector<16xf32> to vector<1x1x16xf32>
      tpu.vector_store %arg14[%parallel_loop3A_590, %parallel_loop3A_591, %parallel_loop3A_592], %parallel_loop3A_595 {add = true, strides = array<i32>} : memref<4x100x128xf32, #tpu.memory_space<vmem>>, vector<1x1x16xf32>,
      %parallel_loop3A_596 = arith.index_cast %parallel_loop3A_535 : i32 to index
      %parallel_loop3A_597 = arith.constant 80 : index
      %parallel_loop3A_598 = tpu.vector_load %arg13[%parallel_loop3A_596, %parallel_loop3A_597] {strides = array<i32>} : memref<100x128xf32, #tpu.memory_space<vmem>>, vector<1x16xf32>,
      %parallel_loop3A_599 = vector.shape_cast %parallel_loop3A_598 : vector<1x16xf32> to vector<16xf32>
      %parallel_loop3A_600 = arith.addf %parallel_loop3A_599, %get3A_193 : vector<16xf32>
      %parallel_loop3A_601 = arith.constant 1 : i32
      %parallel_loop3A_602 = arith.index_cast %parallel_loop3A_601 : i32 to index
      %parallel_loop3A_603 = arith.index_cast %parallel_loop3A_535 : i32 to index
      %parallel_loop3A_604 = arith.constant 80 : index
      %parallel_loop3A_605 = tpu.vector_load %arg14[%parallel_loop3A_602, %parallel_loop3A_603, %parallel_loop3A_604] {strides = array<i32>} : memref<4x100x128xf32, #tpu.memory_space<vmem>>, vector<1x1x16xf32>,
      %parallel_loop3A_606 = vector.shape_cast %parallel_loop3A_605 : vector<1x1x16xf32> to vector<16xf32>
      %parallel_loop3A_607 = vector.shape_cast %parallel_loop3A_600 : vector<16xf32> to vector<1x1x16xf32>
      tpu.vector_store %arg14[%parallel_loop3A_602, %parallel_loop3A_603, %parallel_loop3A_604], %parallel_loop3A_607 {add = true, strides = array<i32>} : memref<4x100x128xf32, #tpu.memory_space<vmem>>, vector<1x1x16xf32>,
      %parallel_loop3A_608 = arith.index_cast %parallel_loop3A_535 : i32 to index
      %parallel_loop3A_609 = arith.constant 96 : index
      %parallel_loop3A_610 = tpu.vector_load %arg13[%parallel_loop3A_608, %parallel_loop3A_609] {strides = array<i32>} : memref<100x128xf32, #tpu.memory_space<vmem>>, vector<1x16xf32>,
      %parallel_loop3A_611 = vector.shape_cast %parallel_loop3A_610 : vector<1x16xf32> to vector<16xf32>
      %parallel_loop3A_612 = arith.addf %parallel_loop3A_611, %get3A_198 : vector<16xf32>
      %parallel_loop3A_613 = arith.constant 1 : i32
      %parallel_loop3A_614 = arith.index_cast %parallel_loop3A_613 : i32 to index
      %parallel_loop3A_615 = arith.index_cast %parallel_loop3A_535 : i32 to index
      %parallel_loop3A_616 = arith.constant 96 : index
      %parallel_loop3A_617 = tpu.vector_load %arg14[%parallel_loop3A_614, %parallel_loop3A_615, %parallel_loop3A_616] {strides = array<i32>} : memref<4x100x128xf32, #tpu.memory_space<vmem>>, vector<1x1x16xf32>,
      %parallel_loop3A_618 = vector.shape_cast %parallel_loop3A_617 : vector<1x1x16xf32> to vector<16xf32>
      %parallel_loop3A_619 = vector.shape_cast %parallel_loop3A_612 : vector<16xf32> to vector<1x1x16xf32>
      tpu.vector_store %arg14[%parallel_loop3A_614, %parallel_loop3A_615, %parallel_loop3A_616], %parallel_loop3A_619 {add = true, strides = array<i32>} : memref<4x100x128xf32, #tpu.memory_space<vmem>>, vector<1x1x16xf32>,
      %parallel_loop3A_620 = arith.index_cast %parallel_loop3A_535 : i32 to index
      %parallel_loop3A_621 = arith.constant 112 : index
      %parallel_loop3A_622 = tpu.vector_load %arg13[%parallel_loop3A_620, %parallel_loop3A_621] {strides = array<i32>} : memref<100x128xf32, #tpu.memory_space<vmem>>, vector<1x16xf32>,
      %parallel_loop3A_623 = vector.shape_cast %parallel_loop3A_622 : vector<1x16xf32> to vector<16xf32>
      %parallel_loop3A_624 = arith.addf %parallel_loop3A_623, %get3A_203 : vector<16xf32>
      %parallel_loop3A_625 = arith.constant 1 : i32
      %parallel_loop3A_626 = arith.index_cast %parallel_loop3A_625 : i32 to index
      %parallel_loop3A_627 = arith.index_cast %parallel_loop3A_535 : i32 to index
      %parallel_loop3A_628 = arith.constant 112 : index
      %parallel_loop3A_629 = tpu.vector_load %arg14[%parallel_loop3A_626, %parallel_loop3A_627, %parallel_loop3A_628] {strides = array<i32>} : memref<4x100x128xf32, #tpu.memory_space<vmem>>, vector<1x1x16xf32>,
      %parallel_loop3A_630 = vector.shape_cast %parallel_loop3A_629 : vector<1x1x16xf32> to vector<16xf32>
      %parallel_loop3A_631 = vector.shape_cast %parallel_loop3A_624 : vector<16xf32> to vector<1x1x16xf32>
      tpu.vector_store %arg14[%parallel_loop3A_626, %parallel_loop3A_627, %parallel_loop3A_628], %parallel_loop3A_631 {add = true, strides = array<i32>} : memref<4x100x128xf32, #tpu.memory_space<vmem>>, vector<1x1x16xf32>,
    } {sc.loop_unroll_factor = 4 : i64, sc.parallel_access}
    %add3A_207 = arith.constant 1 : i32
    %add3A_208 = arith.addi %mul3A_2, %add3A_207 : i32
    %dma_start3A_209 = arith.constant 1 : i32
    %dma_start3A_210 = arith.constant 0 : i32
    %dma_start3A_211 = arith.constant 0 : i32
    %dma_start3A_212 = tpu.memref_slice %arg14[%dma_start3A_209, %dma_start3A_210, %dma_start3A_211] : memref<4x100x128xf32, #tpu.memory_space<vmem>> -> memref<1x100x128xf32, #tpu.memory_space<vmem>>
    %dma_start3A_213 = tpu.memref_squeeze %dma_start3A_212 : memref<1x100x128xf32, #tpu.memory_space<vmem>> -> memref<100x128xf32, #tpu.memory_space<vmem>>
    %dma_start3A_214 = arith.constant 0 : i32
    %dma_start3A_215 = arith.constant 0 : i32
    %dma_start3A_216 = tpu.memref_slice %arg9[%add3A_208, %dma_start3A_214, %dma_start3A_215] : memref<4096x100x128xf32, #tpu.memory_space<hbm>> -> memref<1x100x128xf32, #tpu.memory_space<hbm>>
    %dma_start3A_217 = tpu.memref_squeeze %dma_start3A_216 : memref<1x100x128xf32, #tpu.memory_space<hbm>> -> memref<100x128xf32, #tpu.memory_space<hbm>>
    %dma_start3A_218 = arith.constant 0 : i32
    %dma_start3A_219 = arith.constant 0 : i32
    %dma_start3A_220 = tpu.memref_slice %arg9[%add3A_208, %dma_start3A_218, %dma_start3A_219] : memref<4096x100x128xf32, #tpu.memory_space<hbm>> -> memref<1x100x128xf32, #tpu.memory_space<hbm>>
    %dma_start3A_221 = tpu.memref_squeeze %dma_start3A_220 : memref<1x100x128xf32, #tpu.memory_space<hbm>> -> memref<100x128xf32, #tpu.memory_space<hbm>>
    %dma_start3A_222 = arith.constant 0 : i32
    %dma_start3A_223 = arith.constant 0 : i32
    %dma_start3A_224 = tpu.memref_slice %arg14[%dma_start3A_209, %dma_start3A_222, %dma_start3A_223] : memref<4x100x128xf32, #tpu.memory_space<vmem>> -> memref<1x100x128xf32, #tpu.memory_space<vmem>>
    %dma_start3A_225 = tpu.memref_squeeze %dma_start3A_224 : memref<1x100x128xf32, #tpu.memory_space<vmem>> -> memref<100x128xf32, #tpu.memory_space<vmem>>
    tpu.enqueue_dma source(%dma_start3A_225 : memref<100x128xf32, #tpu.memory_space<vmem>>) target(%dma_start3A_221 : memref<100x128xf32, #tpu.memory_space<hbm>>) target_semaphore(%arg23 : memref<!tpu.dma_semaphore, #tpu.memory_space<semaphore_mem>>)
    %dma_wait3A_226 = arith.constant 0 : i32
    %dma_wait3A_227 = arith.constant 0 : i32
    %dma_wait3A_228 = arith.constant 0 : i32
    %dma_wait3A_229 = tpu.memref_slice %arg14[%dma_wait3A_226, %dma_wait3A_227, %dma_wait3A_228] : memref<4x100x128xf32, #tpu.memory_space<vmem>> -> memref<1x100x128xf32, #tpu.memory_space<vmem>>
    %dma_wait3A_230 = tpu.memref_squeeze %dma_wait3A_229 : memref<1x100x128xf32, #tpu.memory_space<vmem>> -> memref<100x128xf32, #tpu.memory_space<vmem>>
    %dma_wait3A_231 = arith.constant 0 : i32
    %dma_wait3A_232 = arith.constant 0 : i32
    %dma_wait3A_233 = tpu.memref_slice %arg9[%mul3A_2, %dma_wait3A_231, %dma_wait3A_232] : memref<4096x100x128xf32, #tpu.memory_space<hbm>> -> memref<1x100x128xf32, #tpu.memory_space<hbm>>
    %dma_wait3A_234 = tpu.memref_squeeze %dma_wait3A_233 : memref<1x100x128xf32, #tpu.memory_space<hbm>> -> memref<100x128xf32, #tpu.memory_space<hbm>>
    %dma_wait3A_235 = arith.constant 0 : i32
    %dma_wait3A_236 = arith.constant 0 : i32
    %dma_wait3A_237 = tpu.memref_slice %arg9[%mul3A_2, %dma_wait3A_235, %dma_wait3A_236] : memref<4096x100x128xf32, #tpu.memory_space<hbm>> -> memref<1x100x128xf32, #tpu.memory_space<hbm>>
    %dma_wait3A_238 = tpu.memref_squeeze %dma_wait3A_237 : memref<1x100x128xf32, #tpu.memory_space<hbm>> -> memref<100x128xf32, #tpu.memory_space<hbm>>
    %dma_wait3A_239 = arith.constant 0 : i32
    %dma_wait3A_240 = arith.constant 0 : i32
    %dma_wait3A_241 = tpu.memref_slice %arg14[%dma_wait3A_226, %dma_wait3A_239, %dma_wait3A_240] : memref<4x100x128xf32, #tpu.memory_space<vmem>> -> memref<1x100x128xf32, #tpu.memory_space<vmem>>
    %dma_wait3A_242 = tpu.memref_squeeze %dma_wait3A_241 : memref<1x100x128xf32, #tpu.memory_space<vmem>> -> memref<100x128xf32, #tpu.memory_space<vmem>>
    tpu.wait_dma2 semaphore(%arg22 : memref<!tpu.dma_semaphore, #tpu.memory_space<semaphore_mem>>) src(%dma_wait3A_242 : memref<100x128xf32, #tpu.memory_space<vmem>>) dst(%dma_wait3A_238 : memref<100x128xf32, #tpu.memory_space<hbm>>)
    %dma_start3A_243 = arith.constant 4 : i32
    %dma_start3A_244 = arith.constant 0 : i32
    %dma_start3A_245 = arith.constant 0 : i32
    %dma_start3A_246 = arith.constant 0 : i32
    %dma_start3A_247 = tpu.memref_slice %arg14[%dma_start3A_244, %dma_start3A_245, %dma_start3A_246] : memref<4x100x128xf32, #tpu.memory_space<vmem>> -> memref<1x100x128xf32, #tpu.memory_space<vmem>>
    %dma_start3A_248 = tpu.memref_squeeze %dma_start3A_247 : memref<1x100x128xf32, #tpu.memory_space<vmem>> -> memref<100x128xf32, #tpu.memory_space<vmem>>
    %dma_start3A_249 = arith.constant 0 : i32
    %dma_start3A_250 = tpu.memref_slice %arg10[%dma_start3A_243, %dma_start3A_249] : memref<128x100xi32, #tpu.memory_space<vmem>> -> memref<1x100xi32, #tpu.memory_space<vmem>>
    %dma_start3A_251 = tpu.memref_squeeze %dma_start3A_250 : memref<1x100xi32, #tpu.memory_space<vmem>> -> memref<100xi32, #tpu.memory_space<vmem>>
    %dma_start3A_252 = arith.constant 0 : i32
    %dma_start3A_253 = arith.constant 0 : i32
    %dma_start3A_254 = tpu.memref_slice %arg17[%dma_start3A_252, %dma_start3A_253] : memref<1000x128xf32, #tpu.memory_space<vmem_shared>> -> memref<1000x128xf32, #tpu.memory_space<vmem_shared>>
    tpu.enqueue_indirect_dma source(%dma_start3A_254 : memref<1000x128xf32, #tpu.memory_space<vmem_shared>>) target(%dma_start3A_248 : memref<100x128xf32, #tpu.memory_space<vmem>>) offsets(%dma_start3A_251 : memref<100xi32, #tpu.memory_space<vmem>>) semaphore(%arg18 : memref<!tpu.dma_semaphore, #tpu.memory_space<semaphore_mem>>)
    %dma_wait3A_255 = arith.constant 2 : i32
    %dma_wait3A_256 = arith.constant 2 : i32
    %dma_wait3A_257 = arith.constant 0 : i32
    %dma_wait3A_258 = arith.constant 0 : i32
    %dma_wait3A_259 = tpu.memref_slice %arg14[%dma_wait3A_256, %dma_wait3A_257, %dma_wait3A_258] : memref<4x100x128xf32, #tpu.memory_space<vmem>> -> memref<1x100x128xf32, #tpu.memory_space<vmem>>
    %dma_wait3A_260 = tpu.memref_squeeze %dma_wait3A_259 : memref<1x100x128xf32, #tpu.memory_space<vmem>> -> memref<100x128xf32, #tpu.memory_space<vmem>>
    %dma_wait3A_261 = arith.constant 0 : i32
    %dma_wait3A_262 = tpu.memref_slice %arg10[%dma_wait3A_255, %dma_wait3A_261] : memref<128x100xi32, #tpu.memory_space<vmem>> -> memref<1x100xi32, #tpu.memory_space<vmem>>
    %dma_wait3A_263 = tpu.memref_squeeze %dma_wait3A_262 : memref<1x100xi32, #tpu.memory_space<vmem>> -> memref<100xi32, #tpu.memory_space<vmem>>
    %dma_wait3A_264 = arith.constant 0 : i32
    %dma_wait3A_265 = arith.constant 0 : i32
    %dma_wait3A_266 = tpu.memref_slice %arg17[%dma_wait3A_264, %dma_wait3A_265] : memref<1000x128xf32, #tpu.memory_space<vmem_shared>> -> memref<1000x128xf32, #tpu.memory_space<vmem_shared>>
    tpu.wait_indirect_dma semaphore(%arg20 : memref<!tpu.dma_semaphore, #tpu.memory_space<semaphore_mem>>) src(%dma_wait3A_266 : memref<1000x128xf32, #tpu.memory_space<vmem_shared>>) dst(%dma_wait3A_260 : memref<100x128xf32, #tpu.memory_space<vmem>>)
    %get3A_267 = arith.constant 2 : i32
    %get3A_268 = arith.index_cast %get3A_267 : i32 to index
    %get3A_269 = arith.constant 0 : index
    %get3A_270 = tpu.vector_load %arg12[%get3A_268, %get3A_269] {strides = array<i32>} : memref<128x128xf32, #tpu.memory_space<vmem>>, vector<1x16xf32>,
    %get3A_271 = vector.shape_cast %get3A_270 : vector<1x16xf32> to vector<16xf32>
    %get3A_272 = arith.constant 2 : i32
    %get3A_273 = arith.index_cast %get3A_272 : i32 to index
    %get3A_274 = arith.constant 16 : index
    %get3A_275 = tpu.vector_load %arg12[%get3A_273, %get3A_274] {strides = array<i32>} : memref<128x128xf32, #tpu.memory_space<vmem>>, vector<1x16xf32>,
    %get3A_276 = vector.shape_cast %get3A_275 : vector<1x16xf32> to vector<16xf32>
    %get3A_277 = arith.constant 2 : i32
    %get3A_278 = arith.index_cast %get3A_277 : i32 to index
    %get3A_279 = arith.constant 32 : index
    %get3A_280 = tpu.vector_load %arg12[%get3A_278, %get3A_279] {strides = array<i32>} : memref<128x128xf32, #tpu.memory_space<vmem>>, vector<1x16xf32>,
    %get3A_281 = vector.shape_cast %get3A_280 : vector<1x16xf32> to vector<16xf32>
    %get3A_282 = arith.constant 2 : i32
    %get3A_283 = arith.index_cast %get3A_282 : i32 to index
    %get3A_284 = arith.constant 48 : index
    %get3A_285 = tpu.vector_load %arg12[%get3A_283, %get3A_284] {strides = array<i32>} : memref<128x128xf32, #tpu.memory_space<vmem>>, vector<1x16xf32>,
    %get3A_286 = vector.shape_cast %get3A_285 : vector<1x16xf32> to vector<16xf32>
    %get3A_287 = arith.constant 2 : i32
    %get3A_288 = arith.index_cast %get3A_287 : i32 to index
    %get3A_289 = arith.constant 64 : index
    %get3A_290 = tpu.vector_load %arg12[%get3A_288, %get3A_289] {strides = array<i32>} : memref<128x128xf32, #tpu.memory_space<vmem>>, vector<1x16xf32>,
    %get3A_291 = vector.shape_cast %get3A_290 : vector<1x16xf32> to vector<16xf32>
    %get3A_292 = arith.constant 2 : i32
    %get3A_293 = arith.index_cast %get3A_292 : i32 to index
    %get3A_294 = arith.constant 80 : index
    %get3A_295 = tpu.vector_load %arg12[%get3A_293, %get3A_294] {strides = array<i32>} : memref<128x128xf32, #tpu.memory_space<vmem>>, vector<1x16xf32>,
    %get3A_296 = vector.shape_cast %get3A_295 : vector<1x16xf32> to vector<16xf32>
    %get3A_297 = arith.constant 2 : i32
    %get3A_298 = arith.index_cast %get3A_297 : i32 to index
    %get3A_299 = arith.constant 96 : index
    %get3A_300 = tpu.vector_load %arg12[%get3A_298, %get3A_299] {strides = array<i32>} : memref<128x128xf32, #tpu.memory_space<vmem>>, vector<1x16xf32>,
    %get3A_301 = vector.shape_cast %get3A_300 : vector<1x16xf32> to vector<16xf32>
    %get3A_302 = arith.constant 2 : i32
    %get3A_303 = arith.index_cast %get3A_302 : i32 to index
    %get3A_304 = arith.constant 112 : index
    %get3A_305 = tpu.vector_load %arg12[%get3A_303, %get3A_304] {strides = array<i32>} : memref<128x128xf32, #tpu.memory_space<vmem>>, vector<1x16xf32>,
    %get3A_306 = vector.shape_cast %get3A_305 : vector<1x16xf32> to vector<16xf32>
    %parallel_loop3A_307 = arith.constant 0 : i32
    %parallel_loop3A_308 = arith.constant 100 : i32
    %parallel_loop3A_309 = arith.constant 1 : i32
    scf.for %parallel_loop3A_535 = %parallel_loop3A_307 to %parallel_loop3A_308 step %parallel_loop3A_309  : i32 {
      %parallel_loop3A_536 = arith.index_cast %parallel_loop3A_535 : i32 to index
      %parallel_loop3A_537 = arith.constant 0 : index
      %parallel_loop3A_538 = tpu.vector_load %arg13[%parallel_loop3A_536, %parallel_loop3A_537] {strides = array<i32>} : memref<100x128xf32, #tpu.memory_space<vmem>>, vector<1x16xf32>,
      %parallel_loop3A_539 = vector.shape_cast %parallel_loop3A_538 : vector<1x16xf32> to vector<16xf32>
      %parallel_loop3A_540 = arith.addf %parallel_loop3A_539, %get3A_271 : vector<16xf32>
      %parallel_loop3A_541 = arith.constant 2 : i32
      %parallel_loop3A_542 = arith.index_cast %parallel_loop3A_541 : i32 to index
      %parallel_loop3A_543 = arith.index_cast %parallel_loop3A_535 : i32 to index
      %parallel_loop3A_544 = arith.constant 0 : index
      %parallel_loop3A_545 = tpu.vector_load %arg14[%parallel_loop3A_542, %parallel_loop3A_543, %parallel_loop3A_544] {strides = array<i32>} : memref<4x100x128xf32, #tpu.memory_space<vmem>>, vector<1x1x16xf32>,
      %parallel_loop3A_546 = vector.shape_cast %parallel_loop3A_545 : vector<1x1x16xf32> to vector<16xf32>
      %parallel_loop3A_547 = vector.shape_cast %parallel_loop3A_540 : vector<16xf32> to vector<1x1x16xf32>
      tpu.vector_store %arg14[%parallel_loop3A_542, %parallel_loop3A_543, %parallel_loop3A_544], %parallel_loop3A_547 {add = true, strides = array<i32>} : memref<4x100x128xf32, #tpu.memory_space<vmem>>, vector<1x1x16xf32>,
      %parallel_loop3A_548 = arith.index_cast %parallel_loop3A_535 : i32 to index
      %parallel_loop3A_549 = arith.constant 16 : index
      %parallel_loop3A_550 = tpu.vector_load %arg13[%parallel_loop3A_548, %parallel_loop3A_549] {strides = array<i32>} : memref<100x128xf32, #tpu.memory_space<vmem>>, vector<1x16xf32>,
      %parallel_loop3A_551 = vector.shape_cast %parallel_loop3A_550 : vector<1x16xf32> to vector<16xf32>
      %parallel_loop3A_552 = arith.addf %parallel_loop3A_551, %get3A_276 : vector<16xf32>
      %parallel_loop3A_553 = arith.constant 2 : i32
      %parallel_loop3A_554 = arith.index_cast %parallel_loop3A_553 : i32 to index
      %parallel_loop3A_555 = arith.index_cast %parallel_loop3A_535 : i32 to index
      %parallel_loop3A_556 = arith.constant 16 : index
      %parallel_loop3A_557 = tpu.vector_load %arg14[%parallel_loop3A_554, %parallel_loop3A_555, %parallel_loop3A_556] {strides = array<i32>} : memref<4x100x128xf32, #tpu.memory_space<vmem>>, vector<1x1x16xf32>,
      %parallel_loop3A_558 = vector.shape_cast %parallel_loop3A_557 : vector<1x1x16xf32> to vector<16xf32>
      %parallel_loop3A_559 = vector.shape_cast %parallel_loop3A_552 : vector<16xf32> to vector<1x1x16xf32>
      tpu.vector_store %arg14[%parallel_loop3A_554, %parallel_loop3A_555, %parallel_loop3A_556], %parallel_loop3A_559 {add = true, strides = array<i32>} : memref<4x100x128xf32, #tpu.memory_space<vmem>>, vector<1x1x16xf32>,
      %parallel_loop3A_560 = arith.index_cast %parallel_loop3A_535 : i32 to index
      %parallel_loop3A_561 = arith.constant 32 : index
      %parallel_loop3A_562 = tpu.vector_load %arg13[%parallel_loop3A_560, %parallel_loop3A_561] {strides = array<i32>} : memref<100x128xf32, #tpu.memory_space<vmem>>, vector<1x16xf32>,
      %parallel_loop3A_563 = vector.shape_cast %parallel_loop3A_562 : vector<1x16xf32> to vector<16xf32>
      %parallel_loop3A_564 = arith.addf %parallel_loop3A_563, %get3A_281 : vector<16xf32>
      %parallel_loop3A_565 = arith.constant 2 : i32
      %parallel_loop3A_566 = arith.index_cast %parallel_loop3A_565 : i32 to index
      %parallel_loop3A_567 = arith.index_cast %parallel_loop3A_535 : i32 to index
      %parallel_loop3A_568 = arith.constant 32 : index
      %parallel_loop3A_569 = tpu.vector_load %arg14[%parallel_loop3A_566, %parallel_loop3A_567, %parallel_loop3A_568] {strides = array<i32>} : memref<4x100x128xf32, #tpu.memory_space<vmem>>, vector<1x1x16xf32>,
      %parallel_loop3A_570 = vector.shape_cast %parallel_loop3A_569 : vector<1x1x16xf32> to vector<16xf32>
      %parallel_loop3A_571 = vector.shape_cast %parallel_loop3A_564 : vector<16xf32> to vector<1x1x16xf32>
      tpu.vector_store %arg14[%parallel_loop3A_566, %parallel_loop3A_567, %parallel_loop3A_568], %parallel_loop3A_571 {add = true, strides = array<i32>} : memref<4x100x128xf32, #tpu.memory_space<vmem>>, vector<1x1x16xf32>,
      %parallel_loop3A_572 = arith.index_cast %parallel_loop3A_535 : i32 to index
      %parallel_loop3A_573 = arith.constant 48 : index
      %parallel_loop3A_574 = tpu.vector_load %arg13[%parallel_loop3A_572, %parallel_loop3A_573] {strides = array<i32>} : memref<100x128xf32, #tpu.memory_space<vmem>>, vector<1x16xf32>,
      %parallel_loop3A_575 = vector.shape_cast %parallel_loop3A_574 : vector<1x16xf32> to vector<16xf32>
      %parallel_loop3A_576 = arith.addf %parallel_loop3A_575, %get3A_286 : vector<16xf32>
      %parallel_loop3A_577 = arith.constant 2 : i32
      %parallel_loop3A_578 = arith.index_cast %parallel_loop3A_577 : i32 to index
      %parallel_loop3A_579 = arith.index_cast %parallel_loop3A_535 : i32 to index
      %parallel_loop3A_580 = arith.constant 48 : index
      %parallel_loop3A_581 = tpu.vector_load %arg14[%parallel_loop3A_578, %parallel_loop3A_579, %parallel_loop3A_580] {strides = array<i32>} : memref<4x100x128xf32, #tpu.memory_space<vmem>>, vector<1x1x16xf32>,
      %parallel_loop3A_582 = vector.shape_cast %parallel_loop3A_581 : vector<1x1x16xf32> to vector<16xf32>
      %parallel_loop3A_583 = vector.shape_cast %parallel_loop3A_576 : vector<16xf32> to vector<1x1x16xf32>
      tpu.vector_store %arg14[%parallel_loop3A_578, %parallel_loop3A_579, %parallel_loop3A_580], %parallel_loop3A_583 {add = true, strides = array<i32>} : memref<4x100x128xf32, #tpu.memory_space<vmem>>, vector<1x1x16xf32>,
      %parallel_loop3A_584 = arith.index_cast %parallel_loop3A_535 : i32 to index
      %parallel_loop3A_585 = arith.constant 64 : index
      %parallel_loop3A_586 = tpu.vector_load %arg13[%parallel_loop3A_584, %parallel_loop3A_585] {strides = array<i32>} : memref<100x128xf32, #tpu.memory_space<vmem>>, vector<1x16xf32>,
      %parallel_loop3A_587 = vector.shape_cast %parallel_loop3A_586 : vector<1x16xf32> to vector<16xf32>
      %parallel_loop3A_588 = arith.addf %parallel_loop3A_587, %get3A_291 : vector<16xf32>
      %parallel_loop3A_589 = arith.constant 2 : i32
      %parallel_loop3A_590 = arith.index_cast %parallel_loop3A_589 : i32 to index
      %parallel_loop3A_591 = arith.index_cast %parallel_loop3A_535 : i32 to index
      %parallel_loop3A_592 = arith.constant 64 : index
      %parallel_loop3A_593 = tpu.vector_load %arg14[%parallel_loop3A_590, %parallel_loop3A_591, %parallel_loop3A_592] {strides = array<i32>} : memref<4x100x128xf32, #tpu.memory_space<vmem>>, vector<1x1x16xf32>,
      %parallel_loop3A_594 = vector.shape_cast %parallel_loop3A_593 : vector<1x1x16xf32> to vector<16xf32>
      %parallel_loop3A_595 = vector.shape_cast %parallel_loop3A_588 : vector<16xf32> to vector<1x1x16xf32>
      tpu.vector_store %arg14[%parallel_loop3A_590, %parallel_loop3A_591, %parallel_loop3A_592], %parallel_loop3A_595 {add = true, strides = array<i32>} : memref<4x100x128xf32, #tpu.memory_space<vmem>>, vector<1x1x16xf32>,
      %parallel_loop3A_596 = arith.index_cast %parallel_loop3A_535 : i32 to index
      %parallel_loop3A_597 = arith.constant 80 : index
      %parallel_loop3A_598 = tpu.vector_load %arg13[%parallel_loop3A_596, %parallel_loop3A_597] {strides = array<i32>} : memref<100x128xf32, #tpu.memory_space<vmem>>, vector<1x16xf32>,
      %parallel_loop3A_599 = vector.shape_cast %parallel_loop3A_598 : vector<1x16xf32> to vector<16xf32>
      %parallel_loop3A_600 = arith.addf %parallel_loop3A_599, %get3A_296 : vector<16xf32>
      %parallel_loop3A_601 = arith.constant 2 : i32
      %parallel_loop3A_602 = arith.index_cast %parallel_loop3A_601 : i32 to index
      %parallel_loop3A_603 = arith.index_cast %parallel_loop3A_535 : i32 to index
      %parallel_loop3A_604 = arith.constant 80 : index
      %parallel_loop3A_605 = tpu.vector_load %arg14[%parallel_loop3A_602, %parallel_loop3A_603, %parallel_loop3A_604] {strides = array<i32>} : memref<4x100x128xf32, #tpu.memory_space<vmem>>, vector<1x1x16xf32>,
      %parallel_loop3A_606 = vector.shape_cast %parallel_loop3A_605 : vector<1x1x16xf32> to vector<16xf32>
      %parallel_loop3A_607 = vector.shape_cast %parallel_loop3A_600 : vector<16xf32> to vector<1x1x16xf32>
      tpu.vector_store %arg14[%parallel_loop3A_602, %parallel_loop3A_603, %parallel_loop3A_604], %parallel_loop3A_607 {add = true, strides = array<i32>} : memref<4x100x128xf32, #tpu.memory_space<vmem>>, vector<1x1x16xf32>,
      %parallel_loop3A_608 = arith.index_cast %parallel_loop3A_535 : i32 to index
      %parallel_loop3A_609 = arith.constant 96 : index
      %parallel_loop3A_610 = tpu.vector_load %arg13[%parallel_loop3A_608, %parallel_loop3A_609] {strides = array<i32>} : memref<100x128xf32, #tpu.memory_space<vmem>>, vector<1x16xf32>,
      %parallel_loop3A_611 = vector.shape_cast %parallel_loop3A_610 : vector<1x16xf32> to vector<16xf32>
      %parallel_loop3A_612 = arith.addf %parallel_loop3A_611, %get3A_301 : vector<16xf32>
      %parallel_loop3A_613 = arith.constant 2 : i32
      %parallel_loop3A_614 = arith.index_cast %parallel_loop3A_613 : i32 to index
      %parallel_loop3A_615 = arith.index_cast %parallel_loop3A_535 : i32 to index
      %parallel_loop3A_616 = arith.constant 96 : index
      %parallel_loop3A_617 = tpu.vector_load %arg14[%parallel_loop3A_614, %parallel_loop3A_615, %parallel_loop3A_616] {strides = array<i32>} : memref<4x100x128xf32, #tpu.memory_space<vmem>>, vector<1x1x16xf32>,
      %parallel_loop3A_618 = vector.shape_cast %parallel_loop3A_617 : vector<1x1x16xf32> to vector<16xf32>
      %parallel_loop3A_619 = vector.shape_cast %parallel_loop3A_612 : vector<16xf32> to vector<1x1x16xf32>
      tpu.vector_store %arg14[%parallel_loop3A_614, %parallel_loop3A_615, %parallel_loop3A_616], %parallel_loop3A_619 {add = true, strides = array<i32>} : memref<4x100x128xf32, #tpu.memory_space<vmem>>, vector<1x1x16xf32>,
      %parallel_loop3A_620 = arith.index_cast %parallel_loop3A_535 : i32 to index
      %parallel_loop3A_621 = arith.constant 112 : index
      %parallel_loop3A_622 = tpu.vector_load %arg13[%parallel_loop3A_620, %parallel_loop3A_621] {strides = array<i32>} : memref<100x128xf32, #tpu.memory_space<vmem>>, vector<1x16xf32>,
      %parallel_loop3A_623 = vector.shape_cast %parallel_loop3A_622 : vector<1x16xf32> to vector<16xf32>
      %parallel_loop3A_624 = arith.addf %parallel_loop3A_623, %get3A_306 : vector<16xf32>
      %parallel_loop3A_625 = arith.constant 2 : i32
      %parallel_loop3A_626 = arith.index_cast %parallel_loop3A_625 : i32 to index
      %parallel_loop3A_627 = arith.index_cast %parallel_loop3A_535 : i32 to index
      %parallel_loop3A_628 = arith.constant 112 : index
      %parallel_loop3A_629 = tpu.vector_load %arg14[%parallel_loop3A_626, %parallel_loop3A_627, %parallel_loop3A_628] {strides = array<i32>} : memref<4x100x128xf32, #tpu.memory_space<vmem>>, vector<1x1x16xf32>,
      %parallel_loop3A_630 = vector.shape_cast %parallel_loop3A_629 : vector<1x1x16xf32> to vector<16xf32>
      %parallel_loop3A_631 = vector.shape_cast %parallel_loop3A_624 : vector<16xf32> to vector<1x1x16xf32>
      tpu.vector_store %arg14[%parallel_loop3A_626, %parallel_loop3A_627, %parallel_loop3A_628], %parallel_loop3A_631 {add = true, strides = array<i32>} : memref<4x100x128xf32, #tpu.memory_space<vmem>>, vector<1x1x16xf32>,
    } {sc.loop_unroll_factor = 4 : i64, sc.parallel_access}
    %add3A_310 = arith.constant 2 : i32
    %add3A_311 = arith.addi %mul3A_2, %add3A_310 : i32
    %dma_start3A_312 = arith.constant 2 : i32
    %dma_start3A_313 = arith.constant 0 : i32
    %dma_start3A_314 = arith.constant 0 : i32
    %dma_start3A_315 = tpu.memref_slice %arg14[%dma_start3A_312, %dma_start3A_313, %dma_start3A_314] : memref<4x100x128xf32, #tpu.memory_space<vmem>> -> memref<1x100x128xf32, #tpu.memory_space<vmem>>
    %dma_start3A_316 = tpu.memref_squeeze %dma_start3A_315 : memref<1x100x128xf32, #tpu.memory_space<vmem>> -> memref<100x128xf32, #tpu.memory_space<vmem>>
    %dma_start3A_317 = arith.constant 0 : i32
    %dma_start3A_318 = arith.constant 0 : i32
    %dma_start3A_319 = tpu.memref_slice %arg9[%add3A_311, %dma_start3A_317, %dma_start3A_318] : memref<4096x100x128xf32, #tpu.memory_space<hbm>> -> memref<1x100x128xf32, #tpu.memory_space<hbm>>
    %dma_start3A_320 = tpu.memref_squeeze %dma_start3A_319 : memref<1x100x128xf32, #tpu.memory_space<hbm>> -> memref<100x128xf32, #tpu.memory_space<hbm>>
    %dma_start3A_321 = arith.constant 0 : i32
    %dma_start3A_322 = arith.constant 0 : i32
    %dma_start3A_323 = tpu.memref_slice %arg9[%add3A_311, %dma_start3A_321, %dma_start3A_322] : memref<4096x100x128xf32, #tpu.memory_space<hbm>> -> memref<1x100x128xf32, #tpu.memory_space<hbm>>
    %dma_start3A_324 = tpu.memref_squeeze %dma_start3A_323 : memref<1x100x128xf32, #tpu.memory_space<hbm>> -> memref<100x128xf32, #tpu.memory_space<hbm>>
    %dma_start3A_325 = arith.constant 0 : i32
    %dma_start3A_326 = arith.constant 0 : i32
    %dma_start3A_327 = tpu.memref_slice %arg14[%dma_start3A_312, %dma_start3A_325, %dma_start3A_326] : memref<4x100x128xf32, #tpu.memory_space<vmem>> -> memref<1x100x128xf32, #tpu.memory_space<vmem>>
    %dma_start3A_328 = tpu.memref_squeeze %dma_start3A_327 : memref<1x100x128xf32, #tpu.memory_space<vmem>> -> memref<100x128xf32, #tpu.memory_space<vmem>>
    tpu.enqueue_dma source(%dma_start3A_328 : memref<100x128xf32, #tpu.memory_space<vmem>>) target(%dma_start3A_324 : memref<100x128xf32, #tpu.memory_space<hbm>>) target_semaphore(%arg24 : memref<!tpu.dma_semaphore, #tpu.memory_space<semaphore_mem>>)
    %dma_wait3A_329 = arith.constant 1 : i32
    %dma_wait3A_330 = arith.constant 0 : i32
    %dma_wait3A_331 = arith.constant 0 : i32
    %dma_wait3A_332 = tpu.memref_slice %arg14[%dma_wait3A_329, %dma_wait3A_330, %dma_wait3A_331] : memref<4x100x128xf32, #tpu.memory_space<vmem>> -> memref<1x100x128xf32, #tpu.memory_space<vmem>>
    %dma_wait3A_333 = tpu.memref_squeeze %dma_wait3A_332 : memref<1x100x128xf32, #tpu.memory_space<vmem>> -> memref<100x128xf32, #tpu.memory_space<vmem>>
    %dma_wait3A_334 = arith.constant 0 : i32
    %dma_wait3A_335 = arith.constant 0 : i32
    %dma_wait3A_336 = tpu.memref_slice %arg9[%mul3A_2, %dma_wait3A_334, %dma_wait3A_335] : memref<4096x100x128xf32, #tpu.memory_space<hbm>> -> memref<1x100x128xf32, #tpu.memory_space<hbm>>
    %dma_wait3A_337 = tpu.memref_squeeze %dma_wait3A_336 : memref<1x100x128xf32, #tpu.memory_space<hbm>> -> memref<100x128xf32, #tpu.memory_space<hbm>>
    %dma_wait3A_338 = arith.constant 0 : i32
    %dma_wait3A_339 = arith.constant 0 : i32
    %dma_wait3A_340 = tpu.memref_slice %arg9[%mul3A_2, %dma_wait3A_338, %dma_wait3A_339] : memref<4096x100x128xf32, #tpu.memory_space<hbm>> -> memref<1x100x128xf32, #tpu.memory_space<hbm>>
    %dma_wait3A_341 = tpu.memref_squeeze %dma_wait3A_340 : memref<1x100x128xf32, #tpu.memory_space<hbm>> -> memref<100x128xf32, #tpu.memory_space<hbm>>
    %dma_wait3A_342 = arith.constant 0 : i32
    %dma_wait3A_343 = arith.constant 0 : i32
    %dma_wait3A_344 = tpu.memref_slice %arg14[%dma_wait3A_329, %dma_wait3A_342, %dma_wait3A_343] : memref<4x100x128xf32, #tpu.memory_space<vmem>> -> memref<1x100x128xf32, #tpu.memory_space<vmem>>
    %dma_wait3A_345 = tpu.memref_squeeze %dma_wait3A_344 : memref<1x100x128xf32, #tpu.memory_space<vmem>> -> memref<100x128xf32, #tpu.memory_space<vmem>>
    tpu.wait_dma2 semaphore(%arg23 : memref<!tpu.dma_semaphore, #tpu.memory_space<semaphore_mem>>) src(%dma_wait3A_345 : memref<100x128xf32, #tpu.memory_space<vmem>>) dst(%dma_wait3A_341 : memref<100x128xf32, #tpu.memory_space<hbm>>)
    %dma_start3A_346 = arith.constant 5 : i32
    %dma_start3A_347 = arith.constant 1 : i32
    %dma_start3A_348 = arith.constant 0 : i32
    %dma_start3A_349 = arith.constant 0 : i32
    %dma_start3A_350 = tpu.memref_slice %arg14[%dma_start3A_347, %dma_start3A_348, %dma_start3A_349] : memref<4x100x128xf32, #tpu.memory_space<vmem>> -> memref<1x100x128xf32, #tpu.memory_space<vmem>>
    %dma_start3A_351 = tpu.memref_squeeze %dma_start3A_350 : memref<1x100x128xf32, #tpu.memory_space<vmem>> -> memref<100x128xf32, #tpu.memory_space<vmem>>
    %dma_start3A_352 = arith.constant 0 : i32
    %dma_start3A_353 = tpu.memref_slice %arg10[%dma_start3A_346, %dma_start3A_352] : memref<128x100xi32, #tpu.memory_space<vmem>> -> memref<1x100xi32, #tpu.memory_space<vmem>>
    %dma_start3A_354 = tpu.memref_squeeze %dma_start3A_353 : memref<1x100xi32, #tpu.memory_space<vmem>> -> memref<100xi32, #tpu.memory_space<vmem>>
    %dma_start3A_355 = arith.constant 0 : i32
    %dma_start3A_356 = arith.constant 0 : i32
    %dma_start3A_357 = tpu.memref_slice %arg17[%dma_start3A_355, %dma_start3A_356] : memref<1000x128xf32, #tpu.memory_space<vmem_shared>> -> memref<1000x128xf32, #tpu.memory_space<vmem_shared>>
    tpu.enqueue_indirect_dma source(%dma_start3A_357 : memref<1000x128xf32, #tpu.memory_space<vmem_shared>>) target(%dma_start3A_351 : memref<100x128xf32, #tpu.memory_space<vmem>>) offsets(%dma_start3A_354 : memref<100xi32, #tpu.memory_space<vmem>>) semaphore(%arg19 : memref<!tpu.dma_semaphore, #tpu.memory_space<semaphore_mem>>)
    %dma_wait3A_358 = arith.constant 3 : i32
    %dma_wait3A_359 = arith.constant 3 : i32
    %dma_wait3A_360 = arith.constant 0 : i32
    %dma_wait3A_361 = arith.constant 0 : i32
    %dma_wait3A_362 = tpu.memref_slice %arg14[%dma_wait3A_359, %dma_wait3A_360, %dma_wait3A_361] : memref<4x100x128xf32, #tpu.memory_space<vmem>> -> memref<1x100x128xf32, #tpu.memory_space<vmem>>
    %dma_wait3A_363 = tpu.memref_squeeze %dma_wait3A_362 : memref<1x100x128xf32, #tpu.memory_space<vmem>> -> memref<100x128xf32, #tpu.memory_space<vmem>>
    %dma_wait3A_364 = arith.constant 0 : i32
    %dma_wait3A_365 = tpu.memref_slice %arg10[%dma_wait3A_358, %dma_wait3A_364] : memref<128x100xi32, #tpu.memory_space<vmem>> -> memref<1x100xi32, #tpu.memory_space<vmem>>
    %dma_wait3A_366 = tpu.memref_squeeze %dma_wait3A_365 : memref<1x100xi32, #tpu.memory_space<vmem>> -> memref<100xi32, #tpu.memory_space<vmem>>
    %dma_wait3A_367 = arith.constant 0 : i32
    %dma_wait3A_368 = arith.constant 0 : i32
    %dma_wait3A_369 = tpu.memref_slice %arg17[%dma_wait3A_367, %dma_wait3A_368] : memref<1000x128xf32, #tpu.memory_space<vmem_shared>> -> memref<1000x128xf32, #tpu.memory_space<vmem_shared>>
    tpu.wait_indirect_dma semaphore(%arg21 : memref<!tpu.dma_semaphore, #tpu.memory_space<semaphore_mem>>) src(%dma_wait3A_369 : memref<1000x128xf32, #tpu.memory_space<vmem_shared>>) dst(%dma_wait3A_363 : memref<100x128xf32, #tpu.memory_space<vmem>>)
    %get3A_370 = arith.constant 3 : i32
    %get3A_371 = arith.index_cast %get3A_370 : i32 to index
    %get3A_372 = arith.constant 0 : index
    %get3A_373 = tpu.vector_load %arg12[%get3A_371, %get3A_372] {strides = array<i32>} : memref<128x128xf32, #tpu.memory_space<vmem>>, vector<1x16xf32>,
    %get3A_374 = vector.shape_cast %get3A_373 : vector<1x16xf32> to vector<16xf32>
    %get3A_375 = arith.constant 3 : i32
    %get3A_376 = arith.index_cast %get3A_375 : i32 to index
    %get3A_377 = arith.constant 16 : index
    %get3A_378 = tpu.vector_load %arg12[%get3A_376, %get3A_377] {strides = array<i32>} : memref<128x128xf32, #tpu.memory_space<vmem>>, vector<1x16xf32>,
    %get3A_379 = vector.shape_cast %get3A_378 : vector<1x16xf32> to vector<16xf32>
    %get3A_380 = arith.constant 3 : i32
    %get3A_381 = arith.index_cast %get3A_380 : i32 to index
    %get3A_382 = arith.constant 32 : index
    %get3A_383 = tpu.vector_load %arg12[%get3A_381, %get3A_382] {strides = array<i32>} : memref<128x128xf32, #tpu.memory_space<vmem>>, vector<1x16xf32>,
    %get3A_384 = vector.shape_cast %get3A_383 : vector<1x16xf32> to vector<16xf32>
    %get3A_385 = arith.constant 3 : i32
    %get3A_386 = arith.index_cast %get3A_385 : i32 to index
    %get3A_387 = arith.constant 48 : index
    %get3A_388 = tpu.vector_load %arg12[%get3A_386, %get3A_387] {strides = array<i32>} : memref<128x128xf32, #tpu.memory_space<vmem>>, vector<1x16xf32>,
    %get3A_389 = vector.shape_cast %get3A_388 : vector<1x16xf32> to vector<16xf32>
    %get3A_390 = arith.constant 3 : i32
    %get3A_391 = arith.index_cast %get3A_390 : i32 to index
    %get3A_392 = arith.constant 64 : index
    %get3A_393 = tpu.vector_load %arg12[%get3A_391, %get3A_392] {strides = array<i32>} : memref<128x128xf32, #tpu.memory_space<vmem>>, vector<1x16xf32>,
    %get3A_394 = vector.shape_cast %get3A_393 : vector<1x16xf32> to vector<16xf32>
    %get3A_395 = arith.constant 3 : i32
    %get3A_396 = arith.index_cast %get3A_395 : i32 to index
    %get3A_397 = arith.constant 80 : index
    %get3A_398 = tpu.vector_load %arg12[%get3A_396, %get3A_397] {strides = array<i32>} : memref<128x128xf32, #tpu.memory_space<vmem>>, vector<1x16xf32>,
    %get3A_399 = vector.shape_cast %get3A_398 : vector<1x16xf32> to vector<16xf32>
    %get3A_400 = arith.constant 3 : i32
    %get3A_401 = arith.index_cast %get3A_400 : i32 to index
    %get3A_402 = arith.constant 96 : index
    %get3A_403 = tpu.vector_load %arg12[%get3A_401, %get3A_402] {strides = array<i32>} : memref<128x128xf32, #tpu.memory_space<vmem>>, vector<1x16xf32>,
    %get3A_404 = vector.shape_cast %get3A_403 : vector<1x16xf32> to vector<16xf32>
    %get3A_405 = arith.constant 3 : i32
    %get3A_406 = arith.index_cast %get3A_405 : i32 to index
    %get3A_407 = arith.constant 112 : index
    %get3A_408 = tpu.vector_load %arg12[%get3A_406, %get3A_407] {strides = array<i32>} : memref<128x128xf32, #tpu.memory_space<vmem>>, vector<1x16xf32>,
    %get3A_409 = vector.shape_cast %get3A_408 : vector<1x16xf32> to vector<16xf32>
    %parallel_loop3A_410 = arith.constant 0 : i32
    %parallel_loop3A_411 = arith.constant 100 : i32
    %parallel_loop3A_412 = arith.constant 1 : i32
    scf.for %parallel_loop3A_535 = %parallel_loop3A_410 to %parallel_loop3A_411 step %parallel_loop3A_412  : i32 {
      %parallel_loop3A_536 = arith.index_cast %parallel_loop3A_535 : i32 to index
      %parallel_loop3A_537 = arith.constant 0 : index
      %parallel_loop3A_538 = tpu.vector_load %arg13[%parallel_loop3A_536, %parallel_loop3A_537] {strides = array<i32>} : memref<100x128xf32, #tpu.memory_space<vmem>>, vector<1x16xf32>,
      %parallel_loop3A_539 = vector.shape_cast %parallel_loop3A_538 : vector<1x16xf32> to vector<16xf32>
      %parallel_loop3A_540 = arith.addf %parallel_loop3A_539, %get3A_374 : vector<16xf32>
      %parallel_loop3A_541 = arith.constant 3 : i32
      %parallel_loop3A_542 = arith.index_cast %parallel_loop3A_541 : i32 to index
      %parallel_loop3A_543 = arith.index_cast %parallel_loop3A_535 : i32 to index
      %parallel_loop3A_544 = arith.constant 0 : index
      %parallel_loop3A_545 = tpu.vector_load %arg14[%parallel_loop3A_542, %parallel_loop3A_543, %parallel_loop3A_544] {strides = array<i32>} : memref<4x100x128xf32, #tpu.memory_space<vmem>>, vector<1x1x16xf32>,
      %parallel_loop3A_546 = vector.shape_cast %parallel_loop3A_545 : vector<1x1x16xf32> to vector<16xf32>
      %parallel_loop3A_547 = vector.shape_cast %parallel_loop3A_540 : vector<16xf32> to vector<1x1x16xf32>
      tpu.vector_store %arg14[%parallel_loop3A_542, %parallel_loop3A_543, %parallel_loop3A_544], %parallel_loop3A_547 {add = true, strides = array<i32>} : memref<4x100x128xf32, #tpu.memory_space<vmem>>, vector<1x1x16xf32>,
      %parallel_loop3A_548 = arith.index_cast %parallel_loop3A_535 : i32 to index
      %parallel_loop3A_549 = arith.constant 16 : index
      %parallel_loop3A_550 = tpu.vector_load %arg13[%parallel_loop3A_548, %parallel_loop3A_549] {strides = array<i32>} : memref<100x128xf32, #tpu.memory_space<vmem>>, vector<1x16xf32>,
      %parallel_loop3A_551 = vector.shape_cast %parallel_loop3A_550 : vector<1x16xf32> to vector<16xf32>
      %parallel_loop3A_552 = arith.addf %parallel_loop3A_551, %get3A_379 : vector<16xf32>
      %parallel_loop3A_553 = arith.constant 3 : i32
      %parallel_loop3A_554 = arith.index_cast %parallel_loop3A_553 : i32 to index
      %parallel_loop3A_555 = arith.index_cast %parallel_loop3A_535 : i32 to index
      %parallel_loop3A_556 = arith.constant 16 : index
      %parallel_loop3A_557 = tpu.vector_load %arg14[%parallel_loop3A_554, %parallel_loop3A_555, %parallel_loop3A_556] {strides = array<i32>} : memref<4x100x128xf32, #tpu.memory_space<vmem>>, vector<1x1x16xf32>,
      %parallel_loop3A_558 = vector.shape_cast %parallel_loop3A_557 : vector<1x1x16xf32> to vector<16xf32>
      %parallel_loop3A_559 = vector.shape_cast %parallel_loop3A_552 : vector<16xf32> to vector<1x1x16xf32>
      tpu.vector_store %arg14[%parallel_loop3A_554, %parallel_loop3A_555, %parallel_loop3A_556], %parallel_loop3A_559 {add = true, strides = array<i32>} : memref<4x100x128xf32, #tpu.memory_space<vmem>>, vector<1x1x16xf32>,
      %parallel_loop3A_560 = arith.index_cast %parallel_loop3A_535 : i32 to index
      %parallel_loop3A_561 = arith.constant 32 : index
      %parallel_loop3A_562 = tpu.vector_load %arg13[%parallel_loop3A_560, %parallel_loop3A_561] {strides = array<i32>} : memref<100x128xf32, #tpu.memory_space<vmem>>, vector<1x16xf32>,
      %parallel_loop3A_563 = vector.shape_cast %parallel_loop3A_562 : vector<1x16xf32> to vector<16xf32>
      %parallel_loop3A_564 = arith.addf %parallel_loop3A_563, %get3A_384 : vector<16xf32>
      %parallel_loop3A_565 = arith.constant 3 : i32
      %parallel_loop3A_566 = arith.index_cast %parallel_loop3A_565 : i32 to index
      %parallel_loop3A_567 = arith.index_cast %parallel_loop3A_535 : i32 to index
      %parallel_loop3A_568 = arith.constant 32 : index
      %parallel_loop3A_569 = tpu.vector_load %arg14[%parallel_loop3A_566, %parallel_loop3A_567, %parallel_loop3A_568] {strides = array<i32>} : memref<4x100x128xf32, #tpu.memory_space<vmem>>, vector<1x1x16xf32>,
      %parallel_loop3A_570 = vector.shape_cast %parallel_loop3A_569 : vector<1x1x16xf32> to vector<16xf32>
      %parallel_loop3A_571 = vector.shape_cast %parallel_loop3A_564 : vector<16xf32> to vector<1x1x16xf32>
      tpu.vector_store %arg14[%parallel_loop3A_566, %parallel_loop3A_567, %parallel_loop3A_568], %parallel_loop3A_571 {add = true, strides = array<i32>} : memref<4x100x128xf32, #tpu.memory_space<vmem>>, vector<1x1x16xf32>,
      %parallel_loop3A_572 = arith.index_cast %parallel_loop3A_535 : i32 to index
      %parallel_loop3A_573 = arith.constant 48 : index
      %parallel_loop3A_574 = tpu.vector_load %arg13[%parallel_loop3A_572, %parallel_loop3A_573] {strides = array<i32>} : memref<100x128xf32, #tpu.memory_space<vmem>>, vector<1x16xf32>,
      %parallel_loop3A_575 = vector.shape_cast %parallel_loop3A_574 : vector<1x16xf32> to vector<16xf32>
      %parallel_loop3A_576 = arith.addf %parallel_loop3A_575, %get3A_389 : vector<16xf32>
      %parallel_loop3A_577 = arith.constant 3 : i32
      %parallel_loop3A_578 = arith.index_cast %parallel_loop3A_577 : i32 to index
      %parallel_loop3A_579 = arith.index_cast %parallel_loop3A_535 : i32 to index
      %parallel_loop3A_580 = arith.constant 48 : index
      %parallel_loop3A_581 = tpu.vector_load %arg14[%parallel_loop3A_578, %parallel_loop3A_579, %parallel_loop3A_580] {strides = array<i32>} : memref<4x100x128xf32, #tpu.memory_space<vmem>>, vector<1x1x16xf32>,
      %parallel_loop3A_582 = vector.shape_cast %parallel_loop3A_581 : vector<1x1x16xf32> to vector<16xf32>
      %parallel_loop3A_583 = vector.shape_cast %parallel_loop3A_576 : vector<16xf32> to vector<1x1x16xf32>
      tpu.vector_store %arg14[%parallel_loop3A_578, %parallel_loop3A_579, %parallel_loop3A_580], %parallel_loop3A_583 {add = true, strides = array<i32>} : memref<4x100x128xf32, #tpu.memory_space<vmem>>, vector<1x1x16xf32>,
      %parallel_loop3A_584 = arith.index_cast %parallel_loop3A_535 : i32 to index
      %parallel_loop3A_585 = arith.constant 64 : index
      %parallel_loop3A_586 = tpu.vector_load %arg13[%parallel_loop3A_584, %parallel_loop3A_585] {strides = array<i32>} : memref<100x128xf32, #tpu.memory_space<vmem>>, vector<1x16xf32>,
      %parallel_loop3A_587 = vector.shape_cast %parallel_loop3A_586 : vector<1x16xf32> to vector<16xf32>
      %parallel_loop3A_588 = arith.addf %parallel_loop3A_587, %get3A_394 : vector<16xf32>
      %parallel_loop3A_589 = arith.constant 3 : i32
      %parallel_loop3A_590 = arith.index_cast %parallel_loop3A_589 : i32 to index
      %parallel_loop3A_591 = arith.index_cast %parallel_loop3A_535 : i32 to index
      %parallel_loop3A_592 = arith.constant 64 : index
      %parallel_loop3A_593 = tpu.vector_load %arg14[%parallel_loop3A_590, %parallel_loop3A_591, %parallel_loop3A_592] {strides = array<i32>} : memref<4x100x128xf32, #tpu.memory_space<vmem>>, vector<1x1x16xf32>,
      %parallel_loop3A_594 = vector.shape_cast %parallel_loop3A_593 : vector<1x1x16xf32> to vector<16xf32>
      %parallel_loop3A_595 = vector.shape_cast %parallel_loop3A_588 : vector<16xf32> to vector<1x1x16xf32>
      tpu.vector_store %arg14[%parallel_loop3A_590, %parallel_loop3A_591, %parallel_loop3A_592], %parallel_loop3A_595 {add = true, strides = array<i32>} : memref<4x100x128xf32, #tpu.memory_space<vmem>>, vector<1x1x16xf32>,
      %parallel_loop3A_596 = arith.index_cast %parallel_loop3A_535 : i32 to index
      %parallel_loop3A_597 = arith.constant 80 : index
      %parallel_loop3A_598 = tpu.vector_load %arg13[%parallel_loop3A_596, %parallel_loop3A_597] {strides = array<i32>} : memref<100x128xf32, #tpu.memory_space<vmem>>, vector<1x16xf32>,
      %parallel_loop3A_599 = vector.shape_cast %parallel_loop3A_598 : vector<1x16xf32> to vector<16xf32>
      %parallel_loop3A_600 = arith.addf %parallel_loop3A_599, %get3A_399 : vector<16xf32>
      %parallel_loop3A_601 = arith.constant 3 : i32
      %parallel_loop3A_602 = arith.index_cast %parallel_loop3A_601 : i32 to index
      %parallel_loop3A_603 = arith.index_cast %parallel_loop3A_535 : i32 to index
      %parallel_loop3A_604 = arith.constant 80 : index
      %parallel_loop3A_605 = tpu.vector_load %arg14[%parallel_loop3A_602, %parallel_loop3A_603, %parallel_loop3A_604] {strides = array<i32>} : memref<4x100x128xf32, #tpu.memory_space<vmem>>, vector<1x1x16xf32>,
      %parallel_loop3A_606 = vector.shape_cast %parallel_loop3A_605 : vector<1x1x16xf32> to vector<16xf32>
      %parallel_loop3A_607 = vector.shape_cast %parallel_loop3A_600 : vector<16xf32> to vector<1x1x16xf32>
      tpu.vector_store %arg14[%parallel_loop3A_602, %parallel_loop3A_603, %parallel_loop3A_604], %parallel_loop3A_607 {add = true, strides = array<i32>} : memref<4x100x128xf32, #tpu.memory_space<vmem>>, vector<1x1x16xf32>,
      %parallel_loop3A_608 = arith.index_cast %parallel_loop3A_535 : i32 to index
      %parallel_loop3A_609 = arith.constant 96 : index
      %parallel_loop3A_610 = tpu.vector_load %arg13[%parallel_loop3A_608, %parallel_loop3A_609] {strides = array<i32>} : memref<100x128xf32, #tpu.memory_space<vmem>>, vector<1x16xf32>,
      %parallel_loop3A_611 = vector.shape_cast %parallel_loop3A_610 : vector<1x16xf32> to vector<16xf32>
      %parallel_loop3A_612 = arith.addf %parallel_loop3A_611, %get3A_404 : vector<16xf32>
      %parallel_loop3A_613 = arith.constant 3 : i32
      %parallel_loop3A_614 = arith.index_cast %parallel_loop3A_613 : i32 to index
      %parallel_loop3A_615 = arith.index_cast %parallel_loop3A_535 : i32 to index
      %parallel_loop3A_616 = arith.constant 96 : index
      %parallel_loop3A_617 = tpu.vector_load %arg14[%parallel_loop3A_614, %parallel_loop3A_615, %parallel_loop3A_616] {strides = array<i32>} : memref<4x100x128xf32, #tpu.memory_space<vmem>>, vector<1x1x16xf32>,
      %parallel_loop3A_618 = vector.shape_cast %parallel_loop3A_617 : vector<1x1x16xf32> to vector<16xf32>
      %parallel_loop3A_619 = vector.shape_cast %parallel_loop3A_612 : vector<16xf32> to vector<1x1x16xf32>
      tpu.vector_store %arg14[%parallel_loop3A_614, %parallel_loop3A_615, %parallel_loop3A_616], %parallel_loop3A_619 {add = true, strides = array<i32>} : memref<4x100x128xf32, #tpu.memory_space<vmem>>, vector<1x1x16xf32>,
      %parallel_loop3A_620 = arith.index_cast %parallel_loop3A_535 : i32 to index
      %parallel_loop3A_621 = arith.constant 112 : index
      %parallel_loop3A_622 = tpu.vector_load %arg13[%parallel_loop3A_620, %parallel_loop3A_621] {strides = array<i32>} : memref<100x128xf32, #tpu.memory_space<vmem>>, vector<1x16xf32>,
      %parallel_loop3A_623 = vector.shape_cast %parallel_loop3A_622 : vector<1x16xf32> to vector<16xf32>
      %parallel_loop3A_624 = arith.addf %parallel_loop3A_623, %get3A_409 : vector<16xf32>
      %parallel_loop3A_625 = arith.constant 3 : i32
      %parallel_loop3A_626 = arith.index_cast %parallel_loop3A_625 : i32 to index
      %parallel_loop3A_627 = arith.index_cast %parallel_loop3A_535 : i32 to index
      %parallel_loop3A_628 = arith.constant 112 : index
      %parallel_loop3A_629 = tpu.vector_load %arg14[%parallel_loop3A_626, %parallel_loop3A_627, %parallel_loop3A_628] {strides = array<i32>} : memref<4x100x128xf32, #tpu.memory_space<vmem>>, vector<1x1x16xf32>,
      %parallel_loop3A_630 = vector.shape_cast %parallel_loop3A_629 : vector<1x1x16xf32> to vector<16xf32>
      %parallel_loop3A_631 = vector.shape_cast %parallel_loop3A_624 : vector<16xf32> to vector<1x1x16xf32>
      tpu.vector_store %arg14[%parallel_loop3A_626, %parallel_loop3A_627, %parallel_loop3A_628], %parallel_loop3A_631 {add = true, strides = array<i32>} : memref<4x100x128xf32, #tpu.memory_space<vmem>>, vector<1x1x16xf32>,
    } {sc.loop_unroll_factor = 4 : i64, sc.parallel_access}
    %add3A_413 = arith.constant 3 : i32
    %add3A_414 = arith.addi %mul3A_2, %add3A_413 : i32
    %dma_start3A_415 = arith.constant 3 : i32
    %dma_start3A_416 = arith.constant 0 : i32
    %dma_start3A_417 = arith.constant 0 : i32
    %dma_start3A_418 = tpu.memref_slice %arg14[%dma_start3A_415, %dma_start3A_416, %dma_start3A_417] : memref<4x100x128xf32, #tpu.memory_space<vmem>> -> memref<1x100x128xf32, #tpu.memory_space<vmem>>
    %dma_start3A_419 = tpu.memref_squeeze %dma_start3A_418 : memref<1x100x128xf32, #tpu.memory_space<vmem>> -> memref<100x128xf32, #tpu.memory_space<vmem>>
    %dma_start3A_420 = arith.constant 0 : i32
    %dma_start3A_421 = arith.constant 0 : i32
    %dma_start3A_422 = tpu.memref_slice %arg9[%add3A_414, %dma_start3A_420, %dma_start3A_421] : memref<4096x100x128xf32, #tpu.memory_space<hbm>> -> memref<1x100x128xf32, #tpu.memory_space<hbm>>
    %dma_start3A_423 = tpu.memref_squeeze %dma_start3A_422 : memref<1x100x128xf32, #tpu.memory_space<hbm>> -> memref<100x128xf32, #tpu.memory_space<hbm>>
    %dma_start3A_424 = arith.constant 0 : i32
    %dma_start3A_425 = arith.constant 0 : i32
    %dma_start3A_426 = tpu.memref_slice %arg9[%add3A_414, %dma_start3A_424, %dma_start3A_425] : memref<4096x100x128xf32, #tpu.memory_space<hbm>> -> memref<1x100x128xf32, #tpu.memory_space<hbm>>
    %dma_start3A_427 = tpu.memref_squeeze %dma_start3A_426 : memref<1x100x128xf32, #tpu.memory_space<hbm>> -> memref<100x128xf32, #tpu.memory_space<hbm>>
    %dma_start3A_428 = arith.constant 0 : i32
    %dma_start3A_429 = arith.constant 0 : i32
    %dma_start3A_430 = tpu.memref_slice %arg14[%dma_start3A_415, %dma_start3A_428, %dma_start3A_429] : memref<4x100x128xf32, #tpu.memory_space<vmem>> -> memref<1x100x128xf32, #tpu.memory_space<vmem>>
    %dma_start3A_431 = tpu.memref_squeeze %dma_start3A_430 : memref<1x100x128xf32, #tpu.memory_space<vmem>> -> memref<100x128xf32, #tpu.memory_space<vmem>>
    tpu.enqueue_dma source(%dma_start3A_431 : memref<100x128xf32, #tpu.memory_space<vmem>>) target(%dma_start3A_427 : memref<100x128xf32, #tpu.memory_space<hbm>>) target_semaphore(%arg25 : memref<!tpu.dma_semaphore, #tpu.memory_space<semaphore_mem>>)
    %dma_wait3A_432 = arith.constant 2 : i32
    %dma_wait3A_433 = arith.constant 0 : i32
    %dma_wait3A_434 = arith.constant 0 : i32
    %dma_wait3A_435 = tpu.memref_slice %arg14[%dma_wait3A_432, %dma_wait3A_433, %dma_wait3A_434] : memref<4x100x128xf32, #tpu.memory_space<vmem>> -> memref<1x100x128xf32, #tpu.memory_space<vmem>>
    %dma_wait3A_436 = tpu.memref_squeeze %dma_wait3A_435 : memref<1x100x128xf32, #tpu.memory_space<vmem>> -> memref<100x128xf32, #tpu.memory_space<vmem>>
    %dma_wait3A_437 = arith.constant 0 : i32
    %dma_wait3A_438 = arith.constant 0 : i32
    %dma_wait3A_439 = tpu.memref_slice %arg9[%mul3A_2, %dma_wait3A_437, %dma_wait3A_438] : memref<4096x100x128xf32, #tpu.memory_space<hbm>> -> memref<1x100x128xf32, #tpu.memory_space<hbm>>
    %dma_wait3A_440 = tpu.memref_squeeze %dma_wait3A_439 : memref<1x100x128xf32, #tpu.memory_space<hbm>> -> memref<100x128xf32, #tpu.memory_space<hbm>>
    %dma_wait3A_441 = arith.constant 0 : i32
    %dma_wait3A_442 = arith.constant 0 : i32
    %dma_wait3A_443 = tpu.memref_slice %arg9[%mul3A_2, %dma_wait3A_441, %dma_wait3A_442] : memref<4096x100x128xf32, #tpu.memory_space<hbm>> -> memref<1x100x128xf32, #tpu.memory_space<hbm>>
    %dma_wait3A_444 = tpu.memref_squeeze %dma_wait3A_443 : memref<1x100x128xf32, #tpu.memory_space<hbm>> -> memref<100x128xf32, #tpu.memory_space<hbm>>
    %dma_wait3A_445 = arith.constant 0 : i32
    %dma_wait3A_446 = arith.constant 0 : i32
    %dma_wait3A_447 = tpu.memref_slice %arg14[%dma_wait3A_432, %dma_wait3A_445, %dma_wait3A_446] : memref<4x100x128xf32, #tpu.memory_space<vmem>> -> memref<1x100x128xf32, #tpu.memory_space<vmem>>
    %dma_wait3A_448 = tpu.memref_squeeze %dma_wait3A_447 : memref<1x100x128xf32, #tpu.memory_space<vmem>> -> memref<100x128xf32, #tpu.memory_space<vmem>>
    tpu.wait_dma2 semaphore(%arg24 : memref<!tpu.dma_semaphore, #tpu.memory_space<semaphore_mem>>) src(%dma_wait3A_448 : memref<100x128xf32, #tpu.memory_space<vmem>>) dst(%dma_wait3A_444 : memref<100x128xf32, #tpu.memory_space<hbm>>)
    %dma_start3A_449 = arith.constant 6 : i32
    %dma_start3A_450 = arith.constant 2 : i32
    %dma_start3A_451 = arith.constant 0 : i32
    %dma_start3A_452 = arith.constant 0 : i32
    %dma_start3A_453 = tpu.memref_slice %arg14[%dma_start3A_450, %dma_start3A_451, %dma_start3A_452] : memref<4x100x128xf32, #tpu.memory_space<vmem>> -> memref<1x100x128xf32, #tpu.memory_space<vmem>>
    %dma_start3A_454 = tpu.memref_squeeze %dma_start3A_453 : memref<1x100x128xf32, #tpu.memory_space<vmem>> -> memref<100x128xf32, #tpu.memory_space<vmem>>
    %dma_start3A_455 = arith.constant 0 : i32
    %dma_start3A_456 = tpu.memref_slice %arg10[%dma_start3A_449, %dma_start3A_455] : memref<128x100xi32, #tpu.memory_space<vmem>> -> memref<1x100xi32, #tpu.memory_space<vmem>>
    %dma_start3A_457 = tpu.memref_squeeze %dma_start3A_456 : memref<1x100xi32, #tpu.memory_space<vmem>> -> memref<100xi32, #tpu.memory_space<vmem>>
    %dma_start3A_458 = arith.constant 0 : i32
    %dma_start3A_459 = arith.constant 0 : i32
    %dma_start3A_460 = tpu.memref_slice %arg17[%dma_start3A_458, %dma_start3A_459] : memref<1000x128xf32, #tpu.memory_space<vmem_shared>> -> memref<1000x128xf32, #tpu.memory_space<vmem_shared>>
    tpu.enqueue_indirect_dma source(%dma_start3A_460 : memref<1000x128xf32, #tpu.memory_space<vmem_shared>>) target(%dma_start3A_454 : memref<100x128xf32, #tpu.memory_space<vmem>>) offsets(%dma_start3A_457 : memref<100xi32, #tpu.memory_space<vmem>>) semaphore(%arg20 : memref<!tpu.dma_semaphore, #tpu.memory_space<semaphore_mem>>)
    %scan3A_461 = arith.constant 0 : i32
    %scan3A_462 = arith.constant 1 : i32
    %scan3A_463 = arith.constant 31 : i32
    %scan3A_464 = arith.addi %scan3A_462, %scan3A_463 : i32
    %scan3A_465 = arith.constant 1 : i32
    scf.for %scan3A_535 = %scan3A_462 to %scan3A_464 step %scan3A_465  : i32 {
      %mul3A_536 = arith.constant 4 : i32
      %mul3A_537 = arith.muli %scan3A_535, %mul3A_536 : i32
      %add3A_538 = arith.constant 0 : i32
      %add3A_539 = arith.addi %mul3A_537, %add3A_538 : i32
      %dma_wait3A_540 = arith.constant 0 : i32
      %dma_wait3A_541 = arith.constant 0 : i32
      %dma_wait3A_542 = arith.constant 0 : i32
      %dma_wait3A_543 = tpu.memref_slice %arg14[%dma_wait3A_540, %dma_wait3A_541, %dma_wait3A_542] : memref<4x100x128xf32, #tpu.memory_space<vmem>> -> memref<1x100x128xf32, #tpu.memory_space<vmem>>
      %dma_wait3A_544 = tpu.memref_squeeze %dma_wait3A_543 : memref<1x100x128xf32, #tpu.memory_space<vmem>> -> memref<100x128xf32, #tpu.memory_space<vmem>>
      %dma_wait3A_545 = arith.constant 0 : i32
      %dma_wait3A_546 = tpu.memref_slice %arg10[%add3A_539, %dma_wait3A_545] : memref<128x100xi32, #tpu.memory_space<vmem>> -> memref<1x100xi32, #tpu.memory_space<vmem>>
      %dma_wait3A_547 = tpu.memref_squeeze %dma_wait3A_546 : memref<1x100xi32, #tpu.memory_space<vmem>> -> memref<100xi32, #tpu.memory_space<vmem>>
      %dma_wait3A_548 = arith.constant 0 : i32
      %dma_wait3A_549 = arith.constant 0 : i32
      %dma_wait3A_550 = tpu.memref_slice %arg17[%dma_wait3A_548, %dma_wait3A_549] : memref<1000x128xf32, #tpu.memory_space<vmem_shared>> -> memref<1000x128xf32, #tpu.memory_space<vmem_shared>>
      tpu.wait_indirect_dma semaphore(%arg18 : memref<!tpu.dma_semaphore, #tpu.memory_space<semaphore_mem>>) src(%dma_wait3A_550 : memref<1000x128xf32, #tpu.memory_space<vmem_shared>>) dst(%dma_wait3A_544 : memref<100x128xf32, #tpu.memory_space<vmem>>)
      %get3A_551 = arith.index_cast %add3A_539 : i32 to index
      %get3A_552 = arith.constant 0 : index
      %get3A_553 = tpu.vector_load %arg12[%get3A_551, %get3A_552] {strides = array<i32>} : memref<128x128xf32, #tpu.memory_space<vmem>>, vector<1x16xf32>,
      %get3A_554 = vector.shape_cast %get3A_553 : vector<1x16xf32> to vector<16xf32>
      %get3A_555 = arith.index_cast %add3A_539 : i32 to index
      %get3A_556 = arith.constant 16 : index
      %get3A_557 = tpu.vector_load %arg12[%get3A_555, %get3A_556] {strides = array<i32>} : memref<128x128xf32, #tpu.memory_space<vmem>>, vector<1x16xf32>,
      %get3A_558 = vector.shape_cast %get3A_557 : vector<1x16xf32> to vector<16xf32>
      %get3A_559 = arith.index_cast %add3A_539 : i32 to index
      %get3A_560 = arith.constant 32 : index
      %get3A_561 = tpu.vector_load %arg12[%get3A_559, %get3A_560] {strides = array<i32>} : memref<128x128xf32, #tpu.memory_space<vmem>>, vector<1x16xf32>,
      %get3A_562 = vector.shape_cast %get3A_561 : vector<1x16xf32> to vector<16xf32>
      %get3A_563 = arith.index_cast %add3A_539 : i32 to index
      %get3A_564 = arith.constant 48 : index
      %get3A_565 = tpu.vector_load %arg12[%get3A_563, %get3A_564] {strides = array<i32>} : memref<128x128xf32, #tpu.memory_space<vmem>>, vector<1x16xf32>,
      %get3A_566 = vector.shape_cast %get3A_565 : vector<1x16xf32> to vector<16xf32>
      %get3A_567 = arith.index_cast %add3A_539 : i32 to index
      %get3A_568 = arith.constant 64 : index
      %get3A_569 = tpu.vector_load %arg12[%get3A_567, %get3A_568] {strides = array<i32>} : memref<128x128xf32, #tpu.memory_space<vmem>>, vector<1x16xf32>,
      %get3A_570 = vector.shape_cast %get3A_569 : vector<1x16xf32> to vector<16xf32>
      %get3A_571 = arith.index_cast %add3A_539 : i32 to index
      %get3A_572 = arith.constant 80 : index
      %get3A_573 = tpu.vector_load %arg12[%get3A_571, %get3A_572] {strides = array<i32>} : memref<128x128xf32, #tpu.memory_space<vmem>>, vector<1x16xf32>,
      %get3A_574 = vector.shape_cast %get3A_573 : vector<1x16xf32> to vector<16xf32>
      %get3A_575 = arith.index_cast %add3A_539 : i32 to index
      %get3A_576 = arith.constant 96 : index
      %get3A_577 = tpu.vector_load %arg12[%get3A_575, %get3A_576] {strides = array<i32>} : memref<128x128xf32, #tpu.memory_space<vmem>>, vector<1x16xf32>,
      %get3A_578 = vector.shape_cast %get3A_577 : vector<1x16xf32> to vector<16xf32>
      %get3A_579 = arith.index_cast %add3A_539 : i32 to index
      %get3A_580 = arith.constant 112 : index
      %get3A_581 = tpu.vector_load %arg12[%get3A_579, %get3A_580] {strides = array<i32>} : memref<128x128xf32, #tpu.memory_space<vmem>>, vector<1x16xf32>,
      %get3A_582 = vector.shape_cast %get3A_581 : vector<1x16xf32> to vector<16xf32>
      %parallel_loop3A_583 = arith.constant 0 : i32
      %parallel_loop3A_584 = arith.constant 100 : i32
      %parallel_loop3A_585 = arith.constant 1 : i32
      scf.for %parallel_loop3A_836 = %parallel_loop3A_583 to %parallel_loop3A_584 step %parallel_loop3A_585  : i32 {
        %parallel_loop3A_837 = arith.index_cast %parallel_loop3A_836 : i32 to index
        %parallel_loop3A_838 = arith.constant 0 : index
        %parallel_loop3A_839 = tpu.vector_load %arg13[%parallel_loop3A_837, %parallel_loop3A_838] {strides = array<i32>} : memref<100x128xf32, #tpu.memory_space<vmem>>, vector<1x16xf32>,
        %parallel_loop3A_840 = vector.shape_cast %parallel_loop3A_839 : vector<1x16xf32> to vector<16xf32>
        %parallel_loop3A_841 = arith.addf %parallel_loop3A_840, %get3A_554 : vector<16xf32>
        %parallel_loop3A_842 = arith.constant 0 : i32
        %parallel_loop3A_843 = arith.index_cast %parallel_loop3A_842 : i32 to index
        %parallel_loop3A_844 = arith.index_cast %parallel_loop3A_836 : i32 to index
        %parallel_loop3A_845 = arith.constant 0 : index
        %parallel_loop3A_846 = tpu.vector_load %arg14[%parallel_loop3A_843, %parallel_loop3A_844, %parallel_loop3A_845] {strides = array<i32>} : memref<4x100x128xf32, #tpu.memory_space<vmem>>, vector<1x1x16xf32>,
        %parallel_loop3A_847 = vector.shape_cast %parallel_loop3A_846 : vector<1x1x16xf32> to vector<16xf32>
        %parallel_loop3A_848 = vector.shape_cast %parallel_loop3A_841 : vector<16xf32> to vector<1x1x16xf32>
        tpu.vector_store %arg14[%parallel_loop3A_843, %parallel_loop3A_844, %parallel_loop3A_845], %parallel_loop3A_848 {add = true, strides = array<i32>} : memref<4x100x128xf32, #tpu.memory_space<vmem>>, vector<1x1x16xf32>,
        %parallel_loop3A_849 = arith.index_cast %parallel_loop3A_836 : i32 to index
        %parallel_loop3A_850 = arith.constant 16 : index
        %parallel_loop3A_851 = tpu.vector_load %arg13[%parallel_loop3A_849, %parallel_loop3A_850] {strides = array<i32>} : memref<100x128xf32, #tpu.memory_space<vmem>>, vector<1x16xf32>,
        %parallel_loop3A_852 = vector.shape_cast %parallel_loop3A_851 : vector<1x16xf32> to vector<16xf32>
        %parallel_loop3A_853 = arith.addf %parallel_loop3A_852, %get3A_558 : vector<16xf32>
        %parallel_loop3A_854 = arith.constant 0 : i32
        %parallel_loop3A_855 = arith.index_cast %parallel_loop3A_854 : i32 to index
        %parallel_loop3A_856 = arith.index_cast %parallel_loop3A_836 : i32 to index
        %parallel_loop3A_857 = arith.constant 16 : index
        %parallel_loop3A_858 = tpu.vector_load %arg14[%parallel_loop3A_855, %parallel_loop3A_856, %parallel_loop3A_857] {strides = array<i32>} : memref<4x100x128xf32, #tpu.memory_space<vmem>>, vector<1x1x16xf32>,
        %parallel_loop3A_859 = vector.shape_cast %parallel_loop3A_858 : vector<1x1x16xf32> to vector<16xf32>
        %parallel_loop3A_860 = vector.shape_cast %parallel_loop3A_853 : vector<16xf32> to vector<1x1x16xf32>
        tpu.vector_store %arg14[%parallel_loop3A_855, %parallel_loop3A_856, %parallel_loop3A_857], %parallel_loop3A_860 {add = true, strides = array<i32>} : memref<4x100x128xf32, #tpu.memory_space<vmem>>, vector<1x1x16xf32>,
        %parallel_loop3A_861 = arith.index_cast %parallel_loop3A_836 : i32 to index
        %parallel_loop3A_862 = arith.constant 32 : index
        %parallel_loop3A_863 = tpu.vector_load %arg13[%parallel_loop3A_861, %parallel_loop3A_862] {strides = array<i32>} : memref<100x128xf32, #tpu.memory_space<vmem>>, vector<1x16xf32>,
        %parallel_loop3A_864 = vector.shape_cast %parallel_loop3A_863 : vector<1x16xf32> to vector<16xf32>
        %parallel_loop3A_865 = arith.addf %parallel_loop3A_864, %get3A_562 : vector<16xf32>
        %parallel_loop3A_866 = arith.constant 0 : i32
        %parallel_loop3A_867 = arith.index_cast %parallel_loop3A_866 : i32 to index
        %parallel_loop3A_868 = arith.index_cast %parallel_loop3A_836 : i32 to index
        %parallel_loop3A_869 = arith.constant 32 : index
        %parallel_loop3A_870 = tpu.vector_load %arg14[%parallel_loop3A_867, %parallel_loop3A_868, %parallel_loop3A_869] {strides = array<i32>} : memref<4x100x128xf32, #tpu.memory_space<vmem>>, vector<1x1x16xf32>,
        %parallel_loop3A_871 = vector.shape_cast %parallel_loop3A_870 : vector<1x1x16xf32> to vector<16xf32>
        %parallel_loop3A_872 = vector.shape_cast %parallel_loop3A_865 : vector<16xf32> to vector<1x1x16xf32>
        tpu.vector_store %arg14[%parallel_loop3A_867, %parallel_loop3A_868, %parallel_loop3A_869], %parallel_loop3A_872 {add = true, strides = array<i32>} : memref<4x100x128xf32, #tpu.memory_space<vmem>>, vector<1x1x16xf32>,
        %parallel_loop3A_873 = arith.index_cast %parallel_loop3A_836 : i32 to index
        %parallel_loop3A_874 = arith.constant 48 : index
        %parallel_loop3A_875 = tpu.vector_load %arg13[%parallel_loop3A_873, %parallel_loop3A_874] {strides = array<i32>} : memref<100x128xf32, #tpu.memory_space<vmem>>, vector<1x16xf32>,
        %parallel_loop3A_876 = vector.shape_cast %parallel_loop3A_875 : vector<1x16xf32> to vector<16xf32>
        %parallel_loop3A_877 = arith.addf %parallel_loop3A_876, %get3A_566 : vector<16xf32>
        %parallel_loop3A_878 = arith.constant 0 : i32
        %parallel_loop3A_879 = arith.index_cast %parallel_loop3A_878 : i32 to index
        %parallel_loop3A_880 = arith.index_cast %parallel_loop3A_836 : i32 to index
        %parallel_loop3A_881 = arith.constant 48 : index
        %parallel_loop3A_882 = tpu.vector_load %arg14[%parallel_loop3A_879, %parallel_loop3A_880, %parallel_loop3A_881] {strides = array<i32>} : memref<4x100x128xf32, #tpu.memory_space<vmem>>, vector<1x1x16xf32>,
        %parallel_loop3A_883 = vector.shape_cast %parallel_loop3A_882 : vector<1x1x16xf32> to vector<16xf32>
        %parallel_loop3A_884 = vector.shape_cast %parallel_loop3A_877 : vector<16xf32> to vector<1x1x16xf32>
        tpu.vector_store %arg14[%parallel_loop3A_879, %parallel_loop3A_880, %parallel_loop3A_881], %parallel_loop3A_884 {add = true, strides = array<i32>} : memref<4x100x128xf32, #tpu.memory_space<vmem>>, vector<1x1x16xf32>,
        %parallel_loop3A_885 = arith.index_cast %parallel_loop3A_836 : i32 to index
        %parallel_loop3A_886 = arith.constant 64 : index
        %parallel_loop3A_887 = tpu.vector_load %arg13[%parallel_loop3A_885, %parallel_loop3A_886] {strides = array<i32>} : memref<100x128xf32, #tpu.memory_space<vmem>>, vector<1x16xf32>,
        %parallel_loop3A_888 = vector.shape_cast %parallel_loop3A_887 : vector<1x16xf32> to vector<16xf32>
        %parallel_loop3A_889 = arith.addf %parallel_loop3A_888, %get3A_570 : vector<16xf32>
        %parallel_loop3A_890 = arith.constant 0 : i32
        %parallel_loop3A_891 = arith.index_cast %parallel_loop3A_890 : i32 to index
        %parallel_loop3A_892 = arith.index_cast %parallel_loop3A_836 : i32 to index
        %parallel_loop3A_893 = arith.constant 64 : index
        %parallel_loop3A_894 = tpu.vector_load %arg14[%parallel_loop3A_891, %parallel_loop3A_892, %parallel_loop3A_893] {strides = array<i32>} : memref<4x100x128xf32, #tpu.memory_space<vmem>>, vector<1x1x16xf32>,
        %parallel_loop3A_895 = vector.shape_cast %parallel_loop3A_894 : vector<1x1x16xf32> to vector<16xf32>
        %parallel_loop3A_896 = vector.shape_cast %parallel_loop3A_889 : vector<16xf32> to vector<1x1x16xf32>
        tpu.vector_store %arg14[%parallel_loop3A_891, %parallel_loop3A_892, %parallel_loop3A_893], %parallel_loop3A_896 {add = true, strides = array<i32>} : memref<4x100x128xf32, #tpu.memory_space<vmem>>, vector<1x1x16xf32>,
        %parallel_loop3A_897 = arith.index_cast %parallel_loop3A_836 : i32 to index
        %parallel_loop3A_898 = arith.constant 80 : index
        %parallel_loop3A_899 = tpu.vector_load %arg13[%parallel_loop3A_897, %parallel_loop3A_898] {strides = array<i32>} : memref<100x128xf32, #tpu.memory_space<vmem>>, vector<1x16xf32>,
        %parallel_loop3A_900 = vector.shape_cast %parallel_loop3A_899 : vector<1x16xf32> to vector<16xf32>
        %parallel_loop3A_901 = arith.addf %parallel_loop3A_900, %get3A_574 : vector<16xf32>
        %parallel_loop3A_902 = arith.constant 0 : i32
        %parallel_loop3A_903 = arith.index_cast %parallel_loop3A_902 : i32 to index
        %parallel_loop3A_904 = arith.index_cast %parallel_loop3A_836 : i32 to index
        %parallel_loop3A_905 = arith.constant 80 : index
        %parallel_loop3A_906 = tpu.vector_load %arg14[%parallel_loop3A_903, %parallel_loop3A_904, %parallel_loop3A_905] {strides = array<i32>} : memref<4x100x128xf32, #tpu.memory_space<vmem>>, vector<1x1x16xf32>,
        %parallel_loop3A_907 = vector.shape_cast %parallel_loop3A_906 : vector<1x1x16xf32> to vector<16xf32>
        %parallel_loop3A_908 = vector.shape_cast %parallel_loop3A_901 : vector<16xf32> to vector<1x1x16xf32>
        tpu.vector_store %arg14[%parallel_loop3A_903, %parallel_loop3A_904, %parallel_loop3A_905], %parallel_loop3A_908 {add = true, strides = array<i32>} : memref<4x100x128xf32, #tpu.memory_space<vmem>>, vector<1x1x16xf32>,
        %parallel_loop3A_909 = arith.index_cast %parallel_loop3A_836 : i32 to index
        %parallel_loop3A_910 = arith.constant 96 : index
        %parallel_loop3A_911 = tpu.vector_load %arg13[%parallel_loop3A_909, %parallel_loop3A_910] {strides = array<i32>} : memref<100x128xf32, #tpu.memory_space<vmem>>, vector<1x16xf32>,
        %parallel_loop3A_912 = vector.shape_cast %parallel_loop3A_911 : vector<1x16xf32> to vector<16xf32>
        %parallel_loop3A_913 = arith.addf %parallel_loop3A_912, %get3A_578 : vector<16xf32>
        %parallel_loop3A_914 = arith.constant 0 : i32
        %parallel_loop3A_915 = arith.index_cast %parallel_loop3A_914 : i32 to index
        %parallel_loop3A_916 = arith.index_cast %parallel_loop3A_836 : i32 to index
        %parallel_loop3A_917 = arith.constant 96 : index
        %parallel_loop3A_918 = tpu.vector_load %arg14[%parallel_loop3A_915, %parallel_loop3A_916, %parallel_loop3A_917] {strides = array<i32>} : memref<4x100x128xf32, #tpu.memory_space<vmem>>, vector<1x1x16xf32>,
        %parallel_loop3A_919 = vector.shape_cast %parallel_loop3A_918 : vector<1x1x16xf32> to vector<16xf32>
        %parallel_loop3A_920 = vector.shape_cast %parallel_loop3A_913 : vector<16xf32> to vector<1x1x16xf32>
        tpu.vector_store %arg14[%parallel_loop3A_915, %parallel_loop3A_916, %parallel_loop3A_917], %parallel_loop3A_920 {add = true, strides = array<i32>} : memref<4x100x128xf32, #tpu.memory_space<vmem>>, vector<1x1x16xf32>,
        %parallel_loop3A_921 = arith.index_cast %parallel_loop3A_836 : i32 to index
        %parallel_loop3A_922 = arith.constant 112 : index
        %parallel_loop3A_923 = tpu.vector_load %arg13[%parallel_loop3A_921, %parallel_loop3A_922] {strides = array<i32>} : memref<100x128xf32, #tpu.memory_space<vmem>>, vector<1x16xf32>,
        %parallel_loop3A_924 = vector.shape_cast %parallel_loop3A_923 : vector<1x16xf32> to vector<16xf32>
        %parallel_loop3A_925 = arith.addf %parallel_loop3A_924, %get3A_582 : vector<16xf32>
        %parallel_loop3A_926 = arith.constant 0 : i32
        %parallel_loop3A_927 = arith.index_cast %parallel_loop3A_926 : i32 to index
        %parallel_loop3A_928 = arith.index_cast %parallel_loop3A_836 : i32 to index
        %parallel_loop3A_929 = arith.constant 112 : index
        %parallel_loop3A_930 = tpu.vector_load %arg14[%parallel_loop3A_927, %parallel_loop3A_928, %parallel_loop3A_929] {strides = array<i32>} : memref<4x100x128xf32, #tpu.memory_space<vmem>>, vector<1x1x16xf32>,
        %parallel_loop3A_931 = vector.shape_cast %parallel_loop3A_930 : vector<1x1x16xf32> to vector<16xf32>
        %parallel_loop3A_932 = vector.shape_cast %parallel_loop3A_925 : vector<16xf32> to vector<1x1x16xf32>
        tpu.vector_store %arg14[%parallel_loop3A_927, %parallel_loop3A_928, %parallel_loop3A_929], %parallel_loop3A_932 {add = true, strides = array<i32>} : memref<4x100x128xf32, #tpu.memory_space<vmem>>, vector<1x1x16xf32>,
      } {sc.loop_unroll_factor = 4 : i64, sc.parallel_access}
      %add3A_586 = arith.addi %mul3A_2, %add3A_539 : i32
      %dma_start3A_587 = arith.constant 0 : i32
      %dma_start3A_588 = arith.constant 0 : i32
      %dma_start3A_589 = arith.constant 0 : i32
      %dma_start3A_590 = tpu.memref_slice %arg14[%dma_start3A_587, %dma_start3A_588, %dma_start3A_589] : memref<4x100x128xf32, #tpu.memory_space<vmem>> -> memref<1x100x128xf32, #tpu.memory_space<vmem>>
      %dma_start3A_591 = tpu.memref_squeeze %dma_start3A_590 : memref<1x100x128xf32, #tpu.memory_space<vmem>> -> memref<100x128xf32, #tpu.memory_space<vmem>>
      %dma_start3A_592 = arith.constant 0 : i32
      %dma_start3A_593 = arith.constant 0 : i32
      %dma_start3A_594 = tpu.memref_slice %arg9[%add3A_586, %dma_start3A_592, %dma_start3A_593] : memref<4096x100x128xf32, #tpu.memory_space<hbm>> -> memref<1x100x128xf32, #tpu.memory_space<hbm>>
      %dma_start3A_595 = tpu.memref_squeeze %dma_start3A_594 : memref<1x100x128xf32, #tpu.memory_space<hbm>> -> memref<100x128xf32, #tpu.memory_space<hbm>>
      %dma_start3A_596 = arith.constant 0 : i32
      %dma_start3A_597 = arith.constant 0 : i32
      %dma_start3A_598 = tpu.memref_slice %arg9[%add3A_586, %dma_start3A_596, %dma_start3A_597] : memref<4096x100x128xf32, #tpu.memory_space<hbm>> -> memref<1x100x128xf32, #tpu.memory_space<hbm>>
      %dma_start3A_599 = tpu.memref_squeeze %dma_start3A_598 : memref<1x100x128xf32, #tpu.memory_space<hbm>> -> memref<100x128xf32, #tpu.memory_space<hbm>>
      %dma_start3A_600 = arith.constant 0 : i32
      %dma_start3A_601 = arith.constant 0 : i32
      %dma_start3A_602 = tpu.memref_slice %arg14[%dma_start3A_587, %dma_start3A_600, %dma_start3A_601] : memref<4x100x128xf32, #tpu.memory_space<vmem>> -> memref<1x100x128xf32, #tpu.memory_space<vmem>>
      %dma_start3A_603 = tpu.memref_squeeze %dma_start3A_602 : memref<1x100x128xf32, #tpu.memory_space<vmem>> -> memref<100x128xf32, #tpu.memory_space<vmem>>
      tpu.enqueue_dma source(%dma_start3A_603 : memref<100x128xf32, #tpu.memory_space<vmem>>) target(%dma_start3A_599 : memref<100x128xf32, #tpu.memory_space<hbm>>) target_semaphore(%arg22 : memref<!tpu.dma_semaphore, #tpu.memory_space<semaphore_mem>>)
      %add3A_604 = arith.constant 3 : i32
      %add3A_605 = arith.addi %add3A_539, %add3A_604 : i32
      %lt3A_606 = arith.constant 128 : i32
      %lt3A_607 = arith.cmpi slt, %add3A_605, %lt3A_606 : i32
      %convert_element_type3A_608 = arith.extui %lt3A_607 : i1 to i32
      %cond3A_609 = arith.constant 0 : i32
      %cond3A_610 = arith.cmpi ne, %convert_element_type3A_608, %cond3A_609 : i32
      scf.if %cond3A_610 {
        %dma_wait3A_836 = arith.constant 3 : i32
        %dma_wait3A_837 = arith.constant 0 : i32
        %dma_wait3A_838 = arith.constant 0 : i32
        %dma_wait3A_839 = tpu.memref_slice %arg14[%dma_wait3A_836, %dma_wait3A_837, %dma_wait3A_838] : memref<4x100x128xf32, #tpu.memory_space<vmem>> -> memref<1x100x128xf32, #tpu.memory_space<vmem>>
        %dma_wait3A_840 = tpu.memref_squeeze %dma_wait3A_839 : memref<1x100x128xf32, #tpu.memory_space<vmem>> -> memref<100x128xf32, #tpu.memory_space<vmem>>
        %dma_wait3A_841 = arith.constant 0 : i32
        %dma_wait3A_842 = arith.constant 0 : i32
        %dma_wait3A_843 = tpu.memref_slice %arg9[%mul3A_2, %dma_wait3A_841, %dma_wait3A_842] : memref<4096x100x128xf32, #tpu.memory_space<hbm>> -> memref<1x100x128xf32, #tpu.memory_space<hbm>>
        %dma_wait3A_844 = tpu.memref_squeeze %dma_wait3A_843 : memref<1x100x128xf32, #tpu.memory_space<hbm>> -> memref<100x128xf32, #tpu.memory_space<hbm>>
        %dma_wait3A_845 = arith.constant 0 : i32
        %dma_wait3A_846 = arith.constant 0 : i32
        %dma_wait3A_847 = tpu.memref_slice %arg9[%mul3A_2, %dma_wait3A_845, %dma_wait3A_846] : memref<4096x100x128xf32, #tpu.memory_space<hbm>> -> memref<1x100x128xf32, #tpu.memory_space<hbm>>
        %dma_wait3A_848 = tpu.memref_squeeze %dma_wait3A_847 : memref<1x100x128xf32, #tpu.memory_space<hbm>> -> memref<100x128xf32, #tpu.memory_space<hbm>>
        %dma_wait3A_849 = arith.constant 0 : i32
        %dma_wait3A_850 = arith.constant 0 : i32
        %dma_wait3A_851 = tpu.memref_slice %arg14[%dma_wait3A_836, %dma_wait3A_849, %dma_wait3A_850] : memref<4x100x128xf32, #tpu.memory_space<vmem>> -> memref<1x100x128xf32, #tpu.memory_space<vmem>>
        %dma_wait3A_852 = tpu.memref_squeeze %dma_wait3A_851 : memref<1x100x128xf32, #tpu.memory_space<vmem>> -> memref<100x128xf32, #tpu.memory_space<vmem>>
        tpu.wait_dma2 semaphore(%arg25 : memref<!tpu.dma_semaphore, #tpu.memory_space<semaphore_mem>>) src(%dma_wait3A_852 : memref<100x128xf32, #tpu.memory_space<vmem>>) dst(%dma_wait3A_848 : memref<100x128xf32, #tpu.memory_space<hbm>>)
        %dma_start3A_853 = arith.constant 3 : i32
        %dma_start3A_854 = arith.constant 0 : i32
        %dma_start3A_855 = arith.constant 0 : i32
        %dma_start3A_856 = tpu.memref_slice %arg14[%dma_start3A_853, %dma_start3A_854, %dma_start3A_855] : memref<4x100x128xf32, #tpu.memory_space<vmem>> -> memref<1x100x128xf32, #tpu.memory_space<vmem>>
        %dma_start3A_857 = tpu.memref_squeeze %dma_start3A_856 : memref<1x100x128xf32, #tpu.memory_space<vmem>> -> memref<100x128xf32, #tpu.memory_space<vmem>>
        %dma_start3A_858 = arith.constant 0 : i32
        %dma_start3A_859 = tpu.memref_slice %arg10[%add3A_605, %dma_start3A_858] : memref<128x100xi32, #tpu.memory_space<vmem>> -> memref<1x100xi32, #tpu.memory_space<vmem>>
        %dma_start3A_860 = tpu.memref_squeeze %dma_start3A_859 : memref<1x100xi32, #tpu.memory_space<vmem>> -> memref<100xi32, #tpu.memory_space<vmem>>
        %dma_start3A_861 = arith.constant 0 : i32
        %dma_start3A_862 = arith.constant 0 : i32
        %dma_start3A_863 = tpu.memref_slice %arg17[%dma_start3A_861, %dma_start3A_862] : memref<1000x128xf32, #tpu.memory_space<vmem_shared>> -> memref<1000x128xf32, #tpu.memory_space<vmem_shared>>
        tpu.enqueue_indirect_dma source(%dma_start3A_863 : memref<1000x128xf32, #tpu.memory_space<vmem_shared>>) target(%dma_start3A_857 : memref<100x128xf32, #tpu.memory_space<vmem>>) offsets(%dma_start3A_860 : memref<100xi32, #tpu.memory_space<vmem>>) semaphore(%arg21 : memref<!tpu.dma_semaphore, #tpu.memory_space<semaphore_mem>>)
      } else {
      }
      %mul3A_611 = arith.constant 4 : i32
      %mul3A_612 = arith.muli %scan3A_535, %mul3A_611 : i32
      %add3A_613 = arith.constant 1 : i32
      %add3A_614 = arith.addi %mul3A_612, %add3A_613 : i32
      %dma_wait3A_615 = arith.constant 1 : i32
      %dma_wait3A_616 = arith.constant 0 : i32
      %dma_wait3A_617 = arith.constant 0 : i32
      %dma_wait3A_618 = tpu.memref_slice %arg14[%dma_wait3A_615, %dma_wait3A_616, %dma_wait3A_617] : memref<4x100x128xf32, #tpu.memory_space<vmem>> -> memref<1x100x128xf32, #tpu.memory_space<vmem>>
      %dma_wait3A_619 = tpu.memref_squeeze %dma_wait3A_618 : memref<1x100x128xf32, #tpu.memory_space<vmem>> -> memref<100x128xf32, #tpu.memory_space<vmem>>
      %dma_wait3A_620 = arith.constant 0 : i32
      %dma_wait3A_621 = tpu.memref_slice %arg10[%add3A_614, %dma_wait3A_620] : memref<128x100xi32, #tpu.memory_space<vmem>> -> memref<1x100xi32, #tpu.memory_space<vmem>>
      %dma_wait3A_622 = tpu.memref_squeeze %dma_wait3A_621 : memref<1x100xi32, #tpu.memory_space<vmem>> -> memref<100xi32, #tpu.memory_space<vmem>>
      %dma_wait3A_623 = arith.constant 0 : i32
      %dma_wait3A_624 = arith.constant 0 : i32
      %dma_wait3A_625 = tpu.memref_slice %arg17[%dma_wait3A_623, %dma_wait3A_624] : memref<1000x128xf32, #tpu.memory_space<vmem_shared>> -> memref<1000x128xf32, #tpu.memory_space<vmem_shared>>
      tpu.wait_indirect_dma semaphore(%arg19 : memref<!tpu.dma_semaphore, #tpu.memory_space<semaphore_mem>>) src(%dma_wait3A_625 : memref<1000x128xf32, #tpu.memory_space<vmem_shared>>) dst(%dma_wait3A_619 : memref<100x128xf32, #tpu.memory_space<vmem>>)
      %get3A_626 = arith.index_cast %add3A_614 : i32 to index
      %get3A_627 = arith.constant 0 : index
      %get3A_628 = tpu.vector_load %arg12[%get3A_626, %get3A_627] {strides = array<i32>} : memref<128x128xf32, #tpu.memory_space<vmem>>, vector<1x16xf32>,
      %get3A_629 = vector.shape_cast %get3A_628 : vector<1x16xf32> to vector<16xf32>
      %get3A_630 = arith.index_cast %add3A_614 : i32 to index
      %get3A_631 = arith.constant 16 : index
      %get3A_632 = tpu.vector_load %arg12[%get3A_630, %get3A_631] {strides = array<i32>} : memref<128x128xf32, #tpu.memory_space<vmem>>, vector<1x16xf32>,
      %get3A_633 = vector.shape_cast %get3A_632 : vector<1x16xf32> to vector<16xf32>
      %get3A_634 = arith.index_cast %add3A_614 : i32 to index
      %get3A_635 = arith.constant 32 : index
      %get3A_636 = tpu.vector_load %arg12[%get3A_634, %get3A_635] {strides = array<i32>} : memref<128x128xf32, #tpu.memory_space<vmem>>, vector<1x16xf32>,
      %get3A_637 = vector.shape_cast %get3A_636 : vector<1x16xf32> to vector<16xf32>
      %get3A_638 = arith.index_cast %add3A_614 : i32 to index
      %get3A_639 = arith.constant 48 : index
      %get3A_640 = tpu.vector_load %arg12[%get3A_638, %get3A_639] {strides = array<i32>} : memref<128x128xf32, #tpu.memory_space<vmem>>, vector<1x16xf32>,
      %get3A_641 = vector.shape_cast %get3A_640 : vector<1x16xf32> to vector<16xf32>
      %get3A_642 = arith.index_cast %add3A_614 : i32 to index
      %get3A_643 = arith.constant 64 : index
      %get3A_644 = tpu.vector_load %arg12[%get3A_642, %get3A_643] {strides = array<i32>} : memref<128x128xf32, #tpu.memory_space<vmem>>, vector<1x16xf32>,
      %get3A_645 = vector.shape_cast %get3A_644 : vector<1x16xf32> to vector<16xf32>
      %get3A_646 = arith.index_cast %add3A_614 : i32 to index
      %get3A_647 = arith.constant 80 : index
      %get3A_648 = tpu.vector_load %arg12[%get3A_646, %get3A_647] {strides = array<i32>} : memref<128x128xf32, #tpu.memory_space<vmem>>, vector<1x16xf32>,
      %get3A_649 = vector.shape_cast %get3A_648 : vector<1x16xf32> to vector<16xf32>
      %get3A_650 = arith.index_cast %add3A_614 : i32 to index
      %get3A_651 = arith.constant 96 : index
      %get3A_652 = tpu.vector_load %arg12[%get3A_650, %get3A_651] {strides = array<i32>} : memref<128x128xf32, #tpu.memory_space<vmem>>, vector<1x16xf32>,
      %get3A_653 = vector.shape_cast %get3A_652 : vector<1x16xf32> to vector<16xf32>
      %get3A_654 = arith.index_cast %add3A_614 : i32 to index
      %get3A_655 = arith.constant 112 : index
      %get3A_656 = tpu.vector_load %arg12[%get3A_654, %get3A_655] {strides = array<i32>} : memref<128x128xf32, #tpu.memory_space<vmem>>, vector<1x16xf32>,
      %get3A_657 = vector.shape_cast %get3A_656 : vector<1x16xf32> to vector<16xf32>
      %parallel_loop3A_658 = arith.constant 0 : i32
      %parallel_loop3A_659 = arith.constant 100 : i32
      %parallel_loop3A_660 = arith.constant 1 : i32
      scf.for %parallel_loop3A_836 = %parallel_loop3A_658 to %parallel_loop3A_659 step %parallel_loop3A_660  : i32 {
        %parallel_loop3A_837 = arith.index_cast %parallel_loop3A_836 : i32 to index
        %parallel_loop3A_838 = arith.constant 0 : index
        %parallel_loop3A_839 = tpu.vector_load %arg13[%parallel_loop3A_837, %parallel_loop3A_838] {strides = array<i32>} : memref<100x128xf32, #tpu.memory_space<vmem>>, vector<1x16xf32>,
        %parallel_loop3A_840 = vector.shape_cast %parallel_loop3A_839 : vector<1x16xf32> to vector<16xf32>
        %parallel_loop3A_841 = arith.addf %parallel_loop3A_840, %get3A_629 : vector<16xf32>
        %parallel_loop3A_842 = arith.constant 1 : i32
        %parallel_loop3A_843 = arith.index_cast %parallel_loop3A_842 : i32 to index
        %parallel_loop3A_844 = arith.index_cast %parallel_loop3A_836 : i32 to index
        %parallel_loop3A_845 = arith.constant 0 : index
        %parallel_loop3A_846 = tpu.vector_load %arg14[%parallel_loop3A_843, %parallel_loop3A_844, %parallel_loop3A_845] {strides = array<i32>} : memref<4x100x128xf32, #tpu.memory_space<vmem>>, vector<1x1x16xf32>,
        %parallel_loop3A_847 = vector.shape_cast %parallel_loop3A_846 : vector<1x1x16xf32> to vector<16xf32>
        %parallel_loop3A_848 = vector.shape_cast %parallel_loop3A_841 : vector<16xf32> to vector<1x1x16xf32>
        tpu.vector_store %arg14[%parallel_loop3A_843, %parallel_loop3A_844, %parallel_loop3A_845], %parallel_loop3A_848 {add = true, strides = array<i32>} : memref<4x100x128xf32, #tpu.memory_space<vmem>>, vector<1x1x16xf32>,
        %parallel_loop3A_849 = arith.index_cast %parallel_loop3A_836 : i32 to index
        %parallel_loop3A_850 = arith.constant 16 : index
        %parallel_loop3A_851 = tpu.vector_load %arg13[%parallel_loop3A_849, %parallel_loop3A_850] {strides = array<i32>} : memref<100x128xf32, #tpu.memory_space<vmem>>, vector<1x16xf32>,
        %parallel_loop3A_852 = vector.shape_cast %parallel_loop3A_851 : vector<1x16xf32> to vector<16xf32>
        %parallel_loop3A_853 = arith.addf %parallel_loop3A_852, %get3A_633 : vector<16xf32>
        %parallel_loop3A_854 = arith.constant 1 : i32
        %parallel_loop3A_855 = arith.index_cast %parallel_loop3A_854 : i32 to index
        %parallel_loop3A_856 = arith.index_cast %parallel_loop3A_836 : i32 to index
        %parallel_loop3A_857 = arith.constant 16 : index
        %parallel_loop3A_858 = tpu.vector_load %arg14[%parallel_loop3A_855, %parallel_loop3A_856, %parallel_loop3A_857] {strides = array<i32>} : memref<4x100x128xf32, #tpu.memory_space<vmem>>, vector<1x1x16xf32>,
        %parallel_loop3A_859 = vector.shape_cast %parallel_loop3A_858 : vector<1x1x16xf32> to vector<16xf32>
        %parallel_loop3A_860 = vector.shape_cast %parallel_loop3A_853 : vector<16xf32> to vector<1x1x16xf32>
        tpu.vector_store %arg14[%parallel_loop3A_855, %parallel_loop3A_856, %parallel_loop3A_857], %parallel_loop3A_860 {add = true, strides = array<i32>} : memref<4x100x128xf32, #tpu.memory_space<vmem>>, vector<1x1x16xf32>,
        %parallel_loop3A_861 = arith.index_cast %parallel_loop3A_836 : i32 to index
        %parallel_loop3A_862 = arith.constant 32 : index
        %parallel_loop3A_863 = tpu.vector_load %arg13[%parallel_loop3A_861, %parallel_loop3A_862] {strides = array<i32>} : memref<100x128xf32, #tpu.memory_space<vmem>>, vector<1x16xf32>,
        %parallel_loop3A_864 = vector.shape_cast %parallel_loop3A_863 : vector<1x16xf32> to vector<16xf32>
        %parallel_loop3A_865 = arith.addf %parallel_loop3A_864, %get3A_637 : vector<16xf32>
        %parallel_loop3A_866 = arith.constant 1 : i32
        %parallel_loop3A_867 = arith.index_cast %parallel_loop3A_866 : i32 to index
        %parallel_loop3A_868 = arith.index_cast %parallel_loop3A_836 : i32 to index
        %parallel_loop3A_869 = arith.constant 32 : index
        %parallel_loop3A_870 = tpu.vector_load %arg14[%parallel_loop3A_867, %parallel_loop3A_868, %parallel_loop3A_869] {strides = array<i32>} : memref<4x100x128xf32, #tpu.memory_space<vmem>>, vector<1x1x16xf32>,
        %parallel_loop3A_871 = vector.shape_cast %parallel_loop3A_870 : vector<1x1x16xf32> to vector<16xf32>
        %parallel_loop3A_872 = vector.shape_cast %parallel_loop3A_865 : vector<16xf32> to vector<1x1x16xf32>
        tpu.vector_store %arg14[%parallel_loop3A_867, %parallel_loop3A_868, %parallel_loop3A_869], %parallel_loop3A_872 {add = true, strides = array<i32>} : memref<4x100x128xf32, #tpu.memory_space<vmem>>, vector<1x1x16xf32>,
        %parallel_loop3A_873 = arith.index_cast %parallel_loop3A_836 : i32 to index
        %parallel_loop3A_874 = arith.constant 48 : index
        %parallel_loop3A_875 = tpu.vector_load %arg13[%parallel_loop3A_873, %parallel_loop3A_874] {strides = array<i32>} : memref<100x128xf32, #tpu.memory_space<vmem>>, vector<1x16xf32>,
        %parallel_loop3A_876 = vector.shape_cast %parallel_loop3A_875 : vector<1x16xf32> to vector<16xf32>
        %parallel_loop3A_877 = arith.addf %parallel_loop3A_876, %get3A_641 : vector<16xf32>
        %parallel_loop3A_878 = arith.constant 1 : i32
        %parallel_loop3A_879 = arith.index_cast %parallel_loop3A_878 : i32 to index
        %parallel_loop3A_880 = arith.index_cast %parallel_loop3A_836 : i32 to index
        %parallel_loop3A_881 = arith.constant 48 : index
        %parallel_loop3A_882 = tpu.vector_load %arg14[%parallel_loop3A_879, %parallel_loop3A_880, %parallel_loop3A_881] {strides = array<i32>} : memref<4x100x128xf32, #tpu.memory_space<vmem>>, vector<1x1x16xf32>,
        %parallel_loop3A_883 = vector.shape_cast %parallel_loop3A_882 : vector<1x1x16xf32> to vector<16xf32>
        %parallel_loop3A_884 = vector.shape_cast %parallel_loop3A_877 : vector<16xf32> to vector<1x1x16xf32>
        tpu.vector_store %arg14[%parallel_loop3A_879, %parallel_loop3A_880, %parallel_loop3A_881], %parallel_loop3A_884 {add = true, strides = array<i32>} : memref<4x100x128xf32, #tpu.memory_space<vmem>>, vector<1x1x16xf32>,
        %parallel_loop3A_885 = arith.index_cast %parallel_loop3A_836 : i32 to index
        %parallel_loop3A_886 = arith.constant 64 : index
        %parallel_loop3A_887 = tpu.vector_load %arg13[%parallel_loop3A_885, %parallel_loop3A_886] {strides = array<i32>} : memref<100x128xf32, #tpu.memory_space<vmem>>, vector<1x16xf32>,
        %parallel_loop3A_888 = vector.shape_cast %parallel_loop3A_887 : vector<1x16xf32> to vector<16xf32>
        %parallel_loop3A_889 = arith.addf %parallel_loop3A_888, %get3A_645 : vector<16xf32>
        %parallel_loop3A_890 = arith.constant 1 : i32
        %parallel_loop3A_891 = arith.index_cast %parallel_loop3A_890 : i32 to index
        %parallel_loop3A_892 = arith.index_cast %parallel_loop3A_836 : i32 to index
        %parallel_loop3A_893 = arith.constant 64 : index
        %parallel_loop3A_894 = tpu.vector_load %arg14[%parallel_loop3A_891, %parallel_loop3A_892, %parallel_loop3A_893] {strides = array<i32>} : memref<4x100x128xf32, #tpu.memory_space<vmem>>, vector<1x1x16xf32>,
        %parallel_loop3A_895 = vector.shape_cast %parallel_loop3A_894 : vector<1x1x16xf32> to vector<16xf32>
        %parallel_loop3A_896 = vector.shape_cast %parallel_loop3A_889 : vector<16xf32> to vector<1x1x16xf32>
        tpu.vector_store %arg14[%parallel_loop3A_891, %parallel_loop3A_892, %parallel_loop3A_893], %parallel_loop3A_896 {add = true, strides = array<i32>} : memref<4x100x128xf32, #tpu.memory_space<vmem>>, vector<1x1x16xf32>,
        %parallel_loop3A_897 = arith.index_cast %parallel_loop3A_836 : i32 to index
        %parallel_loop3A_898 = arith.constant 80 : index
        %parallel_loop3A_899 = tpu.vector_load %arg13[%parallel_loop3A_897, %parallel_loop3A_898] {strides = array<i32>} : memref<100x128xf32, #tpu.memory_space<vmem>>, vector<1x16xf32>,
        %parallel_loop3A_900 = vector.shape_cast %parallel_loop3A_899 : vector<1x16xf32> to vector<16xf32>
        %parallel_loop3A_901 = arith.addf %parallel_loop3A_900, %get3A_649 : vector<16xf32>
        %parallel_loop3A_902 = arith.constant 1 : i32
        %parallel_loop3A_903 = arith.index_cast %parallel_loop3A_902 : i32 to index
        %parallel_loop3A_904 = arith.index_cast %parallel_loop3A_836 : i32 to index
        %parallel_loop3A_905 = arith.constant 80 : index
        %parallel_loop3A_906 = tpu.vector_load %arg14[%parallel_loop3A_903, %parallel_loop3A_904, %parallel_loop3A_905] {strides = array<i32>} : memref<4x100x128xf32, #tpu.memory_space<vmem>>, vector<1x1x16xf32>,
        %parallel_loop3A_907 = vector.shape_cast %parallel_loop3A_906 : vector<1x1x16xf32> to vector<16xf32>
        %parallel_loop3A_908 = vector.shape_cast %parallel_loop3A_901 : vector<16xf32> to vector<1x1x16xf32>
        tpu.vector_store %arg14[%parallel_loop3A_903, %parallel_loop3A_904, %parallel_loop3A_905], %parallel_loop3A_908 {add = true, strides = array<i32>} : memref<4x100x128xf32, #tpu.memory_space<vmem>>, vector<1x1x16xf32>,
        %parallel_loop3A_909 = arith.index_cast %parallel_loop3A_836 : i32 to index
        %parallel_loop3A_910 = arith.constant 96 : index
        %parallel_loop3A_911 = tpu.vector_load %arg13[%parallel_loop3A_909, %parallel_loop3A_910] {strides = array<i32>} : memref<100x128xf32, #tpu.memory_space<vmem>>, vector<1x16xf32>,
        %parallel_loop3A_912 = vector.shape_cast %parallel_loop3A_911 : vector<1x16xf32> to vector<16xf32>
        %parallel_loop3A_913 = arith.addf %parallel_loop3A_912, %get3A_653 : vector<16xf32>
        %parallel_loop3A_914 = arith.constant 1 : i32
        %parallel_loop3A_915 = arith.index_cast %parallel_loop3A_914 : i32 to index
        %parallel_loop3A_916 = arith.index_cast %parallel_loop3A_836 : i32 to index
        %parallel_loop3A_917 = arith.constant 96 : index
        %parallel_loop3A_918 = tpu.vector_load %arg14[%parallel_loop3A_915, %parallel_loop3A_916, %parallel_loop3A_917] {strides = array<i32>} : memref<4x100x128xf32, #tpu.memory_space<vmem>>, vector<1x1x16xf32>,
        %parallel_loop3A_919 = vector.shape_cast %parallel_loop3A_918 : vector<1x1x16xf32> to vector<16xf32>
        %parallel_loop3A_920 = vector.shape_cast %parallel_loop3A_913 : vector<16xf32> to vector<1x1x16xf32>
        tpu.vector_store %arg14[%parallel_loop3A_915, %parallel_loop3A_916, %parallel_loop3A_917], %parallel_loop3A_920 {add = true, strides = array<i32>} : memref<4x100x128xf32, #tpu.memory_space<vmem>>, vector<1x1x16xf32>,
        %parallel_loop3A_921 = arith.index_cast %parallel_loop3A_836 : i32 to index
        %parallel_loop3A_922 = arith.constant 112 : index
        %parallel_loop3A_923 = tpu.vector_load %arg13[%parallel_loop3A_921, %parallel_loop3A_922] {strides = array<i32>} : memref<100x128xf32, #tpu.memory_space<vmem>>, vector<1x16xf32>,
        %parallel_loop3A_924 = vector.shape_cast %parallel_loop3A_923 : vector<1x16xf32> to vector<16xf32>
        %parallel_loop3A_925 = arith.addf %parallel_loop3A_924, %get3A_657 : vector<16xf32>
        %parallel_loop3A_926 = arith.constant 1 : i32
        %parallel_loop3A_927 = arith.index_cast %parallel_loop3A_926 : i32 to index
        %parallel_loop3A_928 = arith.index_cast %parallel_loop3A_836 : i32 to index
        %parallel_loop3A_929 = arith.constant 112 : index
        %parallel_loop3A_930 = tpu.vector_load %arg14[%parallel_loop3A_927, %parallel_loop3A_928, %parallel_loop3A_929] {strides = array<i32>} : memref<4x100x128xf32, #tpu.memory_space<vmem>>, vector<1x1x16xf32>,
        %parallel_loop3A_931 = vector.shape_cast %parallel_loop3A_930 : vector<1x1x16xf32> to vector<16xf32>
        %parallel_loop3A_932 = vector.shape_cast %parallel_loop3A_925 : vector<16xf32> to vector<1x1x16xf32>
        tpu.vector_store %arg14[%parallel_loop3A_927, %parallel_loop3A_928, %parallel_loop3A_929], %parallel_loop3A_932 {add = true, strides = array<i32>} : memref<4x100x128xf32, #tpu.memory_space<vmem>>, vector<1x1x16xf32>,
      } {sc.loop_unroll_factor = 4 : i64, sc.parallel_access}
      %add3A_661 = arith.addi %mul3A_2, %add3A_614 : i32
      %dma_start3A_662 = arith.constant 1 : i32
      %dma_start3A_663 = arith.constant 0 : i32
      %dma_start3A_664 = arith.constant 0 : i32
      %dma_start3A_665 = tpu.memref_slice %arg14[%dma_start3A_662, %dma_start3A_663, %dma_start3A_664] : memref<4x100x128xf32, #tpu.memory_space<vmem>> -> memref<1x100x128xf32, #tpu.memory_space<vmem>>
      %dma_start3A_666 = tpu.memref_squeeze %dma_start3A_665 : memref<1x100x128xf32, #tpu.memory_space<vmem>> -> memref<100x128xf32, #tpu.memory_space<vmem>>
      %dma_start3A_667 = arith.constant 0 : i32
      %dma_start3A_668 = arith.constant 0 : i32
      %dma_start3A_669 = tpu.memref_slice %arg9[%add3A_661, %dma_start3A_667, %dma_start3A_668] : memref<4096x100x128xf32, #tpu.memory_space<hbm>> -> memref<1x100x128xf32, #tpu.memory_space<hbm>>
      %dma_start3A_670 = tpu.memref_squeeze %dma_start3A_669 : memref<1x100x128xf32, #tpu.memory_space<hbm>> -> memref<100x128xf32, #tpu.memory_space<hbm>>
      %dma_start3A_671 = arith.constant 0 : i32
      %dma_start3A_672 = arith.constant 0 : i32
      %dma_start3A_673 = tpu.memref_slice %arg9[%add3A_661, %dma_start3A_671, %dma_start3A_672] : memref<4096x100x128xf32, #tpu.memory_space<hbm>> -> memref<1x100x128xf32, #tpu.memory_space<hbm>>
      %dma_start3A_674 = tpu.memref_squeeze %dma_start3A_673 : memref<1x100x128xf32, #tpu.memory_space<hbm>> -> memref<100x128xf32, #tpu.memory_space<hbm>>
      %dma_start3A_675 = arith.constant 0 : i32
      %dma_start3A_676 = arith.constant 0 : i32
      %dma_start3A_677 = tpu.memref_slice %arg14[%dma_start3A_662, %dma_start3A_675, %dma_start3A_676] : memref<4x100x128xf32, #tpu.memory_space<vmem>> -> memref<1x100x128xf32, #tpu.memory_space<vmem>>
      %dma_start3A_678 = tpu.memref_squeeze %dma_start3A_677 : memref<1x100x128xf32, #tpu.memory_space<vmem>> -> memref<100x128xf32, #tpu.memory_space<vmem>>
      tpu.enqueue_dma source(%dma_start3A_678 : memref<100x128xf32, #tpu.memory_space<vmem>>) target(%dma_start3A_674 : memref<100x128xf32, #tpu.memory_space<hbm>>) target_semaphore(%arg23 : memref<!tpu.dma_semaphore, #tpu.memory_space<semaphore_mem>>)
      %add3A_679 = arith.constant 3 : i32
      %add3A_680 = arith.addi %add3A_614, %add3A_679 : i32
      %lt3A_681 = arith.constant 128 : i32
      %lt3A_682 = arith.cmpi slt, %add3A_680, %lt3A_681 : i32
      %convert_element_type3A_683 = arith.extui %lt3A_682 : i1 to i32
      %cond3A_684 = arith.constant 0 : i32
      %cond3A_685 = arith.cmpi ne, %convert_element_type3A_683, %cond3A_684 : i32
      scf.if %cond3A_685 {
        %dma_wait3A_836 = arith.constant 0 : i32
        %dma_wait3A_837 = arith.constant 0 : i32
        %dma_wait3A_838 = arith.constant 0 : i32
        %dma_wait3A_839 = tpu.memref_slice %arg14[%dma_wait3A_836, %dma_wait3A_837, %dma_wait3A_838] : memref<4x100x128xf32, #tpu.memory_space<vmem>> -> memref<1x100x128xf32, #tpu.memory_space<vmem>>
        %dma_wait3A_840 = tpu.memref_squeeze %dma_wait3A_839 : memref<1x100x128xf32, #tpu.memory_space<vmem>> -> memref<100x128xf32, #tpu.memory_space<vmem>>
        %dma_wait3A_841 = arith.constant 0 : i32
        %dma_wait3A_842 = arith.constant 0 : i32
        %dma_wait3A_843 = tpu.memref_slice %arg9[%mul3A_2, %dma_wait3A_841, %dma_wait3A_842] : memref<4096x100x128xf32, #tpu.memory_space<hbm>> -> memref<1x100x128xf32, #tpu.memory_space<hbm>>
        %dma_wait3A_844 = tpu.memref_squeeze %dma_wait3A_843 : memref<1x100x128xf32, #tpu.memory_space<hbm>> -> memref<100x128xf32, #tpu.memory_space<hbm>>
        %dma_wait3A_845 = arith.constant 0 : i32
        %dma_wait3A_846 = arith.constant 0 : i32
        %dma_wait3A_847 = tpu.memref_slice %arg9[%mul3A_2, %dma_wait3A_845, %dma_wait3A_846] : memref<4096x100x128xf32, #tpu.memory_space<hbm>> -> memref<1x100x128xf32, #tpu.memory_space<hbm>>
        %dma_wait3A_848 = tpu.memref_squeeze %dma_wait3A_847 : memref<1x100x128xf32, #tpu.memory_space<hbm>> -> memref<100x128xf32, #tpu.memory_space<hbm>>
        %dma_wait3A_849 = arith.constant 0 : i32
        %dma_wait3A_850 = arith.constant 0 : i32
        %dma_wait3A_851 = tpu.memref_slice %arg14[%dma_wait3A_836, %dma_wait3A_849, %dma_wait3A_850] : memref<4x100x128xf32, #tpu.memory_space<vmem>> -> memref<1x100x128xf32, #tpu.memory_space<vmem>>
        %dma_wait3A_852 = tpu.memref_squeeze %dma_wait3A_851 : memref<1x100x128xf32, #tpu.memory_space<vmem>> -> memref<100x128xf32, #tpu.memory_space<vmem>>
        tpu.wait_dma2 semaphore(%arg22 : memref<!tpu.dma_semaphore, #tpu.memory_space<semaphore_mem>>) src(%dma_wait3A_852 : memref<100x128xf32, #tpu.memory_space<vmem>>) dst(%dma_wait3A_848 : memref<100x128xf32, #tpu.memory_space<hbm>>)
        %dma_start3A_853 = arith.constant 0 : i32
        %dma_start3A_854 = arith.constant 0 : i32
        %dma_start3A_855 = arith.constant 0 : i32
        %dma_start3A_856 = tpu.memref_slice %arg14[%dma_start3A_853, %dma_start3A_854, %dma_start3A_855] : memref<4x100x128xf32, #tpu.memory_space<vmem>> -> memref<1x100x128xf32, #tpu.memory_space<vmem>>
        %dma_start3A_857 = tpu.memref_squeeze %dma_start3A_856 : memref<1x100x128xf32, #tpu.memory_space<vmem>> -> memref<100x128xf32, #tpu.memory_space<vmem>>
        %dma_start3A_858 = arith.constant 0 : i32
        %dma_start3A_859 = tpu.memref_slice %arg10[%add3A_680, %dma_start3A_858] : memref<128x100xi32, #tpu.memory_space<vmem>> -> memref<1x100xi32, #tpu.memory_space<vmem>>
        %dma_start3A_860 = tpu.memref_squeeze %dma_start3A_859 : memref<1x100xi32, #tpu.memory_space<vmem>> -> memref<100xi32, #tpu.memory_space<vmem>>
        %dma_start3A_861 = arith.constant 0 : i32
        %dma_start3A_862 = arith.constant 0 : i32
        %dma_start3A_863 = tpu.memref_slice %arg17[%dma_start3A_861, %dma_start3A_862] : memref<1000x128xf32, #tpu.memory_space<vmem_shared>> -> memref<1000x128xf32, #tpu.memory_space<vmem_shared>>
        tpu.enqueue_indirect_dma source(%dma_start3A_863 : memref<1000x128xf32, #tpu.memory_space<vmem_shared>>) target(%dma_start3A_857 : memref<100x128xf32, #tpu.memory_space<vmem>>) offsets(%dma_start3A_860 : memref<100xi32, #tpu.memory_space<vmem>>) semaphore(%arg18 : memref<!tpu.dma_semaphore, #tpu.memory_space<semaphore_mem>>)
      } else {
      }
      %mul3A_686 = arith.constant 4 : i32
      %mul3A_687 = arith.muli %scan3A_535, %mul3A_686 : i32
      %add3A_688 = arith.constant 2 : i32
      %add3A_689 = arith.addi %mul3A_687, %add3A_688 : i32
      %dma_wait3A_690 = arith.constant 2 : i32
      %dma_wait3A_691 = arith.constant 0 : i32
      %dma_wait3A_692 = arith.constant 0 : i32
      %dma_wait3A_693 = tpu.memref_slice %arg14[%dma_wait3A_690, %dma_wait3A_691, %dma_wait3A_692] : memref<4x100x128xf32, #tpu.memory_space<vmem>> -> memref<1x100x128xf32, #tpu.memory_space<vmem>>
      %dma_wait3A_694 = tpu.memref_squeeze %dma_wait3A_693 : memref<1x100x128xf32, #tpu.memory_space<vmem>> -> memref<100x128xf32, #tpu.memory_space<vmem>>
      %dma_wait3A_695 = arith.constant 0 : i32
      %dma_wait3A_696 = tpu.memref_slice %arg10[%add3A_689, %dma_wait3A_695] : memref<128x100xi32, #tpu.memory_space<vmem>> -> memref<1x100xi32, #tpu.memory_space<vmem>>
      %dma_wait3A_697 = tpu.memref_squeeze %dma_wait3A_696 : memref<1x100xi32, #tpu.memory_space<vmem>> -> memref<100xi32, #tpu.memory_space<vmem>>
      %dma_wait3A_698 = arith.constant 0 : i32
      %dma_wait3A_699 = arith.constant 0 : i32
      %dma_wait3A_700 = tpu.memref_slice %arg17[%dma_wait3A_698, %dma_wait3A_699] : memref<1000x128xf32, #tpu.memory_space<vmem_shared>> -> memref<1000x128xf32, #tpu.memory_space<vmem_shared>>
      tpu.wait_indirect_dma semaphore(%arg20 : memref<!tpu.dma_semaphore, #tpu.memory_space<semaphore_mem>>) src(%dma_wait3A_700 : memref<1000x128xf32, #tpu.memory_space<vmem_shared>>) dst(%dma_wait3A_694 : memref<100x128xf32, #tpu.memory_space<vmem>>)
      %get3A_701 = arith.index_cast %add3A_689 : i32 to index
      %get3A_702 = arith.constant 0 : index
      %get3A_703 = tpu.vector_load %arg12[%get3A_701, %get3A_702] {strides = array<i32>} : memref<128x128xf32, #tpu.memory_space<vmem>>, vector<1x16xf32>,
      %get3A_704 = vector.shape_cast %get3A_703 : vector<1x16xf32> to vector<16xf32>
      %get3A_705 = arith.index_cast %add3A_689 : i32 to index
      %get3A_706 = arith.constant 16 : index
      %get3A_707 = tpu.vector_load %arg12[%get3A_705, %get3A_706] {strides = array<i32>} : memref<128x128xf32, #tpu.memory_space<vmem>>, vector<1x16xf32>,
      %get3A_708 = vector.shape_cast %get3A_707 : vector<1x16xf32> to vector<16xf32>
      %get3A_709 = arith.index_cast %add3A_689 : i32 to index
      %get3A_710 = arith.constant 32 : index
      %get3A_711 = tpu.vector_load %arg12[%get3A_709, %get3A_710] {strides = array<i32>} : memref<128x128xf32, #tpu.memory_space<vmem>>, vector<1x16xf32>,
      %get3A_712 = vector.shape_cast %get3A_711 : vector<1x16xf32> to vector<16xf32>
      %get3A_713 = arith.index_cast %add3A_689 : i32 to index
      %get3A_714 = arith.constant 48 : index
      %get3A_715 = tpu.vector_load %arg12[%get3A_713, %get3A_714] {strides = array<i32>} : memref<128x128xf32, #tpu.memory_space<vmem>>, vector<1x16xf32>,
      %get3A_716 = vector.shape_cast %get3A_715 : vector<1x16xf32> to vector<16xf32>
      %get3A_717 = arith.index_cast %add3A_689 : i32 to index
      %get3A_718 = arith.constant 64 : index
      %get3A_719 = tpu.vector_load %arg12[%get3A_717, %get3A_718] {strides = array<i32>} : memref<128x128xf32, #tpu.memory_space<vmem>>, vector<1x16xf32>,
      %get3A_720 = vector.shape_cast %get3A_719 : vector<1x16xf32> to vector<16xf32>
      %get3A_721 = arith.index_cast %add3A_689 : i32 to index
      %get3A_722 = arith.constant 80 : index
      %get3A_723 = tpu.vector_load %arg12[%get3A_721, %get3A_722] {strides = array<i32>} : memref<128x128xf32, #tpu.memory_space<vmem>>, vector<1x16xf32>,
      %get3A_724 = vector.shape_cast %get3A_723 : vector<1x16xf32> to vector<16xf32>
      %get3A_725 = arith.index_cast %add3A_689 : i32 to index
      %get3A_726 = arith.constant 96 : index
      %get3A_727 = tpu.vector_load %arg12[%get3A_725, %get3A_726] {strides = array<i32>} : memref<128x128xf32, #tpu.memory_space<vmem>>, vector<1x16xf32>,
      %get3A_728 = vector.shape_cast %get3A_727 : vector<1x16xf32> to vector<16xf32>
      %get3A_729 = arith.index_cast %add3A_689 : i32 to index
      %get3A_730 = arith.constant 112 : index
      %get3A_731 = tpu.vector_load %arg12[%get3A_729, %get3A_730] {strides = array<i32>} : memref<128x128xf32, #tpu.memory_space<vmem>>, vector<1x16xf32>,
      %get3A_732 = vector.shape_cast %get3A_731 : vector<1x16xf32> to vector<16xf32>
      %parallel_loop3A_733 = arith.constant 0 : i32
      %parallel_loop3A_734 = arith.constant 100 : i32
      %parallel_loop3A_735 = arith.constant 1 : i32
      scf.for %parallel_loop3A_836 = %parallel_loop3A_733 to %parallel_loop3A_734 step %parallel_loop3A_735  : i32 {
        %parallel_loop3A_837 = arith.index_cast %parallel_loop3A_836 : i32 to index
        %parallel_loop3A_838 = arith.constant 0 : index
        %parallel_loop3A_839 = tpu.vector_load %arg13[%parallel_loop3A_837, %parallel_loop3A_838] {strides = array<i32>} : memref<100x128xf32, #tpu.memory_space<vmem>>, vector<1x16xf32>,
        %parallel_loop3A_840 = vector.shape_cast %parallel_loop3A_839 : vector<1x16xf32> to vector<16xf32>
        %parallel_loop3A_841 = arith.addf %parallel_loop3A_840, %get3A_704 : vector<16xf32>
        %parallel_loop3A_842 = arith.constant 2 : i32
        %parallel_loop3A_843 = arith.index_cast %parallel_loop3A_842 : i32 to index
        %parallel_loop3A_844 = arith.index_cast %parallel_loop3A_836 : i32 to index
        %parallel_loop3A_845 = arith.constant 0 : index
        %parallel_loop3A_846 = tpu.vector_load %arg14[%parallel_loop3A_843, %parallel_loop3A_844, %parallel_loop3A_845] {strides = array<i32>} : memref<4x100x128xf32, #tpu.memory_space<vmem>>, vector<1x1x16xf32>,
        %parallel_loop3A_847 = vector.shape_cast %parallel_loop3A_846 : vector<1x1x16xf32> to vector<16xf32>
        %parallel_loop3A_848 = vector.shape_cast %parallel_loop3A_841 : vector<16xf32> to vector<1x1x16xf32>
        tpu.vector_store %arg14[%parallel_loop3A_843, %parallel_loop3A_844, %parallel_loop3A_845], %parallel_loop3A_848 {add = true, strides = array<i32>} : memref<4x100x128xf32, #tpu.memory_space<vmem>>, vector<1x1x16xf32>,
        %parallel_loop3A_849 = arith.index_cast %parallel_loop3A_836 : i32 to index
        %parallel_loop3A_850 = arith.constant 16 : index
        %parallel_loop3A_851 = tpu.vector_load %arg13[%parallel_loop3A_849, %parallel_loop3A_850] {strides = array<i32>} : memref<100x128xf32, #tpu.memory_space<vmem>>, vector<1x16xf32>,
        %parallel_loop3A_852 = vector.shape_cast %parallel_loop3A_851 : vector<1x16xf32> to vector<16xf32>
        %parallel_loop3A_853 = arith.addf %parallel_loop3A_852, %get3A_708 : vector<16xf32>
        %parallel_loop3A_854 = arith.constant 2 : i32
        %parallel_loop3A_855 = arith.index_cast %parallel_loop3A_854 : i32 to index
        %parallel_loop3A_856 = arith.index_cast %parallel_loop3A_836 : i32 to index
        %parallel_loop3A_857 = arith.constant 16 : index
        %parallel_loop3A_858 = tpu.vector_load %arg14[%parallel_loop3A_855, %parallel_loop3A_856, %parallel_loop3A_857] {strides = array<i32>} : memref<4x100x128xf32, #tpu.memory_space<vmem>>, vector<1x1x16xf32>,
        %parallel_loop3A_859 = vector.shape_cast %parallel_loop3A_858 : vector<1x1x16xf32> to vector<16xf32>
        %parallel_loop3A_860 = vector.shape_cast %parallel_loop3A_853 : vector<16xf32> to vector<1x1x16xf32>
        tpu.vector_store %arg14[%parallel_loop3A_855, %parallel_loop3A_856, %parallel_loop3A_857], %parallel_loop3A_860 {add = true, strides = array<i32>} : memref<4x100x128xf32, #tpu.memory_space<vmem>>, vector<1x1x16xf32>,
        %parallel_loop3A_861 = arith.index_cast %parallel_loop3A_836 : i32 to index
        %parallel_loop3A_862 = arith.constant 32 : index
        %parallel_loop3A_863 = tpu.vector_load %arg13[%parallel_loop3A_861, %parallel_loop3A_862] {strides = array<i32>} : memref<100x128xf32, #tpu.memory_space<vmem>>, vector<1x16xf32>,
        %parallel_loop3A_864 = vector.shape_cast %parallel_loop3A_863 : vector<1x16xf32> to vector<16xf32>
        %parallel_loop3A_865 = arith.addf %parallel_loop3A_864, %get3A_712 : vector<16xf32>
        %parallel_loop3A_866 = arith.constant 2 : i32
        %parallel_loop3A_867 = arith.index_cast %parallel_loop3A_866 : i32 to index
        %parallel_loop3A_868 = arith.index_cast %parallel_loop3A_836 : i32 to index
        %parallel_loop3A_869 = arith.constant 32 : index
        %parallel_loop3A_870 = tpu.vector_load %arg14[%parallel_loop3A_867, %parallel_loop3A_868, %parallel_loop3A_869] {strides = array<i32>} : memref<4x100x128xf32, #tpu.memory_space<vmem>>, vector<1x1x16xf32>,
        %parallel_loop3A_871 = vector.shape_cast %parallel_loop3A_870 : vector<1x1x16xf32> to vector<16xf32>
        %parallel_loop3A_872 = vector.shape_cast %parallel_loop3A_865 : vector<16xf32> to vector<1x1x16xf32>
        tpu.vector_store %arg14[%parallel_loop3A_867, %parallel_loop3A_868, %parallel_loop3A_869], %parallel_loop3A_872 {add = true, strides = array<i32>} : memref<4x100x128xf32, #tpu.memory_space<vmem>>, vector<1x1x16xf32>,
        %parallel_loop3A_873 = arith.index_cast %parallel_loop3A_836 : i32 to index
        %parallel_loop3A_874 = arith.constant 48 : index
        %parallel_loop3A_875 = tpu.vector_load %arg13[%parallel_loop3A_873, %parallel_loop3A_874] {strides = array<i32>} : memref<100x128xf32, #tpu.memory_space<vmem>>, vector<1x16xf32>,
        %parallel_loop3A_876 = vector.shape_cast %parallel_loop3A_875 : vector<1x16xf32> to vector<16xf32>
        %parallel_loop3A_877 = arith.addf %parallel_loop3A_876, %get3A_716 : vector<16xf32>
        %parallel_loop3A_878 = arith.constant 2 : i32
        %parallel_loop3A_879 = arith.index_cast %parallel_loop3A_878 : i32 to index
        %parallel_loop3A_880 = arith.index_cast %parallel_loop3A_836 : i32 to index
        %parallel_loop3A_881 = arith.constant 48 : index
        %parallel_loop3A_882 = tpu.vector_load %arg14[%parallel_loop3A_879, %parallel_loop3A_880, %parallel_loop3A_881] {strides = array<i32>} : memref<4x100x128xf32, #tpu.memory_space<vmem>>, vector<1x1x16xf32>,
        %parallel_loop3A_883 = vector.shape_cast %parallel_loop3A_882 : vector<1x1x16xf32> to vector<16xf32>
        %parallel_loop3A_884 = vector.shape_cast %parallel_loop3A_877 : vector<16xf32> to vector<1x1x16xf32>
        tpu.vector_store %arg14[%parallel_loop3A_879, %parallel_loop3A_880, %parallel_loop3A_881], %parallel_loop3A_884 {add = true, strides = array<i32>} : memref<4x100x128xf32, #tpu.memory_space<vmem>>, vector<1x1x16xf32>,
        %parallel_loop3A_885 = arith.index_cast %parallel_loop3A_836 : i32 to index
        %parallel_loop3A_886 = arith.constant 64 : index
        %parallel_loop3A_887 = tpu.vector_load %arg13[%parallel_loop3A_885, %parallel_loop3A_886] {strides = array<i32>} : memref<100x128xf32, #tpu.memory_space<vmem>>, vector<1x16xf32>,
        %parallel_loop3A_888 = vector.shape_cast %parallel_loop3A_887 : vector<1x16xf32> to vector<16xf32>
        %parallel_loop3A_889 = arith.addf %parallel_loop3A_888, %get3A_720 : vector<16xf32>
        %parallel_loop3A_890 = arith.constant 2 : i32
        %parallel_loop3A_891 = arith.index_cast %parallel_loop3A_890 : i32 to index
        %parallel_loop3A_892 = arith.index_cast %parallel_loop3A_836 : i32 to index
        %parallel_loop3A_893 = arith.constant 64 : index
        %parallel_loop3A_894 = tpu.vector_load %arg14[%parallel_loop3A_891, %parallel_loop3A_892, %parallel_loop3A_893] {strides = array<i32>} : memref<4x100x128xf32, #tpu.memory_space<vmem>>, vector<1x1x16xf32>,
        %parallel_loop3A_895 = vector.shape_cast %parallel_loop3A_894 : vector<1x1x16xf32> to vector<16xf32>
        %parallel_loop3A_896 = vector.shape_cast %parallel_loop3A_889 : vector<16xf32> to vector<1x1x16xf32>
        tpu.vector_store %arg14[%parallel_loop3A_891, %parallel_loop3A_892, %parallel_loop3A_893], %parallel_loop3A_896 {add = true, strides = array<i32>} : memref<4x100x128xf32, #tpu.memory_space<vmem>>, vector<1x1x16xf32>,
        %parallel_loop3A_897 = arith.index_cast %parallel_loop3A_836 : i32 to index
        %parallel_loop3A_898 = arith.constant 80 : index
        %parallel_loop3A_899 = tpu.vector_load %arg13[%parallel_loop3A_897, %parallel_loop3A_898] {strides = array<i32>} : memref<100x128xf32, #tpu.memory_space<vmem>>, vector<1x16xf32>,
        %parallel_loop3A_900 = vector.shape_cast %parallel_loop3A_899 : vector<1x16xf32> to vector<16xf32>
        %parallel_loop3A_901 = arith.addf %parallel_loop3A_900, %get3A_724 : vector<16xf32>
        %parallel_loop3A_902 = arith.constant 2 : i32
        %parallel_loop3A_903 = arith.index_cast %parallel_loop3A_902 : i32 to index
        %parallel_loop3A_904 = arith.index_cast %parallel_loop3A_836 : i32 to index
        %parallel_loop3A_905 = arith.constant 80 : index
        %parallel_loop3A_906 = tpu.vector_load %arg14[%parallel_loop3A_903, %parallel_loop3A_904, %parallel_loop3A_905] {strides = array<i32>} : memref<4x100x128xf32, #tpu.memory_space<vmem>>, vector<1x1x16xf32>,
        %parallel_loop3A_907 = vector.shape_cast %parallel_loop3A_906 : vector<1x1x16xf32> to vector<16xf32>
        %parallel_loop3A_908 = vector.shape_cast %parallel_loop3A_901 : vector<16xf32> to vector<1x1x16xf32>
        tpu.vector_store %arg14[%parallel_loop3A_903, %parallel_loop3A_904, %parallel_loop3A_905], %parallel_loop3A_908 {add = true, strides = array<i32>} : memref<4x100x128xf32, #tpu.memory_space<vmem>>, vector<1x1x16xf32>,
        %parallel_loop3A_909 = arith.index_cast %parallel_loop3A_836 : i32 to index
        %parallel_loop3A_910 = arith.constant 96 : index
        %parallel_loop3A_911 = tpu.vector_load %arg13[%parallel_loop3A_909, %parallel_loop3A_910] {strides = array<i32>} : memref<100x128xf32, #tpu.memory_space<vmem>>, vector<1x16xf32>,
        %parallel_loop3A_912 = vector.shape_cast %parallel_loop3A_911 : vector<1x16xf32> to vector<16xf32>
        %parallel_loop3A_913 = arith.addf %parallel_loop3A_912, %get3A_728 : vector<16xf32>
        %parallel_loop3A_914 = arith.constant 2 : i32
        %parallel_loop3A_915 = arith.index_cast %parallel_loop3A_914 : i32 to index
        %parallel_loop3A_916 = arith.index_cast %parallel_loop3A_836 : i32 to index
        %parallel_loop3A_917 = arith.constant 96 : index
        %parallel_loop3A_918 = tpu.vector_load %arg14[%parallel_loop3A_915, %parallel_loop3A_916, %parallel_loop3A_917] {strides = array<i32>} : memref<4x100x128xf32, #tpu.memory_space<vmem>>, vector<1x1x16xf32>,
        %parallel_loop3A_919 = vector.shape_cast %parallel_loop3A_918 : vector<1x1x16xf32> to vector<16xf32>
        %parallel_loop3A_920 = vector.shape_cast %parallel_loop3A_913 : vector<16xf32> to vector<1x1x16xf32>
        tpu.vector_store %arg14[%parallel_loop3A_915, %parallel_loop3A_916, %parallel_loop3A_917], %parallel_loop3A_920 {add = true, strides = array<i32>} : memref<4x100x128xf32, #tpu.memory_space<vmem>>, vector<1x1x16xf32>,
        %parallel_loop3A_921 = arith.index_cast %parallel_loop3A_836 : i32 to index
        %parallel_loop3A_922 = arith.constant 112 : index
        %parallel_loop3A_923 = tpu.vector_load %arg13[%parallel_loop3A_921, %parallel_loop3A_922] {strides = array<i32>} : memref<100x128xf32, #tpu.memory_space<vmem>>, vector<1x16xf32>,
        %parallel_loop3A_924 = vector.shape_cast %parallel_loop3A_923 : vector<1x16xf32> to vector<16xf32>
        %parallel_loop3A_925 = arith.addf %parallel_loop3A_924, %get3A_732 : vector<16xf32>
        %parallel_loop3A_926 = arith.constant 2 : i32
        %parallel_loop3A_927 = arith.index_cast %parallel_loop3A_926 : i32 to index
        %parallel_loop3A_928 = arith.index_cast %parallel_loop3A_836 : i32 to index
        %parallel_loop3A_929 = arith.constant 112 : index
        %parallel_loop3A_930 = tpu.vector_load %arg14[%parallel_loop3A_927, %parallel_loop3A_928, %parallel_loop3A_929] {strides = array<i32>} : memref<4x100x128xf32, #tpu.memory_space<vmem>>, vector<1x1x16xf32>,
        %parallel_loop3A_931 = vector.shape_cast %parallel_loop3A_930 : vector<1x1x16xf32> to vector<16xf32>
        %parallel_loop3A_932 = vector.shape_cast %parallel_loop3A_925 : vector<16xf32> to vector<1x1x16xf32>
        tpu.vector_store %arg14[%parallel_loop3A_927, %parallel_loop3A_928, %parallel_loop3A_929], %parallel_loop3A_932 {add = true, strides = array<i32>} : memref<4x100x128xf32, #tpu.memory_space<vmem>>, vector<1x1x16xf32>,
      } {sc.loop_unroll_factor = 4 : i64, sc.parallel_access}
      %add3A_736 = arith.addi %mul3A_2, %add3A_689 : i32
      %dma_start3A_737 = arith.constant 2 : i32
      %dma_start3A_738 = arith.constant 0 : i32
      %dma_start3A_739 = arith.constant 0 : i32
      %dma_start3A_740 = tpu.memref_slice %arg14[%dma_start3A_737, %dma_start3A_738, %dma_start3A_739] : memref<4x100x128xf32, #tpu.memory_space<vmem>> -> memref<1x100x128xf32, #tpu.memory_space<vmem>>
      %dma_start3A_741 = tpu.memref_squeeze %dma_start3A_740 : memref<1x100x128xf32, #tpu.memory_space<vmem>> -> memref<100x128xf32, #tpu.memory_space<vmem>>
      %dma_start3A_742 = arith.constant 0 : i32
      %dma_start3A_743 = arith.constant 0 : i32
      %dma_start3A_744 = tpu.memref_slice %arg9[%add3A_736, %dma_start3A_742, %dma_start3A_743] : memref<4096x100x128xf32, #tpu.memory_space<hbm>> -> memref<1x100x128xf32, #tpu.memory_space<hbm>>
      %dma_start3A_745 = tpu.memref_squeeze %dma_start3A_744 : memref<1x100x128xf32, #tpu.memory_space<hbm>> -> memref<100x128xf32, #tpu.memory_space<hbm>>
      %dma_start3A_746 = arith.constant 0 : i32
      %dma_start3A_747 = arith.constant 0 : i32
      %dma_start3A_748 = tpu.memref_slice %arg9[%add3A_736, %dma_start3A_746, %dma_start3A_747] : memref<4096x100x128xf32, #tpu.memory_space<hbm>> -> memref<1x100x128xf32, #tpu.memory_space<hbm>>
      %dma_start3A_749 = tpu.memref_squeeze %dma_start3A_748 : memref<1x100x128xf32, #tpu.memory_space<hbm>> -> memref<100x128xf32, #tpu.memory_space<hbm>>
      %dma_start3A_750 = arith.constant 0 : i32
      %dma_start3A_751 = arith.constant 0 : i32
      %dma_start3A_752 = tpu.memref_slice %arg14[%dma_start3A_737, %dma_start3A_750, %dma_start3A_751] : memref<4x100x128xf32, #tpu.memory_space<vmem>> -> memref<1x100x128xf32, #tpu.memory_space<vmem>>
      %dma_start3A_753 = tpu.memref_squeeze %dma_start3A_752 : memref<1x100x128xf32, #tpu.memory_space<vmem>> -> memref<100x128xf32, #tpu.memory_space<vmem>>
      tpu.enqueue_dma source(%dma_start3A_753 : memref<100x128xf32, #tpu.memory_space<vmem>>) target(%dma_start3A_749 : memref<100x128xf32, #tpu.memory_space<hbm>>) target_semaphore(%arg24 : memref<!tpu.dma_semaphore, #tpu.memory_space<semaphore_mem>>)
      %add3A_754 = arith.constant 3 : i32
      %add3A_755 = arith.addi %add3A_689, %add3A_754 : i32
      %lt3A_756 = arith.constant 128 : i32
      %lt3A_757 = arith.cmpi slt, %add3A_755, %lt3A_756 : i32
      %convert_element_type3A_758 = arith.extui %lt3A_757 : i1 to i32
      %cond3A_759 = arith.constant 0 : i32
      %cond3A_760 = arith.cmpi ne, %convert_element_type3A_758, %cond3A_759 : i32
      scf.if %cond3A_760 {
        %dma_wait3A_836 = arith.constant 1 : i32
        %dma_wait3A_837 = arith.constant 0 : i32
        %dma_wait3A_838 = arith.constant 0 : i32
        %dma_wait3A_839 = tpu.memref_slice %arg14[%dma_wait3A_836, %dma_wait3A_837, %dma_wait3A_838] : memref<4x100x128xf32, #tpu.memory_space<vmem>> -> memref<1x100x128xf32, #tpu.memory_space<vmem>>
        %dma_wait3A_840 = tpu.memref_squeeze %dma_wait3A_839 : memref<1x100x128xf32, #tpu.memory_space<vmem>> -> memref<100x128xf32, #tpu.memory_space<vmem>>
        %dma_wait3A_841 = arith.constant 0 : i32
        %dma_wait3A_842 = arith.constant 0 : i32
        %dma_wait3A_843 = tpu.memref_slice %arg9[%mul3A_2, %dma_wait3A_841, %dma_wait3A_842] : memref<4096x100x128xf32, #tpu.memory_space<hbm>> -> memref<1x100x128xf32, #tpu.memory_space<hbm>>
        %dma_wait3A_844 = tpu.memref_squeeze %dma_wait3A_843 : memref<1x100x128xf32, #tpu.memory_space<hbm>> -> memref<100x128xf32, #tpu.memory_space<hbm>>
        %dma_wait3A_845 = arith.constant 0 : i32
        %dma_wait3A_846 = arith.constant 0 : i32
        %dma_wait3A_847 = tpu.memref_slice %arg9[%mul3A_2, %dma_wait3A_845, %dma_wait3A_846] : memref<4096x100x128xf32, #tpu.memory_space<hbm>> -> memref<1x100x128xf32, #tpu.memory_space<hbm>>
        %dma_wait3A_848 = tpu.memref_squeeze %dma_wait3A_847 : memref<1x100x128xf32, #tpu.memory_space<hbm>> -> memref<100x128xf32, #tpu.memory_space<hbm>>
        %dma_wait3A_849 = arith.constant 0 : i32
        %dma_wait3A_850 = arith.constant 0 : i32
        %dma_wait3A_851 = tpu.memref_slice %arg14[%dma_wait3A_836, %dma_wait3A_849, %dma_wait3A_850] : memref<4x100x128xf32, #tpu.memory_space<vmem>> -> memref<1x100x128xf32, #tpu.memory_space<vmem>>
        %dma_wait3A_852 = tpu.memref_squeeze %dma_wait3A_851 : memref<1x100x128xf32, #tpu.memory_space<vmem>> -> memref<100x128xf32, #tpu.memory_space<vmem>>
        tpu.wait_dma2 semaphore(%arg23 : memref<!tpu.dma_semaphore, #tpu.memory_space<semaphore_mem>>) src(%dma_wait3A_852 : memref<100x128xf32, #tpu.memory_space<vmem>>) dst(%dma_wait3A_848 : memref<100x128xf32, #tpu.memory_space<hbm>>)
        %dma_start3A_853 = arith.constant 1 : i32
        %dma_start3A_854 = arith.constant 0 : i32
        %dma_start3A_855 = arith.constant 0 : i32
        %dma_start3A_856 = tpu.memref_slice %arg14[%dma_start3A_853, %dma_start3A_854, %dma_start3A_855] : memref<4x100x128xf32, #tpu.memory_space<vmem>> -> memref<1x100x128xf32, #tpu.memory_space<vmem>>
        %dma_start3A_857 = tpu.memref_squeeze %dma_start3A_856 : memref<1x100x128xf32, #tpu.memory_space<vmem>> -> memref<100x128xf32, #tpu.memory_space<vmem>>
        %dma_start3A_858 = arith.constant 0 : i32
        %dma_start3A_859 = tpu.memref_slice %arg10[%add3A_755, %dma_start3A_858] : memref<128x100xi32, #tpu.memory_space<vmem>> -> memref<1x100xi32, #tpu.memory_space<vmem>>
        %dma_start3A_860 = tpu.memref_squeeze %dma_start3A_859 : memref<1x100xi32, #tpu.memory_space<vmem>> -> memref<100xi32, #tpu.memory_space<vmem>>
        %dma_start3A_861 = arith.constant 0 : i32
        %dma_start3A_862 = arith.constant 0 : i32
        %dma_start3A_863 = tpu.memref_slice %arg17[%dma_start3A_861, %dma_start3A_862] : memref<1000x128xf32, #tpu.memory_space<vmem_shared>> -> memref<1000x128xf32, #tpu.memory_space<vmem_shared>>
        tpu.enqueue_indirect_dma source(%dma_start3A_863 : memref<1000x128xf32, #tpu.memory_space<vmem_shared>>) target(%dma_start3A_857 : memref<100x128xf32, #tpu.memory_space<vmem>>) offsets(%dma_start3A_860 : memref<100xi32, #tpu.memory_space<vmem>>) semaphore(%arg19 : memref<!tpu.dma_semaphore, #tpu.memory_space<semaphore_mem>>)
      } else {
      }
      %mul3A_761 = arith.constant 4 : i32
      %mul3A_762 = arith.muli %scan3A_535, %mul3A_761 : i32
      %add3A_763 = arith.constant 3 : i32
      %add3A_764 = arith.addi %mul3A_762, %add3A_763 : i32
      %dma_wait3A_765 = arith.constant 3 : i32
      %dma_wait3A_766 = arith.constant 0 : i32
      %dma_wait3A_767 = arith.constant 0 : i32
      %dma_wait3A_768 = tpu.memref_slice %arg14[%dma_wait3A_765, %dma_wait3A_766, %dma_wait3A_767] : memref<4x100x128xf32, #tpu.memory_space<vmem>> -> memref<1x100x128xf32, #tpu.memory_space<vmem>>
      %dma_wait3A_769 = tpu.memref_squeeze %dma_wait3A_768 : memref<1x100x128xf32, #tpu.memory_space<vmem>> -> memref<100x128xf32, #tpu.memory_space<vmem>>
      %dma_wait3A_770 = arith.constant 0 : i32
      %dma_wait3A_771 = tpu.memref_slice %arg10[%add3A_764, %dma_wait3A_770] : memref<128x100xi32, #tpu.memory_space<vmem>> -> memref<1x100xi32, #tpu.memory_space<vmem>>
      %dma_wait3A_772 = tpu.memref_squeeze %dma_wait3A_771 : memref<1x100xi32, #tpu.memory_space<vmem>> -> memref<100xi32, #tpu.memory_space<vmem>>
      %dma_wait3A_773 = arith.constant 0 : i32
      %dma_wait3A_774 = arith.constant 0 : i32
      %dma_wait3A_775 = tpu.memref_slice %arg17[%dma_wait3A_773, %dma_wait3A_774] : memref<1000x128xf32, #tpu.memory_space<vmem_shared>> -> memref<1000x128xf32, #tpu.memory_space<vmem_shared>>
      tpu.wait_indirect_dma semaphore(%arg21 : memref<!tpu.dma_semaphore, #tpu.memory_space<semaphore_mem>>) src(%dma_wait3A_775 : memref<1000x128xf32, #tpu.memory_space<vmem_shared>>) dst(%dma_wait3A_769 : memref<100x128xf32, #tpu.memory_space<vmem>>)
      %get3A_776 = arith.index_cast %add3A_764 : i32 to index
      %get3A_777 = arith.constant 0 : index
      %get3A_778 = tpu.vector_load %arg12[%get3A_776, %get3A_777] {strides = array<i32>} : memref<128x128xf32, #tpu.memory_space<vmem>>, vector<1x16xf32>,
      %get3A_779 = vector.shape_cast %get3A_778 : vector<1x16xf32> to vector<16xf32>
      %get3A_780 = arith.index_cast %add3A_764 : i32 to index
      %get3A_781 = arith.constant 16 : index
      %get3A_782 = tpu.vector_load %arg12[%get3A_780, %get3A_781] {strides = array<i32>} : memref<128x128xf32, #tpu.memory_space<vmem>>, vector<1x16xf32>,
      %get3A_783 = vector.shape_cast %get3A_782 : vector<1x16xf32> to vector<16xf32>
      %get3A_784 = arith.index_cast %add3A_764 : i32 to index
      %get3A_785 = arith.constant 32 : index
      %get3A_786 = tpu.vector_load %arg12[%get3A_784, %get3A_785] {strides = array<i32>} : memref<128x128xf32, #tpu.memory_space<vmem>>, vector<1x16xf32>,
      %get3A_787 = vector.shape_cast %get3A_786 : vector<1x16xf32> to vector<16xf32>
      %get3A_788 = arith.index_cast %add3A_764 : i32 to index
      %get3A_789 = arith.constant 48 : index
      %get3A_790 = tpu.vector_load %arg12[%get3A_788, %get3A_789] {strides = array<i32>} : memref<128x128xf32, #tpu.memory_space<vmem>>, vector<1x16xf32>,
      %get3A_791 = vector.shape_cast %get3A_790 : vector<1x16xf32> to vector<16xf32>
      %get3A_792 = arith.index_cast %add3A_764 : i32 to index
      %get3A_793 = arith.constant 64 : index
      %get3A_794 = tpu.vector_load %arg12[%get3A_792, %get3A_793] {strides = array<i32>} : memref<128x128xf32, #tpu.memory_space<vmem>>, vector<1x16xf32>,
      %get3A_795 = vector.shape_cast %get3A_794 : vector<1x16xf32> to vector<16xf32>
      %get3A_796 = arith.index_cast %add3A_764 : i32 to index
      %get3A_797 = arith.constant 80 : index
      %get3A_798 = tpu.vector_load %arg12[%get3A_796, %get3A_797] {strides = array<i32>} : memref<128x128xf32, #tpu.memory_space<vmem>>, vector<1x16xf32>,
      %get3A_799 = vector.shape_cast %get3A_798 : vector<1x16xf32> to vector<16xf32>
      %get3A_800 = arith.index_cast %add3A_764 : i32 to index
      %get3A_801 = arith.constant 96 : index
      %get3A_802 = tpu.vector_load %arg12[%get3A_800, %get3A_801] {strides = array<i32>} : memref<128x128xf32, #tpu.memory_space<vmem>>, vector<1x16xf32>,
      %get3A_803 = vector.shape_cast %get3A_802 : vector<1x16xf32> to vector<16xf32>
      %get3A_804 = arith.index_cast %add3A_764 : i32 to index
      %get3A_805 = arith.constant 112 : index
      %get3A_806 = tpu.vector_load %arg12[%get3A_804, %get3A_805] {strides = array<i32>} : memref<128x128xf32, #tpu.memory_space<vmem>>, vector<1x16xf32>,
      %get3A_807 = vector.shape_cast %get3A_806 : vector<1x16xf32> to vector<16xf32>
      %parallel_loop3A_808 = arith.constant 0 : i32
      %parallel_loop3A_809 = arith.constant 100 : i32
      %parallel_loop3A_810 = arith.constant 1 : i32
      scf.for %parallel_loop3A_836 = %parallel_loop3A_808 to %parallel_loop3A_809 step %parallel_loop3A_810  : i32 {
        %parallel_loop3A_837 = arith.index_cast %parallel_loop3A_836 : i32 to index
        %parallel_loop3A_838 = arith.constant 0 : index
        %parallel_loop3A_839 = tpu.vector_load %arg13[%parallel_loop3A_837, %parallel_loop3A_838] {strides = array<i32>} : memref<100x128xf32, #tpu.memory_space<vmem>>, vector<1x16xf32>,
        %parallel_loop3A_840 = vector.shape_cast %parallel_loop3A_839 : vector<1x16xf32> to vector<16xf32>
        %parallel_loop3A_841 = arith.addf %parallel_loop3A_840, %get3A_779 : vector<16xf32>
        %parallel_loop3A_842 = arith.constant 3 : i32
        %parallel_loop3A_843 = arith.index_cast %parallel_loop3A_842 : i32 to index
        %parallel_loop3A_844 = arith.index_cast %parallel_loop3A_836 : i32 to index
        %parallel_loop3A_845 = arith.constant 0 : index
        %parallel_loop3A_846 = tpu.vector_load %arg14[%parallel_loop3A_843, %parallel_loop3A_844, %parallel_loop3A_845] {strides = array<i32>} : memref<4x100x128xf32, #tpu.memory_space<vmem>>, vector<1x1x16xf32>,
        %parallel_loop3A_847 = vector.shape_cast %parallel_loop3A_846 : vector<1x1x16xf32> to vector<16xf32>
        %parallel_loop3A_848 = vector.shape_cast %parallel_loop3A_841 : vector<16xf32> to vector<1x1x16xf32>
        tpu.vector_store %arg14[%parallel_loop3A_843, %parallel_loop3A_844, %parallel_loop3A_845], %parallel_loop3A_848 {add = true, strides = array<i32>} : memref<4x100x128xf32, #tpu.memory_space<vmem>>, vector<1x1x16xf32>,
        %parallel_loop3A_849 = arith.index_cast %parallel_loop3A_836 : i32 to index
        %parallel_loop3A_850 = arith.constant 16 : index
        %parallel_loop3A_851 = tpu.vector_load %arg13[%parallel_loop3A_849, %parallel_loop3A_850] {strides = array<i32>} : memref<100x128xf32, #tpu.memory_space<vmem>>, vector<1x16xf32>,
        %parallel_loop3A_852 = vector.shape_cast %parallel_loop3A_851 : vector<1x16xf32> to vector<16xf32>
        %parallel_loop3A_853 = arith.addf %parallel_loop3A_852, %get3A_783 : vector<16xf32>
        %parallel_loop3A_854 = arith.constant 3 : i32
        %parallel_loop3A_855 = arith.index_cast %parallel_loop3A_854 : i32 to index
        %parallel_loop3A_856 = arith.index_cast %parallel_loop3A_836 : i32 to index
        %parallel_loop3A_857 = arith.constant 16 : index
        %parallel_loop3A_858 = tpu.vector_load %arg14[%parallel_loop3A_855, %parallel_loop3A_856, %parallel_loop3A_857] {strides = array<i32>} : memref<4x100x128xf32, #tpu.memory_space<vmem>>, vector<1x1x16xf32>,
        %parallel_loop3A_859 = vector.shape_cast %parallel_loop3A_858 : vector<1x1x16xf32> to vector<16xf32>
        %parallel_loop3A_860 = vector.shape_cast %parallel_loop3A_853 : vector<16xf32> to vector<1x1x16xf32>
        tpu.vector_store %arg14[%parallel_loop3A_855, %parallel_loop3A_856, %parallel_loop3A_857], %parallel_loop3A_860 {add = true, strides = array<i32>} : memref<4x100x128xf32, #tpu.memory_space<vmem>>, vector<1x1x16xf32>,
        %parallel_loop3A_861 = arith.index_cast %parallel_loop3A_836 : i32 to index
        %parallel_loop3A_862 = arith.constant 32 : index
        %parallel_loop3A_863 = tpu.vector_load %arg13[%parallel_loop3A_861, %parallel_loop3A_862] {strides = array<i32>} : memref<100x128xf32, #tpu.memory_space<vmem>>, vector<1x16xf32>,
        %parallel_loop3A_864 = vector.shape_cast %parallel_loop3A_863 : vector<1x16xf32> to vector<16xf32>
        %parallel_loop3A_865 = arith.addf %parallel_loop3A_864, %get3A_787 : vector<16xf32>
        %parallel_loop3A_866 = arith.constant 3 : i32
        %parallel_loop3A_867 = arith.index_cast %parallel_loop3A_866 : i32 to index
        %parallel_loop3A_868 = arith.index_cast %parallel_loop3A_836 : i32 to index
        %parallel_loop3A_869 = arith.constant 32 : index
        %parallel_loop3A_870 = tpu.vector_load %arg14[%parallel_loop3A_867, %parallel_loop3A_868, %parallel_loop3A_869] {strides = array<i32>} : memref<4x100x128xf32, #tpu.memory_space<vmem>>, vector<1x1x16xf32>,
        %parallel_loop3A_871 = vector.shape_cast %parallel_loop3A_870 : vector<1x1x16xf32> to vector<16xf32>
        %parallel_loop3A_872 = vector.shape_cast %parallel_loop3A_865 : vector<16xf32> to vector<1x1x16xf32>
        tpu.vector_store %arg14[%parallel_loop3A_867, %parallel_loop3A_868, %parallel_loop3A_869], %parallel_loop3A_872 {add = true, strides = array<i32>} : memref<4x100x128xf32, #tpu.memory_space<vmem>>, vector<1x1x16xf32>,
        %parallel_loop3A_873 = arith.index_cast %parallel_loop3A_836 : i32 to index
        %parallel_loop3A_874 = arith.constant 48 : index
        %parallel_loop3A_875 = tpu.vector_load %arg13[%parallel_loop3A_873, %parallel_loop3A_874] {strides = array<i32>} : memref<100x128xf32, #tpu.memory_space<vmem>>, vector<1x16xf32>,
        %parallel_loop3A_876 = vector.shape_cast %parallel_loop3A_875 : vector<1x16xf32> to vector<16xf32>
        %parallel_loop3A_877 = arith.addf %parallel_loop3A_876, %get3A_791 : vector<16xf32>
        %parallel_loop3A_878 = arith.constant 3 : i32
        %parallel_loop3A_879 = arith.index_cast %parallel_loop3A_878 : i32 to index
        %parallel_loop3A_880 = arith.index_cast %parallel_loop3A_836 : i32 to index
        %parallel_loop3A_881 = arith.constant 48 : index
        %parallel_loop3A_882 = tpu.vector_load %arg14[%parallel_loop3A_879, %parallel_loop3A_880, %parallel_loop3A_881] {strides = array<i32>} : memref<4x100x128xf32, #tpu.memory_space<vmem>>, vector<1x1x16xf32>,
        %parallel_loop3A_883 = vector.shape_cast %parallel_loop3A_882 : vector<1x1x16xf32> to vector<16xf32>
        %parallel_loop3A_884 = vector.shape_cast %parallel_loop3A_877 : vector<16xf32> to vector<1x1x16xf32>
        tpu.vector_store %arg14[%parallel_loop3A_879, %parallel_loop3A_880, %parallel_loop3A_881], %parallel_loop3A_884 {add = true, strides = array<i32>} : memref<4x100x128xf32, #tpu.memory_space<vmem>>, vector<1x1x16xf32>,
        %parallel_loop3A_885 = arith.index_cast %parallel_loop3A_836 : i32 to index
        %parallel_loop3A_886 = arith.constant 64 : index
        %parallel_loop3A_887 = tpu.vector_load %arg13[%parallel_loop3A_885, %parallel_loop3A_886] {strides = array<i32>} : memref<100x128xf32, #tpu.memory_space<vmem>>, vector<1x16xf32>,
        %parallel_loop3A_888 = vector.shape_cast %parallel_loop3A_887 : vector<1x16xf32> to vector<16xf32>
        %parallel_loop3A_889 = arith.addf %parallel_loop3A_888, %get3A_795 : vector<16xf32>
        %parallel_loop3A_890 = arith.constant 3 : i32
        %parallel_loop3A_891 = arith.index_cast %parallel_loop3A_890 : i32 to index
        %parallel_loop3A_892 = arith.index_cast %parallel_loop3A_836 : i32 to index
        %parallel_loop3A_893 = arith.constant 64 : index
        %parallel_loop3A_894 = tpu.vector_load %arg14[%parallel_loop3A_891, %parallel_loop3A_892, %parallel_loop3A_893] {strides = array<i32>} : memref<4x100x128xf32, #tpu.memory_space<vmem>>, vector<1x1x16xf32>,
        %parallel_loop3A_895 = vector.shape_cast %parallel_loop3A_894 : vector<1x1x16xf32> to vector<16xf32>
        %parallel_loop3A_896 = vector.shape_cast %parallel_loop3A_889 : vector<16xf32> to vector<1x1x16xf32>
        tpu.vector_store %arg14[%parallel_loop3A_891, %parallel_loop3A_892, %parallel_loop3A_893], %parallel_loop3A_896 {add = true, strides = array<i32>} : memref<4x100x128xf32, #tpu.memory_space<vmem>>, vector<1x1x16xf32>,
        %parallel_loop3A_897 = arith.index_cast %parallel_loop3A_836 : i32 to index
        %parallel_loop3A_898 = arith.constant 80 : index
        %parallel_loop3A_899 = tpu.vector_load %arg13[%parallel_loop3A_897, %parallel_loop3A_898] {strides = array<i32>} : memref<100x128xf32, #tpu.memory_space<vmem>>, vector<1x16xf32>,
        %parallel_loop3A_900 = vector.shape_cast %parallel_loop3A_899 : vector<1x16xf32> to vector<16xf32>
        %parallel_loop3A_901 = arith.addf %parallel_loop3A_900, %get3A_799 : vector<16xf32>
        %parallel_loop3A_902 = arith.constant 3 : i32
        %parallel_loop3A_903 = arith.index_cast %parallel_loop3A_902 : i32 to index
        %parallel_loop3A_904 = arith.index_cast %parallel_loop3A_836 : i32 to index
        %parallel_loop3A_905 = arith.constant 80 : index
        %parallel_loop3A_906 = tpu.vector_load %arg14[%parallel_loop3A_903, %parallel_loop3A_904, %parallel_loop3A_905] {strides = array<i32>} : memref<4x100x128xf32, #tpu.memory_space<vmem>>, vector<1x1x16xf32>,
        %parallel_loop3A_907 = vector.shape_cast %parallel_loop3A_906 : vector<1x1x16xf32> to vector<16xf32>
        %parallel_loop3A_908 = vector.shape_cast %parallel_loop3A_901 : vector<16xf32> to vector<1x1x16xf32>
        tpu.vector_store %arg14[%parallel_loop3A_903, %parallel_loop3A_904, %parallel_loop3A_905], %parallel_loop3A_908 {add = true, strides = array<i32>} : memref<4x100x128xf32, #tpu.memory_space<vmem>>, vector<1x1x16xf32>,
        %parallel_loop3A_909 = arith.index_cast %parallel_loop3A_836 : i32 to index
        %parallel_loop3A_910 = arith.constant 96 : index
        %parallel_loop3A_911 = tpu.vector_load %arg13[%parallel_loop3A_909, %parallel_loop3A_910] {strides = array<i32>} : memref<100x128xf32, #tpu.memory_space<vmem>>, vector<1x16xf32>,
        %parallel_loop3A_912 = vector.shape_cast %parallel_loop3A_911 : vector<1x16xf32> to vector<16xf32>
        %parallel_loop3A_913 = arith.addf %parallel_loop3A_912, %get3A_803 : vector<16xf32>
        %parallel_loop3A_914 = arith.constant 3 : i32
        %parallel_loop3A_915 = arith.index_cast %parallel_loop3A_914 : i32 to index
        %parallel_loop3A_916 = arith.index_cast %parallel_loop3A_836 : i32 to index
        %parallel_loop3A_917 = arith.constant 96 : index
        %parallel_loop3A_918 = tpu.vector_load %arg14[%parallel_loop3A_915, %parallel_loop3A_916, %parallel_loop3A_917] {strides = array<i32>} : memref<4x100x128xf32, #tpu.memory_space<vmem>>, vector<1x1x16xf32>,
        %parallel_loop3A_919 = vector.shape_cast %parallel_loop3A_918 : vector<1x1x16xf32> to vector<16xf32>
        %parallel_loop3A_920 = vector.shape_cast %parallel_loop3A_913 : vector<16xf32> to vector<1x1x16xf32>
        tpu.vector_store %arg14[%parallel_loop3A_915, %parallel_loop3A_916, %parallel_loop3A_917], %parallel_loop3A_920 {add = true, strides = array<i32>} : memref<4x100x128xf32, #tpu.memory_space<vmem>>, vector<1x1x16xf32>,
        %parallel_loop3A_921 = arith.index_cast %parallel_loop3A_836 : i32 to index
        %parallel_loop3A_922 = arith.constant 112 : index
        %parallel_loop3A_923 = tpu.vector_load %arg13[%parallel_loop3A_921, %parallel_loop3A_922] {strides = array<i32>} : memref<100x128xf32, #tpu.memory_space<vmem>>, vector<1x16xf32>,
        %parallel_loop3A_924 = vector.shape_cast %parallel_loop3A_923 : vector<1x16xf32> to vector<16xf32>
        %parallel_loop3A_925 = arith.addf %parallel_loop3A_924, %get3A_807 : vector<16xf32>
        %parallel_loop3A_926 = arith.constant 3 : i32
        %parallel_loop3A_927 = arith.index_cast %parallel_loop3A_926 : i32 to index
        %parallel_loop3A_928 = arith.index_cast %parallel_loop3A_836 : i32 to index
        %parallel_loop3A_929 = arith.constant 112 : index
        %parallel_loop3A_930 = tpu.vector_load %arg14[%parallel_loop3A_927, %parallel_loop3A_928, %parallel_loop3A_929] {strides = array<i32>} : memref<4x100x128xf32, #tpu.memory_space<vmem>>, vector<1x1x16xf32>,
        %parallel_loop3A_931 = vector.shape_cast %parallel_loop3A_930 : vector<1x1x16xf32> to vector<16xf32>
        %parallel_loop3A_932 = vector.shape_cast %parallel_loop3A_925 : vector<16xf32> to vector<1x1x16xf32>
        tpu.vector_store %arg14[%parallel_loop3A_927, %parallel_loop3A_928, %parallel_loop3A_929], %parallel_loop3A_932 {add = true, strides = array<i32>} : memref<4x100x128xf32, #tpu.memory_space<vmem>>, vector<1x1x16xf32>,
      } {sc.loop_unroll_factor = 4 : i64, sc.parallel_access}
      %add3A_811 = arith.addi %mul3A_2, %add3A_764 : i32
      %dma_start3A_812 = arith.constant 3 : i32
      %dma_start3A_813 = arith.constant 0 : i32
      %dma_start3A_814 = arith.constant 0 : i32
      %dma_start3A_815 = tpu.memref_slice %arg14[%dma_start3A_812, %dma_start3A_813, %dma_start3A_814] : memref<4x100x128xf32, #tpu.memory_space<vmem>> -> memref<1x100x128xf32, #tpu.memory_space<vmem>>
      %dma_start3A_816 = tpu.memref_squeeze %dma_start3A_815 : memref<1x100x128xf32, #tpu.memory_space<vmem>> -> memref<100x128xf32, #tpu.memory_space<vmem>>
      %dma_start3A_817 = arith.constant 0 : i32
      %dma_start3A_818 = arith.constant 0 : i32
      %dma_start3A_819 = tpu.memref_slice %arg9[%add3A_811, %dma_start3A_817, %dma_start3A_818] : memref<4096x100x128xf32, #tpu.memory_space<hbm>> -> memref<1x100x128xf32, #tpu.memory_space<hbm>>
      %dma_start3A_820 = tpu.memref_squeeze %dma_start3A_819 : memref<1x100x128xf32, #tpu.memory_space<hbm>> -> memref<100x128xf32, #tpu.memory_space<hbm>>
      %dma_start3A_821 = arith.constant 0 : i32
      %dma_start3A_822 = arith.constant 0 : i32
      %dma_start3A_823 = tpu.memref_slice %arg9[%add3A_811, %dma_start3A_821, %dma_start3A_822] : memref<4096x100x128xf32, #tpu.memory_space<hbm>> -> memref<1x100x128xf32, #tpu.memory_space<hbm>>
      %dma_start3A_824 = tpu.memref_squeeze %dma_start3A_823 : memref<1x100x128xf32, #tpu.memory_space<hbm>> -> memref<100x128xf32, #tpu.memory_space<hbm>>
      %dma_start3A_825 = arith.constant 0 : i32
      %dma_start3A_826 = arith.constant 0 : i32
      %dma_start3A_827 = tpu.memref_slice %arg14[%dma_start3A_812, %dma_start3A_825, %dma_start3A_826] : memref<4x100x128xf32, #tpu.memory_space<vmem>> -> memref<1x100x128xf32, #tpu.memory_space<vmem>>
      %dma_start3A_828 = tpu.memref_squeeze %dma_start3A_827 : memref<1x100x128xf32, #tpu.memory_space<vmem>> -> memref<100x128xf32, #tpu.memory_space<vmem>>
      tpu.enqueue_dma source(%dma_start3A_828 : memref<100x128xf32, #tpu.memory_space<vmem>>) target(%dma_start3A_824 : memref<100x128xf32, #tpu.memory_space<hbm>>) target_semaphore(%arg25 : memref<!tpu.dma_semaphore, #tpu.memory_space<semaphore_mem>>)
      %add3A_829 = arith.constant 3 : i32
      %add3A_830 = arith.addi %add3A_764, %add3A_829 : i32
      %lt3A_831 = arith.constant 128 : i32
      %lt3A_832 = arith.cmpi slt, %add3A_830, %lt3A_831 : i32
      %convert_element_type3A_833 = arith.extui %lt3A_832 : i1 to i32
      %cond3A_834 = arith.constant 0 : i32
      %cond3A_835 = arith.cmpi ne, %convert_element_type3A_833, %cond3A_834 : i32
      scf.if %cond3A_835 {
        %dma_wait3A_836 = arith.constant 2 : i32
        %dma_wait3A_837 = arith.constant 0 : i32
        %dma_wait3A_838 = arith.constant 0 : i32
        %dma_wait3A_839 = tpu.memref_slice %arg14[%dma_wait3A_836, %dma_wait3A_837, %dma_wait3A_838] : memref<4x100x128xf32, #tpu.memory_space<vmem>> -> memref<1x100x128xf32, #tpu.memory_space<vmem>>
        %dma_wait3A_840 = tpu.memref_squeeze %dma_wait3A_839 : memref<1x100x128xf32, #tpu.memory_space<vmem>> -> memref<100x128xf32, #tpu.memory_space<vmem>>
        %dma_wait3A_841 = arith.constant 0 : i32
        %dma_wait3A_842 = arith.constant 0 : i32
        %dma_wait3A_843 = tpu.memref_slice %arg9[%mul3A_2, %dma_wait3A_841, %dma_wait3A_842] : memref<4096x100x128xf32, #tpu.memory_space<hbm>> -> memref<1x100x128xf32, #tpu.memory_space<hbm>>
        %dma_wait3A_844 = tpu.memref_squeeze %dma_wait3A_843 : memref<1x100x128xf32, #tpu.memory_space<hbm>> -> memref<100x128xf32, #tpu.memory_space<hbm>>
        %dma_wait3A_845 = arith.constant 0 : i32
        %dma_wait3A_846 = arith.constant 0 : i32
        %dma_wait3A_847 = tpu.memref_slice %arg9[%mul3A_2, %dma_wait3A_845, %dma_wait3A_846] : memref<4096x100x128xf32, #tpu.memory_space<hbm>> -> memref<1x100x128xf32, #tpu.memory_space<hbm>>
        %dma_wait3A_848 = tpu.memref_squeeze %dma_wait3A_847 : memref<1x100x128xf32, #tpu.memory_space<hbm>> -> memref<100x128xf32, #tpu.memory_space<hbm>>
        %dma_wait3A_849 = arith.constant 0 : i32
        %dma_wait3A_850 = arith.constant 0 : i32
        %dma_wait3A_851 = tpu.memref_slice %arg14[%dma_wait3A_836, %dma_wait3A_849, %dma_wait3A_850] : memref<4x100x128xf32, #tpu.memory_space<vmem>> -> memref<1x100x128xf32, #tpu.memory_space<vmem>>
        %dma_wait3A_852 = tpu.memref_squeeze %dma_wait3A_851 : memref<1x100x128xf32, #tpu.memory_space<vmem>> -> memref<100x128xf32, #tpu.memory_space<vmem>>
        tpu.wait_dma2 semaphore(%arg24 : memref<!tpu.dma_semaphore, #tpu.memory_space<semaphore_mem>>) src(%dma_wait3A_852 : memref<100x128xf32, #tpu.memory_space<vmem>>) dst(%dma_wait3A_848 : memref<100x128xf32, #tpu.memory_space<hbm>>)
        %dma_start3A_853 = arith.constant 2 : i32
        %dma_start3A_854 = arith.constant 0 : i32
        %dma_start3A_855 = arith.constant 0 : i32
        %dma_start3A_856 = tpu.memref_slice %arg14[%dma_start3A_853, %dma_start3A_854, %dma_start3A_855] : memref<4x100x128xf32, #tpu.memory_space<vmem>> -> memref<1x100x128xf32, #tpu.memory_space<vmem>>
        %dma_start3A_857 = tpu.memref_squeeze %dma_start3A_856 : memref<1x100x128xf32, #tpu.memory_space<vmem>> -> memref<100x128xf32, #tpu.memory_space<vmem>>
        %dma_start3A_858 = arith.constant 0 : i32
        %dma_start3A_859 = tpu.memref_slice %arg10[%add3A_830, %dma_start3A_858] : memref<128x100xi32, #tpu.memory_space<vmem>> -> memref<1x100xi32, #tpu.memory_space<vmem>>
        %dma_start3A_860 = tpu.memref_squeeze %dma_start3A_859 : memref<1x100xi32, #tpu.memory_space<vmem>> -> memref<100xi32, #tpu.memory_space<vmem>>
        %dma_start3A_861 = arith.constant 0 : i32
        %dma_start3A_862 = arith.constant 0 : i32
        %dma_start3A_863 = tpu.memref_slice %arg17[%dma_start3A_861, %dma_start3A_862] : memref<1000x128xf32, #tpu.memory_space<vmem_shared>> -> memref<1000x128xf32, #tpu.memory_space<vmem_shared>>
        tpu.enqueue_indirect_dma source(%dma_start3A_863 : memref<1000x128xf32, #tpu.memory_space<vmem_shared>>) target(%dma_start3A_857 : memref<100x128xf32, #tpu.memory_space<vmem>>) offsets(%dma_start3A_860 : memref<100xi32, #tpu.memory_space<vmem>>) semaphore(%arg20 : memref<!tpu.dma_semaphore, #tpu.memory_space<semaphore_mem>>)
      } else {
      }
    }
    %scan3A_466 = arith.constant 31 : i32
    %dma_wait3A_467 = arith.constant 0 : i32
    %dma_wait3A_468 = arith.constant 0 : i32
    %dma_wait3A_469 = arith.constant 0 : i32
    %dma_wait3A_470 = tpu.memref_slice %arg14[%dma_wait3A_467, %dma_wait3A_468, %dma_wait3A_469] : memref<4x100x128xf32, #tpu.memory_space<vmem>> -> memref<1x100x128xf32, #tpu.memory_space<vmem>>
    %dma_wait3A_471 = tpu.memref_squeeze %dma_wait3A_470 : memref<1x100x128xf32, #tpu.memory_space<vmem>> -> memref<100x128xf32, #tpu.memory_space<vmem>>
    %dma_wait3A_472 = arith.constant 0 : i32
    %dma_wait3A_473 = arith.constant 0 : i32
    %dma_wait3A_474 = tpu.memref_slice %arg9[%mul3A_2, %dma_wait3A_472, %dma_wait3A_473] : memref<4096x100x128xf32, #tpu.memory_space<hbm>> -> memref<1x100x128xf32, #tpu.memory_space<hbm>>
    %dma_wait3A_475 = tpu.memref_squeeze %dma_wait3A_474 : memref<1x100x128xf32, #tpu.memory_space<hbm>> -> memref<100x128xf32, #tpu.memory_space<hbm>>
    %dma_wait3A_476 = arith.constant 0 : i32
    %dma_wait3A_477 = arith.constant 0 : i32
    %dma_wait3A_478 = tpu.memref_slice %arg9[%mul3A_2, %dma_wait3A_476, %dma_wait3A_477] : memref<4096x100x128xf32, #tpu.memory_space<hbm>> -> memref<1x100x128xf32, #tpu.memory_space<hbm>>
    %dma_wait3A_479 = tpu.memref_squeeze %dma_wait3A_478 : memref<1x100x128xf32, #tpu.memory_space<hbm>> -> memref<100x128xf32, #tpu.memory_space<hbm>>
    %dma_wait3A_480 = arith.constant 0 : i32
    %dma_wait3A_481 = arith.constant 0 : i32
    %dma_wait3A_482 = tpu.memref_slice %arg14[%dma_wait3A_467, %dma_wait3A_480, %dma_wait3A_481] : memref<4x100x128xf32, #tpu.memory_space<vmem>> -> memref<1x100x128xf32, #tpu.memory_space<vmem>>
    %dma_wait3A_483 = tpu.memref_squeeze %dma_wait3A_482 : memref<1x100x128xf32, #tpu.memory_space<vmem>> -> memref<100x128xf32, #tpu.memory_space<vmem>>
    tpu.wait_dma2 semaphore(%arg22 : memref<!tpu.dma_semaphore, #tpu.memory_space<semaphore_mem>>) src(%dma_wait3A_483 : memref<100x128xf32, #tpu.memory_space<vmem>>) dst(%dma_wait3A_479 : memref<100x128xf32, #tpu.memory_space<hbm>>)
    %dma_wait3A_484 = arith.constant 1 : i32
    %dma_wait3A_485 = arith.constant 0 : i32
    %dma_wait3A_486 = arith.constant 0 : i32
    %dma_wait3A_487 = tpu.memref_slice %arg14[%dma_wait3A_484, %dma_wait3A_485, %dma_wait3A_486] : memref<4x100x128xf32, #tpu.memory_space<vmem>> -> memref<1x100x128xf32, #tpu.memory_space<vmem>>
    %dma_wait3A_488 = tpu.memref_squeeze %dma_wait3A_487 : memref<1x100x128xf32, #tpu.memory_space<vmem>> -> memref<100x128xf32, #tpu.memory_space<vmem>>
    %dma_wait3A_489 = arith.constant 0 : i32
    %dma_wait3A_490 = arith.constant 0 : i32
    %dma_wait3A_491 = tpu.memref_slice %arg9[%mul3A_2, %dma_wait3A_489, %dma_wait3A_490] : memref<4096x100x128xf32, #tpu.memory_space<hbm>> -> memref<1x100x128xf32, #tpu.memory_space<hbm>>
    %dma_wait3A_492 = tpu.memref_squeeze %dma_wait3A_491 : memref<1x100x128xf32, #tpu.memory_space<hbm>> -> memref<100x128xf32, #tpu.memory_space<hbm>>
    %dma_wait3A_493 = arith.constant 0 : i32
    %dma_wait3A_494 = arith.constant 0 : i32
    %dma_wait3A_495 = tpu.memref_slice %arg9[%mul3A_2, %dma_wait3A_493, %dma_wait3A_494] : memref<4096x100x128xf32, #tpu.memory_space<hbm>> -> memref<1x100x128xf32, #tpu.memory_space<hbm>>
    %dma_wait3A_496 = tpu.memref_squeeze %dma_wait3A_495 : memref<1x100x128xf32, #tpu.memory_space<hbm>> -> memref<100x128xf32, #tpu.memory_space<hbm>>
    %dma_wait3A_497 = arith.constant 0 : i32
    %dma_wait3A_498 = arith.constant 0 : i32
    %dma_wait3A_499 = tpu.memref_slice %arg14[%dma_wait3A_484, %dma_wait3A_497, %dma_wait3A_498] : memref<4x100x128xf32, #tpu.memory_space<vmem>> -> memref<1x100x128xf32, #tpu.memory_space<vmem>>
    %dma_wait3A_500 = tpu.memref_squeeze %dma_wait3A_499 : memref<1x100x128xf32, #tpu.memory_space<vmem>> -> memref<100x128xf32, #tpu.memory_space<vmem>>
    tpu.wait_dma2 semaphore(%arg23 : memref<!tpu.dma_semaphore, #tpu.memory_space<semaphore_mem>>) src(%dma_wait3A_500 : memref<100x128xf32, #tpu.memory_space<vmem>>) dst(%dma_wait3A_496 : memref<100x128xf32, #tpu.memory_space<hbm>>)
    %dma_wait3A_501 = arith.constant 2 : i32
    %dma_wait3A_502 = arith.constant 0 : i32
    %dma_wait3A_503 = arith.constant 0 : i32
    %dma_wait3A_504 = tpu.memref_slice %arg14[%dma_wait3A_501, %dma_wait3A_502, %dma_wait3A_503] : memref<4x100x128xf32, #tpu.memory_space<vmem>> -> memref<1x100x128xf32, #tpu.memory_space<vmem>>
    %dma_wait3A_505 = tpu.memref_squeeze %dma_wait3A_504 : memref<1x100x128xf32, #tpu.memory_space<vmem>> -> memref<100x128xf32, #tpu.memory_space<vmem>>
    %dma_wait3A_506 = arith.constant 0 : i32
    %dma_wait3A_507 = arith.constant 0 : i32
    %dma_wait3A_508 = tpu.memref_slice %arg9[%mul3A_2, %dma_wait3A_506, %dma_wait3A_507] : memref<4096x100x128xf32, #tpu.memory_space<hbm>> -> memref<1x100x128xf32, #tpu.memory_space<hbm>>
    %dma_wait3A_509 = tpu.memref_squeeze %dma_wait3A_508 : memref<1x100x128xf32, #tpu.memory_space<hbm>> -> memref<100x128xf32, #tpu.memory_space<hbm>>
    %dma_wait3A_510 = arith.constant 0 : i32
    %dma_wait3A_511 = arith.constant 0 : i32
    %dma_wait3A_512 = tpu.memref_slice %arg9[%mul3A_2, %dma_wait3A_510, %dma_wait3A_511] : memref<4096x100x128xf32, #tpu.memory_space<hbm>> -> memref<1x100x128xf32, #tpu.memory_space<hbm>>
    %dma_wait3A_513 = tpu.memref_squeeze %dma_wait3A_512 : memref<1x100x128xf32, #tpu.memory_space<hbm>> -> memref<100x128xf32, #tpu.memory_space<hbm>>
    %dma_wait3A_514 = arith.constant 0 : i32
    %dma_wait3A_515 = arith.constant 0 : i32
    %dma_wait3A_516 = tpu.memref_slice %arg14[%dma_wait3A_501, %dma_wait3A_514, %dma_wait3A_515] : memref<4x100x128xf32, #tpu.memory_space<vmem>> -> memref<1x100x128xf32, #tpu.memory_space<vmem>>
    %dma_wait3A_517 = tpu.memref_squeeze %dma_wait3A_516 : memref<1x100x128xf32, #tpu.memory_space<vmem>> -> memref<100x128xf32, #tpu.memory_space<vmem>>
    tpu.wait_dma2 semaphore(%arg24 : memref<!tpu.dma_semaphore, #tpu.memory_space<semaphore_mem>>) src(%dma_wait3A_517 : memref<100x128xf32, #tpu.memory_space<vmem>>) dst(%dma_wait3A_513 : memref<100x128xf32, #tpu.memory_space<hbm>>)
    %dma_wait3A_518 = arith.constant 3 : i32
    %dma_wait3A_519 = arith.constant 0 : i32
    %dma_wait3A_520 = arith.constant 0 : i32
    %dma_wait3A_521 = tpu.memref_slice %arg14[%dma_wait3A_518, %dma_wait3A_519, %dma_wait3A_520] : memref<4x100x128xf32, #tpu.memory_space<vmem>> -> memref<1x100x128xf32, #tpu.memory_space<vmem>>
    %dma_wait3A_522 = tpu.memref_squeeze %dma_wait3A_521 : memref<1x100x128xf32, #tpu.memory_space<vmem>> -> memref<100x128xf32, #tpu.memory_space<vmem>>
    %dma_wait3A_523 = arith.constant 0 : i32
    %dma_wait3A_524 = arith.constant 0 : i32
    %dma_wait3A_525 = tpu.memref_slice %arg9[%mul3A_2, %dma_wait3A_523, %dma_wait3A_524] : memref<4096x100x128xf32, #tpu.memory_space<hbm>> -> memref<1x100x128xf32, #tpu.memory_space<hbm>>
    %dma_wait3A_526 = tpu.memref_squeeze %dma_wait3A_525 : memref<1x100x128xf32, #tpu.memory_space<hbm>> -> memref<100x128xf32, #tpu.memory_space<hbm>>
    %dma_wait3A_527 = arith.constant 0 : i32
    %dma_wait3A_528 = arith.constant 0 : i32
    %dma_wait3A_529 = tpu.memref_slice %arg9[%mul3A_2, %dma_wait3A_527, %dma_wait3A_528] : memref<4096x100x128xf32, #tpu.memory_space<hbm>> -> memref<1x100x128xf32, #tpu.memory_space<hbm>>
    %dma_wait3A_530 = tpu.memref_squeeze %dma_wait3A_529 : memref<1x100x128xf32, #tpu.memory_space<hbm>> -> memref<100x128xf32, #tpu.memory_space<hbm>>
    %dma_wait3A_531 = arith.constant 0 : i32
    %dma_wait3A_532 = arith.constant 0 : i32
    %dma_wait3A_533 = tpu.memref_slice %arg14[%dma_wait3A_518, %dma_wait3A_531, %dma_wait3A_532] : memref<4x100x128xf32, #tpu.memory_space<vmem>> -> memref<1x100x128xf32, #tpu.memory_space<vmem>>
    %dma_wait3A_534 = tpu.memref_squeeze %dma_wait3A_533 : memref<1x100x128xf32, #tpu.memory_space<vmem>> -> memref<100x128xf32, #tpu.memory_space<vmem>>
    tpu.wait_dma2 semaphore(%arg25 : memref<!tpu.dma_semaphore, #tpu.memory_space<semaphore_mem>>) src(%dma_wait3A_534 : memref<100x128xf32, #tpu.memory_space<vmem>>) dst(%dma_wait3A_530 : memref<100x128xf32, #tpu.memory_space<hbm>>)
    return
  }
}

</mosaic_0001>

<sc_bundles>
// kernel: _sc_call.3.cloned.1.call-start
scs
__scs_entry_jumppad:
0x0: {  	(pc) =	sbr.rel $0x88, $3  }
0x1: {  	(tag) =	ssettag $0x0;
	lr =	simm.s32 $0x1  }
0x2: {  	[smem:$0x3F9A] =	sst lr;
	_ =	strace $0xD0000000  }
0x3: {  	_ = 	snop  }
0x4: {  	_ = 	snop  }
0x5: {  	_ = 	snop  }
0x6: {  	_ = 	snop  }
0x7: {  	_ = 	snop  }
__scs_overlays_trampoline_lowered:
0x8: {  	[smem:$0x3FA9] =	sst s0  }
0x9: {  	[smem:$0x3FAA] =	sst s1  }
0xa: {  	[smem:$0x3FAB] =	sst s2  }
0xb: {  	[smem:$0x3FAC] =	sst s3  }
0xc: {  	[smem:$0x3FAD] =	sst s4  }
0xd: {  	[smem:$0x3FAE] =	sst s5  }
0xe: {  	[smem:$0x3FAF] =	sst s6  }
0xf: {  	[smem:$0x3FB0] =	sst s7  }
0x10: {  	[smem:$0x3FB1] =	sst s8  }
0x11: {  	[smem:$0x3FB2] =	sst s9;
	s0 =	simm.s32 @!p0 $0x0  }
0x12: {  	s1 =	sld [smem:$0x3F98];
	s0 =	simm.s32 @p0 $0x1  }
0x13: {  	[smem:$0x3FB3] =	sst s0;
	s0 =	simm.s32 @!p1 $0x0  }
0x14: {  	s2 =	sld [smem:$0x3F97];
	s0 =	simm.s32 @p1 $0x1  }
0x15: {  	[smem:$0x3FB4] =	sst s0;
	s0 =	simm.s32 @!p2 $0x0  }
0x16: {  	s3 =	sld [smem:$0x3FDB];
	s0 =	simm.s32 @p2 $0x1  }
0x17: {  	s4 =	simm.s32 $0x1BF5;
	[smem:$0x3FB6] =	sst s0  }
0x18: {  	s0 =	sld [smem:$0x3F99];
	_ =	swait.ge [sflag:s4], $0x0  }
0x19: {  	s7 =	sld [smem:$0x3F9A]  }
0x1a: {  	s8 =	sadd.s32 $0xFFFFE003, lr  }
0x1b: {  	s9 =	sadd.s32 $0xFFFFFEF7, lr;
	s5 =	simm.s32 $0xFFFFFFFF;
	p2 =	slt.u32 s8, $0xFFFFF086  }
0x1c: {  	p1 =	slt.u32 s9, $0xF7A;
	s5 =	simm.s32 @!p2 $0x0  }
0x1d: {  	s5 =	simm.s32 @p1 $0x1;
	p0 =	seq.s32 s7, s2  }
0x1e: {  	s7 =	smul.u32 @!p0 $0xF7A, s2;
	p2 =	seq.s32 @!p0 s5, $0x0  }
0x1f: {  	s9 =	smul.u32 $0xF7A, s1;
	s8 =	simm.s32 @!p0 $0x1BF5;
	p2 =	por !p2, p0  }
0x20: {  	[sflag:s8] =	ssyncset.s32 @!p0 $0xFFFFF086;
	s6 =	sadd.s32 @!p0 s3, s7;
	s7 =	simm.s32 @!p0 $0x108  }
0x21: {  	s3 =	sadd.s32 s3, s9;
	s6 =	sadd.s32 @!p0 $0x88, s6;
	s7 =	simm.s32 @p2 $0x1082  }
0x22: {  	[simem:s7], [sflag:s8] =	dma.local @!p0 [hbm:s6], $0xF7A  }
0x23: {  	s9 =	sor.u32 $0xD0000000, s2;
	s6 =	simm.s32 $0x108;
	_ =	swait.ge @!p0 [sflag:s8], $0x0  }
0x24: {  	s3 =	sadd.s32 $0x88, s3;
	s6 =	simm.s32 @!p1 $0x1082;
	[sflag:s4] =	ssyncset.s32 $0xFFFFF086  }
0x25: {  	[simem:s6], [sflag:s4] =	dma.local [hbm:s3], $0xF7A  }
0x26: {  	[smem:$0x3F9A] =	sst s1;
	(tag) =	ssettag s2;
	_ =	strace s9  }
0x27: {  	s1 =	sld [smem:$0x3FAA]  }
0x28: {  	s2 =	sld [smem:$0x3FAB]  }
0x29: {  	s4 =	sld [smem:$0x3FAD]  }
0x2a: {  	p0 =	seq.s32 s5, $0x0;
	s5 =	sld [smem:$0x3FAE]  }
0x2b: {  	s6 =	sld [smem:$0x3FAF]  }
0x2c: {  	s7 =	sld [smem:$0x3FB0]  }
0x2d: {  	s3 =	simm.s32 $0x108;
	s8 =	sld [smem:$0x3FB1]  }
0x2e: {  	s3 =	simm.s32 @!p0 $0x1082;
	s9 =	sld [smem:$0x3FB2]  }
0x2f: {  	lr =	sadd.s32 s0, s3;
	s0 =	sld [smem:$0x3FA9]  }
0x30: {  	s3 =	sld [smem:$0x3FAC]  }
0x31: {  	[smem:$0x3FB5] =	sst s10  }
0x32: {  	s10 =	sld [smem:$0x3FB3];
	_ =	sdelay $0x3  }
0x33: {  	p0 =	seq.s32 s10, $0x1;
	s10 =	sld [smem:$0x3FB5];
	_ =	sdelay $0x3  }
0x34: {  	[smem:$0x3FB5] =	sst s10  }
0x35: {  	s10 =	sld [smem:$0x3FB4];
	_ =	sdelay $0x3  }
0x36: {  	p1 =	seq.s32 s10, $0x1;
	s10 =	sld [smem:$0x3FB5];
	_ =	sdelay $0x3  }
0x37: {  	[smem:$0x3FB5] =	sst s10  }
0x38: {  	s10 =	sld [smem:$0x3FB6]  }
0x39: {  	_ = 	snop;
	(pc) =	sbr.ind lr, $3  }
0x3a: {  	_ = 	snop  }
0x3b: {  	_ = 	snop  }
0x3c: {  	p2 =	seq.s32 s10, $0x1;
	s10 =	sld [smem:$0x3FB5]  }
0x3d: {  	_ =	shalt  }
0x3e: {  	_ =	shalt  }
0x3f: {  	_ =	shalt  }
0x40: {  	_ =	shalt  }
0x41: {  	_ =	shalt  }
0x42: {  	_ =	shalt  }
0x43: {  	_ =	shalt  }
0x44: {  	_ =	shalt  }
0x45: {  	_ =	shalt  }
0x46: {  	_ =	shalt  }
0x47: {  	_ =	shalt  }
0x48: {  	_ =	shalt  }
0x49: {  	_ =	shalt  }
0x4a: {  	_ =	shalt  }
0x4b: {  	_ =	shalt  }
0x4c: {  	_ =	shalt  }
0x4d: {  	_ =	shalt  }
0x4e: {  	_ =	shalt  }
0x4f: {  	_ =	shalt  }
0x50: {  	_ =	shalt  }
0x51: {  	_ =	shalt  }
0x52: {  	_ =	shalt  }
0x53: {  	_ =	shalt  }
0x54: {  	_ =	shalt  }
0x55: {  	_ =	shalt  }
0x56: {  	_ =	shalt  }
0x57: {  	_ =	shalt  }
0x58: {  	_ =	shalt  }
0x59: {  	_ =	shalt  }
0x5a: {  	_ =	shalt  }
0x5b: {  	_ =	shalt  }
0x5c: {  	_ =	shalt  }
0x5d: {  	_ =	shalt  }
0x5e: {  	_ =	shalt  }
0x5f: {  	_ =	shalt  }
0x60: {  	_ =	shalt  }
0x61: {  	_ =	shalt  }
0x62: {  	_ =	shalt  }
0x63: {  	_ =	shalt  }
0x64: {  	_ =	shalt  }
0x65: {  	_ =	shalt  }
0x66: {  	_ =	shalt  }
0x67: {  	_ =	shalt  }
0x68: {  	_ =	shalt  }
0x69: {  	_ =	shalt  }
0x6a: {  	_ =	shalt  }
0x6b: {  	_ =	shalt  }
0x6c: {  	_ =	shalt  }
0x6d: {  	_ =	shalt  }
0x6e: {  	_ =	shalt  }
0x6f: {  	_ =	shalt  }
0x70: {  	_ =	shalt  }
0x71: {  	_ =	shalt  }
0x72: {  	_ =	shalt  }
0x73: {  	_ =	shalt  }
0x74: {  	_ =	shalt  }
0x75: {  	_ =	shalt  }
0x76: {  	_ =	shalt  }
0x77: {  	_ =	shalt  }
0x78: {  	_ =	shalt  }
0x79: {  	_ =	shalt  }
0x7a: {  	_ =	shalt  }
0x7b: {  	_ =	shalt  }
0x7c: {  	_ =	shalt  }
0x7d: {  	_ =	shalt  }
0x7e: {  	_ =	shalt  }
0x7f: {  	_ =	shalt  }
0x80: {  	_ =	shalt  }
0x81: {  	_ =	shalt  }
0x82: {  	_ =	shalt  }
0x83: {  	_ =	shalt  }
0x84: {  	_ =	shalt  }
0x85: {  	_ =	shalt  }
0x86: {  	_ =	shalt  }
0x87: {  	_ =	shalt  }
.Lfunc_end0:
.L_simem_size_0:
called_computation_lowered:
.L_overlay_start_0:
0x88: {  	s2 =	sld [smem:$0x3FD9]  }
0x89: {  	s3 =	sld [smem:$0x3FFE];
	_ =	sdelay $0x1  }
0x8a: {  	s1 =	srdreg.scid  }
0x8b: {  	s0 =	sand.u32 $0x1, s1  }
0x8c: {  	s17 =	sshll.u32 s0, $0xA;
	s2 =	sadd.s32 s3, s2  }
0x8d: {  	s2 =	sadd.s32 s2, s17  }
0x8e: {  	[smem:$0x3FC1] =	sst s2  }
0x8f: {  	_ = 	snop  }
0x90: {  	s2 =	sld [smem:$0x3FC9]  }
0x91: {  	s18 =	sld [smem:$0x3FC7]  }
0x92: {  	s4 =	sld [smem:$0x3FC6]  }
0x93: {  	s5 =	sld [smem:$0x3FC5]  }
0x94: {  	s6 =	sld [smem:$0x3FC4]  }
0x95: {  	s7 =	sld [smem:$0x3FC3]  }
0x96: {  	s8 =	sld [smem:$0x3FD0];
	(tm) =	ssettm $0x1  }
0x97: {  	s9 =	sld [smem:$0x3FFB];
	_ =	sdelay $0x3  }
0x98: {  	_ =	strace s9  }
0x99: {  	s9 =	sld [smem:$0x3FFC];
	_ =	sdelay $0x3  }
0x9a: {  	_ =	strace s9  }
0x9b: {  	s9 =	sld [smem:$0x3FFD];
	_ =	sdelay $0x3  }
0x9c: {  	_ =	strace s9  }
0x9d: {  	_ =	strace $0x8FFFFFFF  }
0x9e: {  	s19 =	sld [smem:$0x3FDB];
	_ =	sdelay $0x1  }
0x9f: {  	s10 =	simm.s32 $_scs_section_size  }
0xa0: {  	s11 =	simm.s32 $_size__tile_overlayer_lowered;
	s12 =	simm.s32 $_tile_overlayer_lowered  }
0xa1: {  	s22 =	simm.s32 $0x1BFF;
	s21 =	sshll.u32 s12, $0x1;
	s9 =	sadd.s32 s10, s19  }
0xa2: {  	s13 =	simm.s32 $0x0;
	s20 =	sshll.u32 s11, $0x1;
	s11 =	sadd.s32 s21, s9  }
0xa3: {  	[timem:s13], [sflag:s22] =	dma.local [hbm:s11], s20  }
0xa4: {  	_ =	swait.ge [sflag:s22], s20  }
0xa5: {  	s10 =	ssub.s32 $0x0, s20;
	[sflag:s22] =	ssyncset.done $0x0  }
0xa6: {  	[sflag:s22] =	ssyncadd.s32 s10;
	_ =	sdelay $0x1  }
0xa7: {  	s23 =	simm.s32 $0x1B8B  }
0xa8: {  	_ =	swait.ge [sflag:s23], $0x1  }
0xa9: {  	[sflag:s23] =	ssyncset.done $0x0  }
0xaa: {  	s25 =	simm.s32 $0x1B8E;
	s24 =	sld [smem:$0x3FFE];
	[sflag:s23] =	ssyncadd.s32 $0xFFFFFFFF  }
0xab: {  	s26 =	simm.s32 $execute0_lowered;
	[smem:$0x3FD2] =	sst s25  }
0xac: {  	s11 =	sshll.u32 s26, $0x1;
	_ =	strace $0x80000046;
	[dreg:$0x1] =	wrdreg $0xFFFFFFFF  }
0xad: {  	s28 =	simm.s32 $_size_execute0_lowered;
	s9 =	sadd.s32 s9, s11;
	[dreg:$0x0] =	wrdreg $0x0  }
0xae: {  	s11 =	sshll.u32 s28, $0x1;
	[dreg:$0x2] =	wrdreg s9  }
0xaf: {  	[dreg:$0x3] =	wrdreg s11  }
0xb0: {  	[dreg:$0x4] =	wrdreg $0xC0  }
0xb1: {  	_ =	task [dreg:s13], $0x5FFFF  }
0xb2: {  	[dreg:$0x1] =	wrdreg $0xFFFFFFFF  }
0xb3: {  	[dreg:$0x0] =	wrdreg $0x60  }
0xb4: {  	[dreg:$0x2] =	wrdreg s2  }
0xb5: {  	[dreg:$0x3] =	wrdreg s8  }
0xb6: {  	[dreg:$0x4] =	wrdreg s18  }
0xb7: {  	[dreg:$0x5] =	wrdreg s4  }
0xb8: {  	[dreg:$0x6] =	wrdreg s5  }
0xb9: {  	[dreg:$0x7] =	wrdreg s6  }
0xba: {  	[dreg:$0x8] =	wrdreg s7  }
0xbb: {  	[dreg:$0x9] =	wrdreg s24  }
0xbc: {  	[dreg:$0xa] =	wrdreg $0x185800  }
0xbd: {  	[dreg:$0xb] =	wrdreg $0x9  }
0xbe: {  	_ =	task.clear_ibuf [dreg:s13], $0xCFFFF;
	_ =	strace $0x90000046  }
0xbf: {  	s29 =	simm.s32 $0x9;
	_ =	strace $0x80000048  }
0xc0: {  	_ =	swait.ge [sflag:s29], $0x1  }
0xc1: {  	[sflag:s29] =	ssyncadd.s32 $0xFFFFFFFF  }
0xc2: {  	_ =	strace $0x90000048  }
0xc3: {  	_ =	sfence  }
0xc4: {  	s30 =	sld [smem:$0x0];
	_ =	sdelay $0x2  }
0xc5: {  	s31 =	sshll.u32 s1, $0xD;
	s1 =	sshrl.u32 s1, $0x2  }
0xc6: {  	s3 =	sand.u32 $0x4000, s31;
	s1 =	sadd.s32 s1, s30  }
0xc7: {  	s0 =	sor.u32 s3, s0;
	s1 =	sshll.u32 s1, $0x11  }
0xc8: {  	s0 =	sor.u32 s1, s0  }
0xc9: {  	s0 =	sadd.s32 $0x8F2B, s0  }
0xca: {  	[sflag:s0] =	ssyncadd.remote.s32 $0x1  }
0xcb: {  	_ =	sfence.sel $0xFFFF  }
0xcc: {  	[dreg:$0x0] =	wrdreg $0xFFFFFFFF;
	(pc) =	sbr.abs _section_cstart, $3  }
0xcd: {  	[dreg:$0x1] =	wrdreg $0xFFFFFFFF  }
0xce: {  	_ =	task.clear_ibuf [dreg:s13], $0x2FFFF;
	_ =	strace $0x9FFFFFFF  }
0xcf: {  	(tm) =	ssettm $0x7FFFFFFF  }
tec
execute0_lowered:
.L_overlay_start_1:
0x0: {  	(tag) =	ssettag $0x1  }
0x1: {  	s0 =	rddreg [dreg:$0x0]  }
0x2: {  	s1 =	rddreg [dreg:$0x1]  }
0x3: {  	s2 =	rddreg [dreg:$0x2]  }
0x4: {  	s3 =	rddreg [dreg:$0x7]  }
0x5: {  	s5 =	rddreg [dreg:$0x8];
	s6 =	simm.s32 $0x0  }
0x6: {  	s4 =	srdreg.scid;
	s11 =	stileid.u32;
	s14 =	simm.s32 $0x80  }
0x7: {  	s30 =	simm.s32 $0x1;
	s31 =	simm.s32 $0x64;
	s29 =	simm.s32 $0x3  }
0x8: {  	s28 =	simm.s32 $0x0;
	[smem:$0x7FF] =	sst s6;
	s4 =	sand.u32 $0x1, s4  }
0x9: {  	s8 =	sadd.s32 $0x400, s3;
	s17 =	sshll.u32 s11, $0x8;
	s18 =	sshll.u32 s11, $0xD  }
0xa: {  	s19 =	sshll.u32 s11, $0xA;
	s10 =	sadd.s32 $0x1E000, s5;
	p0 =	seq.s32 s11, $0xF  }
0xb: {  	_ =	strace $0x80000047;
	s7 =	ssub.s32 $0x2, s4;
	s4 =	sshll.u32 s4, $0x7  }
0xc: {  	s16 =	sshrl.u32 s7, $0x1;
	s9 =	sor.u32 s4, s17;
	s4 =	sadd.s32 s18, s5  }
0xd: {  	s3 =	ssub.s32 s7, s16;
	s7 =	sadd.s32 s2, s19;
	s20 =	smul.u32 $0x680, s9  }
0xe: {  	s2 =	sadd.s32 $0x3C00, s2;
	s21 =	sshll.u32 s9, $0x4;
	[dreg:$0xa] =	wrdreg s7  }
0xf: {  	s22 =	sshrl.u32 s9, $0x3;
	[dreg:$0xb] =	wrdreg s2;
	s1 =	sadd.s32 s1, s21  }
0x10: {  	s0 =	sadd.s32 s0, s22;
	s26 =	smax.u32 s3, $0x1;
	s21 =	sshrl.u32 @!p0 s4, $0x3  }
0x11: {  	s22 =	simm.s32 $0x9;
	s7 =	simm.s32 $0xE880;
	[dreg:$0xc] =	wrdreg s1  }
0x12: {  	s2 =	simm.s32 $0x11C80;
	s4 =	simm.s32 $0x15080;
	[dreg:$0xd] =	wrdreg s0  }
0x13: {  	s13 =	sadd.s32 s8, s20;
	[dreg:$0x11] =	wrdreg s26;
	s1 =	sshrl.u32 @p0 s10, $0x3  }
0x14: {  	s3 =	simm.s32 $0x7;
	s23 =	sadd.s32 $0x680, s13;
	[dreg:$0x12] =	wrdreg s1  }
.Ltmp0:
0x15: {  	s24 =	sadd.s32 $0xD00, s13;
	[dreg:$0xe] =	wrdreg s23;
	(pc) =	sbr.rel .LBB2_1-.Ltmp0, $4  }
0x16: {  	s0 =	sshll.u32 @!p0 s11, $0x6;
	s25 =	sadd.s32 $0x1380, s13;
	[dreg:$0xf] =	wrdreg s24  }
0x17: {  	s26 =	simm.s32 $0x4;
	s0 =	sor.u32 @!p0 $0x1C09, s0;
	[dreg:$0x10] =	wrdreg s25  }
0x18: {  	s1 =	simm.s32 $0x6;
	[dreg:$0x13] =	wrdreg s0;
	s0 =	simm.s32 $0xB480  }
0x19: {  	s24 =	simm.s32 $0x2;
	s25 =	simm.s32 $0x5;
	s23 =	simm.s32 $0x8  }
.LBB2_24:
0x1a: {  	_ =	swait.ge [sflag:s25], $0x3200  }
0x1b: {  	[sflag:s25] =	ssyncset.done $0x0  }
0x1c: {  	[sflag:s25] =	ssyncadd.s32 $0xFFFFCE00  }
0x1d: {  	_ =	swait.ge [sflag:s1], $0x3200  }
0x1e: {  	[sflag:s1] =	ssyncset.done $0x0  }
0x1f: {  	[sflag:s1] =	ssyncadd.s32 $0xFFFFCE00  }
0x20: {  	_ =	swait.ge [sflag:s3], $0x3200  }
0x21: {  	[sflag:s3] =	ssyncset.done $0x0  }
0x22: {  	[sflag:s3] =	ssyncadd.s32 $0xFFFFCE00  }
0x23: {  	_ =	swait.ge [sflag:s23], $0x3200  }
0x24: {  	s28 =	sadd.s32 $0x1, s28;
	s10 =	rddreg [dreg:$0x11]  }
0x25: {  	p1 =	sne.s32 s28, s10  }
.Ltmp1:
0x26: {  	_ = 	snop;
	(pc) =	sbr.rel @!p1 .LBB2_25-.Ltmp1, $3  }
0x27: {  	_ =	sdelay $0x1  }
0x28: {  	[sflag:s23] =	ssyncset.done $0x0  }
0x29: {  	s14 =	simm.s32 $0x80;
	[sflag:s23] =	ssyncadd.s32 $0xFFFFCE00  }
.LBB2_1:
0x2a: {  	s11 =	rddreg [dreg:$0xb]  }
0x2b: {  	s10 =	simm.s32 @p0 $0x1FC9;
	s12 =	rddreg [dreg:$0x12]  }
0x2c: {  	[spmem:s12], [sflag:s10] =	dma.local @p0 [hbm:s11], $0x280  }
0x2d: {  	s10 =	simm.s32 @p0 $0x9  }
0x2e: {  	_ =	swait.ge @p0 [sflag:s10], $0x280  }
0x2f: {  	[sflag:s10] =	ssyncset.done @p0 $0x0;
	s11 =	rddreg [dreg:$0x13]  }
0x30: {  	[sflag:s10] =	ssyncadd.s32 @p0 $0xFFFFFD80;
	s10 =	rddreg [dreg:$0xa]  }
0x31: {  	[spmem:s21], [sflag:s11] =	dma.local @!p0 [hbm:s10], $0x400  }
0x32: {  	s10 =	simm.s32 @!p0 $0x9  }
0x33: {  	_ =	swait.ge @!p0 [sflag:s10], $0x400  }
0x34: {  	[sflag:s10] =	ssyncset.done @!p0 $0x0  }
0x35: {  	s17 =	rddreg [dreg:$0xc];
	[sflag:s10] =	ssyncadd.s32 @!p0 $0xFFFFFC00  }
0x36: {  	[tilespmem:s6], [sflag:$0x9] =	stream.linear.gather [hbm4b:s17+s6], $0x4000, $0x38;
	[tilespmem:$0x1A4C0] =	vst v63  }
0x37: {  	_ =	swait.ge [sflag:s22], $0x4000  }
0x38: {  	[sflag:s22] =	ssyncset.done $0x0  }
0x39: {  	s11 =	simm.s32 $0x4000;
	s18 =	rddreg [dreg:$0xd];
	[sflag:s22] =	ssyncadd.s32 $0xFFFFC000  }
0x3a: {  	[tilespmem:s11], [sflag:$0x9] =	stream.linear.gather [hbm4b:s18+s6], $0x80, $0x38;
	[tilespmem:$0x1A4C0] =	vst v63  }
0x3b: {  	_ =	swait.ge [sflag:s22], $0x80  }
0x3c: {  	[sflag:s22] =	ssyncset.done $0x0  }
0x3d: {  	[sflag:s22] =	ssyncadd.s32 $0xFFFFFF80  }
0x3e: {  	s20 =	simm.s32 $0x8080;
	s19 =	rddreg [dreg:$0x4]  }
0x3f: {  	[tilespmem:s20], [sflag:$0x9] =	stream.linear.gather [hbm4b:s19+s6], $0x3200, $0x38;
	[tilespmem:$0x1A4C0] =	vst v63  }
0x40: {  	_ =	swait.ge [sflag:s22], $0x3200  }
0x41: {  	[sflag:s22] =	ssyncset.done $0x0  }
0x42: {  	[sflag:s22] =	ssyncadd.s32 $0xFFFFCE00  }
0x43: {  	s16 =	simm.s32 $0x18480;
	s15 =	rddreg [dreg:$0x5]  }
0x44: {  	[tilespmem:s16], [sflag:$0x9] =	stream.linear.gather [hbm4b:s15+s6], $0x80, $0x38;
	[tilespmem:$0x1A4C0] =	vst v63  }
0x45: {  	_ =	swait.ge [sflag:s22], $0x80  }
0x46: {  	[sflag:s22] =	ssyncset.done $0x0  }
0x47: {  	[sflag:s22] =	ssyncadd.s32 $0xFFFFFF80  }
0x48: {  	s18 =	simm.s32 $0x18500;
	s17 =	rddreg [dreg:$0x6]  }
0x49: {  	[tilespmem:s18], [sflag:$0x9] =	stream.linear.gather [hbm4b:s17+s6], $0x80, $0x38;
	[tilespmem:$0x1A4C0] =	vst v63  }
0x4a: {  	_ =	swait.ge [sflag:s22], $0x80  }
0x4b: {  	[sflag:s22] =	ssyncset.done $0x0  }
0x4c: {  	[sflag:s22] =	ssyncadd.s32 $0xFFFFFF80  }
0x4d: {  	s20 =	simm.s32 $0x4080;
	s19 =	rddreg [dreg:$0x3]  }
0x4e: {  	[tilespmem:s20], [sflag:$0x1] =	stream.indirect.gather [hbm4b:s19+s14], $0x80, s11, s14, $0xb8;
	[tilespmem:$0x1A4C0] =	vst v63  }
0x4f: {  	_ =	swait.ge [sflag:s30], $0x4000  }
0x50: {  	[sflag:s30] =	ssyncset.done $0x0  }
0x51: {  	[sflag:s30] =	ssyncadd.s32 $0xFFFFC000  }
0x52: {  	[bflag:$0x0] =	sbarrier.arrive $0xFFFF  }
0x53: {  	v1 =	vld [tilespmem:$0x18480]  }
0x54: {  	s10 =	simm.s32 $0x0;
	v0 =	vld [tilespmem:$0x18500]  }
0x55: {  	v5 =	vld [tilespmem:s10+$0x4080]  }
0x56: {  	v7 =	vld [tilespmem:s10+$0x4090]  }
0x57: {  	v6 =	vld [tilespmem:s10+$0x40A0]  }
0x58: {  	v4 =	vld [tilespmem:s10+$0x40B0]  }
0x59: {  	v2 =	vld [tilespmem:s10+$0x40C0]  }
0x5a: {  	v3 =	vld [tilespmem:s10+$0x40D0];
	v8 =	vmul.f32 v5, v1  }
0x5b: {  	s11 =	simm.s32 $0x200;
	v7 =	vmul.f32 v7, v1;
	v5 =	vld [tilespmem:s10+$0x40E0]  }
.LBB2_2:
0x5c: {  	s12 =	sshra.s32 s11, $0x2;
	p1 =	sne.s32 s11, $0xFE00;
	[tilespmem:s10+$0x4080] =	vst v8;
	v6 =	vmul.f32 v6, v1;
	v8 =	vld [tilespmem:s10+$0x40F0]  }
0x5d: {  	v9 =	vld [tilespmem:s12+$0x4080];
	[tilespmem:s10+$0x4090] =	vst v7;
	v4 =	vmul.f32 v4, v1  }
0x5e: {  	v7 =	vld [tilespmem:s12+$0x4090];
	[tilespmem:s10+$0x40A0] =	vst v6;
	v2 =	vmul.f32 v2, v1  }
.Ltmp2:
0x5f: {  	v6 =	vld [tilespmem:s12+$0x40A0];
	[tilespmem:s10+$0x40B0] =	vst v4;
	v3 =	vmul.f32 v3, v1;
	(pc) =	sbr.rel @p1 .LBB2_2-.Ltmp2, $4  }
0x60: {  	v4 =	vld [tilespmem:s12+$0x40B0];
	[tilespmem:s10+$0x40C0] =	vst v2;
	v5 =	vmul.f32 v5, v1  }
0x61: {  	v2 =	vld [tilespmem:s12+$0x40C0];
	[tilespmem:s10+$0x40D0] =	vst v3;
	v10 =	vmul.f32 v8, v1  }
0x62: {  	v8 =	vmul.f32 v9, v1;
	v3 =	vld [tilespmem:s12+$0x40D0];
	[tilespmem:s10+$0x40E0] =	vst v5  }
0x63: {  	s11 =	sadd.s32 $0x200, s11;
	v7 =	vmul.f32 v7, v1;
	v5 =	vld [tilespmem:s12+$0x40E0];
	[tilespmem:s10+$0x40F0] =	vst v10;
	s10 =	smov.u32 s12  }
0x64: {  	[tilespmem:s10+$0x4080] =	vst v8;
	v6 =	vmul.f32 v6, v1;
	v8 =	vld [tilespmem:s10+$0x40F0]  }
0x65: {  	[tilespmem:s10+$0x4090] =	vst v7;
	v4 =	vmul.f32 v4, v1  }
0x66: {  	[tilespmem:s10+$0x40A0] =	vst v6;
	v2 =	vmul.f32 v2, v1  }
0x67: {  	[tilespmem:s10+$0x40B0] =	vst v4;
	v3 =	vmul.f32 v3, v1  }
0x68: {  	[tilespmem:s10+$0x40C0] =	vst v2;
	v2 =	vmul.f32 v5, v1  }
0x69: {  	[tilespmem:s10+$0x40D0] =	vst v3;
	v1 =	vmul.f32 v8, v1  }
0x6a: {  	[tilespmem:s10+$0x40E0] =	vst v2  }
0x6b: {  	[tilespmem:s10+$0x40F0] =	vst v1;
	s10 =	simm.s32 $0x0  }
0x6c: {  	v4 =	vld [tilespmem:s10+$0x8080]  }
0x6d: {  	v6 =	vld [tilespmem:s10+$0x8090]  }
0x6e: {  	v5 =	vld [tilespmem:s10+$0x80A0]  }
0x6f: {  	v3 =	vld [tilespmem:s10+$0x80B0]  }
0x70: {  	v1 =	vld [tilespmem:s10+$0x80C0]  }
0x71: {  	v2 =	vld [tilespmem:s10+$0x80D0];
	v7 =	vmul.f32 v4, v0  }
0x72: {  	s11 =	simm.s32 $0x200;
	v6 =	vmul.f32 v6, v0;
	v4 =	vld [tilespmem:s10+$0x80E0]  }
.LBB2_4:
0x73: {  	s12 =	sshra.s32 s11, $0x2;
	p1 =	sne.s32 s11, $0xC600;
	[tilespmem:s10+$0x8080] =	vst v7;
	v5 =	vmul.f32 v5, v0;
	v7 =	vld [tilespmem:s10+$0x80F0]  }
0x74: {  	v8 =	vld [tilespmem:s12+$0x8080];
	[tilespmem:s10+$0x8090] =	vst v6;
	v3 =	vmul.f32 v3, v0  }
0x75: {  	v6 =	vld [tilespmem:s12+$0x8090];
	[tilespmem:s10+$0x80A0] =	vst v5;
	v1 =	vmul.f32 v1, v0  }
.Ltmp3:
0x76: {  	v5 =	vld [tilespmem:s12+$0x80A0];
	[tilespmem:s10+$0x80B0] =	vst v3;
	v2 =	vmul.f32 v2, v0;
	(pc) =	sbr.rel @p1 .LBB2_4-.Ltmp3, $4  }
0x77: {  	v3 =	vld [tilespmem:s12+$0x80B0];
	[tilespmem:s10+$0x80C0] =	vst v1;
	v4 =	vmul.f32 v4, v0  }
0x78: {  	v1 =	vld [tilespmem:s12+$0x80C0];
	[tilespmem:s10+$0x80D0] =	vst v2;
	v9 =	vmul.f32 v7, v0  }
0x79: {  	v7 =	vmul.f32 v8, v0;
	v2 =	vld [tilespmem:s12+$0x80D0];
	[tilespmem:s10+$0x80E0] =	vst v4  }
0x7a: {  	s11 =	sadd.s32 $0x200, s11;
	v6 =	vmul.f32 v6, v0;
	v4 =	vld [tilespmem:s12+$0x80E0];
	[tilespmem:s10+$0x80F0] =	vst v9;
	s10 =	smov.u32 s12  }
0x7b: {  	[tilespmem:s10+$0x8080] =	vst v7;
	v5 =	vmul.f32 v5, v0;
	v7 =	vld [tilespmem:s10+$0x80F0]  }
0x7c: {  	[tilespmem:s10+$0x8090] =	vst v6;
	v3 =	vmul.f32 v3, v0  }
0x7d: {  	[tilespmem:s10+$0x80A0] =	vst v5;
	v1 =	vmul.f32 v1, v0  }
0x7e: {  	[tilespmem:s10+$0x80B0] =	vst v3;
	v2 =	vmul.f32 v2, v0  }
0x7f: {  	[tilespmem:s10+$0x80C0] =	vst v1;
	v1 =	vmul.f32 v4, v0  }
0x80: {  	[tilespmem:s10+$0x80D0] =	vst v2;
	v0 =	vmul.f32 v7, v0  }
0x81: {  	[tilespmem:s10+$0x80E0] =	vst v1  }
0x82: {  	s19 =	simm.s32 $0x0;
	[tilespmem:s10+$0x80F0] =	vst v0  }
0x83: {  	[tilespmem:s0], [sflag:$0x1] =	stream.indirect.gather [spmem:s5], $0x80, s19, s31, $0xb8;
	[tilespmem:$0x1A4C0] =	vst v63  }
0x84: {  	_ = 	snop  }
0x85: {  	[tilespmem:s7], [sflag:$0x2] =	stream.indirect.gather [spmem:s5], $0x80, s14, s31, $0xb8;
	[tilespmem:$0x1A4C0] =	vst v63  }
0x86: {  	s20 =	simm.s32 $0x100  }
0x87: {  	[tilespmem:s2], [sflag:$0x3] =	stream.indirect.gather [spmem:s5], $0x80, s20, s31, $0xb8;
	[tilespmem:$0x1A4C0] =	vst v63  }
0x88: {  	_ =	swait.ge [sflag:s30], $0x3200  }
0x89: {  	[sflag:s30] =	ssyncset.done $0x0  }
0x8a: {  	[sflag:s30] =	ssyncadd.s32 $0xFFFFCE00  }
0x8b: {  	v0 =	vld [tilespmem:$0x4080]  }
0x8c: {  	v1 =	vld [tilespmem:$0x4090]  }
0x8d: {  	v2 =	vld [tilespmem:$0x40A0]  }
0x8e: {  	v3 =	vld [tilespmem:$0x40B0]  }
0x8f: {  	v4 =	vld [tilespmem:$0x40C0]  }
0x90: {  	v5 =	vld [tilespmem:$0x40D0]  }
0x91: {  	v6 =	vld [tilespmem:$0x40E0]  }
0x92: {  	s10 =	simm.s32 $0x0;
	v7 =	vld [tilespmem:$0x40F0]  }
0x93: {  	v8 =	vld [tilespmem:s10+$0x8270]  }
0x94: {  	v9 =	vld [tilespmem:s10+$0x8080]  }
0x95: {  	v10 =	vld [tilespmem:s10+$0x8090]  }
0x96: {  	v11 =	vld [tilespmem:s10+$0x80A0]  }
0x97: {  	v12 =	vld [tilespmem:s10+$0x80B0]  }
0x98: {  	v13 =	vld [tilespmem:s10+$0x80C0]  }
0x99: {  	v14 =	vld [tilespmem:s10+$0x80D0]  }
0x9a: {  	v15 =	vld [tilespmem:s10+$0x80F0]  }
0x9b: {  	v16 =	vld [tilespmem:s10+$0x8100]  }
0x9c: {  	v17 =	vld [tilespmem:s10+$0x8110]  }
0x9d: {  	v18 =	vld [tilespmem:s10+$0x8120]  }
0x9e: {  	v19 =	vld [tilespmem:s10+$0x8130]  }
0x9f: {  	v20 =	vld [tilespmem:s10+$0x8140]  }
0xa0: {  	v21 =	vld [tilespmem:s10+$0x8150]  }
0xa1: {  	v22 =	vld [tilespmem:s10+$0x8160]  }
0xa2: {  	v23 =	vld [tilespmem:s10+$0x8170]  }
0xa3: {  	v24 =	vld [tilespmem:s10+$0x8180]  }
0xa4: {  	v25 =	vld [tilespmem:s10+$0x8190]  }
0xa5: {  	v26 =	vld [tilespmem:s10+$0x81A0]  }
0xa6: {  	v27 =	vld [tilespmem:s10+$0x81B0]  }
0xa7: {  	v28 =	vld [tilespmem:s10+$0x81C0]  }
0xa8: {  	v29 =	vld [tilespmem:s10+$0x81D0]  }
0xa9: {  	v30 =	vld [tilespmem:s10+$0x81E0]  }
0xaa: {  	v31 =	vld [tilespmem:s10+$0x81F0]  }
0xab: {  	v32 =	vld [tilespmem:s10+$0x8200]  }
0xac: {  	v33 =	vld [tilespmem:s10+$0x8210]  }
0xad: {  	v34 =	vld [tilespmem:s10+$0x8220]  }
0xae: {  	v35 =	vld [tilespmem:s10+$0x8230]  }
0xaf: {  	v36 =	vld [tilespmem:s10+$0x8240]  }
0xb0: {  	v37 =	vld [tilespmem:s10+$0x8250];
	v8 =	vadd.f32 v8, v7  }
0xb1: {  	v38 =	vld [tilespmem:s10+$0x8260]  }
0xb2: {  	v9 =	vadd.f32 v9, v0;
	[tilespmem:s10+$0xB670] =	vst.add.f32.msk $0xffff, v8  }
0xb3: {  	v10 =	vadd.f32 v10, v1;
	v8 =	vld [tilespmem:s10+$0x80E0]  }
0xb4: {  	v11 =	vadd.f32 v11, v2;
	[tilespmem:s10+$0xB480] =	vst.add.f32.msk $0xffff, v9  }
0xb5: {  	v9 =	vadd.f32 v12, v3;
	[tilespmem:s10+$0xB490] =	vst.add.f32.msk $0xffff, v10  }
0xb6: {  	v10 =	vadd.f32 v13, v4;
	[tilespmem:s10+$0xB4A0] =	vst.add.f32.msk $0xffff, v11  }
0xb7: {  	v11 =	vadd.f32 v14, v5;
	[tilespmem:s10+$0xB4B0] =	vst.add.f32.msk $0xffff, v9  }
0xb8: {  	[tilespmem:s10+$0xB4C0] =	vst.add.f32.msk $0xffff, v10;
	v9 =	vadd.f32 v15, v7  }
0xb9: {  	[tilespmem:s10+$0xB4D0] =	vst.add.f32.msk $0xffff, v11;
	v10 =	vadd.f32 v16, v0  }
0xba: {  	[tilespmem:s10+$0xB4F0] =	vst.add.f32.msk $0xffff, v9;
	v9 =	vadd.f32 v18, v2  }
0xbb: {  	[tilespmem:s10+$0xB500] =	vst.add.f32.msk $0xffff, v10;
	v10 =	vadd.f32 v19, v3  }
0xbc: {  	v8 =	vadd.f32 v8, v6;
	[tilespmem:s10+$0xB520] =	vst.add.f32.msk $0xffff, v9  }
0xbd: {  	v9 =	vadd.f32 v21, v5;
	[tilespmem:s10+$0xB530] =	vst.add.f32.msk $0xffff, v10  }
0xbe: {  	v10 =	vadd.f32 v22, v6;
	[tilespmem:s10+$0xB4E0] =	vst.add.f32.msk $0xffff, v8  }
0xbf: {  	v8 =	vadd.f32 v17, v1;
	[tilespmem:s10+$0xB550] =	vst.add.f32.msk $0xffff, v9  }
0xc0: {  	v9 =	vadd.f32 v24, v0;
	[tilespmem:s10+$0xB560] =	vst.add.f32.msk $0xffff, v10  }
0xc1: {  	v10 =	vadd.f32 v25, v1;
	[tilespmem:s10+$0xB510] =	vst.add.f32.msk $0xffff, v8  }
0xc2: {  	v8 =	vadd.f32 v20, v4;
	[tilespmem:s10+$0xB580] =	vst.add.f32.msk $0xffff, v9  }
0xc3: {  	v9 =	vadd.f32 v27, v3;
	[tilespmem:s10+$0xB590] =	vst.add.f32.msk $0xffff, v10  }
0xc4: {  	v10 =	vadd.f32 v28, v4;
	[tilespmem:s10+$0xB540] =	vst.add.f32.msk $0xffff, v8  }
0xc5: {  	v8 =	vadd.f32 v23, v7;
	[tilespmem:s10+$0xB5B0] =	vst.add.f32.msk $0xffff, v9  }
0xc6: {  	v9 =	vadd.f32 v30, v6;
	[tilespmem:s10+$0xB5C0] =	vst.add.f32.msk $0xffff, v10  }
0xc7: {  	v10 =	vadd.f32 v31, v7;
	[tilespmem:s10+$0xB570] =	vst.add.f32.msk $0xffff, v8  }
0xc8: {  	v8 =	vadd.f32 v26, v2;
	[tilespmem:s10+$0xB5E0] =	vst.add.f32.msk $0xffff, v9  }
0xc9: {  	v9 =	vadd.f32 v33, v1;
	[tilespmem:s10+$0xB5F0] =	vst.add.f32.msk $0xffff, v10  }
0xca: {  	[tilespmem:s10+$0xB5A0] =	vst.add.f32.msk $0xffff, v8;
	v8 =	vadd.f32 v29, v5  }
0xcb: {  	v10 =	vadd.f32 v34, v2;
	[tilespmem:s10+$0xB610] =	vst.add.f32.msk $0xffff, v9  }
0xcc: {  	[tilespmem:s10+$0xB5D0] =	vst.add.f32.msk $0xffff, v8;
	v8 =	vadd.f32 v32, v0  }
0xcd: {  	v9 =	vadd.f32 v36, v4;
	[tilespmem:s10+$0xB620] =	vst.add.f32.msk $0xffff, v10  }
0xce: {  	[tilespmem:s10+$0xB600] =	vst.add.f32.msk $0xffff, v8;
	v8 =	vadd.f32 v35, v3  }
0xcf: {  	v10 =	vadd.f32 v37, v5;
	[tilespmem:s10+$0xB640] =	vst.add.f32.msk $0xffff, v9  }
0xd0: {  	[tilespmem:s10+$0xB630] =	vst.add.f32.msk $0xffff, v8;
	v8 =	vadd.f32 v38, v6  }
0xd1: {  	s11 =	simm.s32 $0x0;
	s12 =	simm.s32 $0x800;
	[tilespmem:s10+$0xB650] =	vst.add.f32.msk $0xffff, v10  }
.LBB2_6:
0xd2: {  	s11 =	sadd.s32 $0x4, s11;
	[tilespmem:s10+$0xB660] =	vst.add.f32.msk $0xffff, v8;
	s10 =	sshra.s32 s12, $0x2  }
0xd3: {  	v8 =	vld [tilespmem:s10+$0x8270];
	p1 =	slt.u32 s11, $0x60  }
0xd4: {  	v9 =	vld [tilespmem:s10+$0x8080]  }
0xd5: {  	v10 =	vld [tilespmem:s10+$0x8090]  }
0xd6: {  	v11 =	vld [tilespmem:s10+$0x80A0]  }
0xd7: {  	v12 =	vld [tilespmem:s10+$0x80B0]  }
0xd8: {  	v13 =	vld [tilespmem:s10+$0x80C0];
	v8 =	vadd.f32 v8, v7  }
0xd9: {  	v9 =	vadd.f32 v9, v0;
	v14 =	vld [tilespmem:s10+$0x80D0]  }
0xda: {  	v10 =	vadd.f32 v10, v1;
	[tilespmem:s10+$0xB670] =	vst.add.f32.msk $0xffff, v8  }
0xdb: {  	v8 =	vadd.f32 v11, v2;
	v11 =	vld [tilespmem:s10+$0x80E0]  }
0xdc: {  	v12 =	vadd.f32 v12, v3;
	v15 =	vld [tilespmem:s10+$0x80F0]  }
0xdd: {  	v13 =	vadd.f32 v13, v4;
	v16 =	vld [tilespmem:s10+$0x8100]  }
0xde: {  	v14 =	vadd.f32 v14, v5;
	v17 =	vld [tilespmem:s10+$0x8110]  }
0xdf: {  	v18 =	vld [tilespmem:s10+$0x8120]  }
0xe0: {  	v11 =	vadd.f32 v11, v6;
	v19 =	vld [tilespmem:s10+$0x8130]  }
0xe1: {  	v15 =	vadd.f32 v15, v7;
	v20 =	vld [tilespmem:s10+$0x8140]  }
0xe2: {  	v16 =	vadd.f32 v16, v0;
	v21 =	vld [tilespmem:s10+$0x8150]  }
0xe3: {  	v17 =	vadd.f32 v17, v1;
	v22 =	vld [tilespmem:s10+$0x8160]  }
0xe4: {  	v18 =	vadd.f32 v18, v2;
	v23 =	vld [tilespmem:s10+$0x8170]  }
0xe5: {  	v19 =	vadd.f32 v19, v3;
	v24 =	vld [tilespmem:s10+$0x8180]  }
0xe6: {  	v20 =	vadd.f32 v20, v4;
	v25 =	vld [tilespmem:s10+$0x8190]  }
0xe7: {  	v21 =	vadd.f32 v21, v5;
	v26 =	vld [tilespmem:s10+$0x81A0]  }
0xe8: {  	v22 =	vadd.f32 v22, v6;
	v27 =	vld [tilespmem:s10+$0x81B0]  }
0xe9: {  	v23 =	vadd.f32 v23, v7;
	v28 =	vld [tilespmem:s10+$0x81C0]  }
0xea: {  	v24 =	vadd.f32 v24, v0;
	v29 =	vld [tilespmem:s10+$0x81D0]  }
0xeb: {  	v25 =	vadd.f32 v25, v1;
	v30 =	vld [tilespmem:s10+$0x81E0]  }
0xec: {  	v26 =	vadd.f32 v26, v2;
	v31 =	vld [tilespmem:s10+$0x81F0]  }
0xed: {  	v27 =	vadd.f32 v27, v3;
	v32 =	vld [tilespmem:s10+$0x8200]  }
0xee: {  	v28 =	vadd.f32 v28, v4;
	v33 =	vld [tilespmem:s10+$0x8210]  }
0xef: {  	v29 =	vadd.f32 v29, v5;
	v34 =	vld [tilespmem:s10+$0x8220]  }
0xf0: {  	v30 =	vadd.f32 v30, v6;
	v35 =	vld [tilespmem:s10+$0x8230]  }
0xf1: {  	v31 =	vadd.f32 v31, v7;
	v36 =	vld [tilespmem:s10+$0x8240]  }
0xf2: {  	v32 =	vadd.f32 v32, v0;
	v37 =	vld [tilespmem:s10+$0x8250]  }
0xf3: {  	v33 =	vadd.f32 v33, v1;
	v38 =	vld [tilespmem:s10+$0x8260]  }
0xf4: {  	[tilespmem:s10+$0xB480] =	vst.add.f32.msk $0xffff, v9;
	v9 =	vadd.f32 v34, v2  }
0xf5: {  	[tilespmem:s10+$0xB490] =	vst.add.f32.msk $0xffff, v10;
	v10 =	vadd.f32 v35, v3  }
0xf6: {  	[tilespmem:s10+$0xB4A0] =	vst.add.f32.msk $0xffff, v8;
	v34 =	vadd.f32 v36, v4  }
0xf7: {  	[tilespmem:s10+$0xB4B0] =	vst.add.f32.msk $0xffff, v12;
	v12 =	vadd.f32 v37, v5  }
0xf8: {  	[tilespmem:s10+$0xB4C0] =	vst.add.f32.msk $0xffff, v13;
	v8 =	vadd.f32 v38, v6  }
0xf9: {  	[tilespmem:s10+$0xB4D0] =	vst.add.f32.msk $0xffff, v14  }
0xfa: {  	[tilespmem:s10+$0xB4E0] =	vst.add.f32.msk $0xffff, v11  }
0xfb: {  	[tilespmem:s10+$0xB4F0] =	vst.add.f32.msk $0xffff, v15  }
0xfc: {  	[tilespmem:s10+$0xB500] =	vst.add.f32.msk $0xffff, v16  }
0xfd: {  	[tilespmem:s10+$0xB510] =	vst.add.f32.msk $0xffff, v17  }
0xfe: {  	[tilespmem:s10+$0xB520] =	vst.add.f32.msk $0xffff, v18  }
0xff: {  	[tilespmem:s10+$0xB530] =	vst.add.f32.msk $0xffff, v19  }
0x100: {  	[tilespmem:s10+$0xB540] =	vst.add.f32.msk $0xffff, v20  }
0x101: {  	[tilespmem:s10+$0xB550] =	vst.add.f32.msk $0xffff, v21  }
0x102: {  	[tilespmem:s10+$0xB560] =	vst.add.f32.msk $0xffff, v22  }
0x103: {  	[tilespmem:s10+$0xB570] =	vst.add.f32.msk $0xffff, v23  }
0x104: {  	[tilespmem:s10+$0xB580] =	vst.add.f32.msk $0xffff, v24  }
0x105: {  	[tilespmem:s10+$0xB590] =	vst.add.f32.msk $0xffff, v25  }
0x106: {  	[tilespmem:s10+$0xB5A0] =	vst.add.f32.msk $0xffff, v26  }
0x107: {  	[tilespmem:s10+$0xB5B0] =	vst.add.f32.msk $0xffff, v27  }
0x108: {  	[tilespmem:s10+$0xB5C0] =	vst.add.f32.msk $0xffff, v28  }
0x109: {  	[tilespmem:s10+$0xB5D0] =	vst.add.f32.msk $0xffff, v29  }
0x10a: {  	[tilespmem:s10+$0xB5E0] =	vst.add.f32.msk $0xffff, v30  }
0x10b: {  	[tilespmem:s10+$0xB5F0] =	vst.add.f32.msk $0xffff, v31  }
0x10c: {  	[tilespmem:s10+$0xB600] =	vst.add.f32.msk $0xffff, v32  }
.Ltmp4:
0x10d: {  	[tilespmem:s10+$0xB610] =	vst.add.f32.msk $0xffff, v33;
	(pc) =	sbr.rel @p1 .LBB2_6-.Ltmp4, $4  }
0x10e: {  	[tilespmem:s10+$0xB620] =	vst.add.f32.msk $0xffff, v9  }
0x10f: {  	[tilespmem:s10+$0xB630] =	vst.add.f32.msk $0xffff, v10  }
0x110: {  	[tilespmem:s10+$0xB640] =	vst.add.f32.msk $0xffff, v34  }
0x111: {  	s12 =	sadd.s32 $0x800, s12;
	[tilespmem:s10+$0xB650] =	vst.add.f32.msk $0xffff, v12  }
0x112: {  	[tilespmem:s10+$0xB660] =	vst.add.f32.msk $0xffff, v8;
	s19 =	simm.s32 $0x0  }
0x113: {  	[hbm4b:s13+s19] =	stream.linear.scatter [tilespmem:s0], [sflag:$0x5], $0x3200, $0x38;
	[tilespmem:$0x1A4C0] =	vst v63  }
0x114: {  	s20 =	simm.s32 $0x180  }
0x115: {  	[tilespmem:s4], [sflag:$0x4] =	stream.indirect.gather [spmem:s5], $0x80, s20, s31, $0xb8;
	[tilespmem:$0x1A4C0] =	vst v63  }
0x116: {  	_ =	swait.ge [sflag:s24], $0x3200  }
0x117: {  	[sflag:s24] =	ssyncset.done $0x0  }
0x118: {  	[sflag:s24] =	ssyncadd.s32 $0xFFFFCE00  }
0x119: {  	v0 =	vld [tilespmem:$0x4100]  }
0x11a: {  	v1 =	vld [tilespmem:$0x4110]  }
0x11b: {  	v2 =	vld [tilespmem:$0x4120]  }
0x11c: {  	v3 =	vld [tilespmem:$0x4130]  }
0x11d: {  	v4 =	vld [tilespmem:$0x4140]  }
0x11e: {  	v5 =	vld [tilespmem:$0x4150]  }
0x11f: {  	v6 =	vld [tilespmem:$0x4160]  }
0x120: {  	s10 =	simm.s32 $0x0;
	v7 =	vld [tilespmem:$0x4170]  }
0x121: {  	v8 =	vld [tilespmem:s10+$0x8270]  }
0x122: {  	v9 =	vld [tilespmem:s10+$0x8080]  }
0x123: {  	v10 =	vld [tilespmem:s10+$0x8090]  }
0x124: {  	v11 =	vld [tilespmem:s10+$0x80A0]  }
0x125: {  	v12 =	vld [tilespmem:s10+$0x80B0]  }
0x126: {  	v13 =	vld [tilespmem:s10+$0x80C0]  }
0x127: {  	v14 =	vld [tilespmem:s10+$0x80D0]  }
0x128: {  	v15 =	vld [tilespmem:s10+$0x80F0]  }
0x129: {  	v16 =	vld [tilespmem:s10+$0x8100]  }
0x12a: {  	v17 =	vld [tilespmem:s10+$0x8110]  }
0x12b: {  	v18 =	vld [tilespmem:s10+$0x8120]  }
0x12c: {  	v19 =	vld [tilespmem:s10+$0x8130]  }
0x12d: {  	v20 =	vld [tilespmem:s10+$0x8140]  }
0x12e: {  	v21 =	vld [tilespmem:s10+$0x8150]  }
0x12f: {  	v22 =	vld [tilespmem:s10+$0x8160]  }
0x130: {  	v23 =	vld [tilespmem:s10+$0x8170]  }
0x131: {  	v24 =	vld [tilespmem:s10+$0x8180]  }
0x132: {  	v25 =	vld [tilespmem:s10+$0x8190]  }
0x133: {  	v26 =	vld [tilespmem:s10+$0x81A0]  }
0x134: {  	v27 =	vld [tilespmem:s10+$0x81B0]  }
0x135: {  	v28 =	vld [tilespmem:s10+$0x81C0]  }
0x136: {  	v29 =	vld [tilespmem:s10+$0x81D0]  }
0x137: {  	v30 =	vld [tilespmem:s10+$0x81E0]  }
0x138: {  	v31 =	vld [tilespmem:s10+$0x81F0]  }
0x139: {  	v32 =	vld [tilespmem:s10+$0x8200]  }
0x13a: {  	v33 =	vld [tilespmem:s10+$0x8210]  }
0x13b: {  	v34 =	vld [tilespmem:s10+$0x8220]  }
0x13c: {  	v35 =	vld [tilespmem:s10+$0x8230]  }
0x13d: {  	v36 =	vld [tilespmem:s10+$0x8240]  }
0x13e: {  	v37 =	vld [tilespmem:s10+$0x8250];
	v8 =	vadd.f32 v8, v7  }
0x13f: {  	v38 =	vld [tilespmem:s10+$0x8260]  }
0x140: {  	v9 =	vadd.f32 v9, v0;
	[tilespmem:s10+$0xEA70] =	vst.add.f32.msk $0xffff, v8  }
0x141: {  	v10 =	vadd.f32 v10, v1;
	v8 =	vld [tilespmem:s10+$0x80E0]  }
0x142: {  	v11 =	vadd.f32 v11, v2;
	[tilespmem:s10+$0xE880] =	vst.add.f32.msk $0xffff, v9  }
0x143: {  	v9 =	vadd.f32 v12, v3;
	[tilespmem:s10+$0xE890] =	vst.add.f32.msk $0xffff, v10  }
0x144: {  	v10 =	vadd.f32 v13, v4;
	[tilespmem:s10+$0xE8A0] =	vst.add.f32.msk $0xffff, v11  }
0x145: {  	v11 =	vadd.f32 v14, v5;
	[tilespmem:s10+$0xE8B0] =	vst.add.f32.msk $0xffff, v9  }
0x146: {  	[tilespmem:s10+$0xE8C0] =	vst.add.f32.msk $0xffff, v10;
	v9 =	vadd.f32 v15, v7  }
0x147: {  	[tilespmem:s10+$0xE8D0] =	vst.add.f32.msk $0xffff, v11;
	v10 =	vadd.f32 v16, v0  }
0x148: {  	[tilespmem:s10+$0xE8F0] =	vst.add.f32.msk $0xffff, v9;
	v9 =	vadd.f32 v18, v2  }
0x149: {  	[tilespmem:s10+$0xE900] =	vst.add.f32.msk $0xffff, v10;
	v10 =	vadd.f32 v19, v3  }
0x14a: {  	v8 =	vadd.f32 v8, v6;
	[tilespmem:s10+$0xE920] =	vst.add.f32.msk $0xffff, v9  }
0x14b: {  	v9 =	vadd.f32 v21, v5;
	[tilespmem:s10+$0xE930] =	vst.add.f32.msk $0xffff, v10  }
0x14c: {  	v10 =	vadd.f32 v22, v6;
	[tilespmem:s10+$0xE8E0] =	vst.add.f32.msk $0xffff, v8  }
0x14d: {  	v8 =	vadd.f32 v17, v1;
	[tilespmem:s10+$0xE950] =	vst.add.f32.msk $0xffff, v9  }
0x14e: {  	v9 =	vadd.f32 v24, v0;
	[tilespmem:s10+$0xE960] =	vst.add.f32.msk $0xffff, v10  }
0x14f: {  	v10 =	vadd.f32 v25, v1;
	[tilespmem:s10+$0xE910] =	vst.add.f32.msk $0xffff, v8  }
0x150: {  	v8 =	vadd.f32 v20, v4;
	[tilespmem:s10+$0xE980] =	vst.add.f32.msk $0xffff, v9  }
0x151: {  	v9 =	vadd.f32 v27, v3;
	[tilespmem:s10+$0xE990] =	vst.add.f32.msk $0xffff, v10  }
0x152: {  	v10 =	vadd.f32 v28, v4;
	[tilespmem:s10+$0xE940] =	vst.add.f32.msk $0xffff, v8  }
0x153: {  	v8 =	vadd.f32 v23, v7;
	[tilespmem:s10+$0xE9B0] =	vst.add.f32.msk $0xffff, v9  }
0x154: {  	v9 =	vadd.f32 v30, v6;
	[tilespmem:s10+$0xE9C0] =	vst.add.f32.msk $0xffff, v10  }
0x155: {  	v10 =	vadd.f32 v31, v7;
	[tilespmem:s10+$0xE970] =	vst.add.f32.msk $0xffff, v8  }
0x156: {  	v8 =	vadd.f32 v26, v2;
	[tilespmem:s10+$0xE9E0] =	vst.add.f32.msk $0xffff, v9  }
0x157: {  	v9 =	vadd.f32 v33, v1;
	[tilespmem:s10+$0xE9F0] =	vst.add.f32.msk $0xffff, v10  }
0x158: {  	[tilespmem:s10+$0xE9A0] =	vst.add.f32.msk $0xffff, v8;
	v8 =	vadd.f32 v29, v5  }
0x159: {  	v10 =	vadd.f32 v34, v2;
	[tilespmem:s10+$0xEA10] =	vst.add.f32.msk $0xffff, v9  }
0x15a: {  	[tilespmem:s10+$0xE9D0] =	vst.add.f32.msk $0xffff, v8;
	v8 =	vadd.f32 v32, v0  }
0x15b: {  	v9 =	vadd.f32 v36, v4;
	[tilespmem:s10+$0xEA20] =	vst.add.f32.msk $0xffff, v10  }
0x15c: {  	[tilespmem:s10+$0xEA00] =	vst.add.f32.msk $0xffff, v8;
	v8 =	vadd.f32 v35, v3  }
0x15d: {  	v10 =	vadd.f32 v37, v5;
	[tilespmem:s10+$0xEA40] =	vst.add.f32.msk $0xffff, v9  }
0x15e: {  	[tilespmem:s10+$0xEA30] =	vst.add.f32.msk $0xffff, v8;
	v8 =	vadd.f32 v38, v6  }
0x15f: {  	s11 =	simm.s32 $0x0;
	s12 =	simm.s32 $0x800;
	[tilespmem:s10+$0xEA50] =	vst.add.f32.msk $0xffff, v10  }
.LBB2_8:
0x160: {  	s11 =	sadd.s32 $0x4, s11;
	[tilespmem:s10+$0xEA60] =	vst.add.f32.msk $0xffff, v8;
	s10 =	sshra.s32 s12, $0x2  }
0x161: {  	v8 =	vld [tilespmem:s10+$0x8270];
	p1 =	slt.u32 s11, $0x60  }
0x162: {  	v9 =	vld [tilespmem:s10+$0x8080]  }
0x163: {  	v10 =	vld [tilespmem:s10+$0x8090]  }
0x164: {  	v11 =	vld [tilespmem:s10+$0x80A0]  }
0x165: {  	v12 =	vld [tilespmem:s10+$0x80B0]  }
0x166: {  	v13 =	vld [tilespmem:s10+$0x80C0];
	v8 =	vadd.f32 v8, v7  }
0x167: {  	v9 =	vadd.f32 v9, v0;
	v14 =	vld [tilespmem:s10+$0x80D0]  }
0x168: {  	v10 =	vadd.f32 v10, v1;
	[tilespmem:s10+$0xEA70] =	vst.add.f32.msk $0xffff, v8  }
0x169: {  	v8 =	vadd.f32 v11, v2;
	v11 =	vld [tilespmem:s10+$0x80E0]  }
0x16a: {  	v12 =	vadd.f32 v12, v3;
	v15 =	vld [tilespmem:s10+$0x80F0]  }
0x16b: {  	v13 =	vadd.f32 v13, v4;
	v16 =	vld [tilespmem:s10+$0x8100]  }
0x16c: {  	v14 =	vadd.f32 v14, v5;
	v17 =	vld [tilespmem:s10+$0x8110]  }
0x16d: {  	v18 =	vld [tilespmem:s10+$0x8120]  }
0x16e: {  	v11 =	vadd.f32 v11, v6;
	v19 =	vld [tilespmem:s10+$0x8130]  }
0x16f: {  	v15 =	vadd.f32 v15, v7;
	v20 =	vld [tilespmem:s10+$0x8140]  }
0x170: {  	v16 =	vadd.f32 v16, v0;
	v21 =	vld [tilespmem:s10+$0x8150]  }
0x171: {  	v17 =	vadd.f32 v17, v1;
	v22 =	vld [tilespmem:s10+$0x8160]  }
0x172: {  	v18 =	vadd.f32 v18, v2;
	v23 =	vld [tilespmem:s10+$0x8170]  }
0x173: {  	v19 =	vadd.f32 v19, v3;
	v24 =	vld [tilespmem:s10+$0x8180]  }
0x174: {  	v20 =	vadd.f32 v20, v4;
	v25 =	vld [tilespmem:s10+$0x8190]  }
0x175: {  	v21 =	vadd.f32 v21, v5;
	v26 =	vld [tilespmem:s10+$0x81A0]  }
0x176: {  	v22 =	vadd.f32 v22, v6;
	v27 =	vld [tilespmem:s10+$0x81B0]  }
0x177: {  	v23 =	vadd.f32 v23, v7;
	v28 =	vld [tilespmem:s10+$0x81C0]  }
0x178: {  	v24 =	vadd.f32 v24, v0;
	v29 =	vld [tilespmem:s10+$0x81D0]  }
0x179: {  	v25 =	vadd.f32 v25, v1;
	v30 =	vld [tilespmem:s10+$0x81E0]  }
0x17a: {  	v26 =	vadd.f32 v26, v2;
	v31 =	vld [tilespmem:s10+$0x81F0]  }
0x17b: {  	v27 =	vadd.f32 v27, v3;
	v32 =	vld [tilespmem:s10+$0x8200]  }
0x17c: {  	v28 =	vadd.f32 v28, v4;
	v33 =	vld [tilespmem:s10+$0x8210]  }
0x17d: {  	v29 =	vadd.f32 v29, v5;
	v34 =	vld [tilespmem:s10+$0x8220]  }
0x17e: {  	v30 =	vadd.f32 v30, v6;
	v35 =	vld [tilespmem:s10+$0x8230]  }
0x17f: {  	v31 =	vadd.f32 v31, v7;
	v36 =	vld [tilespmem:s10+$0x8240]  }
0x180: {  	v32 =	vadd.f32 v32, v0;
	v37 =	vld [tilespmem:s10+$0x8250]  }
0x181: {  	v33 =	vadd.f32 v33, v1;
	v38 =	vld [tilespmem:s10+$0x8260]  }
0x182: {  	[tilespmem:s10+$0xE880] =	vst.add.f32.msk $0xffff, v9;
	v9 =	vadd.f32 v34, v2  }
0x183: {  	[tilespmem:s10+$0xE890] =	vst.add.f32.msk $0xffff, v10;
	v10 =	vadd.f32 v35, v3  }
0x184: {  	[tilespmem:s10+$0xE8A0] =	vst.add.f32.msk $0xffff, v8;
	v34 =	vadd.f32 v36, v4  }
0x185: {  	[tilespmem:s10+$0xE8B0] =	vst.add.f32.msk $0xffff, v12;
	v12 =	vadd.f32 v37, v5  }
0x186: {  	[tilespmem:s10+$0xE8C0] =	vst.add.f32.msk $0xffff, v13;
	v8 =	vadd.f32 v38, v6  }
0x187: {  	[tilespmem:s10+$0xE8D0] =	vst.add.f32.msk $0xffff, v14  }
0x188: {  	[tilespmem:s10+$0xE8E0] =	vst.add.f32.msk $0xffff, v11  }
0x189: {  	[tilespmem:s10+$0xE8F0] =	vst.add.f32.msk $0xffff, v15  }
0x18a: {  	[tilespmem:s10+$0xE900] =	vst.add.f32.msk $0xffff, v16  }
0x18b: {  	[tilespmem:s10+$0xE910] =	vst.add.f32.msk $0xffff, v17  }
0x18c: {  	[tilespmem:s10+$0xE920] =	vst.add.f32.msk $0xffff, v18  }
0x18d: {  	[tilespmem:s10+$0xE930] =	vst.add.f32.msk $0xffff, v19  }
0x18e: {  	[tilespmem:s10+$0xE940] =	vst.add.f32.msk $0xffff, v20  }
0x18f: {  	[tilespmem:s10+$0xE950] =	vst.add.f32.msk $0xffff, v21  }
0x190: {  	[tilespmem:s10+$0xE960] =	vst.add.f32.msk $0xffff, v22  }
0x191: {  	[tilespmem:s10+$0xE970] =	vst.add.f32.msk $0xffff, v23  }
0x192: {  	[tilespmem:s10+$0xE980] =	vst.add.f32.msk $0xffff, v24  }
0x193: {  	[tilespmem:s10+$0xE990] =	vst.add.f32.msk $0xffff, v25  }
0x194: {  	[tilespmem:s10+$0xE9A0] =	vst.add.f32.msk $0xffff, v26  }
0x195: {  	[tilespmem:s10+$0xE9B0] =	vst.add.f32.msk $0xffff, v27  }
0x196: {  	[tilespmem:s10+$0xE9C0] =	vst.add.f32.msk $0xffff, v28  }
0x197: {  	[tilespmem:s10+$0xE9D0] =	vst.add.f32.msk $0xffff, v29  }
0x198: {  	[tilespmem:s10+$0xE9E0] =	vst.add.f32.msk $0xffff, v30  }
0x199: {  	[tilespmem:s10+$0xE9F0] =	vst.add.f32.msk $0xffff, v31  }
0x19a: {  	[tilespmem:s10+$0xEA00] =	vst.add.f32.msk $0xffff, v32  }
.Ltmp5:
0x19b: {  	[tilespmem:s10+$0xEA10] =	vst.add.f32.msk $0xffff, v33;
	(pc) =	sbr.rel @p1 .LBB2_8-.Ltmp5, $4  }
0x19c: {  	[tilespmem:s10+$0xEA20] =	vst.add.f32.msk $0xffff, v9  }
0x19d: {  	[tilespmem:s10+$0xEA30] =	vst.add.f32.msk $0xffff, v10  }
0x19e: {  	[tilespmem:s10+$0xEA40] =	vst.add.f32.msk $0xffff, v34  }
0x19f: {  	s12 =	sadd.s32 $0x800, s12;
	[tilespmem:s10+$0xEA50] =	vst.add.f32.msk $0xffff, v12  }
0x1a0: {  	[tilespmem:s10+$0xEA60] =	vst.add.f32.msk $0xffff, v8  }
0x1a1: {  	s19 =	simm.s32 $0x0;
	s11 =	rddreg [dreg:$0xe]  }
0x1a2: {  	[hbm4b:s11+s19] =	stream.linear.scatter [tilespmem:s7], [sflag:$0x6], $0x3200, $0x38;
	[tilespmem:$0x1A4C0] =	vst v63  }
0x1a3: {  	_ =	swait.ge [sflag:s25], $0x3200  }
0x1a4: {  	[sflag:s25] =	ssyncset.done $0x0  }
0x1a5: {  	s20 =	simm.s32 $0x200;
	[sflag:s25] =	ssyncadd.s32 $0xFFFFCE00  }
0x1a6: {  	[tilespmem:s0], [sflag:$0x1] =	stream.indirect.gather [spmem:s5], $0x80, s20, s31, $0xb8;
	[tilespmem:$0x1A4C0] =	vst v63  }
0x1a7: {  	_ =	swait.ge [sflag:s29], $0x3200  }
0x1a8: {  	[sflag:s29] =	ssyncset.done $0x0  }
0x1a9: {  	[sflag:s29] =	ssyncadd.s32 $0xFFFFCE00  }
0x1aa: {  	v0 =	vld [tilespmem:$0x4180]  }
0x1ab: {  	v1 =	vld [tilespmem:$0x4190]  }
0x1ac: {  	v2 =	vld [tilespmem:$0x41A0]  }
0x1ad: {  	v3 =	vld [tilespmem:$0x41B0]  }
0x1ae: {  	v4 =	vld [tilespmem:$0x41C0]  }
0x1af: {  	v5 =	vld [tilespmem:$0x41D0]  }
0x1b0: {  	v6 =	vld [tilespmem:$0x41E0]  }
0x1b1: {  	s10 =	simm.s32 $0x0;
	v7 =	vld [tilespmem:$0x41F0]  }
0x1b2: {  	v8 =	vld [tilespmem:s10+$0x8270]  }
0x1b3: {  	v9 =	vld [tilespmem:s10+$0x8080]  }
0x1b4: {  	v10 =	vld [tilespmem:s10+$0x8090]  }
0x1b5: {  	v11 =	vld [tilespmem:s10+$0x80A0]  }
0x1b6: {  	v12 =	vld [tilespmem:s10+$0x80B0]  }
0x1b7: {  	v13 =	vld [tilespmem:s10+$0x80C0]  }
0x1b8: {  	v14 =	vld [tilespmem:s10+$0x80D0]  }
0x1b9: {  	v15 =	vld [tilespmem:s10+$0x80F0]  }
0x1ba: {  	v16 =	vld [tilespmem:s10+$0x8100]  }
0x1bb: {  	v17 =	vld [tilespmem:s10+$0x8110]  }
0x1bc: {  	v18 =	vld [tilespmem:s10+$0x8120]  }
0x1bd: {  	v19 =	vld [tilespmem:s10+$0x8130]  }
0x1be: {  	v20 =	vld [tilespmem:s10+$0x8140]  }
0x1bf: {  	v21 =	vld [tilespmem:s10+$0x8150]  }
0x1c0: {  	v22 =	vld [tilespmem:s10+$0x8160]  }
0x1c1: {  	v23 =	vld [tilespmem:s10+$0x8170]  }
0x1c2: {  	v24 =	vld [tilespmem:s10+$0x8180]  }
0x1c3: {  	v25 =	vld [tilespmem:s10+$0x8190]  }
0x1c4: {  	v26 =	vld [tilespmem:s10+$0x81A0]  }
0x1c5: {  	v27 =	vld [tilespmem:s10+$0x81B0]  }
0x1c6: {  	v28 =	vld [tilespmem:s10+$0x81C0]  }
0x1c7: {  	v29 =	vld [tilespmem:s10+$0x81D0]  }
0x1c8: {  	v30 =	vld [tilespmem:s10+$0x81E0]  }
0x1c9: {  	v31 =	vld [tilespmem:s10+$0x81F0]  }
0x1ca: {  	v32 =	vld [tilespmem:s10+$0x8200]  }
0x1cb: {  	v33 =	vld [tilespmem:s10+$0x8210]  }
0x1cc: {  	v34 =	vld [tilespmem:s10+$0x8220]  }
0x1cd: {  	v35 =	vld [tilespmem:s10+$0x8230]  }
0x1ce: {  	v36 =	vld [tilespmem:s10+$0x8240]  }
0x1cf: {  	v37 =	vld [tilespmem:s10+$0x8250];
	v8 =	vadd.f32 v8, v7  }
0x1d0: {  	v38 =	vld [tilespmem:s10+$0x8260]  }
0x1d1: {  	v9 =	vadd.f32 v9, v0;
	[tilespmem:s10+$0x11E70] =	vst.add.f32.msk $0xffff, v8  }
0x1d2: {  	v10 =	vadd.f32 v10, v1;
	v8 =	vld [tilespmem:s10+$0x80E0]  }
0x1d3: {  	v11 =	vadd.f32 v11, v2;
	[tilespmem:s10+$0x11C80] =	vst.add.f32.msk $0xffff, v9  }
0x1d4: {  	v9 =	vadd.f32 v12, v3;
	[tilespmem:s10+$0x11C90] =	vst.add.f32.msk $0xffff, v10  }
0x1d5: {  	v10 =	vadd.f32 v13, v4;
	[tilespmem:s10+$0x11CA0] =	vst.add.f32.msk $0xffff, v11  }
0x1d6: {  	v11 =	vadd.f32 v14, v5;
	[tilespmem:s10+$0x11CB0] =	vst.add.f32.msk $0xffff, v9  }
0x1d7: {  	[tilespmem:s10+$0x11CC0] =	vst.add.f32.msk $0xffff, v10;
	v9 =	vadd.f32 v15, v7  }
0x1d8: {  	[tilespmem:s10+$0x11CD0] =	vst.add.f32.msk $0xffff, v11;
	v10 =	vadd.f32 v16, v0  }
0x1d9: {  	[tilespmem:s10+$0x11CF0] =	vst.add.f32.msk $0xffff, v9;
	v9 =	vadd.f32 v18, v2  }
0x1da: {  	[tilespmem:s10+$0x11D00] =	vst.add.f32.msk $0xffff, v10;
	v10 =	vadd.f32 v19, v3  }
0x1db: {  	v8 =	vadd.f32 v8, v6;
	[tilespmem:s10+$0x11D20] =	vst.add.f32.msk $0xffff, v9  }
0x1dc: {  	v9 =	vadd.f32 v21, v5;
	[tilespmem:s10+$0x11D30] =	vst.add.f32.msk $0xffff, v10  }
0x1dd: {  	v10 =	vadd.f32 v22, v6;
	[tilespmem:s10+$0x11CE0] =	vst.add.f32.msk $0xffff, v8  }
0x1de: {  	v8 =	vadd.f32 v17, v1;
	[tilespmem:s10+$0x11D50] =	vst.add.f32.msk $0xffff, v9  }
0x1df: {  	v9 =	vadd.f32 v24, v0;
	[tilespmem:s10+$0x11D60] =	vst.add.f32.msk $0xffff, v10  }
0x1e0: {  	v10 =	vadd.f32 v25, v1;
	[tilespmem:s10+$0x11D10] =	vst.add.f32.msk $0xffff, v8  }
0x1e1: {  	v8 =	vadd.f32 v20, v4;
	[tilespmem:s10+$0x11D80] =	vst.add.f32.msk $0xffff, v9  }
0x1e2: {  	v9 =	vadd.f32 v27, v3;
	[tilespmem:s10+$0x11D90] =	vst.add.f32.msk $0xffff, v10  }
0x1e3: {  	v10 =	vadd.f32 v28, v4;
	[tilespmem:s10+$0x11D40] =	vst.add.f32.msk $0xffff, v8  }
0x1e4: {  	v8 =	vadd.f32 v23, v7;
	[tilespmem:s10+$0x11DB0] =	vst.add.f32.msk $0xffff, v9  }
0x1e5: {  	v9 =	vadd.f32 v30, v6;
	[tilespmem:s10+$0x11DC0] =	vst.add.f32.msk $0xffff, v10  }
0x1e6: {  	v10 =	vadd.f32 v31, v7;
	[tilespmem:s10+$0x11D70] =	vst.add.f32.msk $0xffff, v8  }
0x1e7: {  	v8 =	vadd.f32 v26, v2;
	[tilespmem:s10+$0x11DE0] =	vst.add.f32.msk $0xffff, v9  }
0x1e8: {  	v9 =	vadd.f32 v33, v1;
	[tilespmem:s10+$0x11DF0] =	vst.add.f32.msk $0xffff, v10  }
0x1e9: {  	[tilespmem:s10+$0x11DA0] =	vst.add.f32.msk $0xffff, v8;
	v8 =	vadd.f32 v29, v5  }
0x1ea: {  	v10 =	vadd.f32 v34, v2;
	[tilespmem:s10+$0x11E10] =	vst.add.f32.msk $0xffff, v9  }
0x1eb: {  	[tilespmem:s10+$0x11DD0] =	vst.add.f32.msk $0xffff, v8;
	v8 =	vadd.f32 v32, v0  }
0x1ec: {  	v9 =	vadd.f32 v36, v4;
	[tilespmem:s10+$0x11E20] =	vst.add.f32.msk $0xffff, v10  }
0x1ed: {  	[tilespmem:s10+$0x11E00] =	vst.add.f32.msk $0xffff, v8;
	v8 =	vadd.f32 v35, v3  }
0x1ee: {  	v10 =	vadd.f32 v37, v5;
	[tilespmem:s10+$0x11E40] =	vst.add.f32.msk $0xffff, v9  }
0x1ef: {  	[tilespmem:s10+$0x11E30] =	vst.add.f32.msk $0xffff, v8;
	v8 =	vadd.f32 v38, v6  }
0x1f0: {  	s12 =	simm.s32 $0x800;
	s11 =	simm.s32 $0x0;
	[tilespmem:s10+$0x11E50] =	vst.add.f32.msk $0xffff, v10  }
.LBB2_10:
0x1f1: {  	s11 =	sadd.s32 $0x4, s11;
	[tilespmem:s10+$0x11E60] =	vst.add.f32.msk $0xffff, v8;
	s10 =	sshra.s32 s12, $0x2  }
0x1f2: {  	v8 =	vld [tilespmem:s10+$0x8270];
	p1 =	slt.u32 s11, $0x60  }
0x1f3: {  	v9 =	vld [tilespmem:s10+$0x8080]  }
0x1f4: {  	v10 =	vld [tilespmem:s10+$0x8090]  }
0x1f5: {  	v11 =	vld [tilespmem:s10+$0x80A0]  }
0x1f6: {  	v12 =	vld [tilespmem:s10+$0x80B0]  }
0x1f7: {  	v13 =	vld [tilespmem:s10+$0x80C0];
	v8 =	vadd.f32 v8, v7  }
0x1f8: {  	v9 =	vadd.f32 v9, v0;
	v14 =	vld [tilespmem:s10+$0x80D0]  }
0x1f9: {  	v10 =	vadd.f32 v10, v1;
	[tilespmem:s10+$0x11E70] =	vst.add.f32.msk $0xffff, v8  }
0x1fa: {  	v8 =	vadd.f32 v11, v2;
	v11 =	vld [tilespmem:s10+$0x80E0]  }
0x1fb: {  	v12 =	vadd.f32 v12, v3;
	v15 =	vld [tilespmem:s10+$0x80F0]  }
0x1fc: {  	v13 =	vadd.f32 v13, v4;
	v16 =	vld [tilespmem:s10+$0x8100]  }
0x1fd: {  	v14 =	vadd.f32 v14, v5;
	v17 =	vld [tilespmem:s10+$0x8110]  }
0x1fe: {  	v18 =	vld [tilespmem:s10+$0x8120]  }
0x1ff: {  	v11 =	vadd.f32 v11, v6;
	v19 =	vld [tilespmem:s10+$0x8130]  }
0x200: {  	v15 =	vadd.f32 v15, v7;
	v20 =	vld [tilespmem:s10+$0x8140]  }
0x201: {  	v16 =	vadd.f32 v16, v0;
	v21 =	vld [tilespmem:s10+$0x8150]  }
0x202: {  	v17 =	vadd.f32 v17, v1;
	v22 =	vld [tilespmem:s10+$0x8160]  }
0x203: {  	v18 =	vadd.f32 v18, v2;
	v23 =	vld [tilespmem:s10+$0x8170]  }
0x204: {  	v19 =	vadd.f32 v19, v3;
	v24 =	vld [tilespmem:s10+$0x8180]  }
0x205: {  	v20 =	vadd.f32 v20, v4;
	v25 =	vld [tilespmem:s10+$0x8190]  }
0x206: {  	v21 =	vadd.f32 v21, v5;
	v26 =	vld [tilespmem:s10+$0x81A0]  }
0x207: {  	v22 =	vadd.f32 v22, v6;
	v27 =	vld [tilespmem:s10+$0x81B0]  }
0x208: {  	v23 =	vadd.f32 v23, v7;
	v28 =	vld [tilespmem:s10+$0x81C0]  }
0x209: {  	v24 =	vadd.f32 v24, v0;
	v29 =	vld [tilespmem:s10+$0x81D0]  }
0x20a: {  	v25 =	vadd.f32 v25, v1;
	v30 =	vld [tilespmem:s10+$0x81E0]  }
0x20b: {  	v26 =	vadd.f32 v26, v2;
	v31 =	vld [tilespmem:s10+$0x81F0]  }
0x20c: {  	v27 =	vadd.f32 v27, v3;
	v32 =	vld [tilespmem:s10+$0x8200]  }
0x20d: {  	v28 =	vadd.f32 v28, v4;
	v33 =	vld [tilespmem:s10+$0x8210]  }
0x20e: {  	v29 =	vadd.f32 v29, v5;
	v34 =	vld [tilespmem:s10+$0x8220]  }
0x20f: {  	v30 =	vadd.f32 v30, v6;
	v35 =	vld [tilespmem:s10+$0x8230]  }
0x210: {  	v31 =	vadd.f32 v31, v7;
	v36 =	vld [tilespmem:s10+$0x8240]  }
0x211: {  	v32 =	vadd.f32 v32, v0;
	v37 =	vld [tilespmem:s10+$0x8250]  }
0x212: {  	v33 =	vadd.f32 v33, v1;
	v38 =	vld [tilespmem:s10+$0x8260]  }
0x213: {  	[tilespmem:s10+$0x11C80] =	vst.add.f32.msk $0xffff, v9;
	v9 =	vadd.f32 v34, v2  }
0x214: {  	[tilespmem:s10+$0x11C90] =	vst.add.f32.msk $0xffff, v10;
	v10 =	vadd.f32 v35, v3  }
0x215: {  	[tilespmem:s10+$0x11CA0] =	vst.add.f32.msk $0xffff, v8;
	v34 =	vadd.f32 v36, v4  }
0x216: {  	[tilespmem:s10+$0x11CB0] =	vst.add.f32.msk $0xffff, v12;
	v12 =	vadd.f32 v37, v5  }
0x217: {  	[tilespmem:s10+$0x11CC0] =	vst.add.f32.msk $0xffff, v13;
	v8 =	vadd.f32 v38, v6  }
0x218: {  	[tilespmem:s10+$0x11CD0] =	vst.add.f32.msk $0xffff, v14  }
0x219: {  	[tilespmem:s10+$0x11CE0] =	vst.add.f32.msk $0xffff, v11  }
0x21a: {  	[tilespmem:s10+$0x11CF0] =	vst.add.f32.msk $0xffff, v15  }
0x21b: {  	[tilespmem:s10+$0x11D00] =	vst.add.f32.msk $0xffff, v16  }
0x21c: {  	[tilespmem:s10+$0x11D10] =	vst.add.f32.msk $0xffff, v17  }
0x21d: {  	[tilespmem:s10+$0x11D20] =	vst.add.f32.msk $0xffff, v18  }
0x21e: {  	[tilespmem:s10+$0x11D30] =	vst.add.f32.msk $0xffff, v19  }
0x21f: {  	[tilespmem:s10+$0x11D40] =	vst.add.f32.msk $0xffff, v20  }
0x220: {  	[tilespmem:s10+$0x11D50] =	vst.add.f32.msk $0xffff, v21  }
0x221: {  	[tilespmem:s10+$0x11D60] =	vst.add.f32.msk $0xffff, v22  }
0x222: {  	[tilespmem:s10+$0x11D70] =	vst.add.f32.msk $0xffff, v23  }
0x223: {  	[tilespmem:s10+$0x11D80] =	vst.add.f32.msk $0xffff, v24  }
0x224: {  	[tilespmem:s10+$0x11D90] =	vst.add.f32.msk $0xffff, v25  }
0x225: {  	[tilespmem:s10+$0x11DA0] =	vst.add.f32.msk $0xffff, v26  }
0x226: {  	[tilespmem:s10+$0x11DB0] =	vst.add.f32.msk $0xffff, v27  }
0x227: {  	[tilespmem:s10+$0x11DC0] =	vst.add.f32.msk $0xffff, v28  }
0x228: {  	[tilespmem:s10+$0x11DD0] =	vst.add.f32.msk $0xffff, v29  }
0x229: {  	[tilespmem:s10+$0x11DE0] =	vst.add.f32.msk $0xffff, v30  }
0x22a: {  	[tilespmem:s10+$0x11DF0] =	vst.add.f32.msk $0xffff, v31  }
0x22b: {  	[tilespmem:s10+$0x11E00] =	vst.add.f32.msk $0xffff, v32  }
.Ltmp6:
0x22c: {  	[tilespmem:s10+$0x11E10] =	vst.add.f32.msk $0xffff, v33;
	(pc) =	sbr.rel @p1 .LBB2_10-.Ltmp6, $4  }
0x22d: {  	[tilespmem:s10+$0x11E20] =	vst.add.f32.msk $0xffff, v9  }
0x22e: {  	[tilespmem:s10+$0x11E30] =	vst.add.f32.msk $0xffff, v10  }
0x22f: {  	[tilespmem:s10+$0x11E40] =	vst.add.f32.msk $0xffff, v34  }
0x230: {  	s12 =	sadd.s32 $0x800, s12;
	[tilespmem:s10+$0x11E50] =	vst.add.f32.msk $0xffff, v12  }
0x231: {  	[tilespmem:s10+$0x11E60] =	vst.add.f32.msk $0xffff, v8  }
0x232: {  	s19 =	simm.s32 $0x0;
	s11 =	rddreg [dreg:$0xf]  }
0x233: {  	[hbm4b:s11+s19] =	stream.linear.scatter [tilespmem:s2], [sflag:$0x7], $0x3200, $0x38;
	[tilespmem:$0x1A4C0] =	vst v63  }
0x234: {  	_ =	swait.ge [sflag:s1], $0x3200  }
0x235: {  	[sflag:s1] =	ssyncset.done $0x0  }
0x236: {  	s20 =	simm.s32 $0x280;
	[sflag:s1] =	ssyncadd.s32 $0xFFFFCE00  }
0x237: {  	[tilespmem:s7], [sflag:$0x2] =	stream.indirect.gather [spmem:s5], $0x80, s20, s31, $0xb8;
	[tilespmem:$0x1A4C0] =	vst v63  }
0x238: {  	_ =	swait.ge [sflag:s26], $0x3200  }
0x239: {  	[sflag:s26] =	ssyncset.done $0x0  }
0x23a: {  	[sflag:s26] =	ssyncadd.s32 $0xFFFFCE00  }
0x23b: {  	v0 =	vld [tilespmem:$0x4200]  }
0x23c: {  	v1 =	vld [tilespmem:$0x4210]  }
0x23d: {  	v2 =	vld [tilespmem:$0x4220]  }
0x23e: {  	v3 =	vld [tilespmem:$0x4230]  }
0x23f: {  	v4 =	vld [tilespmem:$0x4240]  }
0x240: {  	v5 =	vld [tilespmem:$0x4250]  }
0x241: {  	v6 =	vld [tilespmem:$0x4260]  }
0x242: {  	s10 =	simm.s32 $0x0;
	v7 =	vld [tilespmem:$0x4270]  }
0x243: {  	v8 =	vld [tilespmem:s10+$0x8270]  }
0x244: {  	v9 =	vld [tilespmem:s10+$0x8080]  }
0x245: {  	v10 =	vld [tilespmem:s10+$0x8090]  }
0x246: {  	v11 =	vld [tilespmem:s10+$0x80A0]  }
0x247: {  	v12 =	vld [tilespmem:s10+$0x80B0]  }
0x248: {  	v13 =	vld [tilespmem:s10+$0x80C0]  }
0x249: {  	v14 =	vld [tilespmem:s10+$0x80D0]  }
0x24a: {  	v15 =	vld [tilespmem:s10+$0x80F0]  }
0x24b: {  	v16 =	vld [tilespmem:s10+$0x8100]  }
0x24c: {  	v17 =	vld [tilespmem:s10+$0x8110]  }
0x24d: {  	v18 =	vld [tilespmem:s10+$0x8120]  }
0x24e: {  	v19 =	vld [tilespmem:s10+$0x8130]  }
0x24f: {  	v20 =	vld [tilespmem:s10+$0x8140]  }
0x250: {  	v21 =	vld [tilespmem:s10+$0x8150]  }
0x251: {  	v22 =	vld [tilespmem:s10+$0x8160]  }
0x252: {  	v23 =	vld [tilespmem:s10+$0x8170]  }
0x253: {  	v24 =	vld [tilespmem:s10+$0x8180]  }
0x254: {  	v25 =	vld [tilespmem:s10+$0x8190]  }
0x255: {  	v26 =	vld [tilespmem:s10+$0x81A0]  }
0x256: {  	v27 =	vld [tilespmem:s10+$0x81B0]  }
0x257: {  	v28 =	vld [tilespmem:s10+$0x81C0]  }
0x258: {  	v29 =	vld [tilespmem:s10+$0x81D0]  }
0x259: {  	v30 =	vld [tilespmem:s10+$0x81E0]  }
0x25a: {  	v31 =	vld [tilespmem:s10+$0x81F0]  }
0x25b: {  	v32 =	vld [tilespmem:s10+$0x8200]  }
0x25c: {  	v33 =	vld [tilespmem:s10+$0x8210]  }
0x25d: {  	v34 =	vld [tilespmem:s10+$0x8220]  }
0x25e: {  	v35 =	vld [tilespmem:s10+$0x8230]  }
0x25f: {  	v36 =	vld [tilespmem:s10+$0x8240]  }
0x260: {  	v37 =	vld [tilespmem:s10+$0x8250];
	v8 =	vadd.f32 v8, v7  }
0x261: {  	v38 =	vld [tilespmem:s10+$0x8260]  }
0x262: {  	v9 =	vadd.f32 v9, v0;
	[tilespmem:s10+$0x15270] =	vst.add.f32.msk $0xffff, v8  }
0x263: {  	v10 =	vadd.f32 v10, v1;
	v8 =	vld [tilespmem:s10+$0x80E0]  }
0x264: {  	v11 =	vadd.f32 v11, v2;
	[tilespmem:s10+$0x15080] =	vst.add.f32.msk $0xffff, v9  }
0x265: {  	v9 =	vadd.f32 v12, v3;
	[tilespmem:s10+$0x15090] =	vst.add.f32.msk $0xffff, v10  }
0x266: {  	v10 =	vadd.f32 v13, v4;
	[tilespmem:s10+$0x150A0] =	vst.add.f32.msk $0xffff, v11  }
0x267: {  	v11 =	vadd.f32 v14, v5;
	[tilespmem:s10+$0x150B0] =	vst.add.f32.msk $0xffff, v9  }
0x268: {  	[tilespmem:s10+$0x150C0] =	vst.add.f32.msk $0xffff, v10;
	v9 =	vadd.f32 v15, v7  }
0x269: {  	[tilespmem:s10+$0x150D0] =	vst.add.f32.msk $0xffff, v11;
	v10 =	vadd.f32 v16, v0  }
0x26a: {  	[tilespmem:s10+$0x150F0] =	vst.add.f32.msk $0xffff, v9;
	v9 =	vadd.f32 v18, v2  }
0x26b: {  	[tilespmem:s10+$0x15100] =	vst.add.f32.msk $0xffff, v10;
	v10 =	vadd.f32 v19, v3  }
0x26c: {  	v8 =	vadd.f32 v8, v6;
	[tilespmem:s10+$0x15120] =	vst.add.f32.msk $0xffff, v9  }
0x26d: {  	v9 =	vadd.f32 v21, v5;
	[tilespmem:s10+$0x15130] =	vst.add.f32.msk $0xffff, v10  }
0x26e: {  	v10 =	vadd.f32 v22, v6;
	[tilespmem:s10+$0x150E0] =	vst.add.f32.msk $0xffff, v8  }
0x26f: {  	v8 =	vadd.f32 v17, v1;
	[tilespmem:s10+$0x15150] =	vst.add.f32.msk $0xffff, v9  }
0x270: {  	v9 =	vadd.f32 v24, v0;
	[tilespmem:s10+$0x15160] =	vst.add.f32.msk $0xffff, v10  }
0x271: {  	v10 =	vadd.f32 v25, v1;
	[tilespmem:s10+$0x15110] =	vst.add.f32.msk $0xffff, v8  }
0x272: {  	v8 =	vadd.f32 v20, v4;
	[tilespmem:s10+$0x15180] =	vst.add.f32.msk $0xffff, v9  }
0x273: {  	v9 =	vadd.f32 v27, v3;
	[tilespmem:s10+$0x15190] =	vst.add.f32.msk $0xffff, v10  }
0x274: {  	v10 =	vadd.f32 v28, v4;
	[tilespmem:s10+$0x15140] =	vst.add.f32.msk $0xffff, v8  }
0x275: {  	v8 =	vadd.f32 v23, v7;
	[tilespmem:s10+$0x151B0] =	vst.add.f32.msk $0xffff, v9  }
0x276: {  	v9 =	vadd.f32 v30, v6;
	[tilespmem:s10+$0x151C0] =	vst.add.f32.msk $0xffff, v10  }
0x277: {  	v10 =	vadd.f32 v31, v7;
	[tilespmem:s10+$0x15170] =	vst.add.f32.msk $0xffff, v8  }
0x278: {  	v8 =	vadd.f32 v26, v2;
	[tilespmem:s10+$0x151E0] =	vst.add.f32.msk $0xffff, v9  }
0x279: {  	v9 =	vadd.f32 v33, v1;
	[tilespmem:s10+$0x151F0] =	vst.add.f32.msk $0xffff, v10  }
0x27a: {  	[tilespmem:s10+$0x151A0] =	vst.add.f32.msk $0xffff, v8;
	v8 =	vadd.f32 v29, v5  }
0x27b: {  	v10 =	vadd.f32 v34, v2;
	[tilespmem:s10+$0x15210] =	vst.add.f32.msk $0xffff, v9  }
0x27c: {  	[tilespmem:s10+$0x151D0] =	vst.add.f32.msk $0xffff, v8;
	v8 =	vadd.f32 v32, v0  }
0x27d: {  	v9 =	vadd.f32 v36, v4;
	[tilespmem:s10+$0x15220] =	vst.add.f32.msk $0xffff, v10  }
0x27e: {  	[tilespmem:s10+$0x15200] =	vst.add.f32.msk $0xffff, v8;
	v8 =	vadd.f32 v35, v3  }
0x27f: {  	v10 =	vadd.f32 v37, v5;
	[tilespmem:s10+$0x15240] =	vst.add.f32.msk $0xffff, v9  }
0x280: {  	[tilespmem:s10+$0x15230] =	vst.add.f32.msk $0xffff, v8;
	v8 =	vadd.f32 v38, v6  }
0x281: {  	s12 =	simm.s32 $0x800;
	s11 =	simm.s32 $0x0;
	[tilespmem:s10+$0x15250] =	vst.add.f32.msk $0xffff, v10  }
.LBB2_12:
0x282: {  	s11 =	sadd.s32 $0x4, s11;
	[tilespmem:s10+$0x15260] =	vst.add.f32.msk $0xffff, v8;
	s10 =	sshra.s32 s12, $0x2  }
0x283: {  	v8 =	vld [tilespmem:s10+$0x8270];
	p1 =	slt.u32 s11, $0x60  }
0x284: {  	v9 =	vld [tilespmem:s10+$0x8080]  }
0x285: {  	v10 =	vld [tilespmem:s10+$0x8090]  }
0x286: {  	v11 =	vld [tilespmem:s10+$0x80A0]  }
0x287: {  	v12 =	vld [tilespmem:s10+$0x80B0]  }
0x288: {  	v13 =	vld [tilespmem:s10+$0x80C0];
	v8 =	vadd.f32 v8, v7  }
0x289: {  	v9 =	vadd.f32 v9, v0;
	v14 =	vld [tilespmem:s10+$0x80D0]  }
0x28a: {  	v10 =	vadd.f32 v10, v1;
	[tilespmem:s10+$0x15270] =	vst.add.f32.msk $0xffff, v8  }
0x28b: {  	v8 =	vadd.f32 v11, v2;
	v11 =	vld [tilespmem:s10+$0x80E0]  }
0x28c: {  	v12 =	vadd.f32 v12, v3;
	v15 =	vld [tilespmem:s10+$0x80F0]  }
0x28d: {  	v13 =	vadd.f32 v13, v4;
	v16 =	vld [tilespmem:s10+$0x8100]  }
0x28e: {  	v14 =	vadd.f32 v14, v5;
	v17 =	vld [tilespmem:s10+$0x8110]  }
0x28f: {  	v18 =	vld [tilespmem:s10+$0x8120]  }
0x290: {  	v11 =	vadd.f32 v11, v6;
	v19 =	vld [tilespmem:s10+$0x8130]  }
0x291: {  	v15 =	vadd.f32 v15, v7;
	v20 =	vld [tilespmem:s10+$0x8140]  }
0x292: {  	v16 =	vadd.f32 v16, v0;
	v21 =	vld [tilespmem:s10+$0x8150]  }
0x293: {  	v17 =	vadd.f32 v17, v1;
	v22 =	vld [tilespmem:s10+$0x8160]  }
0x294: {  	v18 =	vadd.f32 v18, v2;
	v23 =	vld [tilespmem:s10+$0x8170]  }
0x295: {  	v19 =	vadd.f32 v19, v3;
	v24 =	vld [tilespmem:s10+$0x8180]  }
0x296: {  	v20 =	vadd.f32 v20, v4;
	v25 =	vld [tilespmem:s10+$0x8190]  }
0x297: {  	v21 =	vadd.f32 v21, v5;
	v26 =	vld [tilespmem:s10+$0x81A0]  }
0x298: {  	v22 =	vadd.f32 v22, v6;
	v27 =	vld [tilespmem:s10+$0x81B0]  }
0x299: {  	v23 =	vadd.f32 v23, v7;
	v28 =	vld [tilespmem:s10+$0x81C0]  }
0x29a: {  	v24 =	vadd.f32 v24, v0;
	v29 =	vld [tilespmem:s10+$0x81D0]  }
0x29b: {  	v25 =	vadd.f32 v25, v1;
	v30 =	vld [tilespmem:s10+$0x81E0]  }
0x29c: {  	v26 =	vadd.f32 v26, v2;
	v31 =	vld [tilespmem:s10+$0x81F0]  }
0x29d: {  	v27 =	vadd.f32 v27, v3;
	v32 =	vld [tilespmem:s10+$0x8200]  }
0x29e: {  	v28 =	vadd.f32 v28, v4;
	v33 =	vld [tilespmem:s10+$0x8210]  }
0x29f: {  	v29 =	vadd.f32 v29, v5;
	v34 =	vld [tilespmem:s10+$0x8220]  }
0x2a0: {  	v30 =	vadd.f32 v30, v6;
	v35 =	vld [tilespmem:s10+$0x8230]  }
0x2a1: {  	v31 =	vadd.f32 v31, v7;
	v36 =	vld [tilespmem:s10+$0x8240]  }
0x2a2: {  	v32 =	vadd.f32 v32, v0;
	v37 =	vld [tilespmem:s10+$0x8250]  }
0x2a3: {  	v33 =	vadd.f32 v33, v1;
	v38 =	vld [tilespmem:s10+$0x8260]  }
0x2a4: {  	[tilespmem:s10+$0x15080] =	vst.add.f32.msk $0xffff, v9;
	v9 =	vadd.f32 v34, v2  }
0x2a5: {  	[tilespmem:s10+$0x15090] =	vst.add.f32.msk $0xffff, v10;
	v10 =	vadd.f32 v35, v3  }
0x2a6: {  	[tilespmem:s10+$0x150A0] =	vst.add.f32.msk $0xffff, v8;
	v34 =	vadd.f32 v36, v4  }
0x2a7: {  	[tilespmem:s10+$0x150B0] =	vst.add.f32.msk $0xffff, v12;
	v12 =	vadd.f32 v37, v5  }
0x2a8: {  	[tilespmem:s10+$0x150C0] =	vst.add.f32.msk $0xffff, v13;
	v8 =	vadd.f32 v38, v6  }
0x2a9: {  	[tilespmem:s10+$0x150D0] =	vst.add.f32.msk $0xffff, v14  }
0x2aa: {  	[tilespmem:s10+$0x150E0] =	vst.add.f32.msk $0xffff, v11  }
0x2ab: {  	[tilespmem:s10+$0x150F0] =	vst.add.f32.msk $0xffff, v15  }
0x2ac: {  	[tilespmem:s10+$0x15100] =	vst.add.f32.msk $0xffff, v16  }
0x2ad: {  	[tilespmem:s10+$0x15110] =	vst.add.f32.msk $0xffff, v17  }
0x2ae: {  	[tilespmem:s10+$0x15120] =	vst.add.f32.msk $0xffff, v18  }
0x2af: {  	[tilespmem:s10+$0x15130] =	vst.add.f32.msk $0xffff, v19  }
0x2b0: {  	[tilespmem:s10+$0x15140] =	vst.add.f32.msk $0xffff, v20  }
0x2b1: {  	[tilespmem:s10+$0x15150] =	vst.add.f32.msk $0xffff, v21  }
0x2b2: {  	[tilespmem:s10+$0x15160] =	vst.add.f32.msk $0xffff, v22  }
0x2b3: {  	[tilespmem:s10+$0x15170] =	vst.add.f32.msk $0xffff, v23  }
0x2b4: {  	[tilespmem:s10+$0x15180] =	vst.add.f32.msk $0xffff, v24  }
0x2b5: {  	[tilespmem:s10+$0x15190] =	vst.add.f32.msk $0xffff, v25  }
0x2b6: {  	[tilespmem:s10+$0x151A0] =	vst.add.f32.msk $0xffff, v26  }
0x2b7: {  	[tilespmem:s10+$0x151B0] =	vst.add.f32.msk $0xffff, v27  }
0x2b8: {  	[tilespmem:s10+$0x151C0] =	vst.add.f32.msk $0xffff, v28  }
0x2b9: {  	[tilespmem:s10+$0x151D0] =	vst.add.f32.msk $0xffff, v29  }
0x2ba: {  	[tilespmem:s10+$0x151E0] =	vst.add.f32.msk $0xffff, v30  }
0x2bb: {  	[tilespmem:s10+$0x151F0] =	vst.add.f32.msk $0xffff, v31  }
0x2bc: {  	[tilespmem:s10+$0x15200] =	vst.add.f32.msk $0xffff, v32  }
.Ltmp7:
0x2bd: {  	[tilespmem:s10+$0x15210] =	vst.add.f32.msk $0xffff, v33;
	(pc) =	sbr.rel @p1 .LBB2_12-.Ltmp7, $4  }
0x2be: {  	[tilespmem:s10+$0x15220] =	vst.add.f32.msk $0xffff, v9  }
0x2bf: {  	[tilespmem:s10+$0x15230] =	vst.add.f32.msk $0xffff, v10  }
0x2c0: {  	[tilespmem:s10+$0x15240] =	vst.add.f32.msk $0xffff, v34  }
0x2c1: {  	s12 =	sadd.s32 $0x800, s12;
	[tilespmem:s10+$0x15250] =	vst.add.f32.msk $0xffff, v12  }
0x2c2: {  	[tilespmem:s10+$0x15260] =	vst.add.f32.msk $0xffff, v8  }
0x2c3: {  	s10 =	rddreg [dreg:$0x10]  }
0x2c4: {  	[hbm4b:s10+s6] =	stream.linear.scatter [tilespmem:s4], [sflag:$0x8], $0x3200, $0x38;
	[tilespmem:$0x1A4C0] =	vst v63  }
0x2c5: {  	_ =	swait.ge [sflag:s3], $0x3200  }
0x2c6: {  	[sflag:s3] =	ssyncset.done $0x0  }
0x2c7: {  	s20 =	simm.s32 $0x300;
	s10 =	simm.s32 $0x1;
	[sflag:s3] =	ssyncadd.s32 $0xFFFFCE00  }
0x2c8: {  	[tilespmem:s2], [sflag:$0x3] =	stream.indirect.gather [spmem:s5], $0x80, s20, s31, $0xb8;
	[tilespmem:$0x1A4C0] =	vst v63  }
.LBB2_14:
0x2c9: {  	_ =	swait.ge [sflag:s30], $0x3200  }
0x2ca: {  	s15 =	sshll.u32 s10, $0xB;
	[sflag:s30] =	ssyncset.done $0x0  }
0x2cb: {  	s11 =	sshrl.u32 s15, $0x2;
	[sflag:s30] =	ssyncadd.s32 $0xFFFFCE00  }
0x2cc: {  	v0 =	vld [tilespmem:s11+$0x4080]  }
0x2cd: {  	v1 =	vld [tilespmem:s11+$0x4090]  }
0x2ce: {  	v2 =	vld [tilespmem:s11+$0x40A0]  }
0x2cf: {  	v3 =	vld [tilespmem:s11+$0x40B0]  }
0x2d0: {  	v4 =	vld [tilespmem:s11+$0x40C0]  }
0x2d1: {  	v5 =	vld [tilespmem:s11+$0x40D0]  }
0x2d2: {  	v6 =	vld [tilespmem:s11+$0x40E0]  }
0x2d3: {  	s12 =	simm.s32 $0x0;
	v7 =	vld [tilespmem:s11+$0x40F0]  }
0x2d4: {  	v8 =	vld [tilespmem:s12+$0x8270]  }
0x2d5: {  	v9 =	vld [tilespmem:s12+$0x8080]  }
0x2d6: {  	v10 =	vld [tilespmem:s12+$0x8090]  }
0x2d7: {  	v11 =	vld [tilespmem:s12+$0x80A0]  }
0x2d8: {  	v12 =	vld [tilespmem:s12+$0x80B0]  }
0x2d9: {  	v13 =	vld [tilespmem:s12+$0x80C0]  }
0x2da: {  	v14 =	vld [tilespmem:s12+$0x80D0]  }
0x2db: {  	v15 =	vld [tilespmem:s12+$0x80F0]  }
0x2dc: {  	v16 =	vld [tilespmem:s12+$0x8100]  }
0x2dd: {  	v17 =	vld [tilespmem:s12+$0x8110]  }
0x2de: {  	v18 =	vld [tilespmem:s12+$0x8120]  }
0x2df: {  	v19 =	vld [tilespmem:s12+$0x8130]  }
0x2e0: {  	v20 =	vld [tilespmem:s12+$0x8140]  }
0x2e1: {  	v21 =	vld [tilespmem:s12+$0x8150]  }
0x2e2: {  	v22 =	vld [tilespmem:s12+$0x8160]  }
0x2e3: {  	v23 =	vld [tilespmem:s12+$0x8170]  }
0x2e4: {  	v24 =	vld [tilespmem:s12+$0x8180]  }
0x2e5: {  	v25 =	vld [tilespmem:s12+$0x8190]  }
0x2e6: {  	v26 =	vld [tilespmem:s12+$0x81A0]  }
0x2e7: {  	v27 =	vld [tilespmem:s12+$0x81B0]  }
0x2e8: {  	v28 =	vld [tilespmem:s12+$0x81C0]  }
0x2e9: {  	v29 =	vld [tilespmem:s12+$0x81D0]  }
0x2ea: {  	v30 =	vld [tilespmem:s12+$0x81E0]  }
0x2eb: {  	v31 =	vld [tilespmem:s12+$0x81F0]  }
0x2ec: {  	v32 =	vld [tilespmem:s12+$0x8200]  }
0x2ed: {  	v33 =	vld [tilespmem:s12+$0x8210]  }
0x2ee: {  	v34 =	vld [tilespmem:s12+$0x8220]  }
0x2ef: {  	v35 =	vld [tilespmem:s12+$0x8230]  }
0x2f0: {  	v36 =	vld [tilespmem:s12+$0x8240]  }
0x2f1: {  	v37 =	vld [tilespmem:s12+$0x8250];
	v8 =	vadd.f32 v8, v7  }
0x2f2: {  	v38 =	vld [tilespmem:s12+$0x8260]  }
0x2f3: {  	v9 =	vadd.f32 v9, v0;
	[tilespmem:s12+$0xB670] =	vst.add.f32.msk $0xffff, v8  }
0x2f4: {  	v10 =	vadd.f32 v10, v1;
	v8 =	vld [tilespmem:s12+$0x80E0]  }
0x2f5: {  	v11 =	vadd.f32 v11, v2;
	[tilespmem:s12+$0xB480] =	vst.add.f32.msk $0xffff, v9  }
0x2f6: {  	v9 =	vadd.f32 v12, v3;
	[tilespmem:s12+$0xB490] =	vst.add.f32.msk $0xffff, v10  }
0x2f7: {  	v10 =	vadd.f32 v13, v4;
	[tilespmem:s12+$0xB4A0] =	vst.add.f32.msk $0xffff, v11  }
0x2f8: {  	v11 =	vadd.f32 v14, v5;
	[tilespmem:s12+$0xB4B0] =	vst.add.f32.msk $0xffff, v9  }
0x2f9: {  	[tilespmem:s12+$0xB4C0] =	vst.add.f32.msk $0xffff, v10;
	v9 =	vadd.f32 v15, v7  }
0x2fa: {  	[tilespmem:s12+$0xB4D0] =	vst.add.f32.msk $0xffff, v11;
	v10 =	vadd.f32 v16, v0  }
0x2fb: {  	[tilespmem:s12+$0xB4F0] =	vst.add.f32.msk $0xffff, v9;
	v9 =	vadd.f32 v18, v2  }
0x2fc: {  	[tilespmem:s12+$0xB500] =	vst.add.f32.msk $0xffff, v10;
	v10 =	vadd.f32 v19, v3  }
0x2fd: {  	v8 =	vadd.f32 v8, v6;
	[tilespmem:s12+$0xB520] =	vst.add.f32.msk $0xffff, v9  }
0x2fe: {  	v9 =	vadd.f32 v21, v5;
	[tilespmem:s12+$0xB530] =	vst.add.f32.msk $0xffff, v10  }
0x2ff: {  	v10 =	vadd.f32 v22, v6;
	[tilespmem:s12+$0xB4E0] =	vst.add.f32.msk $0xffff, v8  }
0x300: {  	v8 =	vadd.f32 v17, v1;
	[tilespmem:s12+$0xB550] =	vst.add.f32.msk $0xffff, v9  }
0x301: {  	v9 =	vadd.f32 v24, v0;
	[tilespmem:s12+$0xB560] =	vst.add.f32.msk $0xffff, v10  }
0x302: {  	v10 =	vadd.f32 v25, v1;
	[tilespmem:s12+$0xB510] =	vst.add.f32.msk $0xffff, v8  }
0x303: {  	v8 =	vadd.f32 v20, v4;
	[tilespmem:s12+$0xB580] =	vst.add.f32.msk $0xffff, v9  }
0x304: {  	v9 =	vadd.f32 v27, v3;
	[tilespmem:s12+$0xB590] =	vst.add.f32.msk $0xffff, v10  }
0x305: {  	v10 =	vadd.f32 v28, v4;
	[tilespmem:s12+$0xB540] =	vst.add.f32.msk $0xffff, v8  }
0x306: {  	v8 =	vadd.f32 v23, v7;
	[tilespmem:s12+$0xB5B0] =	vst.add.f32.msk $0xffff, v9  }
0x307: {  	v9 =	vadd.f32 v30, v6;
	[tilespmem:s12+$0xB5C0] =	vst.add.f32.msk $0xffff, v10  }
0x308: {  	v10 =	vadd.f32 v31, v7;
	[tilespmem:s12+$0xB570] =	vst.add.f32.msk $0xffff, v8  }
0x309: {  	v8 =	vadd.f32 v26, v2;
	[tilespmem:s12+$0xB5E0] =	vst.add.f32.msk $0xffff, v9  }
0x30a: {  	v9 =	vadd.f32 v33, v1;
	[tilespmem:s12+$0xB5F0] =	vst.add.f32.msk $0xffff, v10  }
0x30b: {  	[tilespmem:s12+$0xB5A0] =	vst.add.f32.msk $0xffff, v8;
	v8 =	vadd.f32 v29, v5  }
0x30c: {  	v10 =	vadd.f32 v34, v2;
	[tilespmem:s12+$0xB610] =	vst.add.f32.msk $0xffff, v9  }
0x30d: {  	[tilespmem:s12+$0xB5D0] =	vst.add.f32.msk $0xffff, v8;
	v8 =	vadd.f32 v32, v0  }
0x30e: {  	v9 =	vadd.f32 v36, v4;
	[tilespmem:s12+$0xB620] =	vst.add.f32.msk $0xffff, v10  }
0x30f: {  	[tilespmem:s12+$0xB600] =	vst.add.f32.msk $0xffff, v8;
	v8 =	vadd.f32 v35, v3  }
0x310: {  	v10 =	vadd.f32 v37, v5;
	[tilespmem:s12+$0xB640] =	vst.add.f32.msk $0xffff, v9  }
0x311: {  	[tilespmem:s12+$0xB630] =	vst.add.f32.msk $0xffff, v8;
	v8 =	vadd.f32 v38, v6  }
0x312: {  	s14 =	simm.s32 $0x0;
	s16 =	simm.s32 $0x800;
	[tilespmem:s12+$0xB650] =	vst.add.f32.msk $0xffff, v10  }
.LBB2_15:
0x313: {  	s14 =	sadd.s32 $0x4, s14;
	[tilespmem:s12+$0xB660] =	vst.add.f32.msk $0xffff, v8;
	s12 =	sshra.s32 s16, $0x2  }
0x314: {  	v8 =	vld [tilespmem:s12+$0x8270];
	p1 =	slt.u32 s14, $0x60  }
0x315: {  	v9 =	vld [tilespmem:s12+$0x8080]  }
0x316: {  	v10 =	vld [tilespmem:s12+$0x8090]  }
0x317: {  	v11 =	vld [tilespmem:s12+$0x80A0]  }
0x318: {  	v12 =	vld [tilespmem:s12+$0x80B0]  }
0x319: {  	v13 =	vld [tilespmem:s12+$0x80C0];
	v8 =	vadd.f32 v8, v7  }
0x31a: {  	v9 =	vadd.f32 v9, v0;
	v14 =	vld [tilespmem:s12+$0x80D0]  }
0x31b: {  	v10 =	vadd.f32 v10, v1;
	[tilespmem:s12+$0xB670] =	vst.add.f32.msk $0xffff, v8  }
0x31c: {  	v8 =	vadd.f32 v11, v2;
	v11 =	vld [tilespmem:s12+$0x80E0]  }
0x31d: {  	v12 =	vadd.f32 v12, v3;
	v15 =	vld [tilespmem:s12+$0x80F0]  }
0x31e: {  	v13 =	vadd.f32 v13, v4;
	v16 =	vld [tilespmem:s12+$0x8100]  }
0x31f: {  	v14 =	vadd.f32 v14, v5;
	v17 =	vld [tilespmem:s12+$0x8110]  }
0x320: {  	v18 =	vld [tilespmem:s12+$0x8120]  }
0x321: {  	v11 =	vadd.f32 v11, v6;
	v19 =	vld [tilespmem:s12+$0x8130]  }
0x322: {  	v15 =	vadd.f32 v15, v7;
	v20 =	vld [tilespmem:s12+$0x8140]  }
0x323: {  	v16 =	vadd.f32 v16, v0;
	v21 =	vld [tilespmem:s12+$0x8150]  }
0x324: {  	v17 =	vadd.f32 v17, v1;
	v22 =	vld [tilespmem:s12+$0x8160]  }
0x325: {  	v18 =	vadd.f32 v18, v2;
	v23 =	vld [tilespmem:s12+$0x8170]  }
0x326: {  	v19 =	vadd.f32 v19, v3;
	v24 =	vld [tilespmem:s12+$0x8180]  }
0x327: {  	v20 =	vadd.f32 v20, v4;
	v25 =	vld [tilespmem:s12+$0x8190]  }
0x328: {  	v21 =	vadd.f32 v21, v5;
	v26 =	vld [tilespmem:s12+$0x81A0]  }
0x329: {  	v22 =	vadd.f32 v22, v6;
	v27 =	vld [tilespmem:s12+$0x81B0]  }
0x32a: {  	v23 =	vadd.f32 v23, v7;
	v28 =	vld [tilespmem:s12+$0x81C0]  }
0x32b: {  	v24 =	vadd.f32 v24, v0;
	v29 =	vld [tilespmem:s12+$0x81D0]  }
0x32c: {  	v25 =	vadd.f32 v25, v1;
	v30 =	vld [tilespmem:s12+$0x81E0]  }
0x32d: {  	v26 =	vadd.f32 v26, v2;
	v31 =	vld [tilespmem:s12+$0x81F0]  }
0x32e: {  	v27 =	vadd.f32 v27, v3;
	v32 =	vld [tilespmem:s12+$0x8200]  }
0x32f: {  	v28 =	vadd.f32 v28, v4;
	v33 =	vld [tilespmem:s12+$0x8210]  }
0x330: {  	v29 =	vadd.f32 v29, v5;
	v34 =	vld [tilespmem:s12+$0x8220]  }
0x331: {  	v30 =	vadd.f32 v30, v6;
	v35 =	vld [tilespmem:s12+$0x8230]  }
0x332: {  	v31 =	vadd.f32 v31, v7;
	v36 =	vld [tilespmem:s12+$0x8240]  }
0x333: {  	v32 =	vadd.f32 v32, v0;
	v37 =	vld [tilespmem:s12+$0x8250]  }
0x334: {  	v33 =	vadd.f32 v33, v1;
	v38 =	vld [tilespmem:s12+$0x8260]  }
0x335: {  	[tilespmem:s12+$0xB480] =	vst.add.f32.msk $0xffff, v9;
	v9 =	vadd.f32 v34, v2  }
0x336: {  	[tilespmem:s12+$0xB490] =	vst.add.f32.msk $0xffff, v10;
	v10 =	vadd.f32 v35, v3  }
0x337: {  	[tilespmem:s12+$0xB4A0] =	vst.add.f32.msk $0xffff, v8;
	v34 =	vadd.f32 v36, v4  }
0x338: {  	[tilespmem:s12+$0xB4B0] =	vst.add.f32.msk $0xffff, v12;
	v12 =	vadd.f32 v37, v5  }
0x339: {  	[tilespmem:s12+$0xB4C0] =	vst.add.f32.msk $0xffff, v13;
	v8 =	vadd.f32 v38, v6  }
0x33a: {  	[tilespmem:s12+$0xB4D0] =	vst.add.f32.msk $0xffff, v14  }
0x33b: {  	[tilespmem:s12+$0xB4E0] =	vst.add.f32.msk $0xffff, v11  }
0x33c: {  	[tilespmem:s12+$0xB4F0] =	vst.add.f32.msk $0xffff, v15  }
0x33d: {  	[tilespmem:s12+$0xB500] =	vst.add.f32.msk $0xffff, v16  }
0x33e: {  	[tilespmem:s12+$0xB510] =	vst.add.f32.msk $0xffff, v17  }
0x33f: {  	[tilespmem:s12+$0xB520] =	vst.add.f32.msk $0xffff, v18  }
0x340: {  	[tilespmem:s12+$0xB530] =	vst.add.f32.msk $0xffff, v19  }
0x341: {  	[tilespmem:s12+$0xB540] =	vst.add.f32.msk $0xffff, v20  }
0x342: {  	[tilespmem:s12+$0xB550] =	vst.add.f32.msk $0xffff, v21  }
0x343: {  	[tilespmem:s12+$0xB560] =	vst.add.f32.msk $0xffff, v22  }
0x344: {  	[tilespmem:s12+$0xB570] =	vst.add.f32.msk $0xffff, v23  }
0x345: {  	[tilespmem:s12+$0xB580] =	vst.add.f32.msk $0xffff, v24  }
0x346: {  	[tilespmem:s12+$0xB590] =	vst.add.f32.msk $0xffff, v25  }
0x347: {  	[tilespmem:s12+$0xB5A0] =	vst.add.f32.msk $0xffff, v26  }
0x348: {  	[tilespmem:s12+$0xB5B0] =	vst.add.f32.msk $0xffff, v27  }
0x349: {  	[tilespmem:s12+$0xB5C0] =	vst.add.f32.msk $0xffff, v28  }
0x34a: {  	[tilespmem:s12+$0xB5D0] =	vst.add.f32.msk $0xffff, v29  }
0x34b: {  	[tilespmem:s12+$0xB5E0] =	vst.add.f32.msk $0xffff, v30  }
0x34c: {  	[tilespmem:s12+$0xB5F0] =	vst.add.f32.msk $0xffff, v31  }
0x34d: {  	[tilespmem:s12+$0xB600] =	vst.add.f32.msk $0xffff, v32  }
.Ltmp8:
0x34e: {  	[tilespmem:s12+$0xB610] =	vst.add.f32.msk $0xffff, v33;
	(pc) =	sbr.rel @p1 .LBB2_15-.Ltmp8, $4  }
0x34f: {  	[tilespmem:s12+$0xB620] =	vst.add.f32.msk $0xffff, v9  }
0x350: {  	[tilespmem:s12+$0xB630] =	vst.add.f32.msk $0xffff, v10  }
0x351: {  	[tilespmem:s12+$0xB640] =	vst.add.f32.msk $0xffff, v34  }
0x352: {  	s16 =	sadd.s32 $0x800, s16;
	[tilespmem:s12+$0xB650] =	vst.add.f32.msk $0xffff, v12  }
0x353: {  	s16 =	sshll.u32 s10, $0x2  }
0x354: {  	s14 =	sadd.s32 s9, s16  }
0x355: {  	s14 =	smul.u32 $0x680, s14;
	_ =	sdelay $0x1  }
0x356: {  	[tilespmem:s12+$0xB660] =	vst.add.f32.msk $0xffff, v8;
	s19 =	simm.s32 $0x0;
	s18 =	sadd.s32 s8, s14  }
0x357: {  	[hbm4b:s18+s19] =	stream.linear.scatter [tilespmem:s0], [sflag:$0x5], $0x3200, $0x38;
	[tilespmem:$0x1A4C0] =	vst v63  }
0x358: {  	s12 =	sshllo.u32 s10, $0x2;
	_ =	swait.ge [sflag:s23], $0x3200  }
0x359: {  	s20 =	sshll.u32 s12, $0x9;
	[sflag:s23] =	ssyncset.done $0x0  }
0x35a: {  	s14 =	sshrl.u32 s20, $0x2;
	[sflag:s23] =	ssyncadd.s32 $0xFFFFCE00  }
0x35b: {  	[tilespmem:s4], [sflag:$0x4] =	stream.indirect.gather [spmem:s5], $0x80, s14, s31, $0xb8;
	[tilespmem:$0x1A4C0] =	vst v63  }
0x35c: {  	s17 =	sor.u32 $0x1, s16;
	_ =	swait.ge [sflag:s24], $0x3200  }
0x35d: {  	s18 =	sshll.u32 s17, $0x7;
	[sflag:s24] =	ssyncset.done $0x0  }
0x35e: {  	s18 =	sand.u32 $0x3FFFFE80, s18;
	[sflag:s24] =	ssyncadd.s32 $0xFFFFCE00  }
0x35f: {  	v0 =	vld [tilespmem:s18+$0x4080]  }
0x360: {  	v1 =	vld [tilespmem:s18+$0x4090]  }
0x361: {  	v2 =	vld [tilespmem:s18+$0x40A0]  }
0x362: {  	v3 =	vld [tilespmem:s18+$0x40B0]  }
0x363: {  	v4 =	vld [tilespmem:s18+$0x40C0]  }
0x364: {  	v5 =	vld [tilespmem:s18+$0x40D0]  }
0x365: {  	v6 =	vld [tilespmem:s18+$0x40E0]  }
0x366: {  	v7 =	vld [tilespmem:s18+$0x40F0];
	s18 =	simm.s32 $0x0  }
0x367: {  	v8 =	vld [tilespmem:s18+$0x8270]  }
0x368: {  	v9 =	vld [tilespmem:s18+$0x8080]  }
0x369: {  	v10 =	vld [tilespmem:s18+$0x8090]  }
0x36a: {  	v11 =	vld [tilespmem:s18+$0x80A0]  }
0x36b: {  	v12 =	vld [tilespmem:s18+$0x80B0]  }
0x36c: {  	v13 =	vld [tilespmem:s18+$0x80C0]  }
0x36d: {  	v14 =	vld [tilespmem:s18+$0x80D0]  }
0x36e: {  	v15 =	vld [tilespmem:s18+$0x80F0]  }
0x36f: {  	v16 =	vld [tilespmem:s18+$0x8100]  }
0x370: {  	v17 =	vld [tilespmem:s18+$0x8110]  }
0x371: {  	v18 =	vld [tilespmem:s18+$0x8120]  }
0x372: {  	v19 =	vld [tilespmem:s18+$0x8130]  }
0x373: {  	v20 =	vld [tilespmem:s18+$0x8140]  }
0x374: {  	v21 =	vld [tilespmem:s18+$0x8150]  }
0x375: {  	v22 =	vld [tilespmem:s18+$0x8160]  }
0x376: {  	v23 =	vld [tilespmem:s18+$0x8170]  }
0x377: {  	v24 =	vld [tilespmem:s18+$0x8180]  }
0x378: {  	v25 =	vld [tilespmem:s18+$0x8190]  }
0x379: {  	v26 =	vld [tilespmem:s18+$0x81A0]  }
0x37a: {  	v27 =	vld [tilespmem:s18+$0x81B0]  }
0x37b: {  	v28 =	vld [tilespmem:s18+$0x81C0]  }
0x37c: {  	v29 =	vld [tilespmem:s18+$0x81D0]  }
0x37d: {  	v30 =	vld [tilespmem:s18+$0x81E0]  }
0x37e: {  	v31 =	vld [tilespmem:s18+$0x81F0]  }
0x37f: {  	v32 =	vld [tilespmem:s18+$0x8200]  }
0x380: {  	v33 =	vld [tilespmem:s18+$0x8210]  }
0x381: {  	v34 =	vld [tilespmem:s18+$0x8220]  }
0x382: {  	v35 =	vld [tilespmem:s18+$0x8230]  }
0x383: {  	v36 =	vld [tilespmem:s18+$0x8240]  }
0x384: {  	v37 =	vld [tilespmem:s18+$0x8250];
	v8 =	vadd.f32 v8, v7  }
0x385: {  	v38 =	vld [tilespmem:s18+$0x8260]  }
0x386: {  	v9 =	vadd.f32 v9, v0;
	[tilespmem:s18+$0xEA70] =	vst.add.f32.msk $0xffff, v8  }
0x387: {  	v10 =	vadd.f32 v10, v1;
	v8 =	vld [tilespmem:s18+$0x80E0]  }
0x388: {  	v11 =	vadd.f32 v11, v2;
	[tilespmem:s18+$0xE880] =	vst.add.f32.msk $0xffff, v9  }
0x389: {  	v9 =	vadd.f32 v12, v3;
	[tilespmem:s18+$0xE890] =	vst.add.f32.msk $0xffff, v10  }
0x38a: {  	v10 =	vadd.f32 v13, v4;
	[tilespmem:s18+$0xE8A0] =	vst.add.f32.msk $0xffff, v11  }
0x38b: {  	v11 =	vadd.f32 v14, v5;
	[tilespmem:s18+$0xE8B0] =	vst.add.f32.msk $0xffff, v9  }
0x38c: {  	[tilespmem:s18+$0xE8C0] =	vst.add.f32.msk $0xffff, v10;
	v9 =	vadd.f32 v15, v7  }
0x38d: {  	[tilespmem:s18+$0xE8D0] =	vst.add.f32.msk $0xffff, v11;
	v10 =	vadd.f32 v16, v0  }
0x38e: {  	[tilespmem:s18+$0xE8F0] =	vst.add.f32.msk $0xffff, v9;
	v9 =	vadd.f32 v18, v2  }
0x38f: {  	[tilespmem:s18+$0xE900] =	vst.add.f32.msk $0xffff, v10;
	v10 =	vadd.f32 v19, v3  }
0x390: {  	v8 =	vadd.f32 v8, v6;
	[tilespmem:s18+$0xE920] =	vst.add.f32.msk $0xffff, v9  }
0x391: {  	v9 =	vadd.f32 v21, v5;
	[tilespmem:s18+$0xE930] =	vst.add.f32.msk $0xffff, v10  }
0x392: {  	v10 =	vadd.f32 v22, v6;
	[tilespmem:s18+$0xE8E0] =	vst.add.f32.msk $0xffff, v8  }
0x393: {  	v8 =	vadd.f32 v17, v1;
	[tilespmem:s18+$0xE950] =	vst.add.f32.msk $0xffff, v9  }
0x394: {  	v9 =	vadd.f32 v24, v0;
	[tilespmem:s18+$0xE960] =	vst.add.f32.msk $0xffff, v10  }
0x395: {  	v10 =	vadd.f32 v25, v1;
	[tilespmem:s18+$0xE910] =	vst.add.f32.msk $0xffff, v8  }
0x396: {  	v8 =	vadd.f32 v20, v4;
	[tilespmem:s18+$0xE980] =	vst.add.f32.msk $0xffff, v9  }
0x397: {  	v9 =	vadd.f32 v27, v3;
	[tilespmem:s18+$0xE990] =	vst.add.f32.msk $0xffff, v10  }
0x398: {  	v10 =	vadd.f32 v28, v4;
	[tilespmem:s18+$0xE940] =	vst.add.f32.msk $0xffff, v8  }
0x399: {  	v8 =	vadd.f32 v23, v7;
	[tilespmem:s18+$0xE9B0] =	vst.add.f32.msk $0xffff, v9  }
0x39a: {  	v9 =	vadd.f32 v30, v6;
	[tilespmem:s18+$0xE9C0] =	vst.add.f32.msk $0xffff, v10  }
0x39b: {  	v10 =	vadd.f32 v31, v7;
	[tilespmem:s18+$0xE970] =	vst.add.f32.msk $0xffff, v8  }
0x39c: {  	v8 =	vadd.f32 v26, v2;
	[tilespmem:s18+$0xE9E0] =	vst.add.f32.msk $0xffff, v9  }
0x39d: {  	v9 =	vadd.f32 v33, v1;
	[tilespmem:s18+$0xE9F0] =	vst.add.f32.msk $0xffff, v10  }
0x39e: {  	[tilespmem:s18+$0xE9A0] =	vst.add.f32.msk $0xffff, v8;
	v8 =	vadd.f32 v29, v5  }
0x39f: {  	v10 =	vadd.f32 v34, v2;
	[tilespmem:s18+$0xEA10] =	vst.add.f32.msk $0xffff, v9  }
0x3a0: {  	[tilespmem:s18+$0xE9D0] =	vst.add.f32.msk $0xffff, v8;
	v8 =	vadd.f32 v32, v0  }
0x3a1: {  	v9 =	vadd.f32 v36, v4;
	[tilespmem:s18+$0xEA20] =	vst.add.f32.msk $0xffff, v10  }
0x3a2: {  	[tilespmem:s18+$0xEA00] =	vst.add.f32.msk $0xffff, v8;
	v8 =	vadd.f32 v35, v3  }
0x3a3: {  	v10 =	vadd.f32 v37, v5;
	[tilespmem:s18+$0xEA40] =	vst.add.f32.msk $0xffff, v9  }
0x3a4: {  	[tilespmem:s18+$0xEA30] =	vst.add.f32.msk $0xffff, v8;
	v8 =	vadd.f32 v38, v6  }
0x3a5: {  	s20 =	simm.s32 $0x800;
	s19 =	simm.s32 $0x0;
	[tilespmem:s18+$0xEA50] =	vst.add.f32.msk $0xffff, v10  }
.LBB2_17:
0x3a6: {  	s19 =	sadd.s32 $0x4, s19;
	[tilespmem:s18+$0xEA60] =	vst.add.f32.msk $0xffff, v8;
	s18 =	sshra.s32 s20, $0x2  }
0x3a7: {  	v8 =	vld [tilespmem:s18+$0x8270];
	p1 =	slt.u32 s19, $0x60  }
0x3a8: {  	v9 =	vld [tilespmem:s18+$0x8080]  }
0x3a9: {  	v10 =	vld [tilespmem:s18+$0x8090]  }
0x3aa: {  	v11 =	vld [tilespmem:s18+$0x80A0]  }
0x3ab: {  	v12 =	vld [tilespmem:s18+$0x80B0]  }
0x3ac: {  	v13 =	vld [tilespmem:s18+$0x80C0];
	v8 =	vadd.f32 v8, v7  }
0x3ad: {  	v9 =	vadd.f32 v9, v0;
	v14 =	vld [tilespmem:s18+$0x80D0]  }
0x3ae: {  	v10 =	vadd.f32 v10, v1;
	[tilespmem:s18+$0xEA70] =	vst.add.f32.msk $0xffff, v8  }
0x3af: {  	v8 =	vadd.f32 v11, v2;
	v11 =	vld [tilespmem:s18+$0x80E0]  }
0x3b0: {  	v12 =	vadd.f32 v12, v3;
	v15 =	vld [tilespmem:s18+$0x80F0]  }
0x3b1: {  	v13 =	vadd.f32 v13, v4;
	v16 =	vld [tilespmem:s18+$0x8100]  }
0x3b2: {  	v14 =	vadd.f32 v14, v5;
	v17 =	vld [tilespmem:s18+$0x8110]  }
0x3b3: {  	v18 =	vld [tilespmem:s18+$0x8120]  }
0x3b4: {  	v11 =	vadd.f32 v11, v6;
	v19 =	vld [tilespmem:s18+$0x8130]  }
0x3b5: {  	v15 =	vadd.f32 v15, v7;
	v20 =	vld [tilespmem:s18+$0x8140]  }
0x3b6: {  	v16 =	vadd.f32 v16, v0;
	v21 =	vld [tilespmem:s18+$0x8150]  }
0x3b7: {  	v17 =	vadd.f32 v17, v1;
	v22 =	vld [tilespmem:s18+$0x8160]  }
0x3b8: {  	v18 =	vadd.f32 v18, v2;
	v23 =	vld [tilespmem:s18+$0x8170]  }
0x3b9: {  	v19 =	vadd.f32 v19, v3;
	v24 =	vld [tilespmem:s18+$0x8180]  }
0x3ba: {  	v20 =	vadd.f32 v20, v4;
	v25 =	vld [tilespmem:s18+$0x8190]  }
0x3bb: {  	v21 =	vadd.f32 v21, v5;
	v26 =	vld [tilespmem:s18+$0x81A0]  }
0x3bc: {  	v22 =	vadd.f32 v22, v6;
	v27 =	vld [tilespmem:s18+$0x81B0]  }
0x3bd: {  	v23 =	vadd.f32 v23, v7;
	v28 =	vld [tilespmem:s18+$0x81C0]  }
0x3be: {  	v24 =	vadd.f32 v24, v0;
	v29 =	vld [tilespmem:s18+$0x81D0]  }
0x3bf: {  	v25 =	vadd.f32 v25, v1;
	v30 =	vld [tilespmem:s18+$0x81E0]  }
0x3c0: {  	v26 =	vadd.f32 v26, v2;
	v31 =	vld [tilespmem:s18+$0x81F0]  }
0x3c1: {  	v27 =	vadd.f32 v27, v3;
	v32 =	vld [tilespmem:s18+$0x8200]  }
0x3c2: {  	v28 =	vadd.f32 v28, v4;
	v33 =	vld [tilespmem:s18+$0x8210]  }
0x3c3: {  	v29 =	vadd.f32 v29, v5;
	v34 =	vld [tilespmem:s18+$0x8220]  }
0x3c4: {  	v30 =	vadd.f32 v30, v6;
	v35 =	vld [tilespmem:s18+$0x8230]  }
0x3c5: {  	v31 =	vadd.f32 v31, v7;
	v36 =	vld [tilespmem:s18+$0x8240]  }
0x3c6: {  	v32 =	vadd.f32 v32, v0;
	v37 =	vld [tilespmem:s18+$0x8250]  }
0x3c7: {  	v33 =	vadd.f32 v33, v1;
	v38 =	vld [tilespmem:s18+$0x8260]  }
0x3c8: {  	[tilespmem:s18+$0xE880] =	vst.add.f32.msk $0xffff, v9;
	v9 =	vadd.f32 v34, v2  }
0x3c9: {  	[tilespmem:s18+$0xE890] =	vst.add.f32.msk $0xffff, v10;
	v10 =	vadd.f32 v35, v3  }
0x3ca: {  	[tilespmem:s18+$0xE8A0] =	vst.add.f32.msk $0xffff, v8;
	v34 =	vadd.f32 v36, v4  }
0x3cb: {  	[tilespmem:s18+$0xE8B0] =	vst.add.f32.msk $0xffff, v12;
	v12 =	vadd.f32 v37, v5  }
0x3cc: {  	[tilespmem:s18+$0xE8C0] =	vst.add.f32.msk $0xffff, v13;
	v8 =	vadd.f32 v38, v6  }
0x3cd: {  	[tilespmem:s18+$0xE8D0] =	vst.add.f32.msk $0xffff, v14  }
0x3ce: {  	[tilespmem:s18+$0xE8E0] =	vst.add.f32.msk $0xffff, v11  }
0x3cf: {  	[tilespmem:s18+$0xE8F0] =	vst.add.f32.msk $0xffff, v15  }
0x3d0: {  	[tilespmem:s18+$0xE900] =	vst.add.f32.msk $0xffff, v16  }
0x3d1: {  	[tilespmem:s18+$0xE910] =	vst.add.f32.msk $0xffff, v17  }
0x3d2: {  	[tilespmem:s18+$0xE920] =	vst.add.f32.msk $0xffff, v18  }
0x3d3: {  	[tilespmem:s18+$0xE930] =	vst.add.f32.msk $0xffff, v19  }
0x3d4: {  	[tilespmem:s18+$0xE940] =	vst.add.f32.msk $0xffff, v20  }
0x3d5: {  	[tilespmem:s18+$0xE950] =	vst.add.f32.msk $0xffff, v21  }
0x3d6: {  	[tilespmem:s18+$0xE960] =	vst.add.f32.msk $0xffff, v22  }
0x3d7: {  	[tilespmem:s18+$0xE970] =	vst.add.f32.msk $0xffff, v23  }
0x3d8: {  	[tilespmem:s18+$0xE980] =	vst.add.f32.msk $0xffff, v24  }
0x3d9: {  	[tilespmem:s18+$0xE990] =	vst.add.f32.msk $0xffff, v25  }
0x3da: {  	[tilespmem:s18+$0xE9A0] =	vst.add.f32.msk $0xffff, v26  }
0x3db: {  	[tilespmem:s18+$0xE9B0] =	vst.add.f32.msk $0xffff, v27  }
0x3dc: {  	[tilespmem:s18+$0xE9C0] =	vst.add.f32.msk $0xffff, v28  }
0x3dd: {  	[tilespmem:s18+$0xE9D0] =	vst.add.f32.msk $0xffff, v29  }
0x3de: {  	[tilespmem:s18+$0xE9E0] =	vst.add.f32.msk $0xffff, v30  }
0x3df: {  	[tilespmem:s18+$0xE9F0] =	vst.add.f32.msk $0xffff, v31  }
0x3e0: {  	[tilespmem:s18+$0xEA00] =	vst.add.f32.msk $0xffff, v32  }
.Ltmp9:
0x3e1: {  	[tilespmem:s18+$0xEA10] =	vst.add.f32.msk $0xffff, v33;
	(pc) =	sbr.rel @p1 .LBB2_17-.Ltmp9, $4  }
0x3e2: {  	[tilespmem:s18+$0xEA20] =	vst.add.f32.msk $0xffff, v9  }
0x3e3: {  	[tilespmem:s18+$0xEA30] =	vst.add.f32.msk $0xffff, v10  }
0x3e4: {  	[tilespmem:s18+$0xEA40] =	vst.add.f32.msk $0xffff, v34  }
0x3e5: {  	s20 =	sadd.s32 $0x800, s20;
	[tilespmem:s18+$0xEA50] =	vst.add.f32.msk $0xffff, v12  }
0x3e6: {  	s17 =	sadd.s32 s9, s17  }
0x3e7: {  	s17 =	smul.u32 $0x680, s17;
	_ =	sdelay $0x1  }
0x3e8: {  	[tilespmem:s18+$0xEA60] =	vst.add.f32.msk $0xffff, v8;
	p1 =	seq.s32 s10, $0x1F;
	s17 =	sadd.s32 s8, s17  }
0x3e9: {  	[hbm4b:s17+s6] =	stream.linear.scatter [tilespmem:s7], [sflag:$0x6], $0x3200, $0x38;
	[tilespmem:$0x1A4C0] =	vst v63  }
0x3ea: {  	s17 =	simm.s32 @!p1 $0x5  }
0x3eb: {  	_ =	swait.ge @!p1 [sflag:s17], $0x3200  }
0x3ec: {  	s15 =	sshrl.u32 @!p1 s15, $0x2;
	s18 =	simm.s32 @!p1 $0x64;
	[sflag:s17] =	ssyncset.done @!p1 $0x0  }
0x3ed: {  	s19 =	simm.s32 @!p1 $0xB480;
	[sflag:s17] =	ssyncadd.s32 @!p1 $0xFFFFCE00;
	s17 =	sadd.s32 @!p1 $0x200, s15  }
0x3ee: {  	[tilespmem:s19], [sflag:$0x1] =	stream.indirect.gather @!p1 [spmem:s5], $0x80, s17, s18, $0xb8;
	[tilespmem:$0x1A4C0] =	vst v63  }
0x3ef: {  	s16 =	sor.u32 $0x2, s16;
	_ =	swait.ge [sflag:s29], $0x3200  }
0x3f0: {  	s20 =	sshll.u32 s16, $0x7;
	[sflag:s29] =	ssyncset.done $0x0  }
0x3f1: {  	s17 =	sand.u32 $0x3FFFFF80, s20;
	[sflag:s29] =	ssyncadd.s32 $0xFFFFCE00  }
0x3f2: {  	v0 =	vld [tilespmem:s17+$0x4080]  }
0x3f3: {  	v1 =	vld [tilespmem:s17+$0x4090]  }
0x3f4: {  	v2 =	vld [tilespmem:s17+$0x40A0]  }
0x3f5: {  	v3 =	vld [tilespmem:s17+$0x40B0]  }
0x3f6: {  	v4 =	vld [tilespmem:s17+$0x40C0]  }
0x3f7: {  	v5 =	vld [tilespmem:s17+$0x40D0]  }
0x3f8: {  	v6 =	vld [tilespmem:s17+$0x40E0]  }
0x3f9: {  	v7 =	vld [tilespmem:s17+$0x40F0];
	s17 =	simm.s32 $0x0  }
0x3fa: {  	v8 =	vld [tilespmem:s17+$0x8270]  }
0x3fb: {  	v9 =	vld [tilespmem:s17+$0x8080]  }
0x3fc: {  	v10 =	vld [tilespmem:s17+$0x8090]  }
0x3fd: {  	v11 =	vld [tilespmem:s17+$0x80A0]  }
0x3fe: {  	v12 =	vld [tilespmem:s17+$0x80B0]  }
0x3ff: {  	v13 =	vld [tilespmem:s17+$0x80C0]  }
0x400: {  	v14 =	vld [tilespmem:s17+$0x80D0]  }
0x401: {  	v15 =	vld [tilespmem:s17+$0x80F0]  }
0x402: {  	v16 =	vld [tilespmem:s17+$0x8100]  }
0x403: {  	v17 =	vld [tilespmem:s17+$0x8110]  }
0x404: {  	v18 =	vld [tilespmem:s17+$0x8120]  }
0x405: {  	v19 =	vld [tilespmem:s17+$0x8130]  }
0x406: {  	v20 =	vld [tilespmem:s17+$0x8140]  }
0x407: {  	v21 =	vld [tilespmem:s17+$0x8150]  }
0x408: {  	v22 =	vld [tilespmem:s17+$0x8160]  }
0x409: {  	v23 =	vld [tilespmem:s17+$0x8170]  }
0x40a: {  	v24 =	vld [tilespmem:s17+$0x8180]  }
0x40b: {  	v25 =	vld [tilespmem:s17+$0x8190]  }
0x40c: {  	v26 =	vld [tilespmem:s17+$0x81A0]  }
0x40d: {  	v27 =	vld [tilespmem:s17+$0x81B0]  }
0x40e: {  	v28 =	vld [tilespmem:s17+$0x81C0]  }
0x40f: {  	v29 =	vld [tilespmem:s17+$0x81D0]  }
0x410: {  	v30 =	vld [tilespmem:s17+$0x81E0]  }
0x411: {  	v31 =	vld [tilespmem:s17+$0x81F0]  }
0x412: {  	v32 =	vld [tilespmem:s17+$0x8200]  }
0x413: {  	v33 =	vld [tilespmem:s17+$0x8210]  }
0x414: {  	v34 =	vld [tilespmem:s17+$0x8220]  }
0x415: {  	v35 =	vld [tilespmem:s17+$0x8230]  }
0x416: {  	v36 =	vld [tilespmem:s17+$0x8240]  }
0x417: {  	v37 =	vld [tilespmem:s17+$0x8250];
	v8 =	vadd.f32 v8, v7  }
0x418: {  	v38 =	vld [tilespmem:s17+$0x8260]  }
0x419: {  	v9 =	vadd.f32 v9, v0;
	[tilespmem:s17+$0x11E70] =	vst.add.f32.msk $0xffff, v8  }
0x41a: {  	v10 =	vadd.f32 v10, v1;
	v8 =	vld [tilespmem:s17+$0x80E0]  }
0x41b: {  	v11 =	vadd.f32 v11, v2;
	[tilespmem:s17+$0x11C80] =	vst.add.f32.msk $0xffff, v9  }
0x41c: {  	v9 =	vadd.f32 v12, v3;
	[tilespmem:s17+$0x11C90] =	vst.add.f32.msk $0xffff, v10  }
0x41d: {  	v10 =	vadd.f32 v13, v4;
	[tilespmem:s17+$0x11CA0] =	vst.add.f32.msk $0xffff, v11  }
0x41e: {  	v11 =	vadd.f32 v14, v5;
	[tilespmem:s17+$0x11CB0] =	vst.add.f32.msk $0xffff, v9  }
0x41f: {  	[tilespmem:s17+$0x11CC0] =	vst.add.f32.msk $0xffff, v10;
	v9 =	vadd.f32 v15, v7  }
0x420: {  	[tilespmem:s17+$0x11CD0] =	vst.add.f32.msk $0xffff, v11;
	v10 =	vadd.f32 v16, v0  }
0x421: {  	[tilespmem:s17+$0x11CF0] =	vst.add.f32.msk $0xffff, v9;
	v9 =	vadd.f32 v18, v2  }
0x422: {  	[tilespmem:s17+$0x11D00] =	vst.add.f32.msk $0xffff, v10;
	v10 =	vadd.f32 v19, v3  }
0x423: {  	v8 =	vadd.f32 v8, v6;
	[tilespmem:s17+$0x11D20] =	vst.add.f32.msk $0xffff, v9  }
0x424: {  	v9 =	vadd.f32 v21, v5;
	[tilespmem:s17+$0x11D30] =	vst.add.f32.msk $0xffff, v10  }
0x425: {  	v10 =	vadd.f32 v22, v6;
	[tilespmem:s17+$0x11CE0] =	vst.add.f32.msk $0xffff, v8  }
0x426: {  	v8 =	vadd.f32 v17, v1;
	[tilespmem:s17+$0x11D50] =	vst.add.f32.msk $0xffff, v9  }
0x427: {  	v9 =	vadd.f32 v24, v0;
	[tilespmem:s17+$0x11D60] =	vst.add.f32.msk $0xffff, v10  }
0x428: {  	v10 =	vadd.f32 v25, v1;
	[tilespmem:s17+$0x11D10] =	vst.add.f32.msk $0xffff, v8  }
0x429: {  	v8 =	vadd.f32 v20, v4;
	[tilespmem:s17+$0x11D80] =	vst.add.f32.msk $0xffff, v9  }
0x42a: {  	v9 =	vadd.f32 v27, v3;
	[tilespmem:s17+$0x11D90] =	vst.add.f32.msk $0xffff, v10  }
0x42b: {  	v10 =	vadd.f32 v28, v4;
	[tilespmem:s17+$0x11D40] =	vst.add.f32.msk $0xffff, v8  }
0x42c: {  	v8 =	vadd.f32 v23, v7;
	[tilespmem:s17+$0x11DB0] =	vst.add.f32.msk $0xffff, v9  }
0x42d: {  	v9 =	vadd.f32 v30, v6;
	[tilespmem:s17+$0x11DC0] =	vst.add.f32.msk $0xffff, v10  }
0x42e: {  	v10 =	vadd.f32 v31, v7;
	[tilespmem:s17+$0x11D70] =	vst.add.f32.msk $0xffff, v8  }
0x42f: {  	v8 =	vadd.f32 v26, v2;
	[tilespmem:s17+$0x11DE0] =	vst.add.f32.msk $0xffff, v9  }
0x430: {  	v9 =	vadd.f32 v33, v1;
	[tilespmem:s17+$0x11DF0] =	vst.add.f32.msk $0xffff, v10  }
0x431: {  	[tilespmem:s17+$0x11DA0] =	vst.add.f32.msk $0xffff, v8;
	v8 =	vadd.f32 v29, v5  }
0x432: {  	v10 =	vadd.f32 v34, v2;
	[tilespmem:s17+$0x11E10] =	vst.add.f32.msk $0xffff, v9  }
0x433: {  	[tilespmem:s17+$0x11DD0] =	vst.add.f32.msk $0xffff, v8;
	v8 =	vadd.f32 v32, v0  }
0x434: {  	v9 =	vadd.f32 v36, v4;
	[tilespmem:s17+$0x11E20] =	vst.add.f32.msk $0xffff, v10  }
0x435: {  	[tilespmem:s17+$0x11E00] =	vst.add.f32.msk $0xffff, v8;
	v8 =	vadd.f32 v35, v3  }
0x436: {  	v10 =	vadd.f32 v37, v5;
	[tilespmem:s17+$0x11E40] =	vst.add.f32.msk $0xffff, v9  }
0x437: {  	[tilespmem:s17+$0x11E30] =	vst.add.f32.msk $0xffff, v8;
	v8 =	vadd.f32 v38, v6  }
0x438: {  	s18 =	simm.s32 $0x0;
	s19 =	simm.s32 $0x800;
	[tilespmem:s17+$0x11E50] =	vst.add.f32.msk $0xffff, v10  }
.LBB2_19:
0x439: {  	s18 =	sadd.s32 $0x4, s18;
	[tilespmem:s17+$0x11E60] =	vst.add.f32.msk $0xffff, v8;
	s17 =	sshra.s32 s19, $0x2  }
0x43a: {  	v8 =	vld [tilespmem:s17+$0x8270];
	p2 =	slt.u32 s18, $0x60  }
0x43b: {  	v9 =	vld [tilespmem:s17+$0x8080]  }
0x43c: {  	v10 =	vld [tilespmem:s17+$0x8090]  }
0x43d: {  	v11 =	vld [tilespmem:s17+$0x80A0]  }
0x43e: {  	v12 =	vld [tilespmem:s17+$0x80B0]  }
0x43f: {  	v13 =	vld [tilespmem:s17+$0x80C0];
	v8 =	vadd.f32 v8, v7  }
0x440: {  	v9 =	vadd.f32 v9, v0;
	v14 =	vld [tilespmem:s17+$0x80D0]  }
0x441: {  	v10 =	vadd.f32 v10, v1;
	[tilespmem:s17+$0x11E70] =	vst.add.f32.msk $0xffff, v8  }
0x442: {  	v8 =	vadd.f32 v11, v2;
	v11 =	vld [tilespmem:s17+$0x80E0]  }
0x443: {  	v12 =	vadd.f32 v12, v3;
	v15 =	vld [tilespmem:s17+$0x80F0]  }
0x444: {  	v13 =	vadd.f32 v13, v4;
	v16 =	vld [tilespmem:s17+$0x8100]  }
0x445: {  	v14 =	vadd.f32 v14, v5;
	v17 =	vld [tilespmem:s17+$0x8110]  }
0x446: {  	v18 =	vld [tilespmem:s17+$0x8120]  }
0x447: {  	v11 =	vadd.f32 v11, v6;
	v19 =	vld [tilespmem:s17+$0x8130]  }
0x448: {  	v15 =	vadd.f32 v15, v7;
	v20 =	vld [tilespmem:s17+$0x8140]  }
0x449: {  	v16 =	vadd.f32 v16, v0;
	v21 =	vld [tilespmem:s17+$0x8150]  }
0x44a: {  	v17 =	vadd.f32 v17, v1;
	v22 =	vld [tilespmem:s17+$0x8160]  }
0x44b: {  	v18 =	vadd.f32 v18, v2;
	v23 =	vld [tilespmem:s17+$0x8170]  }
0x44c: {  	v19 =	vadd.f32 v19, v3;
	v24 =	vld [tilespmem:s17+$0x8180]  }
0x44d: {  	v20 =	vadd.f32 v20, v4;
	v25 =	vld [tilespmem:s17+$0x8190]  }
0x44e: {  	v21 =	vadd.f32 v21, v5;
	v26 =	vld [tilespmem:s17+$0x81A0]  }
0x44f: {  	v22 =	vadd.f32 v22, v6;
	v27 =	vld [tilespmem:s17+$0x81B0]  }
0x450: {  	v23 =	vadd.f32 v23, v7;
	v28 =	vld [tilespmem:s17+$0x81C0]  }
0x451: {  	v24 =	vadd.f32 v24, v0;
	v29 =	vld [tilespmem:s17+$0x81D0]  }
0x452: {  	v25 =	vadd.f32 v25, v1;
	v30 =	vld [tilespmem:s17+$0x81E0]  }
0x453: {  	v26 =	vadd.f32 v26, v2;
	v31 =	vld [tilespmem:s17+$0x81F0]  }
0x454: {  	v27 =	vadd.f32 v27, v3;
	v32 =	vld [tilespmem:s17+$0x8200]  }
0x455: {  	v28 =	vadd.f32 v28, v4;
	v33 =	vld [tilespmem:s17+$0x8210]  }
0x456: {  	v29 =	vadd.f32 v29, v5;
	v34 =	vld [tilespmem:s17+$0x8220]  }
0x457: {  	v30 =	vadd.f32 v30, v6;
	v35 =	vld [tilespmem:s17+$0x8230]  }
0x458: {  	v31 =	vadd.f32 v31, v7;
	v36 =	vld [tilespmem:s17+$0x8240]  }
0x459: {  	v32 =	vadd.f32 v32, v0;
	v37 =	vld [tilespmem:s17+$0x8250]  }
0x45a: {  	v33 =	vadd.f32 v33, v1;
	v38 =	vld [tilespmem:s17+$0x8260]  }
0x45b: {  	[tilespmem:s17+$0x11C80] =	vst.add.f32.msk $0xffff, v9;
	v9 =	vadd.f32 v34, v2  }
0x45c: {  	[tilespmem:s17+$0x11C90] =	vst.add.f32.msk $0xffff, v10;
	v10 =	vadd.f32 v35, v3  }
0x45d: {  	[tilespmem:s17+$0x11CA0] =	vst.add.f32.msk $0xffff, v8;
	v34 =	vadd.f32 v36, v4  }
0x45e: {  	[tilespmem:s17+$0x11CB0] =	vst.add.f32.msk $0xffff, v12;
	v12 =	vadd.f32 v37, v5  }
0x45f: {  	[tilespmem:s17+$0x11CC0] =	vst.add.f32.msk $0xffff, v13;
	v8 =	vadd.f32 v38, v6  }
0x460: {  	[tilespmem:s17+$0x11CD0] =	vst.add.f32.msk $0xffff, v14  }
0x461: {  	[tilespmem:s17+$0x11CE0] =	vst.add.f32.msk $0xffff, v11  }
0x462: {  	[tilespmem:s17+$0x11CF0] =	vst.add.f32.msk $0xffff, v15  }
0x463: {  	[tilespmem:s17+$0x11D00] =	vst.add.f32.msk $0xffff, v16  }
0x464: {  	[tilespmem:s17+$0x11D10] =	vst.add.f32.msk $0xffff, v17  }
0x465: {  	[tilespmem:s17+$0x11D20] =	vst.add.f32.msk $0xffff, v18  }
0x466: {  	[tilespmem:s17+$0x11D30] =	vst.add.f32.msk $0xffff, v19  }
0x467: {  	[tilespmem:s17+$0x11D40] =	vst.add.f32.msk $0xffff, v20  }
0x468: {  	[tilespmem:s17+$0x11D50] =	vst.add.f32.msk $0xffff, v21  }
0x469: {  	[tilespmem:s17+$0x11D60] =	vst.add.f32.msk $0xffff, v22  }
0x46a: {  	[tilespmem:s17+$0x11D70] =	vst.add.f32.msk $0xffff, v23  }
0x46b: {  	[tilespmem:s17+$0x11D80] =	vst.add.f32.msk $0xffff, v24  }
0x46c: {  	[tilespmem:s17+$0x11D90] =	vst.add.f32.msk $0xffff, v25  }
0x46d: {  	[tilespmem:s17+$0x11DA0] =	vst.add.f32.msk $0xffff, v26  }
0x46e: {  	[tilespmem:s17+$0x11DB0] =	vst.add.f32.msk $0xffff, v27  }
0x46f: {  	[tilespmem:s17+$0x11DC0] =	vst.add.f32.msk $0xffff, v28  }
0x470: {  	[tilespmem:s17+$0x11DD0] =	vst.add.f32.msk $0xffff, v29  }
0x471: {  	[tilespmem:s17+$0x11DE0] =	vst.add.f32.msk $0xffff, v30  }
0x472: {  	[tilespmem:s17+$0x11DF0] =	vst.add.f32.msk $0xffff, v31  }
0x473: {  	[tilespmem:s17+$0x11E00] =	vst.add.f32.msk $0xffff, v32  }
.Ltmp10:
0x474: {  	[tilespmem:s17+$0x11E10] =	vst.add.f32.msk $0xffff, v33;
	(pc) =	sbr.rel @p2 .LBB2_19-.Ltmp10, $4  }
0x475: {  	[tilespmem:s17+$0x11E20] =	vst.add.f32.msk $0xffff, v9  }
0x476: {  	[tilespmem:s17+$0x11E30] =	vst.add.f32.msk $0xffff, v10  }
0x477: {  	[tilespmem:s17+$0x11E40] =	vst.add.f32.msk $0xffff, v34  }
0x478: {  	s19 =	sadd.s32 $0x800, s19;
	[tilespmem:s17+$0x11E50] =	vst.add.f32.msk $0xffff, v12  }
0x479: {  	s16 =	sadd.s32 s9, s16  }
0x47a: {  	s16 =	smul.u32 $0x680, s16;
	_ =	sdelay $0x1  }
0x47b: {  	[tilespmem:s17+$0x11E60] =	vst.add.f32.msk $0xffff, v8;
	s16 =	sadd.s32 s8, s16  }
0x47c: {  	[hbm4b:s16+s6] =	stream.linear.scatter [tilespmem:s2], [sflag:$0x7], $0x3200, $0x38;
	[tilespmem:$0x1A4C0] =	vst v63  }
0x47d: {  	s16 =	simm.s32 @!p1 $0x6  }
0x47e: {  	_ =	swait.ge @!p1 [sflag:s16], $0x3200  }
0x47f: {  	s15 =	sadd.s32 @!p1 $0x280, s15;
	[sflag:s16] =	ssyncset.done @!p1 $0x0  }
0x480: {  	s17 =	simm.s32 @!p1 $0xE880;
	[sflag:s16] =	ssyncadd.s32 @!p1 $0xFFFFCE00;
	s16 =	simm.s32 @!p1 $0x64  }
0x481: {  	[tilespmem:s17], [sflag:$0x2] =	stream.indirect.gather @!p1 [spmem:s5], $0x80, s15, s16, $0xb8;
	[tilespmem:$0x1A4C0] =	vst v63  }
0x482: {  	_ =	swait.ge [sflag:s26], $0x3200  }
0x483: {  	[sflag:s26] =	ssyncset.done $0x0  }
0x484: {  	[sflag:s26] =	ssyncadd.s32 $0xFFFFCE00  }
0x485: {  	v0 =	vld [tilespmem:s14+$0x4080]  }
0x486: {  	v1 =	vld [tilespmem:s14+$0x4090]  }
0x487: {  	v2 =	vld [tilespmem:s14+$0x40A0]  }
0x488: {  	v3 =	vld [tilespmem:s14+$0x40B0]  }
0x489: {  	v4 =	vld [tilespmem:s14+$0x40C0]  }
0x48a: {  	v5 =	vld [tilespmem:s14+$0x40D0]  }
0x48b: {  	v6 =	vld [tilespmem:s14+$0x40E0]  }
0x48c: {  	v7 =	vld [tilespmem:s14+$0x40F0];
	s14 =	simm.s32 $0x0  }
0x48d: {  	v8 =	vld [tilespmem:s14+$0x8270]  }
0x48e: {  	v9 =	vld [tilespmem:s14+$0x8080]  }
0x48f: {  	v10 =	vld [tilespmem:s14+$0x8090]  }
0x490: {  	v11 =	vld [tilespmem:s14+$0x80A0]  }
0x491: {  	v12 =	vld [tilespmem:s14+$0x80B0]  }
0x492: {  	v13 =	vld [tilespmem:s14+$0x80C0]  }
0x493: {  	v14 =	vld [tilespmem:s14+$0x80D0]  }
0x494: {  	v15 =	vld [tilespmem:s14+$0x80F0]  }
0x495: {  	v16 =	vld [tilespmem:s14+$0x8100]  }
0x496: {  	v17 =	vld [tilespmem:s14+$0x8110]  }
0x497: {  	v18 =	vld [tilespmem:s14+$0x8120]  }
0x498: {  	v19 =	vld [tilespmem:s14+$0x8130]  }
0x499: {  	v20 =	vld [tilespmem:s14+$0x8140]  }
0x49a: {  	v21 =	vld [tilespmem:s14+$0x8150]  }
0x49b: {  	v22 =	vld [tilespmem:s14+$0x8160]  }
0x49c: {  	v23 =	vld [tilespmem:s14+$0x8170]  }
0x49d: {  	v24 =	vld [tilespmem:s14+$0x8180]  }
0x49e: {  	v25 =	vld [tilespmem:s14+$0x8190]  }
0x49f: {  	v26 =	vld [tilespmem:s14+$0x81A0]  }
0x4a0: {  	v27 =	vld [tilespmem:s14+$0x81B0]  }
0x4a1: {  	v28 =	vld [tilespmem:s14+$0x81C0]  }
0x4a2: {  	v29 =	vld [tilespmem:s14+$0x81D0]  }
0x4a3: {  	v30 =	vld [tilespmem:s14+$0x81E0]  }
0x4a4: {  	v31 =	vld [tilespmem:s14+$0x81F0]  }
0x4a5: {  	v32 =	vld [tilespmem:s14+$0x8200]  }
0x4a6: {  	v33 =	vld [tilespmem:s14+$0x8210]  }
0x4a7: {  	v34 =	vld [tilespmem:s14+$0x8220]  }
0x4a8: {  	v35 =	vld [tilespmem:s14+$0x8230]  }
0x4a9: {  	v36 =	vld [tilespmem:s14+$0x8240]  }
0x4aa: {  	v37 =	vld [tilespmem:s14+$0x8250];
	v8 =	vadd.f32 v8, v7  }
0x4ab: {  	v38 =	vld [tilespmem:s14+$0x8260]  }
0x4ac: {  	v9 =	vadd.f32 v9, v0;
	[tilespmem:s14+$0x15270] =	vst.add.f32.msk $0xffff, v8  }
0x4ad: {  	v10 =	vadd.f32 v10, v1;
	v8 =	vld [tilespmem:s14+$0x80E0]  }
0x4ae: {  	v11 =	vadd.f32 v11, v2;
	[tilespmem:s14+$0x15080] =	vst.add.f32.msk $0xffff, v9  }
0x4af: {  	v9 =	vadd.f32 v12, v3;
	[tilespmem:s14+$0x15090] =	vst.add.f32.msk $0xffff, v10  }
0x4b0: {  	v10 =	vadd.f32 v13, v4;
	[tilespmem:s14+$0x150A0] =	vst.add.f32.msk $0xffff, v11  }
0x4b1: {  	v11 =	vadd.f32 v14, v5;
	[tilespmem:s14+$0x150B0] =	vst.add.f32.msk $0xffff, v9  }
0x4b2: {  	[tilespmem:s14+$0x150C0] =	vst.add.f32.msk $0xffff, v10;
	v9 =	vadd.f32 v15, v7  }
0x4b3: {  	[tilespmem:s14+$0x150D0] =	vst.add.f32.msk $0xffff, v11;
	v10 =	vadd.f32 v16, v0  }
0x4b4: {  	[tilespmem:s14+$0x150F0] =	vst.add.f32.msk $0xffff, v9;
	v9 =	vadd.f32 v18, v2  }
0x4b5: {  	[tilespmem:s14+$0x15100] =	vst.add.f32.msk $0xffff, v10;
	v10 =	vadd.f32 v19, v3  }
0x4b6: {  	v8 =	vadd.f32 v8, v6;
	[tilespmem:s14+$0x15120] =	vst.add.f32.msk $0xffff, v9  }
0x4b7: {  	v9 =	vadd.f32 v21, v5;
	[tilespmem:s14+$0x15130] =	vst.add.f32.msk $0xffff, v10  }
0x4b8: {  	v10 =	vadd.f32 v22, v6;
	[tilespmem:s14+$0x150E0] =	vst.add.f32.msk $0xffff, v8  }
0x4b9: {  	v8 =	vadd.f32 v17, v1;
	[tilespmem:s14+$0x15150] =	vst.add.f32.msk $0xffff, v9  }
0x4ba: {  	v9 =	vadd.f32 v24, v0;
	[tilespmem:s14+$0x15160] =	vst.add.f32.msk $0xffff, v10  }
0x4bb: {  	v10 =	vadd.f32 v25, v1;
	[tilespmem:s14+$0x15110] =	vst.add.f32.msk $0xffff, v8  }
0x4bc: {  	v8 =	vadd.f32 v20, v4;
	[tilespmem:s14+$0x15180] =	vst.add.f32.msk $0xffff, v9  }
0x4bd: {  	v9 =	vadd.f32 v27, v3;
	[tilespmem:s14+$0x15190] =	vst.add.f32.msk $0xffff, v10  }
0x4be: {  	v10 =	vadd.f32 v28, v4;
	[tilespmem:s14+$0x15140] =	vst.add.f32.msk $0xffff, v8  }
0x4bf: {  	v8 =	vadd.f32 v23, v7;
	[tilespmem:s14+$0x151B0] =	vst.add.f32.msk $0xffff, v9  }
0x4c0: {  	v9 =	vadd.f32 v30, v6;
	[tilespmem:s14+$0x151C0] =	vst.add.f32.msk $0xffff, v10  }
0x4c1: {  	v10 =	vadd.f32 v31, v7;
	[tilespmem:s14+$0x15170] =	vst.add.f32.msk $0xffff, v8  }
0x4c2: {  	v8 =	vadd.f32 v26, v2;
	[tilespmem:s14+$0x151E0] =	vst.add.f32.msk $0xffff, v9  }
0x4c3: {  	v9 =	vadd.f32 v33, v1;
	[tilespmem:s14+$0x151F0] =	vst.add.f32.msk $0xffff, v10  }
0x4c4: {  	[tilespmem:s14+$0x151A0] =	vst.add.f32.msk $0xffff, v8;
	v8 =	vadd.f32 v29, v5  }
0x4c5: {  	v10 =	vadd.f32 v34, v2;
	[tilespmem:s14+$0x15210] =	vst.add.f32.msk $0xffff, v9  }
0x4c6: {  	[tilespmem:s14+$0x151D0] =	vst.add.f32.msk $0xffff, v8;
	v8 =	vadd.f32 v32, v0  }
0x4c7: {  	v9 =	vadd.f32 v36, v4;
	[tilespmem:s14+$0x15220] =	vst.add.f32.msk $0xffff, v10  }
0x4c8: {  	[tilespmem:s14+$0x15200] =	vst.add.f32.msk $0xffff, v8;
	v8 =	vadd.f32 v35, v3  }
0x4c9: {  	v10 =	vadd.f32 v37, v5;
	[tilespmem:s14+$0x15240] =	vst.add.f32.msk $0xffff, v9  }
0x4ca: {  	[tilespmem:s14+$0x15230] =	vst.add.f32.msk $0xffff, v8;
	v8 =	vadd.f32 v38, v6  }
0x4cb: {  	s15 =	simm.s32 $0x0;
	s16 =	simm.s32 $0x800;
	[tilespmem:s14+$0x15250] =	vst.add.f32.msk $0xffff, v10  }
.LBB2_21:
0x4cc: {  	s15 =	sadd.s32 $0x4, s15;
	[tilespmem:s14+$0x15260] =	vst.add.f32.msk $0xffff, v8;
	s14 =	sshra.s32 s16, $0x2  }
0x4cd: {  	v8 =	vld [tilespmem:s14+$0x8270];
	p2 =	slt.u32 s15, $0x60  }
0x4ce: {  	v9 =	vld [tilespmem:s14+$0x8080]  }
0x4cf: {  	v10 =	vld [tilespmem:s14+$0x8090]  }
0x4d0: {  	v11 =	vld [tilespmem:s14+$0x80A0]  }
0x4d1: {  	v12 =	vld [tilespmem:s14+$0x80B0]  }
0x4d2: {  	v13 =	vld [tilespmem:s14+$0x80C0];
	v8 =	vadd.f32 v8, v7  }
0x4d3: {  	v9 =	vadd.f32 v9, v0;
	v14 =	vld [tilespmem:s14+$0x80D0]  }
0x4d4: {  	v10 =	vadd.f32 v10, v1;
	[tilespmem:s14+$0x15270] =	vst.add.f32.msk $0xffff, v8  }
0x4d5: {  	v8 =	vadd.f32 v11, v2;
	v11 =	vld [tilespmem:s14+$0x80E0]  }
0x4d6: {  	v12 =	vadd.f32 v12, v3;
	v15 =	vld [tilespmem:s14+$0x80F0]  }
0x4d7: {  	v13 =	vadd.f32 v13, v4;
	v16 =	vld [tilespmem:s14+$0x8100]  }
0x4d8: {  	v14 =	vadd.f32 v14, v5;
	v17 =	vld [tilespmem:s14+$0x8110]  }
0x4d9: {  	v18 =	vld [tilespmem:s14+$0x8120]  }
0x4da: {  	v11 =	vadd.f32 v11, v6;
	v19 =	vld [tilespmem:s14+$0x8130]  }
0x4db: {  	v15 =	vadd.f32 v15, v7;
	v20 =	vld [tilespmem:s14+$0x8140]  }
0x4dc: {  	v16 =	vadd.f32 v16, v0;
	v21 =	vld [tilespmem:s14+$0x8150]  }
0x4dd: {  	v17 =	vadd.f32 v17, v1;
	v22 =	vld [tilespmem:s14+$0x8160]  }
0x4de: {  	v18 =	vadd.f32 v18, v2;
	v23 =	vld [tilespmem:s14+$0x8170]  }
0x4df: {  	v19 =	vadd.f32 v19, v3;
	v24 =	vld [tilespmem:s14+$0x8180]  }
0x4e0: {  	v20 =	vadd.f32 v20, v4;
	v25 =	vld [tilespmem:s14+$0x8190]  }
0x4e1: {  	v21 =	vadd.f32 v21, v5;
	v26 =	vld [tilespmem:s14+$0x81A0]  }
0x4e2: {  	v22 =	vadd.f32 v22, v6;
	v27 =	vld [tilespmem:s14+$0x81B0]  }
0x4e3: {  	v23 =	vadd.f32 v23, v7;
	v28 =	vld [tilespmem:s14+$0x81C0]  }
0x4e4: {  	v24 =	vadd.f32 v24, v0;
	v29 =	vld [tilespmem:s14+$0x81D0]  }
0x4e5: {  	v25 =	vadd.f32 v25, v1;
	v30 =	vld [tilespmem:s14+$0x81E0]  }
0x4e6: {  	v26 =	vadd.f32 v26, v2;
	v31 =	vld [tilespmem:s14+$0x81F0]  }
0x4e7: {  	v27 =	vadd.f32 v27, v3;
	v32 =	vld [tilespmem:s14+$0x8200]  }
0x4e8: {  	v28 =	vadd.f32 v28, v4;
	v33 =	vld [tilespmem:s14+$0x8210]  }
0x4e9: {  	v29 =	vadd.f32 v29, v5;
	v34 =	vld [tilespmem:s14+$0x8220]  }
0x4ea: {  	v30 =	vadd.f32 v30, v6;
	v35 =	vld [tilespmem:s14+$0x8230]  }
0x4eb: {  	v31 =	vadd.f32 v31, v7;
	v36 =	vld [tilespmem:s14+$0x8240]  }
0x4ec: {  	v32 =	vadd.f32 v32, v0;
	v37 =	vld [tilespmem:s14+$0x8250]  }
0x4ed: {  	v33 =	vadd.f32 v33, v1;
	v38 =	vld [tilespmem:s14+$0x8260]  }
0x4ee: {  	[tilespmem:s14+$0x15080] =	vst.add.f32.msk $0xffff, v9;
	v9 =	vadd.f32 v34, v2  }
0x4ef: {  	[tilespmem:s14+$0x15090] =	vst.add.f32.msk $0xffff, v10;
	v10 =	vadd.f32 v35, v3  }
0x4f0: {  	[tilespmem:s14+$0x150A0] =	vst.add.f32.msk $0xffff, v8;
	v34 =	vadd.f32 v36, v4  }
0x4f1: {  	[tilespmem:s14+$0x150B0] =	vst.add.f32.msk $0xffff, v12;
	v12 =	vadd.f32 v37, v5  }
0x4f2: {  	[tilespmem:s14+$0x150C0] =	vst.add.f32.msk $0xffff, v13;
	v8 =	vadd.f32 v38, v6  }
0x4f3: {  	[tilespmem:s14+$0x150D0] =	vst.add.f32.msk $0xffff, v14  }
0x4f4: {  	[tilespmem:s14+$0x150E0] =	vst.add.f32.msk $0xffff, v11  }
0x4f5: {  	[tilespmem:s14+$0x150F0] =	vst.add.f32.msk $0xffff, v15  }
0x4f6: {  	[tilespmem:s14+$0x15100] =	vst.add.f32.msk $0xffff, v16  }
0x4f7: {  	[tilespmem:s14+$0x15110] =	vst.add.f32.msk $0xffff, v17  }
0x4f8: {  	[tilespmem:s14+$0x15120] =	vst.add.f32.msk $0xffff, v18  }
0x4f9: {  	[tilespmem:s14+$0x15130] =	vst.add.f32.msk $0xffff, v19  }
0x4fa: {  	[tilespmem:s14+$0x15140] =	vst.add.f32.msk $0xffff, v20  }
0x4fb: {  	[tilespmem:s14+$0x15150] =	vst.add.f32.msk $0xffff, v21  }
0x4fc: {  	[tilespmem:s14+$0x15160] =	vst.add.f32.msk $0xffff, v22  }
0x4fd: {  	[tilespmem:s14+$0x15170] =	vst.add.f32.msk $0xffff, v23  }
0x4fe: {  	[tilespmem:s14+$0x15180] =	vst.add.f32.msk $0xffff, v24  }
0x4ff: {  	[tilespmem:s14+$0x15190] =	vst.add.f32.msk $0xffff, v25  }
0x500: {  	[tilespmem:s14+$0x151A0] =	vst.add.f32.msk $0xffff, v26  }
0x501: {  	[tilespmem:s14+$0x151B0] =	vst.add.f32.msk $0xffff, v27  }
0x502: {  	[tilespmem:s14+$0x151C0] =	vst.add.f32.msk $0xffff, v28  }
0x503: {  	[tilespmem:s14+$0x151D0] =	vst.add.f32.msk $0xffff, v29  }
0x504: {  	[tilespmem:s14+$0x151E0] =	vst.add.f32.msk $0xffff, v30  }
0x505: {  	[tilespmem:s14+$0x151F0] =	vst.add.f32.msk $0xffff, v31  }
0x506: {  	[tilespmem:s14+$0x15200] =	vst.add.f32.msk $0xffff, v32  }
.Ltmp11:
0x507: {  	[tilespmem:s14+$0x15210] =	vst.add.f32.msk $0xffff, v33;
	(pc) =	sbr.rel @p2 .LBB2_21-.Ltmp11, $4  }
0x508: {  	[tilespmem:s14+$0x15220] =	vst.add.f32.msk $0xffff, v9  }
0x509: {  	[tilespmem:s14+$0x15230] =	vst.add.f32.msk $0xffff, v10  }
0x50a: {  	[tilespmem:s14+$0x15240] =	vst.add.f32.msk $0xffff, v34  }
0x50b: {  	s16 =	sadd.s32 $0x800, s16;
	[tilespmem:s14+$0x15250] =	vst.add.f32.msk $0xffff, v12  }
.Ltmp12:
0x50c: {  	s12 =	sadd.s32 s9, s12;
	(pc) =	sbr.rel @p1 .LBB2_24-.Ltmp12, $3  }
0x50d: {  	s12 =	smul.u32 $0x680, s12;
	_ =	sdelay $0x1  }
0x50e: {  	[tilespmem:s14+$0x15260] =	vst.add.f32.msk $0xffff, v8;
	s12 =	sadd.s32 s8, s12  }
0x50f: {  	[hbm4b:s12+s6] =	stream.linear.scatter [tilespmem:s4], [sflag:$0x8], $0x3200, $0x38;
	[tilespmem:$0x1A4C0] =	vst v63  }
.Ltmp13:
0x510: {  	(pc) =	sbr.rel .LBB2_14-.Ltmp13, $4  }
0x511: {  	_ =	swait.ge [sflag:s3], $0x3200  }
0x512: {  	[sflag:s3] =	ssyncset.done $0x0  }
0x513: {  	s11 =	sadd.s32 $0x300, s11;
	s10 =	sadd.s32 $0x1, s10;
	[sflag:s3] =	ssyncadd.s32 $0xFFFFCE00  }
0x514: {  	[tilespmem:s2], [sflag:$0x3] =	stream.indirect.gather [spmem:s5], $0x80, s11, s31, $0xb8;
	[tilespmem:$0x1A4C0] =	vst v63  }
.LBB2_25:
0x515: {  	_ =	sfence.sel $0x180000  }
0x516: {  	[bflag:$0x0] =	sbarrier.arrive $0xFFFF  }
0x517: {  	_ =	strace $0x90000047  }
0x518: {  	s0 =	stileid.u32;
	[bflag:$0x2] =	sbarrier.arrive $0xFFFF  }
0x519: {  	p0 =	sne.s32 s0, $0x0;
	s0 =	rddreg [dreg:$0x9]  }
0x51a: {  	s0 =	sadd.s32 @!p0 $0x100000, s0  }
0x51b: {  	[sflag:s0] =	ssyncadd.tile.s32 @!p0 $0x1;
	_ =	shalt  }
.Lfunc_end2:
_tile_overlayer_lowered:
.L_overlay_start_2:
0x51c: {  	(tag) =	ssettag $0x2  }
0x51d: {  	s0 =	rddreg [dreg:$0x0];
	s2 =	stileid.u32  }
0x51e: {  	s1 =	rddreg [dreg:$0x1];
	p0 =	sne.s32 s2, $0x0  }
0x51f: {  	s3 =	rddreg [dreg:$0x2];
	[bflag:$0x3] =	sbarrier.arrive $0xFFFF;
	s2 =	simm.s32 @!p0 $0x1C09  }
0x520: {  	[timem:s3], [sflag:s2] =	dma.local @!p0 [hbm:s0], s1  }
0x521: {  	s0 =	simm.s32 @!p0 $0x9  }
0x522: {  	_ =	swait.ge @!p0 [sflag:s0], s1  }
0x523: {  	s1 =	ssub.s32 @!p0 $0x0, s1;
	[sflag:s0] =	ssyncset.done @!p0 $0x0  }
0x524: {  	[sflag:s0] =	ssyncadd.s32 @!p0 s1  }
0x525: {  	[bflag:$0x3] =	sbarrier.arrive $0xFFFF  }
0x526: {  	_ =	shalt  }

</sc_bundles>
